<compile_context>
chip_gen: v7x
topology: tpu7x:2x2x1
jax: 0.10.2.dev20260603
libtpu: 0.0.44.dev20260713+nightly
codegen_flags: <defaults>
</compile_context>

<pallas_src>
import functools

import jax
import jax.numpy as jnp
from jax import lax
from jax.experimental import pallas as pl
from jax.experimental.pallas import tpu as pltpu
from jax.experimental.pallas import tpu_sc as plsc

_NC = 2
_NS = 16
_NW = _NC * _NS
_CH = 128
_WT = 64


def _tbl_body(f_ref, w_ref, b_ref, x_ref, o_ref):
    p = (
        jnp.dot(f_ref[...], w_ref[...], preferred_element_type=jnp.float32)
        + b_ref[...]
    )
    pb = p.astype(jnp.bfloat16).astype(jnp.float32)
    u = lax.bitcast_convert_type(pb, jnp.int32)
    word = (
        lax.shift_right_logical(u[:, 0:32], 16)
        | (u[:, 32:64] & jnp.int32(-65536))
    )
    o_ref[...] = jnp.concatenate(
        [lax.bitcast_convert_type(word, jnp.float32), x_ref[...]], axis=1)


def _make_gather(ep, cpt):
    mesh = plsc.VectorSubcoreMesh(
        core_axis_name="c", subcore_axis_name="s",
        num_cores=_NC, num_subcores=_NS,
    )

    nbuf = 2
    ns = 4
    ngroups = cpt // nbuf

    @functools.partial(
        pl.kernel,
        out_type=jax.ShapeDtypeStruct((ep, _WT), jnp.float32),
        mesh=mesh,
        scratch_types=[
            pltpu.VMEM((cpt, _CH), jnp.int32),
            pltpu.VMEM((ns, nbuf, _CH, _WT), jnp.float32),
        ] + [pltpu.SemaphoreType.DMA] * (2 * ns),
        compiler_params=pltpu.CompilerParams(use_tc_tiling_on_sc=False),
    )
    def gather_k(idx_hbm, tbl_hbm, out_hbm, idx_v, buf, *sems):
        wid = lax.axis_index("s") * _NC + lax.axis_index("c")
        row0 = wid * cpt
        pltpu.sync_copy(idx_hbm.at[wid], idx_v)
        gsems = sems[:ns]
        osems = sems[ns:]

        def fire(g, s):
            for b in range(nbuf):
                i = g * nbuf + b
                pltpu.async_copy(tbl_hbm.at[idx_v.at[i]], buf.at[s, b],
                                 gsems[s])

        def wait_gathers(s):
            for b in range(nbuf):
                pltpu.make_async_copy(
                    tbl_hbm.at[pl.ds(0, _CH)], buf.at[s, b], gsems[s]).wait()

        def fire_outs(g, s):
            for b in range(nbuf):
                c = row0 + (g * nbuf + b)
                pltpu.async_copy(buf.at[s, b],
                                 out_hbm.at[pl.ds(c * _CH, _CH)], osems[s])

        def drain_outs(s):
            for b in range(nbuf):
                pltpu.make_async_copy(
                    buf.at[s, b], out_hbm.at[pl.ds(0, _CH)], osems[s]).wait()

        fire(0, 0)
        fire(1, 1)

        def body(t, carry):
            for j in range(ns):
                g = ns * t + j
                wait_gathers(j)
                fire_outs(g, j)
                s2 = (j + 2) % ns

                @pl.when((g >= 2) & (g + 2 < ngroups))
                def _():
                    drain_outs(s2)

                @pl.when(g + 2 < ngroups)
                def _():
                    fire(g + 2, s2)
            return carry

        lax.fori_loop(0, ngroups // ns, body, 0)
        for s in range(ns):
            drain_outs(s)

    return gather_k


def _make_finish(blk, k_):
    e2 = blk * k_ // 2

    def finish_body(g_ref, pc_ref, ct_ref, mpt_ref, mpr_ref, ssel_ref,
                    w1b_ref, sd_ref, b1q_ref, w2a_ref, w2b_ref, o_ref):
        g = g_ref[...]
        pc = pc_ref[:, 32:48]
        c2 = jnp.dot(pc, ct_ref[...],
                     preferred_element_type=jnp.float32)
        g3 = g.reshape(blk, k_ // 2, 128)
        diffm = ((c2[:, None, :] - g3)
                 * mpt_ref[...]).reshape(e2, 128)
        ssq = jnp.dot(diffm * diffm, ssel_ref[...],
                      preferred_element_type=jnp.float32)
        dist = jnp.sqrt(ssq + 1e-12)
        g1 = (
            jnp.dot(diffm, w1b_ref[...], preferred_element_type=jnp.float32)
            + jnp.dot(dist, sd_ref[...], preferred_element_type=jnp.float32)
            + b1q_ref[...]
        )
        g1 = jnp.where(g1 >= 0, g1, 0.2 * g1)
        za = jnp.dot(g1, w2a_ref[...], preferred_element_type=jnp.float32)
        zb = jnp.dot(g1, w2b_ref[...], preferred_element_type=jnp.float32)
        gi = g_ref.bitcast(jnp.int32)[...]
        gpe = lax.bitcast_convert_type(gi << 16, jnp.float32) * mpr_ref[...]
        gpo = lax.bitcast_convert_type(
            gi & jnp.int32(-65536), jnp.float32) * mpr_ref[...]
        se = za + gpe
        se = jnp.where(se >= 0, se, 0.2 * se)
        so = zb + gpo
        so = jnp.where(so >= 0, so, 0.2 * so)
        sse = jnp.sum(se.reshape(blk, k_ // 2, 128), axis=1)
        sso = jnp.sum(so.reshape(blk, k_ // 2, 128), axis=1)
        outa = sse[:, 0:32] + sse[:, 64:96]
        outb = sso[:, 0:32] + sso[:, 64:96]
        o_ref[...] = jnp.concatenate([outa, outb], axis=1) * (1.0 / k_)

    return finish_body


def kernel(points, features, knn_idx, W1, b1, W2, b2):
    b_, n_, _ = points.shape
    k_ = knn_idx.shape[1]
    d_ = features.shape[-1]
    dh = W2.shape[1]
    e_ = n_ * k_

    pts = points.reshape(n_, 3)
    feats = features.reshape(n_, d_)

    w2_top = W2[:d_]
    w2_bot = W2[d_:]
    b1r = b1.reshape(1, dh)
    b2r = b2.reshape(1, dh)
    eye16 = jnp.eye(16, dtype=jnp.float32)
    w1_pad = jnp.zeros((16, dh), jnp.float32).at[:3].set(W1[:3])
    w1d = W1[3]

    f32z = functools.partial(jnp.zeros, dtype=jnp.float32)
    lanes = jnp.arange(128)
    mpt = ((lanes % 64) >= 32).astype(jnp.float32).reshape(1, 128)
    mpr = ((lanes % 64) < 32).astype(jnp.float32).reshape(1, 128)
    ct = f32z((16, 128))
    ssel = f32z((128, 2))
    w1b = f32z((128, 128))
    sd = f32z((2, 128))
    w2a = f32z((128, 128))
    w2b = f32z((128, 128))
    for t in range(2):
        o = 64 * t
        ct = ct.at[:, o + 32:o + 48].set(eye16)
        ssel = ssel.at[o + 32:o + 64, t].set(1.0)
        w1b = w1b.at[o + 32:o + 48, o:o + 64].set(w1_pad)
        sd = sd.at[t, o:o + 64].set(w1d)
        w2a = w2a.at[o:o + 64, o:o + 32].set(w2_bot[:, 0:32])
        w2b = w2b.at[o:o + 64, o:o + 32].set(w2_bot[:, 32:64])
    b1q = jnp.concatenate([b1r, b1r], axis=1)

    phase_nodes = [4000, 4000, 2000]
    idx_all = knn_idx.reshape(-1)
    phases = []
    noff = 0
    for n_p in phase_nodes:
        e_p = n_p * k_
        cpt_p = (e_p + _NW * _CH - 1) // (_NW * _CH)
        ep_p = cpt_p * _NW * _CH
        idx3d = jnp.pad(
            idx_all[noff * k_:noff * k_ + e_p], (0, ep_p - e_p)
        ).reshape(_NW, cpt_p, _CH)
        phases.append((noff, n_p, cpt_p, ep_p, idx3d))
        noff += n_p

    pts_pad = f32z((n_, 32)).at[:, :3].set(pts)
    tbl = pl.pallas_call(
        _tbl_body,
        out_shape=jax.ShapeDtypeStruct((n_, 2 * dh // 2), jnp.float32),
    )(feats, w2_top, b2r, pts_pad)

    galls = [
        _make_gather(ep_p, cpt_p)(idx3d, tbl).reshape(ep_p // 2, 128)
        for (_, _, cpt_p, ep_p, idx3d) in phases
    ]

    blk = 200
    e2b = blk * k_ // 2
    full = lambda i: (0, 0)

    def finish_call(noff, n_p):
        off = noff // blk
        nb = n_p // blk
        return pl.pallas_call(
            _make_finish(blk, k_),
            grid=(nb,),
            in_specs=[
                pl.BlockSpec((e2b, 128), lambda i: (i, 0)),
                pl.BlockSpec((blk, _WT), lambda i, o=off: (i + o, 0)),
                pl.BlockSpec((16, 128), full),
                pl.BlockSpec((1, 128), full),
                pl.BlockSpec((1, 128), full),
                pl.BlockSpec((128, 2), full),
                pl.BlockSpec((128, 128), full),
                pl.BlockSpec((2, 128), full),
                pl.BlockSpec((1, 128), full),
                pl.BlockSpec((128, 128), full),
                pl.BlockSpec((128, 128), full),
            ],
            out_specs=pl.BlockSpec((blk, dh), lambda i: (i, 0)),
            out_shape=jax.ShapeDtypeStruct((n_p, dh), jnp.float32),
        )

    outs = [
        finish_call(noff, n_p)(galls[p], tbl, ct,
                               mpt, mpr, ssel, w1b, sd, b1q, w2a, w2b)
        for p, (noff, n_p, _, _, _) in enumerate(phases)
    ]

    return jnp.concatenate(outs, axis=0).reshape(b_, n_, dh)

# --- scband reference (transcript-rebuilt; emitter-appended) ---
"""Pipeline reference for scband-local-feature-aggregation-6665789244047 (READ-ONLY COPY).

The authoritative reference and input builder live on the scoring server;
editing this copy changes nothing except your own understanding.
"""

import jax, jax.numpy as jnp
import numpy as np

B, N, K, D = 1, 10000, 32, 128


def _leaky_relu(x, slope=0.2):
    return jnp.where(x >= 0, x, slope * x)


def setup_inputs(seed: int = 0) -> dict:
    key = jax.random.key(seed)
    k1, k2, k3, k4, k5, k6, k7 = jax.random.split(key, 7)
    points = jax.random.normal(k1, (B, N, 3), dtype=jnp.float32)
    features = jax.random.normal(k2, (B, N, D), dtype=jnp.float32)
    knn_idx = jax.random.randint(k3, (N, K), 0, N, dtype=jnp.int32)
    # shared_mlp: Linear(in=4 -> actual geometric feature dim, out=D//2)
    s1 = 1.0 / np.sqrt(4.0)
    W1 = jax.random.uniform(k4, (4, D // 2), dtype=jnp.float32, minval=-s1, maxval=s1)
    b1 = jax.random.uniform(k5, (D // 2,), dtype=jnp.float32, minval=-s1, maxval=s1)
    # local_mlp: Linear(in=D + D//2 -> actual concat dim, out=D//2)
    s2 = 1.0 / np.sqrt(float(D + D // 2))
    W2 = jax.random.uniform(k6, (D + D // 2, D // 2), dtype=jnp.float32, minval=-s2, maxval=s2)
    b2 = jax.random.uniform(k7, (D // 2,), dtype=jnp.float32, minval=-s2, maxval=s2)
    return {"points": points, "features": features, "knn_idx": knn_idx,
            "W1": W1, "b1": b1, "W2": W2, "b2": b2}


def reference(points, features, knn_idx, W1, b1, W2, b2):
    b_, n_, _ = points.shape
    k_ = knn_idx.shape[1]
    d_ = features.shape[-1]
    # gather neighbor coordinates: knn_points[b, n, j, :] = points[b, knn_idx[n, j], :]
    knn_points = jnp.take(points, knn_idx, axis=1)            # [B, N, K, 3]
    point_diff = points[:, :, None, :] - knn_points            # [B, N, K, 3]
    dist = jnp.sqrt(jnp.sum(point_diff * point_diff, axis=-1, keepdims=True) + 1e-12)
    geo = jnp.concatenate([point_diff, dist], axis=-1)         # [B, N, K, 4]
    geo = geo.reshape(b_ * n_ * k_, -1)
    geo = _leaky_relu(geo @ W1 + b1).reshape(b_, n_, k_, d_ // 2)
    # gather neighbor features: knn_feat[b, n, j, :] = features[b, knn_idx[n, j], :]
    knn_feat = jnp.take(features, knn_idx, axis=1)             # [B, N, K, D]
    cat = jnp.concatenate([knn_feat, geo], axis=-1).reshape(b_ * n_ * k_, -1)
    agg = _leaky_relu(cat @ W2 + b2).reshape(b_, n_, k_, d_ // 2)
    return agg.mean(axis=2)                                    # [B, N, D//2]

if __name__ == "__main__":
    import jax
    _d = setup_inputs()
    print(jax.jit(kernel)(*tuple(_d.values())))

</pallas_src>

<mosaic_0001>
#map = affine_map<(d0, d1) -> (0, 0, 0)>
#map1 = affine_map<(d0, d1) -> (0, 0)>
module attributes {stable_mosaic.version = 14 : i64} {
  func.func @gather_k(%arg0: i32, %arg1: i32, %arg2: memref<32x16x128xi32, #tpu.memory_space<hbm>>, %arg3: memref<10000x64xf32, #tpu.memory_space<hbm>>, %arg4: memref<65536x64xf32, #tpu.memory_space<hbm>>, %arg5: memref<16x128xi32, #tpu.memory_space<vmem>>, %arg6: memref<4x2x128x64xf32, #tpu.memory_space<vmem>>, %arg7: memref<!tpu.dma_semaphore, #tpu.memory_space<semaphore_mem>>, %arg8: memref<!tpu.dma_semaphore, #tpu.memory_space<semaphore_mem>>, %arg9: memref<!tpu.dma_semaphore, #tpu.memory_space<semaphore_mem>>, %arg10: memref<!tpu.dma_semaphore, #tpu.memory_space<semaphore_mem>>, %arg11: memref<!tpu.dma_semaphore, #tpu.memory_space<semaphore_mem>>, %arg12: memref<!tpu.dma_semaphore, #tpu.memory_space<semaphore_mem>>, %arg13: memref<!tpu.dma_semaphore, #tpu.memory_space<semaphore_mem>>, %arg14: memref<!tpu.dma_semaphore, #tpu.memory_space<semaphore_mem>>) attributes {dimension_semantics = [#tpu.dimension_semantics<core_parallel>, #tpu.dimension_semantics<subcore_parallel>], iteration_bounds = array<i64: 2, 16>, scalar_prefetch = 0 : i64, scratch_operands = 10 : i64, tpu.core_type = #tpu.core_type<sc_vector_subcore>, window_params = [{transform_indices = #map}, {transform_indices = #map1}, {transform_indices = #map1}]} {
    %mul3A = arith.constant 2 : i32
    %mul3A_0 = arith.muli %arg1, %mul3A : i32
    %add3A = arith.addi %mul3A_0, %arg0 : i32
    %mul3A_1 = arith.constant 16 : i32
    %mul3A_2 = arith.muli %add3A, %mul3A_1 : i32
    "tpu.region"() ({
      %run_scoped3A = tpu.sem_alloc : memref<!tpu.dma_semaphore, #tpu.memory_space<semaphore_mem>>
      %dma_start3A_186 = arith.constant 0 : i32
      %dma_start3A_187 = arith.constant 0 : i32
      %dma_start3A_188 = tpu.memref_slice %arg2[%add3A, %dma_start3A_186, %dma_start3A_187] : memref<32x16x128xi32, #tpu.memory_space<hbm>> -> memref<1x16x128xi32, #tpu.memory_space<hbm>>
      %dma_start3A_189 = tpu.memref_squeeze %dma_start3A_188 : memref<1x16x128xi32, #tpu.memory_space<hbm>> -> memref<16x128xi32, #tpu.memory_space<hbm>>
      %dma_start3A_190 = arith.constant 0 : i32
      %dma_start3A_191 = arith.constant 0 : i32
      %dma_start3A_192 = tpu.memref_slice %arg2[%add3A, %dma_start3A_190, %dma_start3A_191] : memref<32x16x128xi32, #tpu.memory_space<hbm>> -> memref<1x16x128xi32, #tpu.memory_space<hbm>>
      %dma_start3A_193 = tpu.memref_squeeze %dma_start3A_192 : memref<1x16x128xi32, #tpu.memory_space<hbm>> -> memref<16x128xi32, #tpu.memory_space<hbm>>
      tpu.enqueue_dma source(%dma_start3A_193 : memref<16x128xi32, #tpu.memory_space<hbm>>) target(%arg5 : memref<16x128xi32, #tpu.memory_space<vmem>>) target_semaphore(%run_scoped3A : memref<!tpu.dma_semaphore, #tpu.memory_space<semaphore_mem>>)
      %dma_wait3A_194 = arith.constant 0 : i32
      %dma_wait3A_195 = arith.constant 0 : i32
      %dma_wait3A_196 = tpu.memref_slice %arg2[%add3A, %dma_wait3A_194, %dma_wait3A_195] : memref<32x16x128xi32, #tpu.memory_space<hbm>> -> memref<1x16x128xi32, #tpu.memory_space<hbm>>
      %dma_wait3A_197 = tpu.memref_squeeze %dma_wait3A_196 : memref<1x16x128xi32, #tpu.memory_space<hbm>> -> memref<16x128xi32, #tpu.memory_space<hbm>>
      %dma_wait3A_198 = arith.constant 0 : i32
      %dma_wait3A_199 = arith.constant 0 : i32
      %dma_wait3A_200 = tpu.memref_slice %arg2[%add3A, %dma_wait3A_198, %dma_wait3A_199] : memref<32x16x128xi32, #tpu.memory_space<hbm>> -> memref<1x16x128xi32, #tpu.memory_space<hbm>>
      %dma_wait3A_201 = tpu.memref_squeeze %dma_wait3A_200 : memref<1x16x128xi32, #tpu.memory_space<hbm>> -> memref<16x128xi32, #tpu.memory_space<hbm>>
      tpu.wait_dma2 semaphore(%run_scoped3A : memref<!tpu.dma_semaphore, #tpu.memory_space<semaphore_mem>>) src(%dma_wait3A_201 : memref<16x128xi32, #tpu.memory_space<hbm>>) dst(%arg5 : memref<16x128xi32, #tpu.memory_space<vmem>>)
      tpu.yield
    }) : () -> ()
    %dma_start3A = arith.constant 0 : i32
    %dma_start3A_3 = arith.constant 0 : i32
    %dma_start3A_4 = arith.constant 0 : i32
    %dma_start3A_5 = arith.constant 0 : i32
    %dma_start3A_6 = arith.constant 0 : i32
    %dma_start3A_7 = tpu.memref_slice %arg6[%dma_start3A_3, %dma_start3A_4, %dma_start3A_5, %dma_start3A_6] : memref<4x2x128x64xf32, #tpu.memory_space<vmem>> -> memref<1x1x128x64xf32, #tpu.memory_space<vmem>>
    %dma_start3A_8 = tpu.memref_squeeze %dma_start3A_7 : memref<1x1x128x64xf32, #tpu.memory_space<vmem>> -> memref<128x64xf32, #tpu.memory_space<vmem>>
    %dma_start3A_9 = arith.constant 0 : i32
    %dma_start3A_10 = tpu.memref_slice %arg5[%dma_start3A, %dma_start3A_9] : memref<16x128xi32, #tpu.memory_space<vmem>> -> memref<1x128xi32, #tpu.memory_space<vmem>>
    %dma_start3A_11 = tpu.memref_squeeze %dma_start3A_10 : memref<1x128xi32, #tpu.memory_space<vmem>> -> memref<128xi32, #tpu.memory_space<vmem>>
    %dma_start3A_12 = arith.constant 0 : i32
    %dma_start3A_13 = arith.constant 0 : i32
    %dma_start3A_14 = tpu.memref_slice %arg3[%dma_start3A_12, %dma_start3A_13] : memref<10000x64xf32, #tpu.memory_space<hbm>> -> memref<10000x64xf32, #tpu.memory_space<hbm>>
    tpu.enqueue_indirect_dma source(%dma_start3A_14 : memref<10000x64xf32, #tpu.memory_space<hbm>>) target(%dma_start3A_8 : memref<128x64xf32, #tpu.memory_space<vmem>>) offsets(%dma_start3A_11 : memref<128xi32, #tpu.memory_space<vmem>>) semaphore(%arg7 : memref<!tpu.dma_semaphore, #tpu.memory_space<semaphore_mem>>)
    %dma_start3A_15 = arith.constant 1 : i32
    %dma_start3A_16 = arith.constant 0 : i32
    %dma_start3A_17 = arith.constant 1 : i32
    %dma_start3A_18 = arith.constant 0 : i32
    %dma_start3A_19 = arith.constant 0 : i32
    %dma_start3A_20 = tpu.memref_slice %arg6[%dma_start3A_16, %dma_start3A_17, %dma_start3A_18, %dma_start3A_19] : memref<4x2x128x64xf32, #tpu.memory_space<vmem>> -> memref<1x1x128x64xf32, #tpu.memory_space<vmem>>
    %dma_start3A_21 = tpu.memref_squeeze %dma_start3A_20 : memref<1x1x128x64xf32, #tpu.memory_space<vmem>> -> memref<128x64xf32, #tpu.memory_space<vmem>>
    %dma_start3A_22 = arith.constant 0 : i32
    %dma_start3A_23 = tpu.memref_slice %arg5[%dma_start3A_15, %dma_start3A_22] : memref<16x128xi32, #tpu.memory_space<vmem>> -> memref<1x128xi32, #tpu.memory_space<vmem>>
    %dma_start3A_24 = tpu.memref_squeeze %dma_start3A_23 : memref<1x128xi32, #tpu.memory_space<vmem>> -> memref<128xi32, #tpu.memory_space<vmem>>
    %dma_start3A_25 = arith.constant 0 : i32
    %dma_start3A_26 = arith.constant 0 : i32
    %dma_start3A_27 = tpu.memref_slice %arg3[%dma_start3A_25, %dma_start3A_26] : memref<10000x64xf32, #tpu.memory_space<hbm>> -> memref<10000x64xf32, #tpu.memory_space<hbm>>
    tpu.enqueue_indirect_dma source(%dma_start3A_27 : memref<10000x64xf32, #tpu.memory_space<hbm>>) target(%dma_start3A_21 : memref<128x64xf32, #tpu.memory_space<vmem>>) offsets(%dma_start3A_24 : memref<128xi32, #tpu.memory_space<vmem>>) semaphore(%arg7 : memref<!tpu.dma_semaphore, #tpu.memory_space<semaphore_mem>>)
    %dma_start3A_28 = arith.constant 2 : i32
    %dma_start3A_29 = arith.constant 1 : i32
    %dma_start3A_30 = arith.constant 0 : i32
    %dma_start3A_31 = arith.constant 0 : i32
    %dma_start3A_32 = arith.constant 0 : i32
    %dma_start3A_33 = tpu.memref_slice %arg6[%dma_start3A_29, %dma_start3A_30, %dma_start3A_31, %dma_start3A_32] : memref<4x2x128x64xf32, #tpu.memory_space<vmem>> -> memref<1x1x128x64xf32, #tpu.memory_space<vmem>>
    %dma_start3A_34 = tpu.memref_squeeze %dma_start3A_33 : memref<1x1x128x64xf32, #tpu.memory_space<vmem>> -> memref<128x64xf32, #tpu.memory_space<vmem>>
    %dma_start3A_35 = arith.constant 0 : i32
    %dma_start3A_36 = tpu.memref_slice %arg5[%dma_start3A_28, %dma_start3A_35] : memref<16x128xi32, #tpu.memory_space<vmem>> -> memref<1x128xi32, #tpu.memory_space<vmem>>
    %dma_start3A_37 = tpu.memref_squeeze %dma_start3A_36 : memref<1x128xi32, #tpu.memory_space<vmem>> -> memref<128xi32, #tpu.memory_space<vmem>>
    %dma_start3A_38 = arith.constant 0 : i32
    %dma_start3A_39 = arith.constant 0 : i32
    %dma_start3A_40 = tpu.memref_slice %arg3[%dma_start3A_38, %dma_start3A_39] : memref<10000x64xf32, #tpu.memory_space<hbm>> -> memref<10000x64xf32, #tpu.memory_space<hbm>>
    tpu.enqueue_indirect_dma source(%dma_start3A_40 : memref<10000x64xf32, #tpu.memory_space<hbm>>) target(%dma_start3A_34 : memref<128x64xf32, #tpu.memory_space<vmem>>) offsets(%dma_start3A_37 : memref<128xi32, #tpu.memory_space<vmem>>) semaphore(%arg8 : memref<!tpu.dma_semaphore, #tpu.memory_space<semaphore_mem>>)
    %dma_start3A_41 = arith.constant 3 : i32
    %dma_start3A_42 = arith.constant 1 : i32
    %dma_start3A_43 = arith.constant 1 : i32
    %dma_start3A_44 = arith.constant 0 : i32
    %dma_start3A_45 = arith.constant 0 : i32
    %dma_start3A_46 = tpu.memref_slice %arg6[%dma_start3A_42, %dma_start3A_43, %dma_start3A_44, %dma_start3A_45] : memref<4x2x128x64xf32, #tpu.memory_space<vmem>> -> memref<1x1x128x64xf32, #tpu.memory_space<vmem>>
    %dma_start3A_47 = tpu.memref_squeeze %dma_start3A_46 : memref<1x1x128x64xf32, #tpu.memory_space<vmem>> -> memref<128x64xf32, #tpu.memory_space<vmem>>
    %dma_start3A_48 = arith.constant 0 : i32
    %dma_start3A_49 = tpu.memref_slice %arg5[%dma_start3A_41, %dma_start3A_48] : memref<16x128xi32, #tpu.memory_space<vmem>> -> memref<1x128xi32, #tpu.memory_space<vmem>>
    %dma_start3A_50 = tpu.memref_squeeze %dma_start3A_49 : memref<1x128xi32, #tpu.memory_space<vmem>> -> memref<128xi32, #tpu.memory_space<vmem>>
    %dma_start3A_51 = arith.constant 0 : i32
    %dma_start3A_52 = arith.constant 0 : i32
    %dma_start3A_53 = tpu.memref_slice %arg3[%dma_start3A_51, %dma_start3A_52] : memref<10000x64xf32, #tpu.memory_space<hbm>> -> memref<10000x64xf32, #tpu.memory_space<hbm>>
    tpu.enqueue_indirect_dma source(%dma_start3A_53 : memref<10000x64xf32, #tpu.memory_space<hbm>>) target(%dma_start3A_47 : memref<128x64xf32, #tpu.memory_space<vmem>>) offsets(%dma_start3A_50 : memref<128xi32, #tpu.memory_space<vmem>>) semaphore(%arg8 : memref<!tpu.dma_semaphore, #tpu.memory_space<semaphore_mem>>)
    %scan3A = arith.constant 0 : i32
    %scan3A_54 = arith.constant 0 : i32
    %scan3A_55 = arith.constant 2 : i32
    %scan3A_56 = arith.addi %scan3A_54, %scan3A_55 : i32
    %scan3A_57 = arith.constant 1 : i32
    scf.for %scan3A_186 = %scan3A_54 to %scan3A_56 step %scan3A_57  : i32 {
      %mul3A_187 = arith.constant 4 : i32
      %mul3A_188 = arith.muli %mul3A_187, %scan3A_186 : i32
      %add3A_189 = arith.constant 0 : i32
      %add3A_190 = arith.addi %mul3A_188, %add3A_189 : i32
      %dma_wait3A_191 = arith.constant 0 : i32
      %dma_wait3A_192 = arith.constant 0 : i32
      %dma_wait3A_193 = arith.constant 0 : i32
      %dma_wait3A_194 = arith.constant 0 : i32
      %dma_wait3A_195 = tpu.memref_slice %arg6[%dma_wait3A_191, %dma_wait3A_192, %dma_wait3A_193, %dma_wait3A_194] : memref<4x2x128x64xf32, #tpu.memory_space<vmem>> -> memref<1x1x128x64xf32, #tpu.memory_space<vmem>>
      %dma_wait3A_196 = tpu.memref_squeeze %dma_wait3A_195 : memref<1x1x128x64xf32, #tpu.memory_space<vmem>> -> memref<128x64xf32, #tpu.memory_space<vmem>>
      %dma_wait3A_197 = arith.constant 0 : i32
      %dma_wait3A_198 = arith.constant 0 : i32
      %dma_wait3A_199 = tpu.memref_slice %arg3[%dma_wait3A_197, %dma_wait3A_198] : memref<10000x64xf32, #tpu.memory_space<hbm>> -> memref<128x64xf32, #tpu.memory_space<hbm>>
      %dma_wait3A_200 = arith.constant 0 : i32
      %dma_wait3A_201 = arith.constant 0 : i32
      %dma_wait3A_202 = tpu.memref_slice %arg6[%dma_wait3A_191, %dma_wait3A_192, %dma_wait3A_200, %dma_wait3A_201] : memref<4x2x128x64xf32, #tpu.memory_space<vmem>> -> memref<1x1x128x64xf32, #tpu.memory_space<vmem>>
      %dma_wait3A_203 = tpu.memref_squeeze %dma_wait3A_202 : memref<1x1x128x64xf32, #tpu.memory_space<vmem>> -> memref<128x64xf32, #tpu.memory_space<vmem>>
      %dma_wait3A_204 = arith.constant 0 : i32
      %dma_wait3A_205 = arith.constant 0 : i32
      %dma_wait3A_206 = tpu.memref_slice %arg3[%dma_wait3A_204, %dma_wait3A_205] : memref<10000x64xf32, #tpu.memory_space<hbm>> -> memref<128x64xf32, #tpu.memory_space<hbm>>
      tpu.wait_dma2 semaphore(%arg7 : memref<!tpu.dma_semaphore, #tpu.memory_space<semaphore_mem>>) src(%dma_wait3A_206 : memref<128x64xf32, #tpu.memory_space<hbm>>) dst(%dma_wait3A_203 : memref<128x64xf32, #tpu.memory_space<vmem>>)
      %dma_wait3A_207 = arith.constant 0 : i32
      %dma_wait3A_208 = arith.constant 1 : i32
      %dma_wait3A_209 = arith.constant 0 : i32
      %dma_wait3A_210 = arith.constant 0 : i32
      %dma_wait3A_211 = tpu.memref_slice %arg6[%dma_wait3A_207, %dma_wait3A_208, %dma_wait3A_209, %dma_wait3A_210] : memref<4x2x128x64xf32, #tpu.memory_space<vmem>> -> memref<1x1x128x64xf32, #tpu.memory_space<vmem>>
      %dma_wait3A_212 = tpu.memref_squeeze %dma_wait3A_211 : memref<1x1x128x64xf32, #tpu.memory_space<vmem>> -> memref<128x64xf32, #tpu.memory_space<vmem>>
      %dma_wait3A_213 = arith.constant 0 : i32
      %dma_wait3A_214 = arith.constant 0 : i32
      %dma_wait3A_215 = tpu.memref_slice %arg3[%dma_wait3A_213, %dma_wait3A_214] : memref<10000x64xf32, #tpu.memory_space<hbm>> -> memref<128x64xf32, #tpu.memory_space<hbm>>
      %dma_wait3A_216 = arith.constant 0 : i32
      %dma_wait3A_217 = arith.constant 0 : i32
      %dma_wait3A_218 = tpu.memref_slice %arg6[%dma_wait3A_207, %dma_wait3A_208, %dma_wait3A_216, %dma_wait3A_217] : memref<4x2x128x64xf32, #tpu.memory_space<vmem>> -> memref<1x1x128x64xf32, #tpu.memory_space<vmem>>
      %dma_wait3A_219 = tpu.memref_squeeze %dma_wait3A_218 : memref<1x1x128x64xf32, #tpu.memory_space<vmem>> -> memref<128x64xf32, #tpu.memory_space<vmem>>
      %dma_wait3A_220 = arith.constant 0 : i32
      %dma_wait3A_221 = arith.constant 0 : i32
      %dma_wait3A_222 = tpu.memref_slice %arg3[%dma_wait3A_220, %dma_wait3A_221] : memref<10000x64xf32, #tpu.memory_space<hbm>> -> memref<128x64xf32, #tpu.memory_space<hbm>>
      tpu.wait_dma2 semaphore(%arg7 : memref<!tpu.dma_semaphore, #tpu.memory_space<semaphore_mem>>) src(%dma_wait3A_222 : memref<128x64xf32, #tpu.memory_space<hbm>>) dst(%dma_wait3A_219 : memref<128x64xf32, #tpu.memory_space<vmem>>)
      %mul3A_223 = arith.constant 2 : i32
      %mul3A_224 = arith.muli %add3A_190, %mul3A_223 : i32
      %add3A_225 = arith.constant 0 : i32
      %add3A_226 = arith.addi %mul3A_224, %add3A_225 : i32
      %add3A_227 = arith.addi %mul3A_2, %add3A_226 : i32
      %mul3A_228 = arith.constant 128 : i32
      %mul3A_229 = arith.muli %add3A_227, %mul3A_228 : i32
      %dma_start3A_230 = arith.constant 0 : i32
      %dma_start3A_231 = arith.constant 0 : i32
      %dma_start3A_232 = arith.constant 0 : i32
      %dma_start3A_233 = arith.constant 0 : i32
      %dma_start3A_234 = tpu.memref_slice %arg6[%dma_start3A_230, %dma_start3A_231, %dma_start3A_232, %dma_start3A_233] : memref<4x2x128x64xf32, #tpu.memory_space<vmem>> -> memref<1x1x128x64xf32, #tpu.memory_space<vmem>>
      %dma_start3A_235 = tpu.memref_squeeze %dma_start3A_234 : memref<1x1x128x64xf32, #tpu.memory_space<vmem>> -> memref<128x64xf32, #tpu.memory_space<vmem>>
      %dma_start3A_236 = arith.constant 0 : i32
      %dma_start3A_237 = tpu.memref_slice %arg4[%mul3A_229, %dma_start3A_236] : memref<65536x64xf32, #tpu.memory_space<hbm>> -> memref<128x64xf32, #tpu.memory_space<hbm>>
      %dma_start3A_238 = arith.constant 0 : i32
      %dma_start3A_239 = tpu.memref_slice %arg4[%mul3A_229, %dma_start3A_238] : memref<65536x64xf32, #tpu.memory_space<hbm>> -> memref<128x64xf32, #tpu.memory_space<hbm>>
      %dma_start3A_240 = arith.constant 0 : i32
      %dma_start3A_241 = arith.constant 0 : i32
      %dma_start3A_242 = tpu.memref_slice %arg6[%dma_start3A_230, %dma_start3A_231, %dma_start3A_240, %dma_start3A_241] : memref<4x2x128x64xf32, #tpu.memory_space<vmem>> -> memref<1x1x128x64xf32, #tpu.memory_space<vmem>>
      %dma_start3A_243 = tpu.memref_squeeze %dma_start3A_242 : memref<1x1x128x64xf32, #tpu.memory_space<vmem>> -> memref<128x64xf32, #tpu.memory_space<vmem>>
      tpu.enqueue_dma source(%dma_start3A_243 : memref<128x64xf32, #tpu.memory_space<vmem>>) target(%dma_start3A_239 : memref<128x64xf32, #tpu.memory_space<hbm>>) target_semaphore(%arg11 : memref<!tpu.dma_semaphore, #tpu.memory_space<semaphore_mem>>)
      %mul3A_244 = arith.constant 2 : i32
      %mul3A_245 = arith.muli %add3A_190, %mul3A_244 : i32
      %add3A_246 = arith.constant 1 : i32
      %add3A_247 = arith.addi %mul3A_245, %add3A_246 : i32
      %add3A_248 = arith.addi %mul3A_2, %add3A_247 : i32
      %mul3A_249 = arith.constant 128 : i32
      %mul3A_250 = arith.muli %add3A_248, %mul3A_249 : i32
      %dma_start3A_251 = arith.constant 0 : i32
      %dma_start3A_252 = arith.constant 1 : i32
      %dma_start3A_253 = arith.constant 0 : i32
      %dma_start3A_254 = arith.constant 0 : i32
      %dma_start3A_255 = tpu.memref_slice %arg6[%dma_start3A_251, %dma_start3A_252, %dma_start3A_253, %dma_start3A_254] : memref<4x2x128x64xf32, #tpu.memory_space<vmem>> -> memref<1x1x128x64xf32, #tpu.memory_space<vmem>>
      %dma_start3A_256 = tpu.memref_squeeze %dma_start3A_255 : memref<1x1x128x64xf32, #tpu.memory_space<vmem>> -> memref<128x64xf32, #tpu.memory_space<vmem>>
      %dma_start3A_257 = arith.constant 0 : i32
      %dma_start3A_258 = tpu.memref_slice %arg4[%mul3A_250, %dma_start3A_257] : memref<65536x64xf32, #tpu.memory_space<hbm>> -> memref<128x64xf32, #tpu.memory_space<hbm>>
      %dma_start3A_259 = arith.constant 0 : i32
      %dma_start3A_260 = tpu.memref_slice %arg4[%mul3A_250, %dma_start3A_259] : memref<65536x64xf32, #tpu.memory_space<hbm>> -> memref<128x64xf32, #tpu.memory_space<hbm>>
      %dma_start3A_261 = arith.constant 0 : i32
      %dma_start3A_262 = arith.constant 0 : i32
      %dma_start3A_263 = tpu.memref_slice %arg6[%dma_start3A_251, %dma_start3A_252, %dma_start3A_261, %dma_start3A_262] : memref<4x2x128x64xf32, #tpu.memory_space<vmem>> -> memref<1x1x128x64xf32, #tpu.memory_space<vmem>>
      %dma_start3A_264 = tpu.memref_squeeze %dma_start3A_263 : memref<1x1x128x64xf32, #tpu.memory_space<vmem>> -> memref<128x64xf32, #tpu.memory_space<vmem>>
      tpu.enqueue_dma source(%dma_start3A_264 : memref<128x64xf32, #tpu.memory_space<vmem>>) target(%dma_start3A_260 : memref<128x64xf32, #tpu.memory_space<hbm>>) target_semaphore(%arg11 : memref<!tpu.dma_semaphore, #tpu.memory_space<semaphore_mem>>)
      %ge3A = arith.constant 2 : i32
      %ge3A_265 = arith.cmpi sge, %add3A_190, %ge3A : i32
      %add3A_266 = arith.constant 2 : i32
      %add3A_267 = arith.addi %add3A_190, %add3A_266 : i32
      %lt3A = arith.constant 8 : i32
      %lt3A_268 = arith.cmpi slt, %add3A_267, %lt3A : i32
      %and3A = arith.andi %ge3A_265, %lt3A_268 : i1
      %convert_element_type3A = arith.extui %and3A : i1 to i32
      %cond3A = arith.constant 0 : i32
      %cond3A_269 = arith.cmpi ne, %convert_element_type3A, %cond3A : i32
      scf.if %cond3A_269 {
        %dma_wait3A_562 = arith.constant 2 : i32
        %dma_wait3A_563 = arith.constant 0 : i32
        %dma_wait3A_564 = arith.constant 0 : i32
        %dma_wait3A_565 = arith.constant 0 : i32
        %dma_wait3A_566 = tpu.memref_slice %arg6[%dma_wait3A_562, %dma_wait3A_563, %dma_wait3A_564, %dma_wait3A_565] : memref<4x2x128x64xf32, #tpu.memory_space<vmem>> -> memref<1x1x128x64xf32, #tpu.memory_space<vmem>>
        %dma_wait3A_567 = tpu.memref_squeeze %dma_wait3A_566 : memref<1x1x128x64xf32, #tpu.memory_space<vmem>> -> memref<128x64xf32, #tpu.memory_space<vmem>>
        %dma_wait3A_568 = arith.constant 0 : i32
        %dma_wait3A_569 = arith.constant 0 : i32
        %dma_wait3A_570 = tpu.memref_slice %arg4[%dma_wait3A_568, %dma_wait3A_569] : memref<65536x64xf32, #tpu.memory_space<hbm>> -> memref<128x64xf32, #tpu.memory_space<hbm>>
        %dma_wait3A_571 = arith.constant 0 : i32
        %dma_wait3A_572 = arith.constant 0 : i32
        %dma_wait3A_573 = tpu.memref_slice %arg4[%dma_wait3A_571, %dma_wait3A_572] : memref<65536x64xf32, #tpu.memory_space<hbm>> -> memref<128x64xf32, #tpu.memory_space<hbm>>
        %dma_wait3A_574 = arith.constant 0 : i32
        %dma_wait3A_575 = arith.constant 0 : i32
        %dma_wait3A_576 = tpu.memref_slice %arg6[%dma_wait3A_562, %dma_wait3A_563, %dma_wait3A_574, %dma_wait3A_575] : memref<4x2x128x64xf32, #tpu.memory_space<vmem>> -> memref<1x1x128x64xf32, #tpu.memory_space<vmem>>
        %dma_wait3A_577 = tpu.memref_squeeze %dma_wait3A_576 : memref<1x1x128x64xf32, #tpu.memory_space<vmem>> -> memref<128x64xf32, #tpu.memory_space<vmem>>
        tpu.wait_dma2 semaphore(%arg13 : memref<!tpu.dma_semaphore, #tpu.memory_space<semaphore_mem>>) src(%dma_wait3A_577 : memref<128x64xf32, #tpu.memory_space<vmem>>) dst(%dma_wait3A_573 : memref<128x64xf32, #tpu.memory_space<hbm>>)
        %dma_wait3A_578 = arith.constant 2 : i32
        %dma_wait3A_579 = arith.constant 1 : i32
        %dma_wait3A_580 = arith.constant 0 : i32
        %dma_wait3A_581 = arith.constant 0 : i32
        %dma_wait3A_582 = tpu.memref_slice %arg6[%dma_wait3A_578, %dma_wait3A_579, %dma_wait3A_580, %dma_wait3A_581] : memref<4x2x128x64xf32, #tpu.memory_space<vmem>> -> memref<1x1x128x64xf32, #tpu.memory_space<vmem>>
        %dma_wait3A_583 = tpu.memref_squeeze %dma_wait3A_582 : memref<1x1x128x64xf32, #tpu.memory_space<vmem>> -> memref<128x64xf32, #tpu.memory_space<vmem>>
        %dma_wait3A_584 = arith.constant 0 : i32
        %dma_wait3A_585 = arith.constant 0 : i32
        %dma_wait3A_586 = tpu.memref_slice %arg4[%dma_wait3A_584, %dma_wait3A_585] : memref<65536x64xf32, #tpu.memory_space<hbm>> -> memref<128x64xf32, #tpu.memory_space<hbm>>
        %dma_wait3A_587 = arith.constant 0 : i32
        %dma_wait3A_588 = arith.constant 0 : i32
        %dma_wait3A_589 = tpu.memref_slice %arg4[%dma_wait3A_587, %dma_wait3A_588] : memref<65536x64xf32, #tpu.memory_space<hbm>> -> memref<128x64xf32, #tpu.memory_space<hbm>>
        %dma_wait3A_590 = arith.constant 0 : i32
        %dma_wait3A_591 = arith.constant 0 : i32
        %dma_wait3A_592 = tpu.memref_slice %arg6[%dma_wait3A_578, %dma_wait3A_579, %dma_wait3A_590, %dma_wait3A_591] : memref<4x2x128x64xf32, #tpu.memory_space<vmem>> -> memref<1x1x128x64xf32, #tpu.memory_space<vmem>>
        %dma_wait3A_593 = tpu.memref_squeeze %dma_wait3A_592 : memref<1x1x128x64xf32, #tpu.memory_space<vmem>> -> memref<128x64xf32, #tpu.memory_space<vmem>>
        tpu.wait_dma2 semaphore(%arg13 : memref<!tpu.dma_semaphore, #tpu.memory_space<semaphore_mem>>) src(%dma_wait3A_593 : memref<128x64xf32, #tpu.memory_space<vmem>>) dst(%dma_wait3A_589 : memref<128x64xf32, #tpu.memory_space<hbm>>)
      } else {
      }
      %add3A_270 = arith.constant 2 : i32
      %add3A_271 = arith.addi %add3A_190, %add3A_270 : i32
      %lt3A_272 = arith.constant 8 : i32
      %lt3A_273 = arith.cmpi slt, %add3A_271, %lt3A_272 : i32
      %convert_element_type3A_274 = arith.extui %lt3A_273 : i1 to i32
      %cond3A_275 = arith.constant 0 : i32
      %cond3A_276 = arith.cmpi ne, %convert_element_type3A_274, %cond3A_275 : i32
      scf.if %cond3A_276 {
        %add3A_562 = arith.constant 2 : i32
        %add3A_563 = arith.addi %add3A_190, %add3A_562 : i32
        %mul3A_564 = arith.constant 2 : i32
        %mul3A_565 = arith.muli %add3A_563, %mul3A_564 : i32
        %add3A_566 = arith.constant 0 : i32
        %add3A_567 = arith.addi %mul3A_565, %add3A_566 : i32
        %dma_start3A_568 = arith.constant 2 : i32
        %dma_start3A_569 = arith.constant 0 : i32
        %dma_start3A_570 = arith.constant 0 : i32
        %dma_start3A_571 = arith.constant 0 : i32
        %dma_start3A_572 = tpu.memref_slice %arg6[%dma_start3A_568, %dma_start3A_569, %dma_start3A_570, %dma_start3A_571] : memref<4x2x128x64xf32, #tpu.memory_space<vmem>> -> memref<1x1x128x64xf32, #tpu.memory_space<vmem>>
        %dma_start3A_573 = tpu.memref_squeeze %dma_start3A_572 : memref<1x1x128x64xf32, #tpu.memory_space<vmem>> -> memref<128x64xf32, #tpu.memory_space<vmem>>
        %dma_start3A_574 = arith.constant 0 : i32
        %dma_start3A_575 = tpu.memref_slice %arg5[%add3A_567, %dma_start3A_574] : memref<16x128xi32, #tpu.memory_space<vmem>> -> memref<1x128xi32, #tpu.memory_space<vmem>>
        %dma_start3A_576 = tpu.memref_squeeze %dma_start3A_575 : memref<1x128xi32, #tpu.memory_space<vmem>> -> memref<128xi32, #tpu.memory_space<vmem>>
        %dma_start3A_577 = arith.constant 0 : i32
        %dma_start3A_578 = arith.constant 0 : i32
        %dma_start3A_579 = tpu.memref_slice %arg3[%dma_start3A_577, %dma_start3A_578] : memref<10000x64xf32, #tpu.memory_space<hbm>> -> memref<10000x64xf32, #tpu.memory_space<hbm>>
        tpu.enqueue_indirect_dma source(%dma_start3A_579 : memref<10000x64xf32, #tpu.memory_space<hbm>>) target(%dma_start3A_573 : memref<128x64xf32, #tpu.memory_space<vmem>>) offsets(%dma_start3A_576 : memref<128xi32, #tpu.memory_space<vmem>>) semaphore(%arg9 : memref<!tpu.dma_semaphore, #tpu.memory_space<semaphore_mem>>)
        %mul3A_580 = arith.constant 2 : i32
        %mul3A_581 = arith.muli %add3A_563, %mul3A_580 : i32
        %add3A_582 = arith.constant 1 : i32
        %add3A_583 = arith.addi %mul3A_581, %add3A_582 : i32
        %dma_start3A_584 = arith.constant 2 : i32
        %dma_start3A_585 = arith.constant 1 : i32
        %dma_start3A_586 = arith.constant 0 : i32
        %dma_start3A_587 = arith.constant 0 : i32
        %dma_start3A_588 = tpu.memref_slice %arg6[%dma_start3A_584, %dma_start3A_585, %dma_start3A_586, %dma_start3A_587] : memref<4x2x128x64xf32, #tpu.memory_space<vmem>> -> memref<1x1x128x64xf32, #tpu.memory_space<vmem>>
        %dma_start3A_589 = tpu.memref_squeeze %dma_start3A_588 : memref<1x1x128x64xf32, #tpu.memory_space<vmem>> -> memref<128x64xf32, #tpu.memory_space<vmem>>
        %dma_start3A_590 = arith.constant 0 : i32
        %dma_start3A_591 = tpu.memref_slice %arg5[%add3A_583, %dma_start3A_590] : memref<16x128xi32, #tpu.memory_space<vmem>> -> memref<1x128xi32, #tpu.memory_space<vmem>>
        %dma_start3A_592 = tpu.memref_squeeze %dma_start3A_591 : memref<1x128xi32, #tpu.memory_space<vmem>> -> memref<128xi32, #tpu.memory_space<vmem>>
        %dma_start3A_593 = arith.constant 0 : i32
        %dma_start3A_594 = arith.constant 0 : i32
        %dma_start3A_595 = tpu.memref_slice %arg3[%dma_start3A_593, %dma_start3A_594] : memref<10000x64xf32, #tpu.memory_space<hbm>> -> memref<10000x64xf32, #tpu.memory_space<hbm>>
        tpu.enqueue_indirect_dma source(%dma_start3A_595 : memref<10000x64xf32, #tpu.memory_space<hbm>>) target(%dma_start3A_589 : memref<128x64xf32, #tpu.memory_space<vmem>>) offsets(%dma_start3A_592 : memref<128xi32, #tpu.memory_space<vmem>>) semaphore(%arg9 : memref<!tpu.dma_semaphore, #tpu.memory_space<semaphore_mem>>)
      } else {
      }
      %mul3A_277 = arith.constant 4 : i32
      %mul3A_278 = arith.muli %mul3A_277, %scan3A_186 : i32
      %add3A_279 = arith.constant 1 : i32
      %add3A_280 = arith.addi %mul3A_278, %add3A_279 : i32
      %dma_wait3A_281 = arith.constant 1 : i32
      %dma_wait3A_282 = arith.constant 0 : i32
      %dma_wait3A_283 = arith.constant 0 : i32
      %dma_wait3A_284 = arith.constant 0 : i32
      %dma_wait3A_285 = tpu.memref_slice %arg6[%dma_wait3A_281, %dma_wait3A_282, %dma_wait3A_283, %dma_wait3A_284] : memref<4x2x128x64xf32, #tpu.memory_space<vmem>> -> memref<1x1x128x64xf32, #tpu.memory_space<vmem>>
      %dma_wait3A_286 = tpu.memref_squeeze %dma_wait3A_285 : memref<1x1x128x64xf32, #tpu.memory_space<vmem>> -> memref<128x64xf32, #tpu.memory_space<vmem>>
      %dma_wait3A_287 = arith.constant 0 : i32
      %dma_wait3A_288 = arith.constant 0 : i32
      %dma_wait3A_289 = tpu.memref_slice %arg3[%dma_wait3A_287, %dma_wait3A_288] : memref<10000x64xf32, #tpu.memory_space<hbm>> -> memref<128x64xf32, #tpu.memory_space<hbm>>
      %dma_wait3A_290 = arith.constant 0 : i32
      %dma_wait3A_291 = arith.constant 0 : i32
      %dma_wait3A_292 = tpu.memref_slice %arg6[%dma_wait3A_281, %dma_wait3A_282, %dma_wait3A_290, %dma_wait3A_291] : memref<4x2x128x64xf32, #tpu.memory_space<vmem>> -> memref<1x1x128x64xf32, #tpu.memory_space<vmem>>
      %dma_wait3A_293 = tpu.memref_squeeze %dma_wait3A_292 : memref<1x1x128x64xf32, #tpu.memory_space<vmem>> -> memref<128x64xf32, #tpu.memory_space<vmem>>
      %dma_wait3A_294 = arith.constant 0 : i32
      %dma_wait3A_295 = arith.constant 0 : i32
      %dma_wait3A_296 = tpu.memref_slice %arg3[%dma_wait3A_294, %dma_wait3A_295] : memref<10000x64xf32, #tpu.memory_space<hbm>> -> memref<128x64xf32, #tpu.memory_space<hbm>>
      tpu.wait_dma2 semaphore(%arg8 : memref<!tpu.dma_semaphore, #tpu.memory_space<semaphore_mem>>) src(%dma_wait3A_296 : memref<128x64xf32, #tpu.memory_space<hbm>>) dst(%dma_wait3A_293 : memref<128x64xf32, #tpu.memory_space<vmem>>)
      %dma_wait3A_297 = arith.constant 1 : i32
      %dma_wait3A_298 = arith.constant 1 : i32
      %dma_wait3A_299 = arith.constant 0 : i32
      %dma_wait3A_300 = arith.constant 0 : i32
      %dma_wait3A_301 = tpu.memref_slice %arg6[%dma_wait3A_297, %dma_wait3A_298, %dma_wait3A_299, %dma_wait3A_300] : memref<4x2x128x64xf32, #tpu.memory_space<vmem>> -> memref<1x1x128x64xf32, #tpu.memory_space<vmem>>
      %dma_wait3A_302 = tpu.memref_squeeze %dma_wait3A_301 : memref<1x1x128x64xf32, #tpu.memory_space<vmem>> -> memref<128x64xf32, #tpu.memory_space<vmem>>
      %dma_wait3A_303 = arith.constant 0 : i32
      %dma_wait3A_304 = arith.constant 0 : i32
      %dma_wait3A_305 = tpu.memref_slice %arg3[%dma_wait3A_303, %dma_wait3A_304] : memref<10000x64xf32, #tpu.memory_space<hbm>> -> memref<128x64xf32, #tpu.memory_space<hbm>>
      %dma_wait3A_306 = arith.constant 0 : i32
      %dma_wait3A_307 = arith.constant 0 : i32
      %dma_wait3A_308 = tpu.memref_slice %arg6[%dma_wait3A_297, %dma_wait3A_298, %dma_wait3A_306, %dma_wait3A_307] : memref<4x2x128x64xf32, #tpu.memory_space<vmem>> -> memref<1x1x128x64xf32, #tpu.memory_space<vmem>>
      %dma_wait3A_309 = tpu.memref_squeeze %dma_wait3A_308 : memref<1x1x128x64xf32, #tpu.memory_space<vmem>> -> memref<128x64xf32, #tpu.memory_space<vmem>>
      %dma_wait3A_310 = arith.constant 0 : i32
      %dma_wait3A_311 = arith.constant 0 : i32
      %dma_wait3A_312 = tpu.memref_slice %arg3[%dma_wait3A_310, %dma_wait3A_311] : memref<10000x64xf32, #tpu.memory_space<hbm>> -> memref<128x64xf32, #tpu.memory_space<hbm>>
      tpu.wait_dma2 semaphore(%arg8 : memref<!tpu.dma_semaphore, #tpu.memory_space<semaphore_mem>>) src(%dma_wait3A_312 : memref<128x64xf32, #tpu.memory_space<hbm>>) dst(%dma_wait3A_309 : memref<128x64xf32, #tpu.memory_space<vmem>>)
      %mul3A_313 = arith.constant 2 : i32
      %mul3A_314 = arith.muli %add3A_280, %mul3A_313 : i32
      %add3A_315 = arith.constant 0 : i32
      %add3A_316 = arith.addi %mul3A_314, %add3A_315 : i32
      %add3A_317 = arith.addi %mul3A_2, %add3A_316 : i32
      %mul3A_318 = arith.constant 128 : i32
      %mul3A_319 = arith.muli %add3A_317, %mul3A_318 : i32
      %dma_start3A_320 = arith.constant 1 : i32
      %dma_start3A_321 = arith.constant 0 : i32
      %dma_start3A_322 = arith.constant 0 : i32
      %dma_start3A_323 = arith.constant 0 : i32
      %dma_start3A_324 = tpu.memref_slice %arg6[%dma_start3A_320, %dma_start3A_321, %dma_start3A_322, %dma_start3A_323] : memref<4x2x128x64xf32, #tpu.memory_space<vmem>> -> memref<1x1x128x64xf32, #tpu.memory_space<vmem>>
      %dma_start3A_325 = tpu.memref_squeeze %dma_start3A_324 : memref<1x1x128x64xf32, #tpu.memory_space<vmem>> -> memref<128x64xf32, #tpu.memory_space<vmem>>
      %dma_start3A_326 = arith.constant 0 : i32
      %dma_start3A_327 = tpu.memref_slice %arg4[%mul3A_319, %dma_start3A_326] : memref<65536x64xf32, #tpu.memory_space<hbm>> -> memref<128x64xf32, #tpu.memory_space<hbm>>
      %dma_start3A_328 = arith.constant 0 : i32
      %dma_start3A_329 = tpu.memref_slice %arg4[%mul3A_319, %dma_start3A_328] : memref<65536x64xf32, #tpu.memory_space<hbm>> -> memref<128x64xf32, #tpu.memory_space<hbm>>
      %dma_start3A_330 = arith.constant 0 : i32
      %dma_start3A_331 = arith.constant 0 : i32
      %dma_start3A_332 = tpu.memref_slice %arg6[%dma_start3A_320, %dma_start3A_321, %dma_start3A_330, %dma_start3A_331] : memref<4x2x128x64xf32, #tpu.memory_space<vmem>> -> memref<1x1x128x64xf32, #tpu.memory_space<vmem>>
      %dma_start3A_333 = tpu.memref_squeeze %dma_start3A_332 : memref<1x1x128x64xf32, #tpu.memory_space<vmem>> -> memref<128x64xf32, #tpu.memory_space<vmem>>
      tpu.enqueue_dma source(%dma_start3A_333 : memref<128x64xf32, #tpu.memory_space<vmem>>) target(%dma_start3A_329 : memref<128x64xf32, #tpu.memory_space<hbm>>) target_semaphore(%arg12 : memref<!tpu.dma_semaphore, #tpu.memory_space<semaphore_mem>>)
      %mul3A_334 = arith.constant 2 : i32
      %mul3A_335 = arith.muli %add3A_280, %mul3A_334 : i32
      %add3A_336 = arith.constant 1 : i32
      %add3A_337 = arith.addi %mul3A_335, %add3A_336 : i32
      %add3A_338 = arith.addi %mul3A_2, %add3A_337 : i32
      %mul3A_339 = arith.constant 128 : i32
      %mul3A_340 = arith.muli %add3A_338, %mul3A_339 : i32
      %dma_start3A_341 = arith.constant 1 : i32
      %dma_start3A_342 = arith.constant 1 : i32
      %dma_start3A_343 = arith.constant 0 : i32
      %dma_start3A_344 = arith.constant 0 : i32
      %dma_start3A_345 = tpu.memref_slice %arg6[%dma_start3A_341, %dma_start3A_342, %dma_start3A_343, %dma_start3A_344] : memref<4x2x128x64xf32, #tpu.memory_space<vmem>> -> memref<1x1x128x64xf32, #tpu.memory_space<vmem>>
      %dma_start3A_346 = tpu.memref_squeeze %dma_start3A_345 : memref<1x1x128x64xf32, #tpu.memory_space<vmem>> -> memref<128x64xf32, #tpu.memory_space<vmem>>
      %dma_start3A_347 = arith.constant 0 : i32
      %dma_start3A_348 = tpu.memref_slice %arg4[%mul3A_340, %dma_start3A_347] : memref<65536x64xf32, #tpu.memory_space<hbm>> -> memref<128x64xf32, #tpu.memory_space<hbm>>
      %dma_start3A_349 = arith.constant 0 : i32
      %dma_start3A_350 = tpu.memref_slice %arg4[%mul3A_340, %dma_start3A_349] : memref<65536x64xf32, #tpu.memory_space<hbm>> -> memref<128x64xf32, #tpu.memory_space<hbm>>
      %dma_start3A_351 = arith.constant 0 : i32
      %dma_start3A_352 = arith.constant 0 : i32
      %dma_start3A_353 = tpu.memref_slice %arg6[%dma_start3A_341, %dma_start3A_342, %dma_start3A_351, %dma_start3A_352] : memref<4x2x128x64xf32, #tpu.memory_space<vmem>> -> memref<1x1x128x64xf32, #tpu.memory_space<vmem>>
      %dma_start3A_354 = tpu.memref_squeeze %dma_start3A_353 : memref<1x1x128x64xf32, #tpu.memory_space<vmem>> -> memref<128x64xf32, #tpu.memory_space<vmem>>
      tpu.enqueue_dma source(%dma_start3A_354 : memref<128x64xf32, #tpu.memory_space<vmem>>) target(%dma_start3A_350 : memref<128x64xf32, #tpu.memory_space<hbm>>) target_semaphore(%arg12 : memref<!tpu.dma_semaphore, #tpu.memory_space<semaphore_mem>>)
      %ge3A_355 = arith.constant 2 : i32
      %ge3A_356 = arith.cmpi sge, %add3A_280, %ge3A_355 : i32
      %add3A_357 = arith.constant 2 : i32
      %add3A_358 = arith.addi %add3A_280, %add3A_357 : i32
      %lt3A_359 = arith.constant 8 : i32
      %lt3A_360 = arith.cmpi slt, %add3A_358, %lt3A_359 : i32
      %and3A_361 = arith.andi %ge3A_356, %lt3A_360 : i1
      %convert_element_type3A_362 = arith.extui %and3A_361 : i1 to i32
      %cond3A_363 = arith.constant 0 : i32
      %cond3A_364 = arith.cmpi ne, %convert_element_type3A_362, %cond3A_363 : i32
      scf.if %cond3A_364 {
        %dma_wait3A_562 = arith.constant 3 : i32
        %dma_wait3A_563 = arith.constant 0 : i32
        %dma_wait3A_564 = arith.constant 0 : i32
        %dma_wait3A_565 = arith.constant 0 : i32
        %dma_wait3A_566 = tpu.memref_slice %arg6[%dma_wait3A_562, %dma_wait3A_563, %dma_wait3A_564, %dma_wait3A_565] : memref<4x2x128x64xf32, #tpu.memory_space<vmem>> -> memref<1x1x128x64xf32, #tpu.memory_space<vmem>>
        %dma_wait3A_567 = tpu.memref_squeeze %dma_wait3A_566 : memref<1x1x128x64xf32, #tpu.memory_space<vmem>> -> memref<128x64xf32, #tpu.memory_space<vmem>>
        %dma_wait3A_568 = arith.constant 0 : i32
        %dma_wait3A_569 = arith.constant 0 : i32
        %dma_wait3A_570 = tpu.memref_slice %arg4[%dma_wait3A_568, %dma_wait3A_569] : memref<65536x64xf32, #tpu.memory_space<hbm>> -> memref<128x64xf32, #tpu.memory_space<hbm>>
        %dma_wait3A_571 = arith.constant 0 : i32
        %dma_wait3A_572 = arith.constant 0 : i32
        %dma_wait3A_573 = tpu.memref_slice %arg4[%dma_wait3A_571, %dma_wait3A_572] : memref<65536x64xf32, #tpu.memory_space<hbm>> -> memref<128x64xf32, #tpu.memory_space<hbm>>
        %dma_wait3A_574 = arith.constant 0 : i32
        %dma_wait3A_575 = arith.constant 0 : i32
        %dma_wait3A_576 = tpu.memref_slice %arg6[%dma_wait3A_562, %dma_wait3A_563, %dma_wait3A_574, %dma_wait3A_575] : memref<4x2x128x64xf32, #tpu.memory_space<vmem>> -> memref<1x1x128x64xf32, #tpu.memory_space<vmem>>
        %dma_wait3A_577 = tpu.memref_squeeze %dma_wait3A_576 : memref<1x1x128x64xf32, #tpu.memory_space<vmem>> -> memref<128x64xf32, #tpu.memory_space<vmem>>
        tpu.wait_dma2 semaphore(%arg14 : memref<!tpu.dma_semaphore, #tpu.memory_space<semaphore_mem>>) src(%dma_wait3A_577 : memref<128x64xf32, #tpu.memory_space<vmem>>) dst(%dma_wait3A_573 : memref<128x64xf32, #tpu.memory_space<hbm>>)
        %dma_wait3A_578 = arith.constant 3 : i32
        %dma_wait3A_579 = arith.constant 1 : i32
        %dma_wait3A_580 = arith.constant 0 : i32
        %dma_wait3A_581 = arith.constant 0 : i32
        %dma_wait3A_582 = tpu.memref_slice %arg6[%dma_wait3A_578, %dma_wait3A_579, %dma_wait3A_580, %dma_wait3A_581] : memref<4x2x128x64xf32, #tpu.memory_space<vmem>> -> memref<1x1x128x64xf32, #tpu.memory_space<vmem>>
        %dma_wait3A_583 = tpu.memref_squeeze %dma_wait3A_582 : memref<1x1x128x64xf32, #tpu.memory_space<vmem>> -> memref<128x64xf32, #tpu.memory_space<vmem>>
        %dma_wait3A_584 = arith.constant 0 : i32
        %dma_wait3A_585 = arith.constant 0 : i32
        %dma_wait3A_586 = tpu.memref_slice %arg4[%dma_wait3A_584, %dma_wait3A_585] : memref<65536x64xf32, #tpu.memory_space<hbm>> -> memref<128x64xf32, #tpu.memory_space<hbm>>
        %dma_wait3A_587 = arith.constant 0 : i32
        %dma_wait3A_588 = arith.constant 0 : i32
        %dma_wait3A_589 = tpu.memref_slice %arg4[%dma_wait3A_587, %dma_wait3A_588] : memref<65536x64xf32, #tpu.memory_space<hbm>> -> memref<128x64xf32, #tpu.memory_space<hbm>>
        %dma_wait3A_590 = arith.constant 0 : i32
        %dma_wait3A_591 = arith.constant 0 : i32
        %dma_wait3A_592 = tpu.memref_slice %arg6[%dma_wait3A_578, %dma_wait3A_579, %dma_wait3A_590, %dma_wait3A_591] : memref<4x2x128x64xf32, #tpu.memory_space<vmem>> -> memref<1x1x128x64xf32, #tpu.memory_space<vmem>>
        %dma_wait3A_593 = tpu.memref_squeeze %dma_wait3A_592 : memref<1x1x128x64xf32, #tpu.memory_space<vmem>> -> memref<128x64xf32, #tpu.memory_space<vmem>>
        tpu.wait_dma2 semaphore(%arg14 : memref<!tpu.dma_semaphore, #tpu.memory_space<semaphore_mem>>) src(%dma_wait3A_593 : memref<128x64xf32, #tpu.memory_space<vmem>>) dst(%dma_wait3A_589 : memref<128x64xf32, #tpu.memory_space<hbm>>)
      } else {
      }
      %add3A_365 = arith.constant 2 : i32
      %add3A_366 = arith.addi %add3A_280, %add3A_365 : i32
      %lt3A_367 = arith.constant 8 : i32
      %lt3A_368 = arith.cmpi slt, %add3A_366, %lt3A_367 : i32
      %convert_element_type3A_369 = arith.extui %lt3A_368 : i1 to i32
      %cond3A_370 = arith.constant 0 : i32
      %cond3A_371 = arith.cmpi ne, %convert_element_type3A_369, %cond3A_370 : i32
      scf.if %cond3A_371 {
        %add3A_562 = arith.constant 2 : i32
        %add3A_563 = arith.addi %add3A_280, %add3A_562 : i32
        %mul3A_564 = arith.constant 2 : i32
        %mul3A_565 = arith.muli %add3A_563, %mul3A_564 : i32
        %add3A_566 = arith.constant 0 : i32
        %add3A_567 = arith.addi %mul3A_565, %add3A_566 : i32
        %dma_start3A_568 = arith.constant 3 : i32
        %dma_start3A_569 = arith.constant 0 : i32
        %dma_start3A_570 = arith.constant 0 : i32
        %dma_start3A_571 = arith.constant 0 : i32
        %dma_start3A_572 = tpu.memref_slice %arg6[%dma_start3A_568, %dma_start3A_569, %dma_start3A_570, %dma_start3A_571] : memref<4x2x128x64xf32, #tpu.memory_space<vmem>> -> memref<1x1x128x64xf32, #tpu.memory_space<vmem>>
        %dma_start3A_573 = tpu.memref_squeeze %dma_start3A_572 : memref<1x1x128x64xf32, #tpu.memory_space<vmem>> -> memref<128x64xf32, #tpu.memory_space<vmem>>
        %dma_start3A_574 = arith.constant 0 : i32
        %dma_start3A_575 = tpu.memref_slice %arg5[%add3A_567, %dma_start3A_574] : memref<16x128xi32, #tpu.memory_space<vmem>> -> memref<1x128xi32, #tpu.memory_space<vmem>>
        %dma_start3A_576 = tpu.memref_squeeze %dma_start3A_575 : memref<1x128xi32, #tpu.memory_space<vmem>> -> memref<128xi32, #tpu.memory_space<vmem>>
        %dma_start3A_577 = arith.constant 0 : i32
        %dma_start3A_578 = arith.constant 0 : i32
        %dma_start3A_579 = tpu.memref_slice %arg3[%dma_start3A_577, %dma_start3A_578] : memref<10000x64xf32, #tpu.memory_space<hbm>> -> memref<10000x64xf32, #tpu.memory_space<hbm>>
        tpu.enqueue_indirect_dma source(%dma_start3A_579 : memref<10000x64xf32, #tpu.memory_space<hbm>>) target(%dma_start3A_573 : memref<128x64xf32, #tpu.memory_space<vmem>>) offsets(%dma_start3A_576 : memref<128xi32, #tpu.memory_space<vmem>>) semaphore(%arg10 : memref<!tpu.dma_semaphore, #tpu.memory_space<semaphore_mem>>)
        %mul3A_580 = arith.constant 2 : i32
        %mul3A_581 = arith.muli %add3A_563, %mul3A_580 : i32
        %add3A_582 = arith.constant 1 : i32
        %add3A_583 = arith.addi %mul3A_581, %add3A_582 : i32
        %dma_start3A_584 = arith.constant 3 : i32
        %dma_start3A_585 = arith.constant 1 : i32
        %dma_start3A_586 = arith.constant 0 : i32
        %dma_start3A_587 = arith.constant 0 : i32
        %dma_start3A_588 = tpu.memref_slice %arg6[%dma_start3A_584, %dma_start3A_585, %dma_start3A_586, %dma_start3A_587] : memref<4x2x128x64xf32, #tpu.memory_space<vmem>> -> memref<1x1x128x64xf32, #tpu.memory_space<vmem>>
        %dma_start3A_589 = tpu.memref_squeeze %dma_start3A_588 : memref<1x1x128x64xf32, #tpu.memory_space<vmem>> -> memref<128x64xf32, #tpu.memory_space<vmem>>
        %dma_start3A_590 = arith.constant 0 : i32
        %dma_start3A_591 = tpu.memref_slice %arg5[%add3A_583, %dma_start3A_590] : memref<16x128xi32, #tpu.memory_space<vmem>> -> memref<1x128xi32, #tpu.memory_space<vmem>>
        %dma_start3A_592 = tpu.memref_squeeze %dma_start3A_591 : memref<1x128xi32, #tpu.memory_space<vmem>> -> memref<128xi32, #tpu.memory_space<vmem>>
        %dma_start3A_593 = arith.constant 0 : i32
        %dma_start3A_594 = arith.constant 0 : i32
        %dma_start3A_595 = tpu.memref_slice %arg3[%dma_start3A_593, %dma_start3A_594] : memref<10000x64xf32, #tpu.memory_space<hbm>> -> memref<10000x64xf32, #tpu.memory_space<hbm>>
        tpu.enqueue_indirect_dma source(%dma_start3A_595 : memref<10000x64xf32, #tpu.memory_space<hbm>>) target(%dma_start3A_589 : memref<128x64xf32, #tpu.memory_space<vmem>>) offsets(%dma_start3A_592 : memref<128xi32, #tpu.memory_space<vmem>>) semaphore(%arg10 : memref<!tpu.dma_semaphore, #tpu.memory_space<semaphore_mem>>)
      } else {
      }
      %mul3A_372 = arith.constant 4 : i32
      %mul3A_373 = arith.muli %mul3A_372, %scan3A_186 : i32
      %add3A_374 = arith.constant 2 : i32
      %add3A_375 = arith.addi %mul3A_373, %add3A_374 : i32
      %dma_wait3A_376 = arith.constant 2 : i32
      %dma_wait3A_377 = arith.constant 0 : i32
      %dma_wait3A_378 = arith.constant 0 : i32
      %dma_wait3A_379 = arith.constant 0 : i32
      %dma_wait3A_380 = tpu.memref_slice %arg6[%dma_wait3A_376, %dma_wait3A_377, %dma_wait3A_378, %dma_wait3A_379] : memref<4x2x128x64xf32, #tpu.memory_space<vmem>> -> memref<1x1x128x64xf32, #tpu.memory_space<vmem>>
      %dma_wait3A_381 = tpu.memref_squeeze %dma_wait3A_380 : memref<1x1x128x64xf32, #tpu.memory_space<vmem>> -> memref<128x64xf32, #tpu.memory_space<vmem>>
      %dma_wait3A_382 = arith.constant 0 : i32
      %dma_wait3A_383 = arith.constant 0 : i32
      %dma_wait3A_384 = tpu.memref_slice %arg3[%dma_wait3A_382, %dma_wait3A_383] : memref<10000x64xf32, #tpu.memory_space<hbm>> -> memref<128x64xf32, #tpu.memory_space<hbm>>
      %dma_wait3A_385 = arith.constant 0 : i32
      %dma_wait3A_386 = arith.constant 0 : i32
      %dma_wait3A_387 = tpu.memref_slice %arg6[%dma_wait3A_376, %dma_wait3A_377, %dma_wait3A_385, %dma_wait3A_386] : memref<4x2x128x64xf32, #tpu.memory_space<vmem>> -> memref<1x1x128x64xf32, #tpu.memory_space<vmem>>
      %dma_wait3A_388 = tpu.memref_squeeze %dma_wait3A_387 : memref<1x1x128x64xf32, #tpu.memory_space<vmem>> -> memref<128x64xf32, #tpu.memory_space<vmem>>
      %dma_wait3A_389 = arith.constant 0 : i32
      %dma_wait3A_390 = arith.constant 0 : i32
      %dma_wait3A_391 = tpu.memref_slice %arg3[%dma_wait3A_389, %dma_wait3A_390] : memref<10000x64xf32, #tpu.memory_space<hbm>> -> memref<128x64xf32, #tpu.memory_space<hbm>>
      tpu.wait_dma2 semaphore(%arg9 : memref<!tpu.dma_semaphore, #tpu.memory_space<semaphore_mem>>) src(%dma_wait3A_391 : memref<128x64xf32, #tpu.memory_space<hbm>>) dst(%dma_wait3A_388 : memref<128x64xf32, #tpu.memory_space<vmem>>)
      %dma_wait3A_392 = arith.constant 2 : i32
      %dma_wait3A_393 = arith.constant 1 : i32
      %dma_wait3A_394 = arith.constant 0 : i32
      %dma_wait3A_395 = arith.constant 0 : i32
      %dma_wait3A_396 = tpu.memref_slice %arg6[%dma_wait3A_392, %dma_wait3A_393, %dma_wait3A_394, %dma_wait3A_395] : memref<4x2x128x64xf32, #tpu.memory_space<vmem>> -> memref<1x1x128x64xf32, #tpu.memory_space<vmem>>
      %dma_wait3A_397 = tpu.memref_squeeze %dma_wait3A_396 : memref<1x1x128x64xf32, #tpu.memory_space<vmem>> -> memref<128x64xf32, #tpu.memory_space<vmem>>
      %dma_wait3A_398 = arith.constant 0 : i32
      %dma_wait3A_399 = arith.constant 0 : i32
      %dma_wait3A_400 = tpu.memref_slice %arg3[%dma_wait3A_398, %dma_wait3A_399] : memref<10000x64xf32, #tpu.memory_space<hbm>> -> memref<128x64xf32, #tpu.memory_space<hbm>>
      %dma_wait3A_401 = arith.constant 0 : i32
      %dma_wait3A_402 = arith.constant 0 : i32
      %dma_wait3A_403 = tpu.memref_slice %arg6[%dma_wait3A_392, %dma_wait3A_393, %dma_wait3A_401, %dma_wait3A_402] : memref<4x2x128x64xf32, #tpu.memory_space<vmem>> -> memref<1x1x128x64xf32, #tpu.memory_space<vmem>>
      %dma_wait3A_404 = tpu.memref_squeeze %dma_wait3A_403 : memref<1x1x128x64xf32, #tpu.memory_space<vmem>> -> memref<128x64xf32, #tpu.memory_space<vmem>>
      %dma_wait3A_405 = arith.constant 0 : i32
      %dma_wait3A_406 = arith.constant 0 : i32
      %dma_wait3A_407 = tpu.memref_slice %arg3[%dma_wait3A_405, %dma_wait3A_406] : memref<10000x64xf32, #tpu.memory_space<hbm>> -> memref<128x64xf32, #tpu.memory_space<hbm>>
      tpu.wait_dma2 semaphore(%arg9 : memref<!tpu.dma_semaphore, #tpu.memory_space<semaphore_mem>>) src(%dma_wait3A_407 : memref<128x64xf32, #tpu.memory_space<hbm>>) dst(%dma_wait3A_404 : memref<128x64xf32, #tpu.memory_space<vmem>>)
      %mul3A_408 = arith.constant 2 : i32
      %mul3A_409 = arith.muli %add3A_375, %mul3A_408 : i32
      %add3A_410 = arith.constant 0 : i32
      %add3A_411 = arith.addi %mul3A_409, %add3A_410 : i32
      %add3A_412 = arith.addi %mul3A_2, %add3A_411 : i32
      %mul3A_413 = arith.constant 128 : i32
      %mul3A_414 = arith.muli %add3A_412, %mul3A_413 : i32
      %dma_start3A_415 = arith.constant 2 : i32
      %dma_start3A_416 = arith.constant 0 : i32
      %dma_start3A_417 = arith.constant 0 : i32
      %dma_start3A_418 = arith.constant 0 : i32
      %dma_start3A_419 = tpu.memref_slice %arg6[%dma_start3A_415, %dma_start3A_416, %dma_start3A_417, %dma_start3A_418] : memref<4x2x128x64xf32, #tpu.memory_space<vmem>> -> memref<1x1x128x64xf32, #tpu.memory_space<vmem>>
      %dma_start3A_420 = tpu.memref_squeeze %dma_start3A_419 : memref<1x1x128x64xf32, #tpu.memory_space<vmem>> -> memref<128x64xf32, #tpu.memory_space<vmem>>
      %dma_start3A_421 = arith.constant 0 : i32
      %dma_start3A_422 = tpu.memref_slice %arg4[%mul3A_414, %dma_start3A_421] : memref<65536x64xf32, #tpu.memory_space<hbm>> -> memref<128x64xf32, #tpu.memory_space<hbm>>
      %dma_start3A_423 = arith.constant 0 : i32
      %dma_start3A_424 = tpu.memref_slice %arg4[%mul3A_414, %dma_start3A_423] : memref<65536x64xf32, #tpu.memory_space<hbm>> -> memref<128x64xf32, #tpu.memory_space<hbm>>
      %dma_start3A_425 = arith.constant 0 : i32
      %dma_start3A_426 = arith.constant 0 : i32
      %dma_start3A_427 = tpu.memref_slice %arg6[%dma_start3A_415, %dma_start3A_416, %dma_start3A_425, %dma_start3A_426] : memref<4x2x128x64xf32, #tpu.memory_space<vmem>> -> memref<1x1x128x64xf32, #tpu.memory_space<vmem>>
      %dma_start3A_428 = tpu.memref_squeeze %dma_start3A_427 : memref<1x1x128x64xf32, #tpu.memory_space<vmem>> -> memref<128x64xf32, #tpu.memory_space<vmem>>
      tpu.enqueue_dma source(%dma_start3A_428 : memref<128x64xf32, #tpu.memory_space<vmem>>) target(%dma_start3A_424 : memref<128x64xf32, #tpu.memory_space<hbm>>) target_semaphore(%arg13 : memref<!tpu.dma_semaphore, #tpu.memory_space<semaphore_mem>>)
      %mul3A_429 = arith.constant 2 : i32
      %mul3A_430 = arith.muli %add3A_375, %mul3A_429 : i32
      %add3A_431 = arith.constant 1 : i32
      %add3A_432 = arith.addi %mul3A_430, %add3A_431 : i32
      %add3A_433 = arith.addi %mul3A_2, %add3A_432 : i32
      %mul3A_434 = arith.constant 128 : i32
      %mul3A_435 = arith.muli %add3A_433, %mul3A_434 : i32
      %dma_start3A_436 = arith.constant 2 : i32
      %dma_start3A_437 = arith.constant 1 : i32
      %dma_start3A_438 = arith.constant 0 : i32
      %dma_start3A_439 = arith.constant 0 : i32
      %dma_start3A_440 = tpu.memref_slice %arg6[%dma_start3A_436, %dma_start3A_437, %dma_start3A_438, %dma_start3A_439] : memref<4x2x128x64xf32, #tpu.memory_space<vmem>> -> memref<1x1x128x64xf32, #tpu.memory_space<vmem>>
      %dma_start3A_441 = tpu.memref_squeeze %dma_start3A_440 : memref<1x1x128x64xf32, #tpu.memory_space<vmem>> -> memref<128x64xf32, #tpu.memory_space<vmem>>
      %dma_start3A_442 = arith.constant 0 : i32
      %dma_start3A_443 = tpu.memref_slice %arg4[%mul3A_435, %dma_start3A_442] : memref<65536x64xf32, #tpu.memory_space<hbm>> -> memref<128x64xf32, #tpu.memory_space<hbm>>
      %dma_start3A_444 = arith.constant 0 : i32
      %dma_start3A_445 = tpu.memref_slice %arg4[%mul3A_435, %dma_start3A_444] : memref<65536x64xf32, #tpu.memory_space<hbm>> -> memref<128x64xf32, #tpu.memory_space<hbm>>
      %dma_start3A_446 = arith.constant 0 : i32
      %dma_start3A_447 = arith.constant 0 : i32
      %dma_start3A_448 = tpu.memref_slice %arg6[%dma_start3A_436, %dma_start3A_437, %dma_start3A_446, %dma_start3A_447] : memref<4x2x128x64xf32, #tpu.memory_space<vmem>> -> memref<1x1x128x64xf32, #tpu.memory_space<vmem>>
      %dma_start3A_449 = tpu.memref_squeeze %dma_start3A_448 : memref<1x1x128x64xf32, #tpu.memory_space<vmem>> -> memref<128x64xf32, #tpu.memory_space<vmem>>
      tpu.enqueue_dma source(%dma_start3A_449 : memref<128x64xf32, #tpu.memory_space<vmem>>) target(%dma_start3A_445 : memref<128x64xf32, #tpu.memory_space<hbm>>) target_semaphore(%arg13 : memref<!tpu.dma_semaphore, #tpu.memory_space<semaphore_mem>>)
      %ge3A_450 = arith.constant 2 : i32
      %ge3A_451 = arith.cmpi sge, %add3A_375, %ge3A_450 : i32
      %add3A_452 = arith.constant 2 : i32
      %add3A_453 = arith.addi %add3A_375, %add3A_452 : i32
      %lt3A_454 = arith.constant 8 : i32
      %lt3A_455 = arith.cmpi slt, %add3A_453, %lt3A_454 : i32
      %and3A_456 = arith.andi %ge3A_451, %lt3A_455 : i1
      %convert_element_type3A_457 = arith.extui %and3A_456 : i1 to i32
      %cond3A_458 = arith.constant 0 : i32
      %cond3A_459 = arith.cmpi ne, %convert_element_type3A_457, %cond3A_458 : i32
      scf.if %cond3A_459 {
        %dma_wait3A_562 = arith.constant 0 : i32
        %dma_wait3A_563 = arith.constant 0 : i32
        %dma_wait3A_564 = arith.constant 0 : i32
        %dma_wait3A_565 = arith.constant 0 : i32
        %dma_wait3A_566 = tpu.memref_slice %arg6[%dma_wait3A_562, %dma_wait3A_563, %dma_wait3A_564, %dma_wait3A_565] : memref<4x2x128x64xf32, #tpu.memory_space<vmem>> -> memref<1x1x128x64xf32, #tpu.memory_space<vmem>>
        %dma_wait3A_567 = tpu.memref_squeeze %dma_wait3A_566 : memref<1x1x128x64xf32, #tpu.memory_space<vmem>> -> memref<128x64xf32, #tpu.memory_space<vmem>>
        %dma_wait3A_568 = arith.constant 0 : i32
        %dma_wait3A_569 = arith.constant 0 : i32
        %dma_wait3A_570 = tpu.memref_slice %arg4[%dma_wait3A_568, %dma_wait3A_569] : memref<65536x64xf32, #tpu.memory_space<hbm>> -> memref<128x64xf32, #tpu.memory_space<hbm>>
        %dma_wait3A_571 = arith.constant 0 : i32
        %dma_wait3A_572 = arith.constant 0 : i32
        %dma_wait3A_573 = tpu.memref_slice %arg4[%dma_wait3A_571, %dma_wait3A_572] : memref<65536x64xf32, #tpu.memory_space<hbm>> -> memref<128x64xf32, #tpu.memory_space<hbm>>
        %dma_wait3A_574 = arith.constant 0 : i32
        %dma_wait3A_575 = arith.constant 0 : i32
        %dma_wait3A_576 = tpu.memref_slice %arg6[%dma_wait3A_562, %dma_wait3A_563, %dma_wait3A_574, %dma_wait3A_575] : memref<4x2x128x64xf32, #tpu.memory_space<vmem>> -> memref<1x1x128x64xf32, #tpu.memory_space<vmem>>
        %dma_wait3A_577 = tpu.memref_squeeze %dma_wait3A_576 : memref<1x1x128x64xf32, #tpu.memory_space<vmem>> -> memref<128x64xf32, #tpu.memory_space<vmem>>
        tpu.wait_dma2 semaphore(%arg11 : memref<!tpu.dma_semaphore, #tpu.memory_space<semaphore_mem>>) src(%dma_wait3A_577 : memref<128x64xf32, #tpu.memory_space<vmem>>) dst(%dma_wait3A_573 : memref<128x64xf32, #tpu.memory_space<hbm>>)
        %dma_wait3A_578 = arith.constant 0 : i32
        %dma_wait3A_579 = arith.constant 1 : i32
        %dma_wait3A_580 = arith.constant 0 : i32
        %dma_wait3A_581 = arith.constant 0 : i32
        %dma_wait3A_582 = tpu.memref_slice %arg6[%dma_wait3A_578, %dma_wait3A_579, %dma_wait3A_580, %dma_wait3A_581] : memref<4x2x128x64xf32, #tpu.memory_space<vmem>> -> memref<1x1x128x64xf32, #tpu.memory_space<vmem>>
        %dma_wait3A_583 = tpu.memref_squeeze %dma_wait3A_582 : memref<1x1x128x64xf32, #tpu.memory_space<vmem>> -> memref<128x64xf32, #tpu.memory_space<vmem>>
        %dma_wait3A_584 = arith.constant 0 : i32
        %dma_wait3A_585 = arith.constant 0 : i32
        %dma_wait3A_586 = tpu.memref_slice %arg4[%dma_wait3A_584, %dma_wait3A_585] : memref<65536x64xf32, #tpu.memory_space<hbm>> -> memref<128x64xf32, #tpu.memory_space<hbm>>
        %dma_wait3A_587 = arith.constant 0 : i32
        %dma_wait3A_588 = arith.constant 0 : i32
        %dma_wait3A_589 = tpu.memref_slice %arg4[%dma_wait3A_587, %dma_wait3A_588] : memref<65536x64xf32, #tpu.memory_space<hbm>> -> memref<128x64xf32, #tpu.memory_space<hbm>>
        %dma_wait3A_590 = arith.constant 0 : i32
        %dma_wait3A_591 = arith.constant 0 : i32
        %dma_wait3A_592 = tpu.memref_slice %arg6[%dma_wait3A_578, %dma_wait3A_579, %dma_wait3A_590, %dma_wait3A_591] : memref<4x2x128x64xf32, #tpu.memory_space<vmem>> -> memref<1x1x128x64xf32, #tpu.memory_space<vmem>>
        %dma_wait3A_593 = tpu.memref_squeeze %dma_wait3A_592 : memref<1x1x128x64xf32, #tpu.memory_space<vmem>> -> memref<128x64xf32, #tpu.memory_space<vmem>>
        tpu.wait_dma2 semaphore(%arg11 : memref<!tpu.dma_semaphore, #tpu.memory_space<semaphore_mem>>) src(%dma_wait3A_593 : memref<128x64xf32, #tpu.memory_space<vmem>>) dst(%dma_wait3A_589 : memref<128x64xf32, #tpu.memory_space<hbm>>)
      } else {
      }
      %add3A_460 = arith.constant 2 : i32
      %add3A_461 = arith.addi %add3A_375, %add3A_460 : i32
      %lt3A_462 = arith.constant 8 : i32
      %lt3A_463 = arith.cmpi slt, %add3A_461, %lt3A_462 : i32
      %convert_element_type3A_464 = arith.extui %lt3A_463 : i1 to i32
      %cond3A_465 = arith.constant 0 : i32
      %cond3A_466 = arith.cmpi ne, %convert_element_type3A_464, %cond3A_465 : i32
      scf.if %cond3A_466 {
        %add3A_562 = arith.constant 2 : i32
        %add3A_563 = arith.addi %add3A_375, %add3A_562 : i32
        %mul3A_564 = arith.constant 2 : i32
        %mul3A_565 = arith.muli %add3A_563, %mul3A_564 : i32
        %add3A_566 = arith.constant 0 : i32
        %add3A_567 = arith.addi %mul3A_565, %add3A_566 : i32
        %dma_start3A_568 = arith.constant 0 : i32
        %dma_start3A_569 = arith.constant 0 : i32
        %dma_start3A_570 = arith.constant 0 : i32
        %dma_start3A_571 = arith.constant 0 : i32
        %dma_start3A_572 = tpu.memref_slice %arg6[%dma_start3A_568, %dma_start3A_569, %dma_start3A_570, %dma_start3A_571] : memref<4x2x128x64xf32, #tpu.memory_space<vmem>> -> memref<1x1x128x64xf32, #tpu.memory_space<vmem>>
        %dma_start3A_573 = tpu.memref_squeeze %dma_start3A_572 : memref<1x1x128x64xf32, #tpu.memory_space<vmem>> -> memref<128x64xf32, #tpu.memory_space<vmem>>
        %dma_start3A_574 = arith.constant 0 : i32
        %dma_start3A_575 = tpu.memref_slice %arg5[%add3A_567, %dma_start3A_574] : memref<16x128xi32, #tpu.memory_space<vmem>> -> memref<1x128xi32, #tpu.memory_space<vmem>>
        %dma_start3A_576 = tpu.memref_squeeze %dma_start3A_575 : memref<1x128xi32, #tpu.memory_space<vmem>> -> memref<128xi32, #tpu.memory_space<vmem>>
        %dma_start3A_577 = arith.constant 0 : i32
        %dma_start3A_578 = arith.constant 0 : i32
        %dma_start3A_579 = tpu.memref_slice %arg3[%dma_start3A_577, %dma_start3A_578] : memref<10000x64xf32, #tpu.memory_space<hbm>> -> memref<10000x64xf32, #tpu.memory_space<hbm>>
        tpu.enqueue_indirect_dma source(%dma_start3A_579 : memref<10000x64xf32, #tpu.memory_space<hbm>>) target(%dma_start3A_573 : memref<128x64xf32, #tpu.memory_space<vmem>>) offsets(%dma_start3A_576 : memref<128xi32, #tpu.memory_space<vmem>>) semaphore(%arg7 : memref<!tpu.dma_semaphore, #tpu.memory_space<semaphore_mem>>)
        %mul3A_580 = arith.constant 2 : i32
        %mul3A_581 = arith.muli %add3A_563, %mul3A_580 : i32
        %add3A_582 = arith.constant 1 : i32
        %add3A_583 = arith.addi %mul3A_581, %add3A_582 : i32
        %dma_start3A_584 = arith.constant 0 : i32
        %dma_start3A_585 = arith.constant 1 : i32
        %dma_start3A_586 = arith.constant 0 : i32
        %dma_start3A_587 = arith.constant 0 : i32
        %dma_start3A_588 = tpu.memref_slice %arg6[%dma_start3A_584, %dma_start3A_585, %dma_start3A_586, %dma_start3A_587] : memref<4x2x128x64xf32, #tpu.memory_space<vmem>> -> memref<1x1x128x64xf32, #tpu.memory_space<vmem>>
        %dma_start3A_589 = tpu.memref_squeeze %dma_start3A_588 : memref<1x1x128x64xf32, #tpu.memory_space<vmem>> -> memref<128x64xf32, #tpu.memory_space<vmem>>
        %dma_start3A_590 = arith.constant 0 : i32
        %dma_start3A_591 = tpu.memref_slice %arg5[%add3A_583, %dma_start3A_590] : memref<16x128xi32, #tpu.memory_space<vmem>> -> memref<1x128xi32, #tpu.memory_space<vmem>>
        %dma_start3A_592 = tpu.memref_squeeze %dma_start3A_591 : memref<1x128xi32, #tpu.memory_space<vmem>> -> memref<128xi32, #tpu.memory_space<vmem>>
        %dma_start3A_593 = arith.constant 0 : i32
        %dma_start3A_594 = arith.constant 0 : i32
        %dma_start3A_595 = tpu.memref_slice %arg3[%dma_start3A_593, %dma_start3A_594] : memref<10000x64xf32, #tpu.memory_space<hbm>> -> memref<10000x64xf32, #tpu.memory_space<hbm>>
        tpu.enqueue_indirect_dma source(%dma_start3A_595 : memref<10000x64xf32, #tpu.memory_space<hbm>>) target(%dma_start3A_589 : memref<128x64xf32, #tpu.memory_space<vmem>>) offsets(%dma_start3A_592 : memref<128xi32, #tpu.memory_space<vmem>>) semaphore(%arg7 : memref<!tpu.dma_semaphore, #tpu.memory_space<semaphore_mem>>)
      } else {
      }
      %mul3A_467 = arith.constant 4 : i32
      %mul3A_468 = arith.muli %mul3A_467, %scan3A_186 : i32
      %add3A_469 = arith.constant 3 : i32
      %add3A_470 = arith.addi %mul3A_468, %add3A_469 : i32
      %dma_wait3A_471 = arith.constant 3 : i32
      %dma_wait3A_472 = arith.constant 0 : i32
      %dma_wait3A_473 = arith.constant 0 : i32
      %dma_wait3A_474 = arith.constant 0 : i32
      %dma_wait3A_475 = tpu.memref_slice %arg6[%dma_wait3A_471, %dma_wait3A_472, %dma_wait3A_473, %dma_wait3A_474] : memref<4x2x128x64xf32, #tpu.memory_space<vmem>> -> memref<1x1x128x64xf32, #tpu.memory_space<vmem>>
      %dma_wait3A_476 = tpu.memref_squeeze %dma_wait3A_475 : memref<1x1x128x64xf32, #tpu.memory_space<vmem>> -> memref<128x64xf32, #tpu.memory_space<vmem>>
      %dma_wait3A_477 = arith.constant 0 : i32
      %dma_wait3A_478 = arith.constant 0 : i32
      %dma_wait3A_479 = tpu.memref_slice %arg3[%dma_wait3A_477, %dma_wait3A_478] : memref<10000x64xf32, #tpu.memory_space<hbm>> -> memref<128x64xf32, #tpu.memory_space<hbm>>
      %dma_wait3A_480 = arith.constant 0 : i32
      %dma_wait3A_481 = arith.constant 0 : i32
      %dma_wait3A_482 = tpu.memref_slice %arg6[%dma_wait3A_471, %dma_wait3A_472, %dma_wait3A_480, %dma_wait3A_481] : memref<4x2x128x64xf32, #tpu.memory_space<vmem>> -> memref<1x1x128x64xf32, #tpu.memory_space<vmem>>
      %dma_wait3A_483 = tpu.memref_squeeze %dma_wait3A_482 : memref<1x1x128x64xf32, #tpu.memory_space<vmem>> -> memref<128x64xf32, #tpu.memory_space<vmem>>
      %dma_wait3A_484 = arith.constant 0 : i32
      %dma_wait3A_485 = arith.constant 0 : i32
      %dma_wait3A_486 = tpu.memref_slice %arg3[%dma_wait3A_484, %dma_wait3A_485] : memref<10000x64xf32, #tpu.memory_space<hbm>> -> memref<128x64xf32, #tpu.memory_space<hbm>>
      tpu.wait_dma2 semaphore(%arg10 : memref<!tpu.dma_semaphore, #tpu.memory_space<semaphore_mem>>) src(%dma_wait3A_486 : memref<128x64xf32, #tpu.memory_space<hbm>>) dst(%dma_wait3A_483 : memref<128x64xf32, #tpu.memory_space<vmem>>)
      %dma_wait3A_487 = arith.constant 3 : i32
      %dma_wait3A_488 = arith.constant 1 : i32
      %dma_wait3A_489 = arith.constant 0 : i32
      %dma_wait3A_490 = arith.constant 0 : i32
      %dma_wait3A_491 = tpu.memref_slice %arg6[%dma_wait3A_487, %dma_wait3A_488, %dma_wait3A_489, %dma_wait3A_490] : memref<4x2x128x64xf32, #tpu.memory_space<vmem>> -> memref<1x1x128x64xf32, #tpu.memory_space<vmem>>
      %dma_wait3A_492 = tpu.memref_squeeze %dma_wait3A_491 : memref<1x1x128x64xf32, #tpu.memory_space<vmem>> -> memref<128x64xf32, #tpu.memory_space<vmem>>
      %dma_wait3A_493 = arith.constant 0 : i32
      %dma_wait3A_494 = arith.constant 0 : i32
      %dma_wait3A_495 = tpu.memref_slice %arg3[%dma_wait3A_493, %dma_wait3A_494] : memref<10000x64xf32, #tpu.memory_space<hbm>> -> memref<128x64xf32, #tpu.memory_space<hbm>>
      %dma_wait3A_496 = arith.constant 0 : i32
      %dma_wait3A_497 = arith.constant 0 : i32
      %dma_wait3A_498 = tpu.memref_slice %arg6[%dma_wait3A_487, %dma_wait3A_488, %dma_wait3A_496, %dma_wait3A_497] : memref<4x2x128x64xf32, #tpu.memory_space<vmem>> -> memref<1x1x128x64xf32, #tpu.memory_space<vmem>>
      %dma_wait3A_499 = tpu.memref_squeeze %dma_wait3A_498 : memref<1x1x128x64xf32, #tpu.memory_space<vmem>> -> memref<128x64xf32, #tpu.memory_space<vmem>>
      %dma_wait3A_500 = arith.constant 0 : i32
      %dma_wait3A_501 = arith.constant 0 : i32
      %dma_wait3A_502 = tpu.memref_slice %arg3[%dma_wait3A_500, %dma_wait3A_501] : memref<10000x64xf32, #tpu.memory_space<hbm>> -> memref<128x64xf32, #tpu.memory_space<hbm>>
      tpu.wait_dma2 semaphore(%arg10 : memref<!tpu.dma_semaphore, #tpu.memory_space<semaphore_mem>>) src(%dma_wait3A_502 : memref<128x64xf32, #tpu.memory_space<hbm>>) dst(%dma_wait3A_499 : memref<128x64xf32, #tpu.memory_space<vmem>>)
      %mul3A_503 = arith.constant 2 : i32
      %mul3A_504 = arith.muli %add3A_470, %mul3A_503 : i32
      %add3A_505 = arith.constant 0 : i32
      %add3A_506 = arith.addi %mul3A_504, %add3A_505 : i32
      %add3A_507 = arith.addi %mul3A_2, %add3A_506 : i32
      %mul3A_508 = arith.constant 128 : i32
      %mul3A_509 = arith.muli %add3A_507, %mul3A_508 : i32
      %dma_start3A_510 = arith.constant 3 : i32
      %dma_start3A_511 = arith.constant 0 : i32
      %dma_start3A_512 = arith.constant 0 : i32
      %dma_start3A_513 = arith.constant 0 : i32
      %dma_start3A_514 = tpu.memref_slice %arg6[%dma_start3A_510, %dma_start3A_511, %dma_start3A_512, %dma_start3A_513] : memref<4x2x128x64xf32, #tpu.memory_space<vmem>> -> memref<1x1x128x64xf32, #tpu.memory_space<vmem>>
      %dma_start3A_515 = tpu.memref_squeeze %dma_start3A_514 : memref<1x1x128x64xf32, #tpu.memory_space<vmem>> -> memref<128x64xf32, #tpu.memory_space<vmem>>
      %dma_start3A_516 = arith.constant 0 : i32
      %dma_start3A_517 = tpu.memref_slice %arg4[%mul3A_509, %dma_start3A_516] : memref<65536x64xf32, #tpu.memory_space<hbm>> -> memref<128x64xf32, #tpu.memory_space<hbm>>
      %dma_start3A_518 = arith.constant 0 : i32
      %dma_start3A_519 = tpu.memref_slice %arg4[%mul3A_509, %dma_start3A_518] : memref<65536x64xf32, #tpu.memory_space<hbm>> -> memref<128x64xf32, #tpu.memory_space<hbm>>
      %dma_start3A_520 = arith.constant 0 : i32
      %dma_start3A_521 = arith.constant 0 : i32
      %dma_start3A_522 = tpu.memref_slice %arg6[%dma_start3A_510, %dma_start3A_511, %dma_start3A_520, %dma_start3A_521] : memref<4x2x128x64xf32, #tpu.memory_space<vmem>> -> memref<1x1x128x64xf32, #tpu.memory_space<vmem>>
      %dma_start3A_523 = tpu.memref_squeeze %dma_start3A_522 : memref<1x1x128x64xf32, #tpu.memory_space<vmem>> -> memref<128x64xf32, #tpu.memory_space<vmem>>
      tpu.enqueue_dma source(%dma_start3A_523 : memref<128x64xf32, #tpu.memory_space<vmem>>) target(%dma_start3A_519 : memref<128x64xf32, #tpu.memory_space<hbm>>) target_semaphore(%arg14 : memref<!tpu.dma_semaphore, #tpu.memory_space<semaphore_mem>>)
      %mul3A_524 = arith.constant 2 : i32
      %mul3A_525 = arith.muli %add3A_470, %mul3A_524 : i32
      %add3A_526 = arith.constant 1 : i32
      %add3A_527 = arith.addi %mul3A_525, %add3A_526 : i32
      %add3A_528 = arith.addi %mul3A_2, %add3A_527 : i32
      %mul3A_529 = arith.constant 128 : i32
      %mul3A_530 = arith.muli %add3A_528, %mul3A_529 : i32
      %dma_start3A_531 = arith.constant 3 : i32
      %dma_start3A_532 = arith.constant 1 : i32
      %dma_start3A_533 = arith.constant 0 : i32
      %dma_start3A_534 = arith.constant 0 : i32
      %dma_start3A_535 = tpu.memref_slice %arg6[%dma_start3A_531, %dma_start3A_532, %dma_start3A_533, %dma_start3A_534] : memref<4x2x128x64xf32, #tpu.memory_space<vmem>> -> memref<1x1x128x64xf32, #tpu.memory_space<vmem>>
      %dma_start3A_536 = tpu.memref_squeeze %dma_start3A_535 : memref<1x1x128x64xf32, #tpu.memory_space<vmem>> -> memref<128x64xf32, #tpu.memory_space<vmem>>
      %dma_start3A_537 = arith.constant 0 : i32
      %dma_start3A_538 = tpu.memref_slice %arg4[%mul3A_530, %dma_start3A_537] : memref<65536x64xf32, #tpu.memory_space<hbm>> -> memref<128x64xf32, #tpu.memory_space<hbm>>
      %dma_start3A_539 = arith.constant 0 : i32
      %dma_start3A_540 = tpu.memref_slice %arg4[%mul3A_530, %dma_start3A_539] : memref<65536x64xf32, #tpu.memory_space<hbm>> -> memref<128x64xf32, #tpu.memory_space<hbm>>
      %dma_start3A_541 = arith.constant 0 : i32
      %dma_start3A_542 = arith.constant 0 : i32
      %dma_start3A_543 = tpu.memref_slice %arg6[%dma_start3A_531, %dma_start3A_532, %dma_start3A_541, %dma_start3A_542] : memref<4x2x128x64xf32, #tpu.memory_space<vmem>> -> memref<1x1x128x64xf32, #tpu.memory_space<vmem>>
      %dma_start3A_544 = tpu.memref_squeeze %dma_start3A_543 : memref<1x1x128x64xf32, #tpu.memory_space<vmem>> -> memref<128x64xf32, #tpu.memory_space<vmem>>
      tpu.enqueue_dma source(%dma_start3A_544 : memref<128x64xf32, #tpu.memory_space<vmem>>) target(%dma_start3A_540 : memref<128x64xf32, #tpu.memory_space<hbm>>) target_semaphore(%arg14 : memref<!tpu.dma_semaphore, #tpu.memory_space<semaphore_mem>>)
      %ge3A_545 = arith.constant 2 : i32
      %ge3A_546 = arith.cmpi sge, %add3A_470, %ge3A_545 : i32
      %add3A_547 = arith.constant 2 : i32
      %add3A_548 = arith.addi %add3A_470, %add3A_547 : i32
      %lt3A_549 = arith.constant 8 : i32
      %lt3A_550 = arith.cmpi slt, %add3A_548, %lt3A_549 : i32
      %and3A_551 = arith.andi %ge3A_546, %lt3A_550 : i1
      %convert_element_type3A_552 = arith.extui %and3A_551 : i1 to i32
      %cond3A_553 = arith.constant 0 : i32
      %cond3A_554 = arith.cmpi ne, %convert_element_type3A_552, %cond3A_553 : i32
      scf.if %cond3A_554 {
        %dma_wait3A_562 = arith.constant 1 : i32
        %dma_wait3A_563 = arith.constant 0 : i32
        %dma_wait3A_564 = arith.constant 0 : i32
        %dma_wait3A_565 = arith.constant 0 : i32
        %dma_wait3A_566 = tpu.memref_slice %arg6[%dma_wait3A_562, %dma_wait3A_563, %dma_wait3A_564, %dma_wait3A_565] : memref<4x2x128x64xf32, #tpu.memory_space<vmem>> -> memref<1x1x128x64xf32, #tpu.memory_space<vmem>>
        %dma_wait3A_567 = tpu.memref_squeeze %dma_wait3A_566 : memref<1x1x128x64xf32, #tpu.memory_space<vmem>> -> memref<128x64xf32, #tpu.memory_space<vmem>>
        %dma_wait3A_568 = arith.constant 0 : i32
        %dma_wait3A_569 = arith.constant 0 : i32
        %dma_wait3A_570 = tpu.memref_slice %arg4[%dma_wait3A_568, %dma_wait3A_569] : memref<65536x64xf32, #tpu.memory_space<hbm>> -> memref<128x64xf32, #tpu.memory_space<hbm>>
        %dma_wait3A_571 = arith.constant 0 : i32
        %dma_wait3A_572 = arith.constant 0 : i32
        %dma_wait3A_573 = tpu.memref_slice %arg4[%dma_wait3A_571, %dma_wait3A_572] : memref<65536x64xf32, #tpu.memory_space<hbm>> -> memref<128x64xf32, #tpu.memory_space<hbm>>
        %dma_wait3A_574 = arith.constant 0 : i32
        %dma_wait3A_575 = arith.constant 0 : i32
        %dma_wait3A_576 = tpu.memref_slice %arg6[%dma_wait3A_562, %dma_wait3A_563, %dma_wait3A_574, %dma_wait3A_575] : memref<4x2x128x64xf32, #tpu.memory_space<vmem>> -> memref<1x1x128x64xf32, #tpu.memory_space<vmem>>
        %dma_wait3A_577 = tpu.memref_squeeze %dma_wait3A_576 : memref<1x1x128x64xf32, #tpu.memory_space<vmem>> -> memref<128x64xf32, #tpu.memory_space<vmem>>
        tpu.wait_dma2 semaphore(%arg12 : memref<!tpu.dma_semaphore, #tpu.memory_space<semaphore_mem>>) src(%dma_wait3A_577 : memref<128x64xf32, #tpu.memory_space<vmem>>) dst(%dma_wait3A_573 : memref<128x64xf32, #tpu.memory_space<hbm>>)
        %dma_wait3A_578 = arith.constant 1 : i32
        %dma_wait3A_579 = arith.constant 1 : i32
        %dma_wait3A_580 = arith.constant 0 : i32
        %dma_wait3A_581 = arith.constant 0 : i32
        %dma_wait3A_582 = tpu.memref_slice %arg6[%dma_wait3A_578, %dma_wait3A_579, %dma_wait3A_580, %dma_wait3A_581] : memref<4x2x128x64xf32, #tpu.memory_space<vmem>> -> memref<1x1x128x64xf32, #tpu.memory_space<vmem>>
        %dma_wait3A_583 = tpu.memref_squeeze %dma_wait3A_582 : memref<1x1x128x64xf32, #tpu.memory_space<vmem>> -> memref<128x64xf32, #tpu.memory_space<vmem>>
        %dma_wait3A_584 = arith.constant 0 : i32
        %dma_wait3A_585 = arith.constant 0 : i32
        %dma_wait3A_586 = tpu.memref_slice %arg4[%dma_wait3A_584, %dma_wait3A_585] : memref<65536x64xf32, #tpu.memory_space<hbm>> -> memref<128x64xf32, #tpu.memory_space<hbm>>
        %dma_wait3A_587 = arith.constant 0 : i32
        %dma_wait3A_588 = arith.constant 0 : i32
        %dma_wait3A_589 = tpu.memref_slice %arg4[%dma_wait3A_587, %dma_wait3A_588] : memref<65536x64xf32, #tpu.memory_space<hbm>> -> memref<128x64xf32, #tpu.memory_space<hbm>>
        %dma_wait3A_590 = arith.constant 0 : i32
        %dma_wait3A_591 = arith.constant 0 : i32
        %dma_wait3A_592 = tpu.memref_slice %arg6[%dma_wait3A_578, %dma_wait3A_579, %dma_wait3A_590, %dma_wait3A_591] : memref<4x2x128x64xf32, #tpu.memory_space<vmem>> -> memref<1x1x128x64xf32, #tpu.memory_space<vmem>>
        %dma_wait3A_593 = tpu.memref_squeeze %dma_wait3A_592 : memref<1x1x128x64xf32, #tpu.memory_space<vmem>> -> memref<128x64xf32, #tpu.memory_space<vmem>>
        tpu.wait_dma2 semaphore(%arg12 : memref<!tpu.dma_semaphore, #tpu.memory_space<semaphore_mem>>) src(%dma_wait3A_593 : memref<128x64xf32, #tpu.memory_space<vmem>>) dst(%dma_wait3A_589 : memref<128x64xf32, #tpu.memory_space<hbm>>)
      } else {
      }
      %add3A_555 = arith.constant 2 : i32
      %add3A_556 = arith.addi %add3A_470, %add3A_555 : i32
      %lt3A_557 = arith.constant 8 : i32
      %lt3A_558 = arith.cmpi slt, %add3A_556, %lt3A_557 : i32
      %convert_element_type3A_559 = arith.extui %lt3A_558 : i1 to i32
      %cond3A_560 = arith.constant 0 : i32
      %cond3A_561 = arith.cmpi ne, %convert_element_type3A_559, %cond3A_560 : i32
      scf.if %cond3A_561 {
        %add3A_562 = arith.constant 2 : i32
        %add3A_563 = arith.addi %add3A_470, %add3A_562 : i32
        %mul3A_564 = arith.constant 2 : i32
        %mul3A_565 = arith.muli %add3A_563, %mul3A_564 : i32
        %add3A_566 = arith.constant 0 : i32
        %add3A_567 = arith.addi %mul3A_565, %add3A_566 : i32
        %dma_start3A_568 = arith.constant 1 : i32
        %dma_start3A_569 = arith.constant 0 : i32
        %dma_start3A_570 = arith.constant 0 : i32
        %dma_start3A_571 = arith.constant 0 : i32
        %dma_start3A_572 = tpu.memref_slice %arg6[%dma_start3A_568, %dma_start3A_569, %dma_start3A_570, %dma_start3A_571] : memref<4x2x128x64xf32, #tpu.memory_space<vmem>> -> memref<1x1x128x64xf32, #tpu.memory_space<vmem>>
        %dma_start3A_573 = tpu.memref_squeeze %dma_start3A_572 : memref<1x1x128x64xf32, #tpu.memory_space<vmem>> -> memref<128x64xf32, #tpu.memory_space<vmem>>
        %dma_start3A_574 = arith.constant 0 : i32
        %dma_start3A_575 = tpu.memref_slice %arg5[%add3A_567, %dma_start3A_574] : memref<16x128xi32, #tpu.memory_space<vmem>> -> memref<1x128xi32, #tpu.memory_space<vmem>>
        %dma_start3A_576 = tpu.memref_squeeze %dma_start3A_575 : memref<1x128xi32, #tpu.memory_space<vmem>> -> memref<128xi32, #tpu.memory_space<vmem>>
        %dma_start3A_577 = arith.constant 0 : i32
        %dma_start3A_578 = arith.constant 0 : i32
        %dma_start3A_579 = tpu.memref_slice %arg3[%dma_start3A_577, %dma_start3A_578] : memref<10000x64xf32, #tpu.memory_space<hbm>> -> memref<10000x64xf32, #tpu.memory_space<hbm>>
        tpu.enqueue_indirect_dma source(%dma_start3A_579 : memref<10000x64xf32, #tpu.memory_space<hbm>>) target(%dma_start3A_573 : memref<128x64xf32, #tpu.memory_space<vmem>>) offsets(%dma_start3A_576 : memref<128xi32, #tpu.memory_space<vmem>>) semaphore(%arg8 : memref<!tpu.dma_semaphore, #tpu.memory_space<semaphore_mem>>)
        %mul3A_580 = arith.constant 2 : i32
        %mul3A_581 = arith.muli %add3A_563, %mul3A_580 : i32
        %add3A_582 = arith.constant 1 : i32
        %add3A_583 = arith.addi %mul3A_581, %add3A_582 : i32
        %dma_start3A_584 = arith.constant 1 : i32
        %dma_start3A_585 = arith.constant 1 : i32
        %dma_start3A_586 = arith.constant 0 : i32
        %dma_start3A_587 = arith.constant 0 : i32
        %dma_start3A_588 = tpu.memref_slice %arg6[%dma_start3A_584, %dma_start3A_585, %dma_start3A_586, %dma_start3A_587] : memref<4x2x128x64xf32, #tpu.memory_space<vmem>> -> memref<1x1x128x64xf32, #tpu.memory_space<vmem>>
        %dma_start3A_589 = tpu.memref_squeeze %dma_start3A_588 : memref<1x1x128x64xf32, #tpu.memory_space<vmem>> -> memref<128x64xf32, #tpu.memory_space<vmem>>
        %dma_start3A_590 = arith.constant 0 : i32
        %dma_start3A_591 = tpu.memref_slice %arg5[%add3A_583, %dma_start3A_590] : memref<16x128xi32, #tpu.memory_space<vmem>> -> memref<1x128xi32, #tpu.memory_space<vmem>>
        %dma_start3A_592 = tpu.memref_squeeze %dma_start3A_591 : memref<1x128xi32, #tpu.memory_space<vmem>> -> memref<128xi32, #tpu.memory_space<vmem>>
        %dma_start3A_593 = arith.constant 0 : i32
        %dma_start3A_594 = arith.constant 0 : i32
        %dma_start3A_595 = tpu.memref_slice %arg3[%dma_start3A_593, %dma_start3A_594] : memref<10000x64xf32, #tpu.memory_space<hbm>> -> memref<10000x64xf32, #tpu.memory_space<hbm>>
        tpu.enqueue_indirect_dma source(%dma_start3A_595 : memref<10000x64xf32, #tpu.memory_space<hbm>>) target(%dma_start3A_589 : memref<128x64xf32, #tpu.memory_space<vmem>>) offsets(%dma_start3A_592 : memref<128xi32, #tpu.memory_space<vmem>>) semaphore(%arg8 : memref<!tpu.dma_semaphore, #tpu.memory_space<semaphore_mem>>)
      } else {
      }
    }
    %scan3A_58 = arith.constant 2 : i32
    %dma_wait3A = arith.constant 0 : i32
    %dma_wait3A_59 = arith.constant 0 : i32
    %dma_wait3A_60 = arith.constant 0 : i32
    %dma_wait3A_61 = arith.constant 0 : i32
    %dma_wait3A_62 = tpu.memref_slice %arg6[%dma_wait3A, %dma_wait3A_59, %dma_wait3A_60, %dma_wait3A_61] : memref<4x2x128x64xf32, #tpu.memory_space<vmem>> -> memref<1x1x128x64xf32, #tpu.memory_space<vmem>>
    %dma_wait3A_63 = tpu.memref_squeeze %dma_wait3A_62 : memref<1x1x128x64xf32, #tpu.memory_space<vmem>> -> memref<128x64xf32, #tpu.memory_space<vmem>>
    %dma_wait3A_64 = arith.constant 0 : i32
    %dma_wait3A_65 = arith.constant 0 : i32
    %dma_wait3A_66 = tpu.memref_slice %arg4[%dma_wait3A_64, %dma_wait3A_65] : memref<65536x64xf32, #tpu.memory_space<hbm>> -> memref<128x64xf32, #tpu.memory_space<hbm>>
    %dma_wait3A_67 = arith.constant 0 : i32
    %dma_wait3A_68 = arith.constant 0 : i32
    %dma_wait3A_69 = tpu.memref_slice %arg4[%dma_wait3A_67, %dma_wait3A_68] : memref<65536x64xf32, #tpu.memory_space<hbm>> -> memref<128x64xf32, #tpu.memory_space<hbm>>
    %dma_wait3A_70 = arith.constant 0 : i32
    %dma_wait3A_71 = arith.constant 0 : i32
    %dma_wait3A_72 = tpu.memref_slice %arg6[%dma_wait3A, %dma_wait3A_59, %dma_wait3A_70, %dma_wait3A_71] : memref<4x2x128x64xf32, #tpu.memory_space<vmem>> -> memref<1x1x128x64xf32, #tpu.memory_space<vmem>>
    %dma_wait3A_73 = tpu.memref_squeeze %dma_wait3A_72 : memref<1x1x128x64xf32, #tpu.memory_space<vmem>> -> memref<128x64xf32, #tpu.memory_space<vmem>>
    tpu.wait_dma2 semaphore(%arg11 : memref<!tpu.dma_semaphore, #tpu.memory_space<semaphore_mem>>) src(%dma_wait3A_73 : memref<128x64xf32, #tpu.memory_space<vmem>>) dst(%dma_wait3A_69 : memref<128x64xf32, #tpu.memory_space<hbm>>)
    %dma_wait3A_74 = arith.constant 0 : i32
    %dma_wait3A_75 = arith.constant 1 : i32
    %dma_wait3A_76 = arith.constant 0 : i32
    %dma_wait3A_77 = arith.constant 0 : i32
    %dma_wait3A_78 = tpu.memref_slice %arg6[%dma_wait3A_74, %dma_wait3A_75, %dma_wait3A_76, %dma_wait3A_77] : memref<4x2x128x64xf32, #tpu.memory_space<vmem>> -> memref<1x1x128x64xf32, #tpu.memory_space<vmem>>
    %dma_wait3A_79 = tpu.memref_squeeze %dma_wait3A_78 : memref<1x1x128x64xf32, #tpu.memory_space<vmem>> -> memref<128x64xf32, #tpu.memory_space<vmem>>
    %dma_wait3A_80 = arith.constant 0 : i32
    %dma_wait3A_81 = arith.constant 0 : i32
    %dma_wait3A_82 = tpu.memref_slice %arg4[%dma_wait3A_80, %dma_wait3A_81] : memref<65536x64xf32, #tpu.memory_space<hbm>> -> memref<128x64xf32, #tpu.memory_space<hbm>>
    %dma_wait3A_83 = arith.constant 0 : i32
    %dma_wait3A_84 = arith.constant 0 : i32
    %dma_wait3A_85 = tpu.memref_slice %arg4[%dma_wait3A_83, %dma_wait3A_84] : memref<65536x64xf32, #tpu.memory_space<hbm>> -> memref<128x64xf32, #tpu.memory_space<hbm>>
    %dma_wait3A_86 = arith.constant 0 : i32
    %dma_wait3A_87 = arith.constant 0 : i32
    %dma_wait3A_88 = tpu.memref_slice %arg6[%dma_wait3A_74, %dma_wait3A_75, %dma_wait3A_86, %dma_wait3A_87] : memref<4x2x128x64xf32, #tpu.memory_space<vmem>> -> memref<1x1x128x64xf32, #tpu.memory_space<vmem>>
    %dma_wait3A_89 = tpu.memref_squeeze %dma_wait3A_88 : memref<1x1x128x64xf32, #tpu.memory_space<vmem>> -> memref<128x64xf32, #tpu.memory_space<vmem>>
    tpu.wait_dma2 semaphore(%arg11 : memref<!tpu.dma_semaphore, #tpu.memory_space<semaphore_mem>>) src(%dma_wait3A_89 : memref<128x64xf32, #tpu.memory_space<vmem>>) dst(%dma_wait3A_85 : memref<128x64xf32, #tpu.memory_space<hbm>>)
    %dma_wait3A_90 = arith.constant 1 : i32
    %dma_wait3A_91 = arith.constant 0 : i32
    %dma_wait3A_92 = arith.constant 0 : i32
    %dma_wait3A_93 = arith.constant 0 : i32
    %dma_wait3A_94 = tpu.memref_slice %arg6[%dma_wait3A_90, %dma_wait3A_91, %dma_wait3A_92, %dma_wait3A_93] : memref<4x2x128x64xf32, #tpu.memory_space<vmem>> -> memref<1x1x128x64xf32, #tpu.memory_space<vmem>>
    %dma_wait3A_95 = tpu.memref_squeeze %dma_wait3A_94 : memref<1x1x128x64xf32, #tpu.memory_space<vmem>> -> memref<128x64xf32, #tpu.memory_space<vmem>>
    %dma_wait3A_96 = arith.constant 0 : i32
    %dma_wait3A_97 = arith.constant 0 : i32
    %dma_wait3A_98 = tpu.memref_slice %arg4[%dma_wait3A_96, %dma_wait3A_97] : memref<65536x64xf32, #tpu.memory_space<hbm>> -> memref<128x64xf32, #tpu.memory_space<hbm>>
    %dma_wait3A_99 = arith.constant 0 : i32
    %dma_wait3A_100 = arith.constant 0 : i32
    %dma_wait3A_101 = tpu.memref_slice %arg4[%dma_wait3A_99, %dma_wait3A_100] : memref<65536x64xf32, #tpu.memory_space<hbm>> -> memref<128x64xf32, #tpu.memory_space<hbm>>
    %dma_wait3A_102 = arith.constant 0 : i32
    %dma_wait3A_103 = arith.constant 0 : i32
    %dma_wait3A_104 = tpu.memref_slice %arg6[%dma_wait3A_90, %dma_wait3A_91, %dma_wait3A_102, %dma_wait3A_103] : memref<4x2x128x64xf32, #tpu.memory_space<vmem>> -> memref<1x1x128x64xf32, #tpu.memory_space<vmem>>
    %dma_wait3A_105 = tpu.memref_squeeze %dma_wait3A_104 : memref<1x1x128x64xf32, #tpu.memory_space<vmem>> -> memref<128x64xf32, #tpu.memory_space<vmem>>
    tpu.wait_dma2 semaphore(%arg12 : memref<!tpu.dma_semaphore, #tpu.memory_space<semaphore_mem>>) src(%dma_wait3A_105 : memref<128x64xf32, #tpu.memory_space<vmem>>) dst(%dma_wait3A_101 : memref<128x64xf32, #tpu.memory_space<hbm>>)
    %dma_wait3A_106 = arith.constant 1 : i32
    %dma_wait3A_107 = arith.constant 1 : i32
    %dma_wait3A_108 = arith.constant 0 : i32
    %dma_wait3A_109 = arith.constant 0 : i32
    %dma_wait3A_110 = tpu.memref_slice %arg6[%dma_wait3A_106, %dma_wait3A_107, %dma_wait3A_108, %dma_wait3A_109] : memref<4x2x128x64xf32, #tpu.memory_space<vmem>> -> memref<1x1x128x64xf32, #tpu.memory_space<vmem>>
    %dma_wait3A_111 = tpu.memref_squeeze %dma_wait3A_110 : memref<1x1x128x64xf32, #tpu.memory_space<vmem>> -> memref<128x64xf32, #tpu.memory_space<vmem>>
    %dma_wait3A_112 = arith.constant 0 : i32
    %dma_wait3A_113 = arith.constant 0 : i32
    %dma_wait3A_114 = tpu.memref_slice %arg4[%dma_wait3A_112, %dma_wait3A_113] : memref<65536x64xf32, #tpu.memory_space<hbm>> -> memref<128x64xf32, #tpu.memory_space<hbm>>
    %dma_wait3A_115 = arith.constant 0 : i32
    %dma_wait3A_116 = arith.constant 0 : i32
    %dma_wait3A_117 = tpu.memref_slice %arg4[%dma_wait3A_115, %dma_wait3A_116] : memref<65536x64xf32, #tpu.memory_space<hbm>> -> memref<128x64xf32, #tpu.memory_space<hbm>>
    %dma_wait3A_118 = arith.constant 0 : i32
    %dma_wait3A_119 = arith.constant 0 : i32
    %dma_wait3A_120 = tpu.memref_slice %arg6[%dma_wait3A_106, %dma_wait3A_107, %dma_wait3A_118, %dma_wait3A_119] : memref<4x2x128x64xf32, #tpu.memory_space<vmem>> -> memref<1x1x128x64xf32, #tpu.memory_space<vmem>>
    %dma_wait3A_121 = tpu.memref_squeeze %dma_wait3A_120 : memref<1x1x128x64xf32, #tpu.memory_space<vmem>> -> memref<128x64xf32, #tpu.memory_space<vmem>>
    tpu.wait_dma2 semaphore(%arg12 : memref<!tpu.dma_semaphore, #tpu.memory_space<semaphore_mem>>) src(%dma_wait3A_121 : memref<128x64xf32, #tpu.memory_space<vmem>>) dst(%dma_wait3A_117 : memref<128x64xf32, #tpu.memory_space<hbm>>)
    %dma_wait3A_122 = arith.constant 2 : i32
    %dma_wait3A_123 = arith.constant 0 : i32
    %dma_wait3A_124 = arith.constant 0 : i32
    %dma_wait3A_125 = arith.constant 0 : i32
    %dma_wait3A_126 = tpu.memref_slice %arg6[%dma_wait3A_122, %dma_wait3A_123, %dma_wait3A_124, %dma_wait3A_125] : memref<4x2x128x64xf32, #tpu.memory_space<vmem>> -> memref<1x1x128x64xf32, #tpu.memory_space<vmem>>
    %dma_wait3A_127 = tpu.memref_squeeze %dma_wait3A_126 : memref<1x1x128x64xf32, #tpu.memory_space<vmem>> -> memref<128x64xf32, #tpu.memory_space<vmem>>
    %dma_wait3A_128 = arith.constant 0 : i32
    %dma_wait3A_129 = arith.constant 0 : i32
    %dma_wait3A_130 = tpu.memref_slice %arg4[%dma_wait3A_128, %dma_wait3A_129] : memref<65536x64xf32, #tpu.memory_space<hbm>> -> memref<128x64xf32, #tpu.memory_space<hbm>>
    %dma_wait3A_131 = arith.constant 0 : i32
    %dma_wait3A_132 = arith.constant 0 : i32
    %dma_wait3A_133 = tpu.memref_slice %arg4[%dma_wait3A_131, %dma_wait3A_132] : memref<65536x64xf32, #tpu.memory_space<hbm>> -> memref<128x64xf32, #tpu.memory_space<hbm>>
    %dma_wait3A_134 = arith.constant 0 : i32
    %dma_wait3A_135 = arith.constant 0 : i32
    %dma_wait3A_136 = tpu.memref_slice %arg6[%dma_wait3A_122, %dma_wait3A_123, %dma_wait3A_134, %dma_wait3A_135] : memref<4x2x128x64xf32, #tpu.memory_space<vmem>> -> memref<1x1x128x64xf32, #tpu.memory_space<vmem>>
    %dma_wait3A_137 = tpu.memref_squeeze %dma_wait3A_136 : memref<1x1x128x64xf32, #tpu.memory_space<vmem>> -> memref<128x64xf32, #tpu.memory_space<vmem>>
    tpu.wait_dma2 semaphore(%arg13 : memref<!tpu.dma_semaphore, #tpu.memory_space<semaphore_mem>>) src(%dma_wait3A_137 : memref<128x64xf32, #tpu.memory_space<vmem>>) dst(%dma_wait3A_133 : memref<128x64xf32, #tpu.memory_space<hbm>>)
    %dma_wait3A_138 = arith.constant 2 : i32
    %dma_wait3A_139 = arith.constant 1 : i32
    %dma_wait3A_140 = arith.constant 0 : i32
    %dma_wait3A_141 = arith.constant 0 : i32
    %dma_wait3A_142 = tpu.memref_slice %arg6[%dma_wait3A_138, %dma_wait3A_139, %dma_wait3A_140, %dma_wait3A_141] : memref<4x2x128x64xf32, #tpu.memory_space<vmem>> -> memref<1x1x128x64xf32, #tpu.memory_space<vmem>>
    %dma_wait3A_143 = tpu.memref_squeeze %dma_wait3A_142 : memref<1x1x128x64xf32, #tpu.memory_space<vmem>> -> memref<128x64xf32, #tpu.memory_space<vmem>>
    %dma_wait3A_144 = arith.constant 0 : i32
    %dma_wait3A_145 = arith.constant 0 : i32
    %dma_wait3A_146 = tpu.memref_slice %arg4[%dma_wait3A_144, %dma_wait3A_145] : memref<65536x64xf32, #tpu.memory_space<hbm>> -> memref<128x64xf32, #tpu.memory_space<hbm>>
    %dma_wait3A_147 = arith.constant 0 : i32
    %dma_wait3A_148 = arith.constant 0 : i32
    %dma_wait3A_149 = tpu.memref_slice %arg4[%dma_wait3A_147, %dma_wait3A_148] : memref<65536x64xf32, #tpu.memory_space<hbm>> -> memref<128x64xf32, #tpu.memory_space<hbm>>
    %dma_wait3A_150 = arith.constant 0 : i32
    %dma_wait3A_151 = arith.constant 0 : i32
    %dma_wait3A_152 = tpu.memref_slice %arg6[%dma_wait3A_138, %dma_wait3A_139, %dma_wait3A_150, %dma_wait3A_151] : memref<4x2x128x64xf32, #tpu.memory_space<vmem>> -> memref<1x1x128x64xf32, #tpu.memory_space<vmem>>
    %dma_wait3A_153 = tpu.memref_squeeze %dma_wait3A_152 : memref<1x1x128x64xf32, #tpu.memory_space<vmem>> -> memref<128x64xf32, #tpu.memory_space<vmem>>
    tpu.wait_dma2 semaphore(%arg13 : memref<!tpu.dma_semaphore, #tpu.memory_space<semaphore_mem>>) src(%dma_wait3A_153 : memref<128x64xf32, #tpu.memory_space<vmem>>) dst(%dma_wait3A_149 : memref<128x64xf32, #tpu.memory_space<hbm>>)
    %dma_wait3A_154 = arith.constant 3 : i32
    %dma_wait3A_155 = arith.constant 0 : i32
    %dma_wait3A_156 = arith.constant 0 : i32
    %dma_wait3A_157 = arith.constant 0 : i32
    %dma_wait3A_158 = tpu.memref_slice %arg6[%dma_wait3A_154, %dma_wait3A_155, %dma_wait3A_156, %dma_wait3A_157] : memref<4x2x128x64xf32, #tpu.memory_space<vmem>> -> memref<1x1x128x64xf32, #tpu.memory_space<vmem>>
    %dma_wait3A_159 = tpu.memref_squeeze %dma_wait3A_158 : memref<1x1x128x64xf32, #tpu.memory_space<vmem>> -> memref<128x64xf32, #tpu.memory_space<vmem>>
    %dma_wait3A_160 = arith.constant 0 : i32
    %dma_wait3A_161 = arith.constant 0 : i32
    %dma_wait3A_162 = tpu.memref_slice %arg4[%dma_wait3A_160, %dma_wait3A_161] : memref<65536x64xf32, #tpu.memory_space<hbm>> -> memref<128x64xf32, #tpu.memory_space<hbm>>
    %dma_wait3A_163 = arith.constant 0 : i32
    %dma_wait3A_164 = arith.constant 0 : i32
    %dma_wait3A_165 = tpu.memref_slice %arg4[%dma_wait3A_163, %dma_wait3A_164] : memref<65536x64xf32, #tpu.memory_space<hbm>> -> memref<128x64xf32, #tpu.memory_space<hbm>>
    %dma_wait3A_166 = arith.constant 0 : i32
    %dma_wait3A_167 = arith.constant 0 : i32
    %dma_wait3A_168 = tpu.memref_slice %arg6[%dma_wait3A_154, %dma_wait3A_155, %dma_wait3A_166, %dma_wait3A_167] : memref<4x2x128x64xf32, #tpu.memory_space<vmem>> -> memref<1x1x128x64xf32, #tpu.memory_space<vmem>>
    %dma_wait3A_169 = tpu.memref_squeeze %dma_wait3A_168 : memref<1x1x128x64xf32, #tpu.memory_space<vmem>> -> memref<128x64xf32, #tpu.memory_space<vmem>>
    tpu.wait_dma2 semaphore(%arg14 : memref<!tpu.dma_semaphore, #tpu.memory_space<semaphore_mem>>) src(%dma_wait3A_169 : memref<128x64xf32, #tpu.memory_space<vmem>>) dst(%dma_wait3A_165 : memref<128x64xf32, #tpu.memory_space<hbm>>)
    %dma_wait3A_170 = arith.constant 3 : i32
    %dma_wait3A_171 = arith.constant 1 : i32
    %dma_wait3A_172 = arith.constant 0 : i32
    %dma_wait3A_173 = arith.constant 0 : i32
    %dma_wait3A_174 = tpu.memref_slice %arg6[%dma_wait3A_170, %dma_wait3A_171, %dma_wait3A_172, %dma_wait3A_173] : memref<4x2x128x64xf32, #tpu.memory_space<vmem>> -> memref<1x1x128x64xf32, #tpu.memory_space<vmem>>
    %dma_wait3A_175 = tpu.memref_squeeze %dma_wait3A_174 : memref<1x1x128x64xf32, #tpu.memory_space<vmem>> -> memref<128x64xf32, #tpu.memory_space<vmem>>
    %dma_wait3A_176 = arith.constant 0 : i32
    %dma_wait3A_177 = arith.constant 0 : i32
    %dma_wait3A_178 = tpu.memref_slice %arg4[%dma_wait3A_176, %dma_wait3A_177] : memref<65536x64xf32, #tpu.memory_space<hbm>> -> memref<128x64xf32, #tpu.memory_space<hbm>>
    %dma_wait3A_179 = arith.constant 0 : i32
    %dma_wait3A_180 = arith.constant 0 : i32
    %dma_wait3A_181 = tpu.memref_slice %arg4[%dma_wait3A_179, %dma_wait3A_180] : memref<65536x64xf32, #tpu.memory_space<hbm>> -> memref<128x64xf32, #tpu.memory_space<hbm>>
    %dma_wait3A_182 = arith.constant 0 : i32
    %dma_wait3A_183 = arith.constant 0 : i32
    %dma_wait3A_184 = tpu.memref_slice %arg6[%dma_wait3A_170, %dma_wait3A_171, %dma_wait3A_182, %dma_wait3A_183] : memref<4x2x128x64xf32, #tpu.memory_space<vmem>> -> memref<1x1x128x64xf32, #tpu.memory_space<vmem>>
    %dma_wait3A_185 = tpu.memref_squeeze %dma_wait3A_184 : memref<1x1x128x64xf32, #tpu.memory_space<vmem>> -> memref<128x64xf32, #tpu.memory_space<vmem>>
    tpu.wait_dma2 semaphore(%arg14 : memref<!tpu.dma_semaphore, #tpu.memory_space<semaphore_mem>>) src(%dma_wait3A_185 : memref<128x64xf32, #tpu.memory_space<vmem>>) dst(%dma_wait3A_181 : memref<128x64xf32, #tpu.memory_space<hbm>>)
    return
  }
}

#map = affine_map<(d0, d1) -> (0, 0, 0)>
#map1 = affine_map<(d0, d1) -> (0, 0)>
module attributes {stable_mosaic.version = 14 : i64} {
  func.func @gather_k(%arg0: i32, %arg1: i32, %arg2: memref<32x32x128xi32, #tpu.memory_space<hbm>>, %arg3: memref<10000x64xf32, #tpu.memory_space<hbm>>, %arg4: memref<131072x64xf32, #tpu.memory_space<hbm>>, %arg5: memref<32x128xi32, #tpu.memory_space<vmem>>, %arg6: memref<4x2x128x64xf32, #tpu.memory_space<vmem>>, %arg7: memref<!tpu.dma_semaphore, #tpu.memory_space<semaphore_mem>>, %arg8: memref<!tpu.dma_semaphore, #tpu.memory_space<semaphore_mem>>, %arg9: memref<!tpu.dma_semaphore, #tpu.memory_space<semaphore_mem>>, %arg10: memref<!tpu.dma_semaphore, #tpu.memory_space<semaphore_mem>>, %arg11: memref<!tpu.dma_semaphore, #tpu.memory_space<semaphore_mem>>, %arg12: memref<!tpu.dma_semaphore, #tpu.memory_space<semaphore_mem>>, %arg13: memref<!tpu.dma_semaphore, #tpu.memory_space<semaphore_mem>>, %arg14: memref<!tpu.dma_semaphore, #tpu.memory_space<semaphore_mem>>) attributes {dimension_semantics = [#tpu.dimension_semantics<core_parallel>, #tpu.dimension_semantics<subcore_parallel>], iteration_bounds = array<i64: 2, 16>, scalar_prefetch = 0 : i64, scratch_operands = 10 : i64, tpu.core_type = #tpu.core_type<sc_vector_subcore>, window_params = [{transform_indices = #map}, {transform_indices = #map1}, {transform_indices = #map1}]} {
    %mul3A = arith.constant 2 : i32
    %mul3A_0 = arith.muli %arg1, %mul3A : i32
    %add3A = arith.addi %mul3A_0, %arg0 : i32
    %mul3A_1 = arith.constant 32 : i32
    %mul3A_2 = arith.muli %add3A, %mul3A_1 : i32
    "tpu.region"() ({
      %run_scoped3A = tpu.sem_alloc : memref<!tpu.dma_semaphore, #tpu.memory_space<semaphore_mem>>
      %dma_start3A_186 = arith.constant 0 : i32
      %dma_start3A_187 = arith.constant 0 : i32
      %dma_start3A_188 = tpu.memref_slice %arg2[%add3A, %dma_start3A_186, %dma_start3A_187] : memref<32x32x128xi32, #tpu.memory_space<hbm>> -> memref<1x32x128xi32, #tpu.memory_space<hbm>>
      %dma_start3A_189 = tpu.memref_squeeze %dma_start3A_188 : memref<1x32x128xi32, #tpu.memory_space<hbm>> -> memref<32x128xi32, #tpu.memory_space<hbm>>
      %dma_start3A_190 = arith.constant 0 : i32
      %dma_start3A_191 = arith.constant 0 : i32
      %dma_start3A_192 = tpu.memref_slice %arg2[%add3A, %dma_start3A_190, %dma_start3A_191] : memref<32x32x128xi32, #tpu.memory_space<hbm>> -> memref<1x32x128xi32, #tpu.memory_space<hbm>>
      %dma_start3A_193 = tpu.memref_squeeze %dma_start3A_192 : memref<1x32x128xi32, #tpu.memory_space<hbm>> -> memref<32x128xi32, #tpu.memory_space<hbm>>
      tpu.enqueue_dma source(%dma_start3A_193 : memref<32x128xi32, #tpu.memory_space<hbm>>) target(%arg5 : memref<32x128xi32, #tpu.memory_space<vmem>>) target_semaphore(%run_scoped3A : memref<!tpu.dma_semaphore, #tpu.memory_space<semaphore_mem>>)
      %dma_wait3A_194 = arith.constant 0 : i32
      %dma_wait3A_195 = arith.constant 0 : i32
      %dma_wait3A_196 = tpu.memref_slice %arg2[%add3A, %dma_wait3A_194, %dma_wait3A_195] : memref<32x32x128xi32, #tpu.memory_space<hbm>> -> memref<1x32x128xi32, #tpu.memory_space<hbm>>
      %dma_wait3A_197 = tpu.memref_squeeze %dma_wait3A_196 : memref<1x32x128xi32, #tpu.memory_space<hbm>> -> memref<32x128xi32, #tpu.memory_space<hbm>>
      %dma_wait3A_198 = arith.constant 0 : i32
      %dma_wait3A_199 = arith.constant 0 : i32
      %dma_wait3A_200 = tpu.memref_slice %arg2[%add3A, %dma_wait3A_198, %dma_wait3A_199] : memref<32x32x128xi32, #tpu.memory_space<hbm>> -> memref<1x32x128xi32, #tpu.memory_space<hbm>>
      %dma_wait3A_201 = tpu.memref_squeeze %dma_wait3A_200 : memref<1x32x128xi32, #tpu.memory_space<hbm>> -> memref<32x128xi32, #tpu.memory_space<hbm>>
      tpu.wait_dma2 semaphore(%run_scoped3A : memref<!tpu.dma_semaphore, #tpu.memory_space<semaphore_mem>>) src(%dma_wait3A_201 : memref<32x128xi32, #tpu.memory_space<hbm>>) dst(%arg5 : memref<32x128xi32, #tpu.memory_space<vmem>>)
      tpu.yield
    }) : () -> ()
    %dma_start3A = arith.constant 0 : i32
    %dma_start3A_3 = arith.constant 0 : i32
    %dma_start3A_4 = arith.constant 0 : i32
    %dma_start3A_5 = arith.constant 0 : i32
    %dma_start3A_6 = arith.constant 0 : i32
    %dma_start3A_7 = tpu.memref_slice %arg6[%dma_start3A_3, %dma_start3A_4, %dma_start3A_5, %dma_start3A_6] : memref<4x2x128x64xf32, #tpu.memory_space<vmem>> -> memref<1x1x128x64xf32, #tpu.memory_space<vmem>>
    %dma_start3A_8 = tpu.memref_squeeze %dma_start3A_7 : memref<1x1x128x64xf32, #tpu.memory_space<vmem>> -> memref<128x64xf32, #tpu.memory_space<vmem>>
    %dma_start3A_9 = arith.constant 0 : i32
    %dma_start3A_10 = tpu.memref_slice %arg5[%dma_start3A, %dma_start3A_9] : memref<32x128xi32, #tpu.memory_space<vmem>> -> memref<1x128xi32, #tpu.memory_space<vmem>>
    %dma_start3A_11 = tpu.memref_squeeze %dma_start3A_10 : memref<1x128xi32, #tpu.memory_space<vmem>> -> memref<128xi32, #tpu.memory_space<vmem>>
    %dma_start3A_12 = arith.constant 0 : i32
    %dma_start3A_13 = arith.constant 0 : i32
    %dma_start3A_14 = tpu.memref_slice %arg3[%dma_start3A_12, %dma_start3A_13] : memref<10000x64xf32, #tpu.memory_space<hbm>> -> memref<10000x64xf32, #tpu.memory_space<hbm>>
    tpu.enqueue_indirect_dma source(%dma_start3A_14 : memref<10000x64xf32, #tpu.memory_space<hbm>>) target(%dma_start3A_8 : memref<128x64xf32, #tpu.memory_space<vmem>>) offsets(%dma_start3A_11 : memref<128xi32, #tpu.memory_space<vmem>>) semaphore(%arg7 : memref<!tpu.dma_semaphore, #tpu.memory_space<semaphore_mem>>)
    %dma_start3A_15 = arith.constant 1 : i32
    %dma_start3A_16 = arith.constant 0 : i32
    %dma_start3A_17 = arith.constant 1 : i32
    %dma_start3A_18 = arith.constant 0 : i32
    %dma_start3A_19 = arith.constant 0 : i32
    %dma_start3A_20 = tpu.memref_slice %arg6[%dma_start3A_16, %dma_start3A_17, %dma_start3A_18, %dma_start3A_19] : memref<4x2x128x64xf32, #tpu.memory_space<vmem>> -> memref<1x1x128x64xf32, #tpu.memory_space<vmem>>
    %dma_start3A_21 = tpu.memref_squeeze %dma_start3A_20 : memref<1x1x128x64xf32, #tpu.memory_space<vmem>> -> memref<128x64xf32, #tpu.memory_space<vmem>>
    %dma_start3A_22 = arith.constant 0 : i32
    %dma_start3A_23 = tpu.memref_slice %arg5[%dma_start3A_15, %dma_start3A_22] : memref<32x128xi32, #tpu.memory_space<vmem>> -> memref<1x128xi32, #tpu.memory_space<vmem>>
    %dma_start3A_24 = tpu.memref_squeeze %dma_start3A_23 : memref<1x128xi32, #tpu.memory_space<vmem>> -> memref<128xi32, #tpu.memory_space<vmem>>
    %dma_start3A_25 = arith.constant 0 : i32
    %dma_start3A_26 = arith.constant 0 : i32
    %dma_start3A_27 = tpu.memref_slice %arg3[%dma_start3A_25, %dma_start3A_26] : memref<10000x64xf32, #tpu.memory_space<hbm>> -> memref<10000x64xf32, #tpu.memory_space<hbm>>
    tpu.enqueue_indirect_dma source(%dma_start3A_27 : memref<10000x64xf32, #tpu.memory_space<hbm>>) target(%dma_start3A_21 : memref<128x64xf32, #tpu.memory_space<vmem>>) offsets(%dma_start3A_24 : memref<128xi32, #tpu.memory_space<vmem>>) semaphore(%arg7 : memref<!tpu.dma_semaphore, #tpu.memory_space<semaphore_mem>>)
    %dma_start3A_28 = arith.constant 2 : i32
    %dma_start3A_29 = arith.constant 1 : i32
    %dma_start3A_30 = arith.constant 0 : i32
    %dma_start3A_31 = arith.constant 0 : i32
    %dma_start3A_32 = arith.constant 0 : i32
    %dma_start3A_33 = tpu.memref_slice %arg6[%dma_start3A_29, %dma_start3A_30, %dma_start3A_31, %dma_start3A_32] : memref<4x2x128x64xf32, #tpu.memory_space<vmem>> -> memref<1x1x128x64xf32, #tpu.memory_space<vmem>>
    %dma_start3A_34 = tpu.memref_squeeze %dma_start3A_33 : memref<1x1x128x64xf32, #tpu.memory_space<vmem>> -> memref<128x64xf32, #tpu.memory_space<vmem>>
    %dma_start3A_35 = arith.constant 0 : i32
    %dma_start3A_36 = tpu.memref_slice %arg5[%dma_start3A_28, %dma_start3A_35] : memref<32x128xi32, #tpu.memory_space<vmem>> -> memref<1x128xi32, #tpu.memory_space<vmem>>
    %dma_start3A_37 = tpu.memref_squeeze %dma_start3A_36 : memref<1x128xi32, #tpu.memory_space<vmem>> -> memref<128xi32, #tpu.memory_space<vmem>>
    %dma_start3A_38 = arith.constant 0 : i32
    %dma_start3A_39 = arith.constant 0 : i32
    %dma_start3A_40 = tpu.memref_slice %arg3[%dma_start3A_38, %dma_start3A_39] : memref<10000x64xf32, #tpu.memory_space<hbm>> -> memref<10000x64xf32, #tpu.memory_space<hbm>>
    tpu.enqueue_indirect_dma source(%dma_start3A_40 : memref<10000x64xf32, #tpu.memory_space<hbm>>) target(%dma_start3A_34 : memref<128x64xf32, #tpu.memory_space<vmem>>) offsets(%dma_start3A_37 : memref<128xi32, #tpu.memory_space<vmem>>) semaphore(%arg8 : memref<!tpu.dma_semaphore, #tpu.memory_space<semaphore_mem>>)
    %dma_start3A_41 = arith.constant 3 : i32
    %dma_start3A_42 = arith.constant 1 : i32
    %dma_start3A_43 = arith.constant 1 : i32
    %dma_start3A_44 = arith.constant 0 : i32
    %dma_start3A_45 = arith.constant 0 : i32
    %dma_start3A_46 = tpu.memref_slice %arg6[%dma_start3A_42, %dma_start3A_43, %dma_start3A_44, %dma_start3A_45] : memref<4x2x128x64xf32, #tpu.memory_space<vmem>> -> memref<1x1x128x64xf32, #tpu.memory_space<vmem>>
    %dma_start3A_47 = tpu.memref_squeeze %dma_start3A_46 : memref<1x1x128x64xf32, #tpu.memory_space<vmem>> -> memref<128x64xf32, #tpu.memory_space<vmem>>
    %dma_start3A_48 = arith.constant 0 : i32
    %dma_start3A_49 = tpu.memref_slice %arg5[%dma_start3A_41, %dma_start3A_48] : memref<32x128xi32, #tpu.memory_space<vmem>> -> memref<1x128xi32, #tpu.memory_space<vmem>>
    %dma_start3A_50 = tpu.memref_squeeze %dma_start3A_49 : memref<1x128xi32, #tpu.memory_space<vmem>> -> memref<128xi32, #tpu.memory_space<vmem>>
    %dma_start3A_51 = arith.constant 0 : i32
    %dma_start3A_52 = arith.constant 0 : i32
    %dma_start3A_53 = tpu.memref_slice %arg3[%dma_start3A_51, %dma_start3A_52] : memref<10000x64xf32, #tpu.memory_space<hbm>> -> memref<10000x64xf32, #tpu.memory_space<hbm>>
    tpu.enqueue_indirect_dma source(%dma_start3A_53 : memref<10000x64xf32, #tpu.memory_space<hbm>>) target(%dma_start3A_47 : memref<128x64xf32, #tpu.memory_space<vmem>>) offsets(%dma_start3A_50 : memref<128xi32, #tpu.memory_space<vmem>>) semaphore(%arg8 : memref<!tpu.dma_semaphore, #tpu.memory_space<semaphore_mem>>)
    %scan3A = arith.constant 0 : i32
    %scan3A_54 = arith.constant 0 : i32
    %scan3A_55 = arith.constant 4 : i32
    %scan3A_56 = arith.addi %scan3A_54, %scan3A_55 : i32
    %scan3A_57 = arith.constant 1 : i32
    scf.for %scan3A_186 = %scan3A_54 to %scan3A_56 step %scan3A_57  : i32 {
      %mul3A_187 = arith.constant 4 : i32
      %mul3A_188 = arith.muli %mul3A_187, %scan3A_186 : i32
      %add3A_189 = arith.constant 0 : i32
      %add3A_190 = arith.addi %mul3A_188, %add3A_189 : i32
      %dma_wait3A_191 = arith.constant 0 : i32
      %dma_wait3A_192 = arith.constant 0 : i32
      %dma_wait3A_193 = arith.constant 0 : i32
      %dma_wait3A_194 = arith.constant 0 : i32
      %dma_wait3A_195 = tpu.memref_slice %arg6[%dma_wait3A_191, %dma_wait3A_192, %dma_wait3A_193, %dma_wait3A_194] : memref<4x2x128x64xf32, #tpu.memory_space<vmem>> -> memref<1x1x128x64xf32, #tpu.memory_space<vmem>>
      %dma_wait3A_196 = tpu.memref_squeeze %dma_wait3A_195 : memref<1x1x128x64xf32, #tpu.memory_space<vmem>> -> memref<128x64xf32, #tpu.memory_space<vmem>>
      %dma_wait3A_197 = arith.constant 0 : i32
      %dma_wait3A_198 = arith.constant 0 : i32
      %dma_wait3A_199 = tpu.memref_slice %arg3[%dma_wait3A_197, %dma_wait3A_198] : memref<10000x64xf32, #tpu.memory_space<hbm>> -> memref<128x64xf32, #tpu.memory_space<hbm>>
      %dma_wait3A_200 = arith.constant 0 : i32
      %dma_wait3A_201 = arith.constant 0 : i32
      %dma_wait3A_202 = tpu.memref_slice %arg6[%dma_wait3A_191, %dma_wait3A_192, %dma_wait3A_200, %dma_wait3A_201] : memref<4x2x128x64xf32, #tpu.memory_space<vmem>> -> memref<1x1x128x64xf32, #tpu.memory_space<vmem>>
      %dma_wait3A_203 = tpu.memref_squeeze %dma_wait3A_202 : memref<1x1x128x64xf32, #tpu.memory_space<vmem>> -> memref<128x64xf32, #tpu.memory_space<vmem>>
      %dma_wait3A_204 = arith.constant 0 : i32
      %dma_wait3A_205 = arith.constant 0 : i32
      %dma_wait3A_206 = tpu.memref_slice %arg3[%dma_wait3A_204, %dma_wait3A_205] : memref<10000x64xf32, #tpu.memory_space<hbm>> -> memref<128x64xf32, #tpu.memory_space<hbm>>
      tpu.wait_dma2 semaphore(%arg7 : memref<!tpu.dma_semaphore, #tpu.memory_space<semaphore_mem>>) src(%dma_wait3A_206 : memref<128x64xf32, #tpu.memory_space<hbm>>) dst(%dma_wait3A_203 : memref<128x64xf32, #tpu.memory_space<vmem>>)
      %dma_wait3A_207 = arith.constant 0 : i32
      %dma_wait3A_208 = arith.constant 1 : i32
      %dma_wait3A_209 = arith.constant 0 : i32
      %dma_wait3A_210 = arith.constant 0 : i32
      %dma_wait3A_211 = tpu.memref_slice %arg6[%dma_wait3A_207, %dma_wait3A_208, %dma_wait3A_209, %dma_wait3A_210] : memref<4x2x128x64xf32, #tpu.memory_space<vmem>> -> memref<1x1x128x64xf32, #tpu.memory_space<vmem>>
      %dma_wait3A_212 = tpu.memref_squeeze %dma_wait3A_211 : memref<1x1x128x64xf32, #tpu.memory_space<vmem>> -> memref<128x64xf32, #tpu.memory_space<vmem>>
      %dma_wait3A_213 = arith.constant 0 : i32
      %dma_wait3A_214 = arith.constant 0 : i32
      %dma_wait3A_215 = tpu.memref_slice %arg3[%dma_wait3A_213, %dma_wait3A_214] : memref<10000x64xf32, #tpu.memory_space<hbm>> -> memref<128x64xf32, #tpu.memory_space<hbm>>
      %dma_wait3A_216 = arith.constant 0 : i32
      %dma_wait3A_217 = arith.constant 0 : i32
      %dma_wait3A_218 = tpu.memref_slice %arg6[%dma_wait3A_207, %dma_wait3A_208, %dma_wait3A_216, %dma_wait3A_217] : memref<4x2x128x64xf32, #tpu.memory_space<vmem>> -> memref<1x1x128x64xf32, #tpu.memory_space<vmem>>
      %dma_wait3A_219 = tpu.memref_squeeze %dma_wait3A_218 : memref<1x1x128x64xf32, #tpu.memory_space<vmem>> -> memref<128x64xf32, #tpu.memory_space<vmem>>
      %dma_wait3A_220 = arith.constant 0 : i32
      %dma_wait3A_221 = arith.constant 0 : i32
      %dma_wait3A_222 = tpu.memref_slice %arg3[%dma_wait3A_220, %dma_wait3A_221] : memref<10000x64xf32, #tpu.memory_space<hbm>> -> memref<128x64xf32, #tpu.memory_space<hbm>>
      tpu.wait_dma2 semaphore(%arg7 : memref<!tpu.dma_semaphore, #tpu.memory_space<semaphore_mem>>) src(%dma_wait3A_222 : memref<128x64xf32, #tpu.memory_space<hbm>>) dst(%dma_wait3A_219 : memref<128x64xf32, #tpu.memory_space<vmem>>)
      %mul3A_223 = arith.constant 2 : i32
      %mul3A_224 = arith.muli %add3A_190, %mul3A_223 : i32
      %add3A_225 = arith.constant 0 : i32
      %add3A_226 = arith.addi %mul3A_224, %add3A_225 : i32
      %add3A_227 = arith.addi %mul3A_2, %add3A_226 : i32
      %mul3A_228 = arith.constant 128 : i32
      %mul3A_229 = arith.muli %add3A_227, %mul3A_228 : i32
      %dma_start3A_230 = arith.constant 0 : i32
      %dma_start3A_231 = arith.constant 0 : i32
      %dma_start3A_232 = arith.constant 0 : i32
      %dma_start3A_233 = arith.constant 0 : i32
      %dma_start3A_234 = tpu.memref_slice %arg6[%dma_start3A_230, %dma_start3A_231, %dma_start3A_232, %dma_start3A_233] : memref<4x2x128x64xf32, #tpu.memory_space<vmem>> -> memref<1x1x128x64xf32, #tpu.memory_space<vmem>>
      %dma_start3A_235 = tpu.memref_squeeze %dma_start3A_234 : memref<1x1x128x64xf32, #tpu.memory_space<vmem>> -> memref<128x64xf32, #tpu.memory_space<vmem>>
      %dma_start3A_236 = arith.constant 0 : i32
      %dma_start3A_237 = tpu.memref_slice %arg4[%mul3A_229, %dma_start3A_236] : memref<131072x64xf32, #tpu.memory_space<hbm>> -> memref<128x64xf32, #tpu.memory_space<hbm>>
      %dma_start3A_238 = arith.constant 0 : i32
      %dma_start3A_239 = tpu.memref_slice %arg4[%mul3A_229, %dma_start3A_238] : memref<131072x64xf32, #tpu.memory_space<hbm>> -> memref<128x64xf32, #tpu.memory_space<hbm>>
      %dma_start3A_240 = arith.constant 0 : i32
      %dma_start3A_241 = arith.constant 0 : i32
      %dma_start3A_242 = tpu.memref_slice %arg6[%dma_start3A_230, %dma_start3A_231, %dma_start3A_240, %dma_start3A_241] : memref<4x2x128x64xf32, #tpu.memory_space<vmem>> -> memref<1x1x128x64xf32, #tpu.memory_space<vmem>>
      %dma_start3A_243 = tpu.memref_squeeze %dma_start3A_242 : memref<1x1x128x64xf32, #tpu.memory_space<vmem>> -> memref<128x64xf32, #tpu.memory_space<vmem>>
      tpu.enqueue_dma source(%dma_start3A_243 : memref<128x64xf32, #tpu.memory_space<vmem>>) target(%dma_start3A_239 : memref<128x64xf32, #tpu.memory_space<hbm>>) target_semaphore(%arg11 : memref<!tpu.dma_semaphore, #tpu.memory_space<semaphore_mem>>)
      %mul3A_244 = arith.constant 2 : i32
      %mul3A_245 = arith.muli %add3A_190, %mul3A_244 : i32
      %add3A_246 = arith.constant 1 : i32
      %add3A_247 = arith.addi %mul3A_245, %add3A_246 : i32
      %add3A_248 = arith.addi %mul3A_2, %add3A_247 : i32
      %mul3A_249 = arith.constant 128 : i32
      %mul3A_250 = arith.muli %add3A_248, %mul3A_249 : i32
      %dma_start3A_251 = arith.constant 0 : i32
      %dma_start3A_252 = arith.constant 1 : i32
      %dma_start3A_253 = arith.constant 0 : i32
      %dma_start3A_254 = arith.constant 0 : i32
      %dma_start3A_255 = tpu.memref_slice %arg6[%dma_start3A_251, %dma_start3A_252, %dma_start3A_253, %dma_start3A_254] : memref<4x2x128x64xf32, #tpu.memory_space<vmem>> -> memref<1x1x128x64xf32, #tpu.memory_space<vmem>>
      %dma_start3A_256 = tpu.memref_squeeze %dma_start3A_255 : memref<1x1x128x64xf32, #tpu.memory_space<vmem>> -> memref<128x64xf32, #tpu.memory_space<vmem>>
      %dma_start3A_257 = arith.constant 0 : i32
      %dma_start3A_258 = tpu.memref_slice %arg4[%mul3A_250, %dma_start3A_257] : memref<131072x64xf32, #tpu.memory_space<hbm>> -> memref<128x64xf32, #tpu.memory_space<hbm>>
      %dma_start3A_259 = arith.constant 0 : i32
      %dma_start3A_260 = tpu.memref_slice %arg4[%mul3A_250, %dma_start3A_259] : memref<131072x64xf32, #tpu.memory_space<hbm>> -> memref<128x64xf32, #tpu.memory_space<hbm>>
      %dma_start3A_261 = arith.constant 0 : i32
      %dma_start3A_262 = arith.constant 0 : i32
      %dma_start3A_263 = tpu.memref_slice %arg6[%dma_start3A_251, %dma_start3A_252, %dma_start3A_261, %dma_start3A_262] : memref<4x2x128x64xf32, #tpu.memory_space<vmem>> -> memref<1x1x128x64xf32, #tpu.memory_space<vmem>>
      %dma_start3A_264 = tpu.memref_squeeze %dma_start3A_263 : memref<1x1x128x64xf32, #tpu.memory_space<vmem>> -> memref<128x64xf32, #tpu.memory_space<vmem>>
      tpu.enqueue_dma source(%dma_start3A_264 : memref<128x64xf32, #tpu.memory_space<vmem>>) target(%dma_start3A_260 : memref<128x64xf32, #tpu.memory_space<hbm>>) target_semaphore(%arg11 : memref<!tpu.dma_semaphore, #tpu.memory_space<semaphore_mem>>)
      %ge3A = arith.constant 2 : i32
      %ge3A_265 = arith.cmpi sge, %add3A_190, %ge3A : i32
      %add3A_266 = arith.constant 2 : i32
      %add3A_267 = arith.addi %add3A_190, %add3A_266 : i32
      %lt3A = arith.constant 16 : i32
      %lt3A_268 = arith.cmpi slt, %add3A_267, %lt3A : i32
      %and3A = arith.andi %ge3A_265, %lt3A_268 : i1
      %convert_element_type3A = arith.extui %and3A : i1 to i32
      %cond3A = arith.constant 0 : i32
      %cond3A_269 = arith.cmpi ne, %convert_element_type3A, %cond3A : i32
      scf.if %cond3A_269 {
        %dma_wait3A_562 = arith.constant 2 : i32
        %dma_wait3A_563 = arith.constant 0 : i32
        %dma_wait3A_564 = arith.constant 0 : i32
        %dma_wait3A_565 = arith.constant 0 : i32
        %dma_wait3A_566 = tpu.memref_slice %arg6[%dma_wait3A_562, %dma_wait3A_563, %dma_wait3A_564, %dma_wait3A_565] : memref<4x2x128x64xf32, #tpu.memory_space<vmem>> -> memref<1x1x128x64xf32, #tpu.memory_space<vmem>>
        %dma_wait3A_567 = tpu.memref_squeeze %dma_wait3A_566 : memref<1x1x128x64xf32, #tpu.memory_space<vmem>> -> memref<128x64xf32, #tpu.memory_space<vmem>>
        %dma_wait3A_568 = arith.constant 0 : i32
        %dma_wait3A_569 = arith.constant 0 : i32
        %dma_wait3A_570 = tpu.memref_slice %arg4[%dma_wait3A_568, %dma_wait3A_569] : memref<131072x64xf32, #tpu.memory_space<hbm>> -> memref<128x64xf32, #tpu.memory_space<hbm>>
        %dma_wait3A_571 = arith.constant 0 : i32
        %dma_wait3A_572 = arith.constant 0 : i32
        %dma_wait3A_573 = tpu.memref_slice %arg4[%dma_wait3A_571, %dma_wait3A_572] : memref<131072x64xf32, #tpu.memory_space<hbm>> -> memref<128x64xf32, #tpu.memory_space<hbm>>
        %dma_wait3A_574 = arith.constant 0 : i32
        %dma_wait3A_575 = arith.constant 0 : i32
        %dma_wait3A_576 = tpu.memref_slice %arg6[%dma_wait3A_562, %dma_wait3A_563, %dma_wait3A_574, %dma_wait3A_575] : memref<4x2x128x64xf32, #tpu.memory_space<vmem>> -> memref<1x1x128x64xf32, #tpu.memory_space<vmem>>
        %dma_wait3A_577 = tpu.memref_squeeze %dma_wait3A_576 : memref<1x1x128x64xf32, #tpu.memory_space<vmem>> -> memref<128x64xf32, #tpu.memory_space<vmem>>
        tpu.wait_dma2 semaphore(%arg13 : memref<!tpu.dma_semaphore, #tpu.memory_space<semaphore_mem>>) src(%dma_wait3A_577 : memref<128x64xf32, #tpu.memory_space<vmem>>) dst(%dma_wait3A_573 : memref<128x64xf32, #tpu.memory_space<hbm>>)
        %dma_wait3A_578 = arith.constant 2 : i32
        %dma_wait3A_579 = arith.constant 1 : i32
        %dma_wait3A_580 = arith.constant 0 : i32
        %dma_wait3A_581 = arith.constant 0 : i32
        %dma_wait3A_582 = tpu.memref_slice %arg6[%dma_wait3A_578, %dma_wait3A_579, %dma_wait3A_580, %dma_wait3A_581] : memref<4x2x128x64xf32, #tpu.memory_space<vmem>> -> memref<1x1x128x64xf32, #tpu.memory_space<vmem>>
        %dma_wait3A_583 = tpu.memref_squeeze %dma_wait3A_582 : memref<1x1x128x64xf32, #tpu.memory_space<vmem>> -> memref<128x64xf32, #tpu.memory_space<vmem>>
        %dma_wait3A_584 = arith.constant 0 : i32
        %dma_wait3A_585 = arith.constant 0 : i32
        %dma_wait3A_586 = tpu.memref_slice %arg4[%dma_wait3A_584, %dma_wait3A_585] : memref<131072x64xf32, #tpu.memory_space<hbm>> -> memref<128x64xf32, #tpu.memory_space<hbm>>
        %dma_wait3A_587 = arith.constant 0 : i32
        %dma_wait3A_588 = arith.constant 0 : i32
        %dma_wait3A_589 = tpu.memref_slice %arg4[%dma_wait3A_587, %dma_wait3A_588] : memref<131072x64xf32, #tpu.memory_space<hbm>> -> memref<128x64xf32, #tpu.memory_space<hbm>>
        %dma_wait3A_590 = arith.constant 0 : i32
        %dma_wait3A_591 = arith.constant 0 : i32
        %dma_wait3A_592 = tpu.memref_slice %arg6[%dma_wait3A_578, %dma_wait3A_579, %dma_wait3A_590, %dma_wait3A_591] : memref<4x2x128x64xf32, #tpu.memory_space<vmem>> -> memref<1x1x128x64xf32, #tpu.memory_space<vmem>>
        %dma_wait3A_593 = tpu.memref_squeeze %dma_wait3A_592 : memref<1x1x128x64xf32, #tpu.memory_space<vmem>> -> memref<128x64xf32, #tpu.memory_space<vmem>>
        tpu.wait_dma2 semaphore(%arg13 : memref<!tpu.dma_semaphore, #tpu.memory_space<semaphore_mem>>) src(%dma_wait3A_593 : memref<128x64xf32, #tpu.memory_space<vmem>>) dst(%dma_wait3A_589 : memref<128x64xf32, #tpu.memory_space<hbm>>)
      } else {
      }
      %add3A_270 = arith.constant 2 : i32
      %add3A_271 = arith.addi %add3A_190, %add3A_270 : i32
      %lt3A_272 = arith.constant 16 : i32
      %lt3A_273 = arith.cmpi slt, %add3A_271, %lt3A_272 : i32
      %convert_element_type3A_274 = arith.extui %lt3A_273 : i1 to i32
      %cond3A_275 = arith.constant 0 : i32
      %cond3A_276 = arith.cmpi ne, %convert_element_type3A_274, %cond3A_275 : i32
      scf.if %cond3A_276 {
        %add3A_562 = arith.constant 2 : i32
        %add3A_563 = arith.addi %add3A_190, %add3A_562 : i32
        %mul3A_564 = arith.constant 2 : i32
        %mul3A_565 = arith.muli %add3A_563, %mul3A_564 : i32
        %add3A_566 = arith.constant 0 : i32
        %add3A_567 = arith.addi %mul3A_565, %add3A_566 : i32
        %dma_start3A_568 = arith.constant 2 : i32
        %dma_start3A_569 = arith.constant 0 : i32
        %dma_start3A_570 = arith.constant 0 : i32
        %dma_start3A_571 = arith.constant 0 : i32
        %dma_start3A_572 = tpu.memref_slice %arg6[%dma_start3A_568, %dma_start3A_569, %dma_start3A_570, %dma_start3A_571] : memref<4x2x128x64xf32, #tpu.memory_space<vmem>> -> memref<1x1x128x64xf32, #tpu.memory_space<vmem>>
        %dma_start3A_573 = tpu.memref_squeeze %dma_start3A_572 : memref<1x1x128x64xf32, #tpu.memory_space<vmem>> -> memref<128x64xf32, #tpu.memory_space<vmem>>
        %dma_start3A_574 = arith.constant 0 : i32
        %dma_start3A_575 = tpu.memref_slice %arg5[%add3A_567, %dma_start3A_574] : memref<32x128xi32, #tpu.memory_space<vmem>> -> memref<1x128xi32, #tpu.memory_space<vmem>>
        %dma_start3A_576 = tpu.memref_squeeze %dma_start3A_575 : memref<1x128xi32, #tpu.memory_space<vmem>> -> memref<128xi32, #tpu.memory_space<vmem>>
        %dma_start3A_577 = arith.constant 0 : i32
        %dma_start3A_578 = arith.constant 0 : i32
        %dma_start3A_579 = tpu.memref_slice %arg3[%dma_start3A_577, %dma_start3A_578] : memref<10000x64xf32, #tpu.memory_space<hbm>> -> memref<10000x64xf32, #tpu.memory_space<hbm>>
        tpu.enqueue_indirect_dma source(%dma_start3A_579 : memref<10000x64xf32, #tpu.memory_space<hbm>>) target(%dma_start3A_573 : memref<128x64xf32, #tpu.memory_space<vmem>>) offsets(%dma_start3A_576 : memref<128xi32, #tpu.memory_space<vmem>>) semaphore(%arg9 : memref<!tpu.dma_semaphore, #tpu.memory_space<semaphore_mem>>)
        %mul3A_580 = arith.constant 2 : i32
        %mul3A_581 = arith.muli %add3A_563, %mul3A_580 : i32
        %add3A_582 = arith.constant 1 : i32
        %add3A_583 = arith.addi %mul3A_581, %add3A_582 : i32
        %dma_start3A_584 = arith.constant 2 : i32
        %dma_start3A_585 = arith.constant 1 : i32
        %dma_start3A_586 = arith.constant 0 : i32
        %dma_start3A_587 = arith.constant 0 : i32
        %dma_start3A_588 = tpu.memref_slice %arg6[%dma_start3A_584, %dma_start3A_585, %dma_start3A_586, %dma_start3A_587] : memref<4x2x128x64xf32, #tpu.memory_space<vmem>> -> memref<1x1x128x64xf32, #tpu.memory_space<vmem>>
        %dma_start3A_589 = tpu.memref_squeeze %dma_start3A_588 : memref<1x1x128x64xf32, #tpu.memory_space<vmem>> -> memref<128x64xf32, #tpu.memory_space<vmem>>
        %dma_start3A_590 = arith.constant 0 : i32
        %dma_start3A_591 = tpu.memref_slice %arg5[%add3A_583, %dma_start3A_590] : memref<32x128xi32, #tpu.memory_space<vmem>> -> memref<1x128xi32, #tpu.memory_space<vmem>>
        %dma_start3A_592 = tpu.memref_squeeze %dma_start3A_591 : memref<1x128xi32, #tpu.memory_space<vmem>> -> memref<128xi32, #tpu.memory_space<vmem>>
        %dma_start3A_593 = arith.constant 0 : i32
        %dma_start3A_594 = arith.constant 0 : i32
        %dma_start3A_595 = tpu.memref_slice %arg3[%dma_start3A_593, %dma_start3A_594] : memref<10000x64xf32, #tpu.memory_space<hbm>> -> memref<10000x64xf32, #tpu.memory_space<hbm>>
        tpu.enqueue_indirect_dma source(%dma_start3A_595 : memref<10000x64xf32, #tpu.memory_space<hbm>>) target(%dma_start3A_589 : memref<128x64xf32, #tpu.memory_space<vmem>>) offsets(%dma_start3A_592 : memref<128xi32, #tpu.memory_space<vmem>>) semaphore(%arg9 : memref<!tpu.dma_semaphore, #tpu.memory_space<semaphore_mem>>)
      } else {
      }
      %mul3A_277 = arith.constant 4 : i32
      %mul3A_278 = arith.muli %mul3A_277, %scan3A_186 : i32
      %add3A_279 = arith.constant 1 : i32
      %add3A_280 = arith.addi %mul3A_278, %add3A_279 : i32
      %dma_wait3A_281 = arith.constant 1 : i32
      %dma_wait3A_282 = arith.constant 0 : i32
      %dma_wait3A_283 = arith.constant 0 : i32
      %dma_wait3A_284 = arith.constant 0 : i32
      %dma_wait3A_285 = tpu.memref_slice %arg6[%dma_wait3A_281, %dma_wait3A_282, %dma_wait3A_283, %dma_wait3A_284] : memref<4x2x128x64xf32, #tpu.memory_space<vmem>> -> memref<1x1x128x64xf32, #tpu.memory_space<vmem>>
      %dma_wait3A_286 = tpu.memref_squeeze %dma_wait3A_285 : memref<1x1x128x64xf32, #tpu.memory_space<vmem>> -> memref<128x64xf32, #tpu.memory_space<vmem>>
      %dma_wait3A_287 = arith.constant 0 : i32
      %dma_wait3A_288 = arith.constant 0 : i32
      %dma_wait3A_289 = tpu.memref_slice %arg3[%dma_wait3A_287, %dma_wait3A_288] : memref<10000x64xf32, #tpu.memory_space<hbm>> -> memref<128x64xf32, #tpu.memory_space<hbm>>
      %dma_wait3A_290 = arith.constant 0 : i32
      %dma_wait3A_291 = arith.constant 0 : i32
      %dma_wait3A_292 = tpu.memref_slice %arg6[%dma_wait3A_281, %dma_wait3A_282, %dma_wait3A_290, %dma_wait3A_291] : memref<4x2x128x64xf32, #tpu.memory_space<vmem>> -> memref<1x1x128x64xf32, #tpu.memory_space<vmem>>
      %dma_wait3A_293 = tpu.memref_squeeze %dma_wait3A_292 : memref<1x1x128x64xf32, #tpu.memory_space<vmem>> -> memref<128x64xf32, #tpu.memory_space<vmem>>
      %dma_wait3A_294 = arith.constant 0 : i32
      %dma_wait3A_295 = arith.constant 0 : i32
      %dma_wait3A_296 = tpu.memref_slice %arg3[%dma_wait3A_294, %dma_wait3A_295] : memref<10000x64xf32, #tpu.memory_space<hbm>> -> memref<128x64xf32, #tpu.memory_space<hbm>>
      tpu.wait_dma2 semaphore(%arg8 : memref<!tpu.dma_semaphore, #tpu.memory_space<semaphore_mem>>) src(%dma_wait3A_296 : memref<128x64xf32, #tpu.memory_space<hbm>>) dst(%dma_wait3A_293 : memref<128x64xf32, #tpu.memory_space<vmem>>)
      %dma_wait3A_297 = arith.constant 1 : i32
      %dma_wait3A_298 = arith.constant 1 : i32
      %dma_wait3A_299 = arith.constant 0 : i32
      %dma_wait3A_300 = arith.constant 0 : i32
      %dma_wait3A_301 = tpu.memref_slice %arg6[%dma_wait3A_297, %dma_wait3A_298, %dma_wait3A_299, %dma_wait3A_300] : memref<4x2x128x64xf32, #tpu.memory_space<vmem>> -> memref<1x1x128x64xf32, #tpu.memory_space<vmem>>
      %dma_wait3A_302 = tpu.memref_squeeze %dma_wait3A_301 : memref<1x1x128x64xf32, #tpu.memory_space<vmem>> -> memref<128x64xf32, #tpu.memory_space<vmem>>
      %dma_wait3A_303 = arith.constant 0 : i32
      %dma_wait3A_304 = arith.constant 0 : i32
      %dma_wait3A_305 = tpu.memref_slice %arg3[%dma_wait3A_303, %dma_wait3A_304] : memref<10000x64xf32, #tpu.memory_space<hbm>> -> memref<128x64xf32, #tpu.memory_space<hbm>>
      %dma_wait3A_306 = arith.constant 0 : i32
      %dma_wait3A_307 = arith.constant 0 : i32
      %dma_wait3A_308 = tpu.memref_slice %arg6[%dma_wait3A_297, %dma_wait3A_298, %dma_wait3A_306, %dma_wait3A_307] : memref<4x2x128x64xf32, #tpu.memory_space<vmem>> -> memref<1x1x128x64xf32, #tpu.memory_space<vmem>>
      %dma_wait3A_309 = tpu.memref_squeeze %dma_wait3A_308 : memref<1x1x128x64xf32, #tpu.memory_space<vmem>> -> memref<128x64xf32, #tpu.memory_space<vmem>>
      %dma_wait3A_310 = arith.constant 0 : i32
      %dma_wait3A_311 = arith.constant 0 : i32
      %dma_wait3A_312 = tpu.memref_slice %arg3[%dma_wait3A_310, %dma_wait3A_311] : memref<10000x64xf32, #tpu.memory_space<hbm>> -> memref<128x64xf32, #tpu.memory_space<hbm>>
      tpu.wait_dma2 semaphore(%arg8 : memref<!tpu.dma_semaphore, #tpu.memory_space<semaphore_mem>>) src(%dma_wait3A_312 : memref<128x64xf32, #tpu.memory_space<hbm>>) dst(%dma_wait3A_309 : memref<128x64xf32, #tpu.memory_space<vmem>>)
      %mul3A_313 = arith.constant 2 : i32
      %mul3A_314 = arith.muli %add3A_280, %mul3A_313 : i32
      %add3A_315 = arith.constant 0 : i32
      %add3A_316 = arith.addi %mul3A_314, %add3A_315 : i32
      %add3A_317 = arith.addi %mul3A_2, %add3A_316 : i32
      %mul3A_318 = arith.constant 128 : i32
      %mul3A_319 = arith.muli %add3A_317, %mul3A_318 : i32
      %dma_start3A_320 = arith.constant 1 : i32
      %dma_start3A_321 = arith.constant 0 : i32
      %dma_start3A_322 = arith.constant 0 : i32
      %dma_start3A_323 = arith.constant 0 : i32
      %dma_start3A_324 = tpu.memref_slice %arg6[%dma_start3A_320, %dma_start3A_321, %dma_start3A_322, %dma_start3A_323] : memref<4x2x128x64xf32, #tpu.memory_space<vmem>> -> memref<1x1x128x64xf32, #tpu.memory_space<vmem>>
      %dma_start3A_325 = tpu.memref_squeeze %dma_start3A_324 : memref<1x1x128x64xf32, #tpu.memory_space<vmem>> -> memref<128x64xf32, #tpu.memory_space<vmem>>
      %dma_start3A_326 = arith.constant 0 : i32
      %dma_start3A_327 = tpu.memref_slice %arg4[%mul3A_319, %dma_start3A_326] : memref<131072x64xf32, #tpu.memory_space<hbm>> -> memref<128x64xf32, #tpu.memory_space<hbm>>
      %dma_start3A_328 = arith.constant 0 : i32
      %dma_start3A_329 = tpu.memref_slice %arg4[%mul3A_319, %dma_start3A_328] : memref<131072x64xf32, #tpu.memory_space<hbm>> -> memref<128x64xf32, #tpu.memory_space<hbm>>
      %dma_start3A_330 = arith.constant 0 : i32
      %dma_start3A_331 = arith.constant 0 : i32
      %dma_start3A_332 = tpu.memref_slice %arg6[%dma_start3A_320, %dma_start3A_321, %dma_start3A_330, %dma_start3A_331] : memref<4x2x128x64xf32, #tpu.memory_space<vmem>> -> memref<1x1x128x64xf32, #tpu.memory_space<vmem>>
      %dma_start3A_333 = tpu.memref_squeeze %dma_start3A_332 : memref<1x1x128x64xf32, #tpu.memory_space<vmem>> -> memref<128x64xf32, #tpu.memory_space<vmem>>
      tpu.enqueue_dma source(%dma_start3A_333 : memref<128x64xf32, #tpu.memory_space<vmem>>) target(%dma_start3A_329 : memref<128x64xf32, #tpu.memory_space<hbm>>) target_semaphore(%arg12 : memref<!tpu.dma_semaphore, #tpu.memory_space<semaphore_mem>>)
      %mul3A_334 = arith.constant 2 : i32
      %mul3A_335 = arith.muli %add3A_280, %mul3A_334 : i32
      %add3A_336 = arith.constant 1 : i32
      %add3A_337 = arith.addi %mul3A_335, %add3A_336 : i32
      %add3A_338 = arith.addi %mul3A_2, %add3A_337 : i32
      %mul3A_339 = arith.constant 128 : i32
      %mul3A_340 = arith.muli %add3A_338, %mul3A_339 : i32
      %dma_start3A_341 = arith.constant 1 : i32
      %dma_start3A_342 = arith.constant 1 : i32
      %dma_start3A_343 = arith.constant 0 : i32
      %dma_start3A_344 = arith.constant 0 : i32
      %dma_start3A_345 = tpu.memref_slice %arg6[%dma_start3A_341, %dma_start3A_342, %dma_start3A_343, %dma_start3A_344] : memref<4x2x128x64xf32, #tpu.memory_space<vmem>> -> memref<1x1x128x64xf32, #tpu.memory_space<vmem>>
      %dma_start3A_346 = tpu.memref_squeeze %dma_start3A_345 : memref<1x1x128x64xf32, #tpu.memory_space<vmem>> -> memref<128x64xf32, #tpu.memory_space<vmem>>
      %dma_start3A_347 = arith.constant 0 : i32
      %dma_start3A_348 = tpu.memref_slice %arg4[%mul3A_340, %dma_start3A_347] : memref<131072x64xf32, #tpu.memory_space<hbm>> -> memref<128x64xf32, #tpu.memory_space<hbm>>
      %dma_start3A_349 = arith.constant 0 : i32
      %dma_start3A_350 = tpu.memref_slice %arg4[%mul3A_340, %dma_start3A_349] : memref<131072x64xf32, #tpu.memory_space<hbm>> -> memref<128x64xf32, #tpu.memory_space<hbm>>
      %dma_start3A_351 = arith.constant 0 : i32
      %dma_start3A_352 = arith.constant 0 : i32
      %dma_start3A_353 = tpu.memref_slice %arg6[%dma_start3A_341, %dma_start3A_342, %dma_start3A_351, %dma_start3A_352] : memref<4x2x128x64xf32, #tpu.memory_space<vmem>> -> memref<1x1x128x64xf32, #tpu.memory_space<vmem>>
      %dma_start3A_354 = tpu.memref_squeeze %dma_start3A_353 : memref<1x1x128x64xf32, #tpu.memory_space<vmem>> -> memref<128x64xf32, #tpu.memory_space<vmem>>
      tpu.enqueue_dma source(%dma_start3A_354 : memref<128x64xf32, #tpu.memory_space<vmem>>) target(%dma_start3A_350 : memref<128x64xf32, #tpu.memory_space<hbm>>) target_semaphore(%arg12 : memref<!tpu.dma_semaphore, #tpu.memory_space<semaphore_mem>>)
      %ge3A_355 = arith.constant 2 : i32
      %ge3A_356 = arith.cmpi sge, %add3A_280, %ge3A_355 : i32
      %add3A_357 = arith.constant 2 : i32
      %add3A_358 = arith.addi %add3A_280, %add3A_357 : i32
      %lt3A_359 = arith.constant 16 : i32
      %lt3A_360 = arith.cmpi slt, %add3A_358, %lt3A_359 : i32
      %and3A_361 = arith.andi %ge3A_356, %lt3A_360 : i1
      %convert_element_type3A_362 = arith.extui %and3A_361 : i1 to i32
      %cond3A_363 = arith.constant 0 : i32
      %cond3A_364 = arith.cmpi ne, %convert_element_type3A_362, %cond3A_363 : i32
      scf.if %cond3A_364 {
        %dma_wait3A_562 = arith.constant 3 : i32
        %dma_wait3A_563 = arith.constant 0 : i32
        %dma_wait3A_564 = arith.constant 0 : i32
        %dma_wait3A_565 = arith.constant 0 : i32
        %dma_wait3A_566 = tpu.memref_slice %arg6[%dma_wait3A_562, %dma_wait3A_563, %dma_wait3A_564, %dma_wait3A_565] : memref<4x2x128x64xf32, #tpu.memory_space<vmem>> -> memref<1x1x128x64xf32, #tpu.memory_space<vmem>>
        %dma_wait3A_567 = tpu.memref_squeeze %dma_wait3A_566 : memref<1x1x128x64xf32, #tpu.memory_space<vmem>> -> memref<128x64xf32, #tpu.memory_space<vmem>>
        %dma_wait3A_568 = arith.constant 0 : i32
        %dma_wait3A_569 = arith.constant 0 : i32
        %dma_wait3A_570 = tpu.memref_slice %arg4[%dma_wait3A_568, %dma_wait3A_569] : memref<131072x64xf32, #tpu.memory_space<hbm>> -> memref<128x64xf32, #tpu.memory_space<hbm>>
        %dma_wait3A_571 = arith.constant 0 : i32
        %dma_wait3A_572 = arith.constant 0 : i32
        %dma_wait3A_573 = tpu.memref_slice %arg4[%dma_wait3A_571, %dma_wait3A_572] : memref<131072x64xf32, #tpu.memory_space<hbm>> -> memref<128x64xf32, #tpu.memory_space<hbm>>
        %dma_wait3A_574 = arith.constant 0 : i32
        %dma_wait3A_575 = arith.constant 0 : i32
        %dma_wait3A_576 = tpu.memref_slice %arg6[%dma_wait3A_562, %dma_wait3A_563, %dma_wait3A_574, %dma_wait3A_575] : memref<4x2x128x64xf32, #tpu.memory_space<vmem>> -> memref<1x1x128x64xf32, #tpu.memory_space<vmem>>
        %dma_wait3A_577 = tpu.memref_squeeze %dma_wait3A_576 : memref<1x1x128x64xf32, #tpu.memory_space<vmem>> -> memref<128x64xf32, #tpu.memory_space<vmem>>
        tpu.wait_dma2 semaphore(%arg14 : memref<!tpu.dma_semaphore, #tpu.memory_space<semaphore_mem>>) src(%dma_wait3A_577 : memref<128x64xf32, #tpu.memory_space<vmem>>) dst(%dma_wait3A_573 : memref<128x64xf32, #tpu.memory_space<hbm>>)
        %dma_wait3A_578 = arith.constant 3 : i32
        %dma_wait3A_579 = arith.constant 1 : i32
        %dma_wait3A_580 = arith.constant 0 : i32
        %dma_wait3A_581 = arith.constant 0 : i32
        %dma_wait3A_582 = tpu.memref_slice %arg6[%dma_wait3A_578, %dma_wait3A_579, %dma_wait3A_580, %dma_wait3A_581] : memref<4x2x128x64xf32, #tpu.memory_space<vmem>> -> memref<1x1x128x64xf32, #tpu.memory_space<vmem>>
        %dma_wait3A_583 = tpu.memref_squeeze %dma_wait3A_582 : memref<1x1x128x64xf32, #tpu.memory_space<vmem>> -> memref<128x64xf32, #tpu.memory_space<vmem>>
        %dma_wait3A_584 = arith.constant 0 : i32
        %dma_wait3A_585 = arith.constant 0 : i32
        %dma_wait3A_586 = tpu.memref_slice %arg4[%dma_wait3A_584, %dma_wait3A_585] : memref<131072x64xf32, #tpu.memory_space<hbm>> -> memref<128x64xf32, #tpu.memory_space<hbm>>
        %dma_wait3A_587 = arith.constant 0 : i32
        %dma_wait3A_588 = arith.constant 0 : i32
        %dma_wait3A_589 = tpu.memref_slice %arg4[%dma_wait3A_587, %dma_wait3A_588] : memref<131072x64xf32, #tpu.memory_space<hbm>> -> memref<128x64xf32, #tpu.memory_space<hbm>>
        %dma_wait3A_590 = arith.constant 0 : i32
        %dma_wait3A_591 = arith.constant 0 : i32
        %dma_wait3A_592 = tpu.memref_slice %arg6[%dma_wait3A_578, %dma_wait3A_579, %dma_wait3A_590, %dma_wait3A_591] : memref<4x2x128x64xf32, #tpu.memory_space<vmem>> -> memref<1x1x128x64xf32, #tpu.memory_space<vmem>>
        %dma_wait3A_593 = tpu.memref_squeeze %dma_wait3A_592 : memref<1x1x128x64xf32, #tpu.memory_space<vmem>> -> memref<128x64xf32, #tpu.memory_space<vmem>>
        tpu.wait_dma2 semaphore(%arg14 : memref<!tpu.dma_semaphore, #tpu.memory_space<semaphore_mem>>) src(%dma_wait3A_593 : memref<128x64xf32, #tpu.memory_space<vmem>>) dst(%dma_wait3A_589 : memref<128x64xf32, #tpu.memory_space<hbm>>)
      } else {
      }
      %add3A_365 = arith.constant 2 : i32
      %add3A_366 = arith.addi %add3A_280, %add3A_365 : i32
      %lt3A_367 = arith.constant 16 : i32
      %lt3A_368 = arith.cmpi slt, %add3A_366, %lt3A_367 : i32
      %convert_element_type3A_369 = arith.extui %lt3A_368 : i1 to i32
      %cond3A_370 = arith.constant 0 : i32
      %cond3A_371 = arith.cmpi ne, %convert_element_type3A_369, %cond3A_370 : i32
      scf.if %cond3A_371 {
        %add3A_562 = arith.constant 2 : i32
        %add3A_563 = arith.addi %add3A_280, %add3A_562 : i32
        %mul3A_564 = arith.constant 2 : i32
        %mul3A_565 = arith.muli %add3A_563, %mul3A_564 : i32
        %add3A_566 = arith.constant 0 : i32
        %add3A_567 = arith.addi %mul3A_565, %add3A_566 : i32
        %dma_start3A_568 = arith.constant 3 : i32
        %dma_start3A_569 = arith.constant 0 : i32
        %dma_start3A_570 = arith.constant 0 : i32
        %dma_start3A_571 = arith.constant 0 : i32
        %dma_start3A_572 = tpu.memref_slice %arg6[%dma_start3A_568, %dma_start3A_569, %dma_start3A_570, %dma_start3A_571] : memref<4x2x128x64xf32, #tpu.memory_space<vmem>> -> memref<1x1x128x64xf32, #tpu.memory_space<vmem>>
        %dma_start3A_573 = tpu.memref_squeeze %dma_start3A_572 : memref<1x1x128x64xf32, #tpu.memory_space<vmem>> -> memref<128x64xf32, #tpu.memory_space<vmem>>
        %dma_start3A_574 = arith.constant 0 : i32
        %dma_start3A_575 = tpu.memref_slice %arg5[%add3A_567, %dma_start3A_574] : memref<32x128xi32, #tpu.memory_space<vmem>> -> memref<1x128xi32, #tpu.memory_space<vmem>>
        %dma_start3A_576 = tpu.memref_squeeze %dma_start3A_575 : memref<1x128xi32, #tpu.memory_space<vmem>> -> memref<128xi32, #tpu.memory_space<vmem>>
        %dma_start3A_577 = arith.constant 0 : i32
        %dma_start3A_578 = arith.constant 0 : i32
        %dma_start3A_579 = tpu.memref_slice %arg3[%dma_start3A_577, %dma_start3A_578] : memref<10000x64xf32, #tpu.memory_space<hbm>> -> memref<10000x64xf32, #tpu.memory_space<hbm>>
        tpu.enqueue_indirect_dma source(%dma_start3A_579 : memref<10000x64xf32, #tpu.memory_space<hbm>>) target(%dma_start3A_573 : memref<128x64xf32, #tpu.memory_space<vmem>>) offsets(%dma_start3A_576 : memref<128xi32, #tpu.memory_space<vmem>>) semaphore(%arg10 : memref<!tpu.dma_semaphore, #tpu.memory_space<semaphore_mem>>)
        %mul3A_580 = arith.constant 2 : i32
        %mul3A_581 = arith.muli %add3A_563, %mul3A_580 : i32
        %add3A_582 = arith.constant 1 : i32
        %add3A_583 = arith.addi %mul3A_581, %add3A_582 : i32
        %dma_start3A_584 = arith.constant 3 : i32
        %dma_start3A_585 = arith.constant 1 : i32
        %dma_start3A_586 = arith.constant 0 : i32
        %dma_start3A_587 = arith.constant 0 : i32
        %dma_start3A_588 = tpu.memref_slice %arg6[%dma_start3A_584, %dma_start3A_585, %dma_start3A_586, %dma_start3A_587] : memref<4x2x128x64xf32, #tpu.memory_space<vmem>> -> memref<1x1x128x64xf32, #tpu.memory_space<vmem>>
        %dma_start3A_589 = tpu.memref_squeeze %dma_start3A_588 : memref<1x1x128x64xf32, #tpu.memory_space<vmem>> -> memref<128x64xf32, #tpu.memory_space<vmem>>
        %dma_start3A_590 = arith.constant 0 : i32
        %dma_start3A_591 = tpu.memref_slice %arg5[%add3A_583, %dma_start3A_590] : memref<32x128xi32, #tpu.memory_space<vmem>> -> memref<1x128xi32, #tpu.memory_space<vmem>>
        %dma_start3A_592 = tpu.memref_squeeze %dma_start3A_591 : memref<1x128xi32, #tpu.memory_space<vmem>> -> memref<128xi32, #tpu.memory_space<vmem>>
        %dma_start3A_593 = arith.constant 0 : i32
        %dma_start3A_594 = arith.constant 0 : i32
        %dma_start3A_595 = tpu.memref_slice %arg3[%dma_start3A_593, %dma_start3A_594] : memref<10000x64xf32, #tpu.memory_space<hbm>> -> memref<10000x64xf32, #tpu.memory_space<hbm>>
        tpu.enqueue_indirect_dma source(%dma_start3A_595 : memref<10000x64xf32, #tpu.memory_space<hbm>>) target(%dma_start3A_589 : memref<128x64xf32, #tpu.memory_space<vmem>>) offsets(%dma_start3A_592 : memref<128xi32, #tpu.memory_space<vmem>>) semaphore(%arg10 : memref<!tpu.dma_semaphore, #tpu.memory_space<semaphore_mem>>)
      } else {
      }
      %mul3A_372 = arith.constant 4 : i32
      %mul3A_373 = arith.muli %mul3A_372, %scan3A_186 : i32
      %add3A_374 = arith.constant 2 : i32
      %add3A_375 = arith.addi %mul3A_373, %add3A_374 : i32
      %dma_wait3A_376 = arith.constant 2 : i32
      %dma_wait3A_377 = arith.constant 0 : i32
      %dma_wait3A_378 = arith.constant 0 : i32
      %dma_wait3A_379 = arith.constant 0 : i32
      %dma_wait3A_380 = tpu.memref_slice %arg6[%dma_wait3A_376, %dma_wait3A_377, %dma_wait3A_378, %dma_wait3A_379] : memref<4x2x128x64xf32, #tpu.memory_space<vmem>> -> memref<1x1x128x64xf32, #tpu.memory_space<vmem>>
      %dma_wait3A_381 = tpu.memref_squeeze %dma_wait3A_380 : memref<1x1x128x64xf32, #tpu.memory_space<vmem>> -> memref<128x64xf32, #tpu.memory_space<vmem>>
      %dma_wait3A_382 = arith.constant 0 : i32
      %dma_wait3A_383 = arith.constant 0 : i32
      %dma_wait3A_384 = tpu.memref_slice %arg3[%dma_wait3A_382, %dma_wait3A_383] : memref<10000x64xf32, #tpu.memory_space<hbm>> -> memref<128x64xf32, #tpu.memory_space<hbm>>
      %dma_wait3A_385 = arith.constant 0 : i32
      %dma_wait3A_386 = arith.constant 0 : i32
      %dma_wait3A_387 = tpu.memref_slice %arg6[%dma_wait3A_376, %dma_wait3A_377, %dma_wait3A_385, %dma_wait3A_386] : memref<4x2x128x64xf32, #tpu.memory_space<vmem>> -> memref<1x1x128x64xf32, #tpu.memory_space<vmem>>
      %dma_wait3A_388 = tpu.memref_squeeze %dma_wait3A_387 : memref<1x1x128x64xf32, #tpu.memory_space<vmem>> -> memref<128x64xf32, #tpu.memory_space<vmem>>
      %dma_wait3A_389 = arith.constant 0 : i32
      %dma_wait3A_390 = arith.constant 0 : i32
      %dma_wait3A_391 = tpu.memref_slice %arg3[%dma_wait3A_389, %dma_wait3A_390] : memref<10000x64xf32, #tpu.memory_space<hbm>> -> memref<128x64xf32, #tpu.memory_space<hbm>>
      tpu.wait_dma2 semaphore(%arg9 : memref<!tpu.dma_semaphore, #tpu.memory_space<semaphore_mem>>) src(%dma_wait3A_391 : memref<128x64xf32, #tpu.memory_space<hbm>>) dst(%dma_wait3A_388 : memref<128x64xf32, #tpu.memory_space<vmem>>)
      %dma_wait3A_392 = arith.constant 2 : i32
      %dma_wait3A_393 = arith.constant 1 : i32
      %dma_wait3A_394 = arith.constant 0 : i32
      %dma_wait3A_395 = arith.constant 0 : i32
      %dma_wait3A_396 = tpu.memref_slice %arg6[%dma_wait3A_392, %dma_wait3A_393, %dma_wait3A_394, %dma_wait3A_395] : memref<4x2x128x64xf32, #tpu.memory_space<vmem>> -> memref<1x1x128x64xf32, #tpu.memory_space<vmem>>
      %dma_wait3A_397 = tpu.memref_squeeze %dma_wait3A_396 : memref<1x1x128x64xf32, #tpu.memory_space<vmem>> -> memref<128x64xf32, #tpu.memory_space<vmem>>
      %dma_wait3A_398 = arith.constant 0 : i32
      %dma_wait3A_399 = arith.constant 0 : i32
      %dma_wait3A_400 = tpu.memref_slice %arg3[%dma_wait3A_398, %dma_wait3A_399] : memref<10000x64xf32, #tpu.memory_space<hbm>> -> memref<128x64xf32, #tpu.memory_space<hbm>>
      %dma_wait3A_401 = arith.constant 0 : i32
      %dma_wait3A_402 = arith.constant 0 : i32
      %dma_wait3A_403 = tpu.memref_slice %arg6[%dma_wait3A_392, %dma_wait3A_393, %dma_wait3A_401, %dma_wait3A_402] : memref<4x2x128x64xf32, #tpu.memory_space<vmem>> -> memref<1x1x128x64xf32, #tpu.memory_space<vmem>>
      %dma_wait3A_404 = tpu.memref_squeeze %dma_wait3A_403 : memref<1x1x128x64xf32, #tpu.memory_space<vmem>> -> memref<128x64xf32, #tpu.memory_space<vmem>>
      %dma_wait3A_405 = arith.constant 0 : i32
      %dma_wait3A_406 = arith.constant 0 : i32
      %dma_wait3A_407 = tpu.memref_slice %arg3[%dma_wait3A_405, %dma_wait3A_406] : memref<10000x64xf32, #tpu.memory_space<hbm>> -> memref<128x64xf32, #tpu.memory_space<hbm>>
      tpu.wait_dma2 semaphore(%arg9 : memref<!tpu.dma_semaphore, #tpu.memory_space<semaphore_mem>>) src(%dma_wait3A_407 : memref<128x64xf32, #tpu.memory_space<hbm>>) dst(%dma_wait3A_404 : memref<128x64xf32, #tpu.memory_space<vmem>>)
      %mul3A_408 = arith.constant 2 : i32
      %mul3A_409 = arith.muli %add3A_375, %mul3A_408 : i32
      %add3A_410 = arith.constant 0 : i32
      %add3A_411 = arith.addi %mul3A_409, %add3A_410 : i32
      %add3A_412 = arith.addi %mul3A_2, %add3A_411 : i32
      %mul3A_413 = arith.constant 128 : i32
      %mul3A_414 = arith.muli %add3A_412, %mul3A_413 : i32
      %dma_start3A_415 = arith.constant 2 : i32
      %dma_start3A_416 = arith.constant 0 : i32
      %dma_start3A_417 = arith.constant 0 : i32
      %dma_start3A_418 = arith.constant 0 : i32
      %dma_start3A_419 = tpu.memref_slice %arg6[%dma_start3A_415, %dma_start3A_416, %dma_start3A_417, %dma_start3A_418] : memref<4x2x128x64xf32, #tpu.memory_space<vmem>> -> memref<1x1x128x64xf32, #tpu.memory_space<vmem>>
      %dma_start3A_420 = tpu.memref_squeeze %dma_start3A_419 : memref<1x1x128x64xf32, #tpu.memory_space<vmem>> -> memref<128x64xf32, #tpu.memory_space<vmem>>
      %dma_start3A_421 = arith.constant 0 : i32
      %dma_start3A_422 = tpu.memref_slice %arg4[%mul3A_414, %dma_start3A_421] : memref<131072x64xf32, #tpu.memory_space<hbm>> -> memref<128x64xf32, #tpu.memory_space<hbm>>
      %dma_start3A_423 = arith.constant 0 : i32
      %dma_start3A_424 = tpu.memref_slice %arg4[%mul3A_414, %dma_start3A_423] : memref<131072x64xf32, #tpu.memory_space<hbm>> -> memref<128x64xf32, #tpu.memory_space<hbm>>
      %dma_start3A_425 = arith.constant 0 : i32
      %dma_start3A_426 = arith.constant 0 : i32
      %dma_start3A_427 = tpu.memref_slice %arg6[%dma_start3A_415, %dma_start3A_416, %dma_start3A_425, %dma_start3A_426] : memref<4x2x128x64xf32, #tpu.memory_space<vmem>> -> memref<1x1x128x64xf32, #tpu.memory_space<vmem>>
      %dma_start3A_428 = tpu.memref_squeeze %dma_start3A_427 : memref<1x1x128x64xf32, #tpu.memory_space<vmem>> -> memref<128x64xf32, #tpu.memory_space<vmem>>
      tpu.enqueue_dma source(%dma_start3A_428 : memref<128x64xf32, #tpu.memory_space<vmem>>) target(%dma_start3A_424 : memref<128x64xf32, #tpu.memory_space<hbm>>) target_semaphore(%arg13 : memref<!tpu.dma_semaphore, #tpu.memory_space<semaphore_mem>>)
      %mul3A_429 = arith.constant 2 : i32
      %mul3A_430 = arith.muli %add3A_375, %mul3A_429 : i32
      %add3A_431 = arith.constant 1 : i32
      %add3A_432 = arith.addi %mul3A_430, %add3A_431 : i32
      %add3A_433 = arith.addi %mul3A_2, %add3A_432 : i32
      %mul3A_434 = arith.constant 128 : i32
      %mul3A_435 = arith.muli %add3A_433, %mul3A_434 : i32
      %dma_start3A_436 = arith.constant 2 : i32
      %dma_start3A_437 = arith.constant 1 : i32
      %dma_start3A_438 = arith.constant 0 : i32
      %dma_start3A_439 = arith.constant 0 : i32
      %dma_start3A_440 = tpu.memref_slice %arg6[%dma_start3A_436, %dma_start3A_437, %dma_start3A_438, %dma_start3A_439] : memref<4x2x128x64xf32, #tpu.memory_space<vmem>> -> memref<1x1x128x64xf32, #tpu.memory_space<vmem>>
      %dma_start3A_441 = tpu.memref_squeeze %dma_start3A_440 : memref<1x1x128x64xf32, #tpu.memory_space<vmem>> -> memref<128x64xf32, #tpu.memory_space<vmem>>
      %dma_start3A_442 = arith.constant 0 : i32
      %dma_start3A_443 = tpu.memref_slice %arg4[%mul3A_435, %dma_start3A_442] : memref<131072x64xf32, #tpu.memory_space<hbm>> -> memref<128x64xf32, #tpu.memory_space<hbm>>
      %dma_start3A_444 = arith.constant 0 : i32
      %dma_start3A_445 = tpu.memref_slice %arg4[%mul3A_435, %dma_start3A_444] : memref<131072x64xf32, #tpu.memory_space<hbm>> -> memref<128x64xf32, #tpu.memory_space<hbm>>
      %dma_start3A_446 = arith.constant 0 : i32
      %dma_start3A_447 = arith.constant 0 : i32
      %dma_start3A_448 = tpu.memref_slice %arg6[%dma_start3A_436, %dma_start3A_437, %dma_start3A_446, %dma_start3A_447] : memref<4x2x128x64xf32, #tpu.memory_space<vmem>> -> memref<1x1x128x64xf32, #tpu.memory_space<vmem>>
      %dma_start3A_449 = tpu.memref_squeeze %dma_start3A_448 : memref<1x1x128x64xf32, #tpu.memory_space<vmem>> -> memref<128x64xf32, #tpu.memory_space<vmem>>
      tpu.enqueue_dma source(%dma_start3A_449 : memref<128x64xf32, #tpu.memory_space<vmem>>) target(%dma_start3A_445 : memref<128x64xf32, #tpu.memory_space<hbm>>) target_semaphore(%arg13 : memref<!tpu.dma_semaphore, #tpu.memory_space<semaphore_mem>>)
      %ge3A_450 = arith.constant 2 : i32
      %ge3A_451 = arith.cmpi sge, %add3A_375, %ge3A_450 : i32
      %add3A_452 = arith.constant 2 : i32
      %add3A_453 = arith.addi %add3A_375, %add3A_452 : i32
      %lt3A_454 = arith.constant 16 : i32
      %lt3A_455 = arith.cmpi slt, %add3A_453, %lt3A_454 : i32
      %and3A_456 = arith.andi %ge3A_451, %lt3A_455 : i1
      %convert_element_type3A_457 = arith.extui %and3A_456 : i1 to i32
      %cond3A_458 = arith.constant 0 : i32
      %cond3A_459 = arith.cmpi ne, %convert_element_type3A_457, %cond3A_458 : i32
      scf.if %cond3A_459 {
        %dma_wait3A_562 = arith.constant 0 : i32
        %dma_wait3A_563 = arith.constant 0 : i32
        %dma_wait3A_564 = arith.constant 0 : i32
        %dma_wait3A_565 = arith.constant 0 : i32
        %dma_wait3A_566 = tpu.memref_slice %arg6[%dma_wait3A_562, %dma_wait3A_563, %dma_wait3A_564, %dma_wait3A_565] : memref<4x2x128x64xf32, #tpu.memory_space<vmem>> -> memref<1x1x128x64xf32, #tpu.memory_space<vmem>>
        %dma_wait3A_567 = tpu.memref_squeeze %dma_wait3A_566 : memref<1x1x128x64xf32, #tpu.memory_space<vmem>> -> memref<128x64xf32, #tpu.memory_space<vmem>>
        %dma_wait3A_568 = arith.constant 0 : i32
        %dma_wait3A_569 = arith.constant 0 : i32
        %dma_wait3A_570 = tpu.memref_slice %arg4[%dma_wait3A_568, %dma_wait3A_569] : memref<131072x64xf32, #tpu.memory_space<hbm>> -> memref<128x64xf32, #tpu.memory_space<hbm>>
        %dma_wait3A_571 = arith.constant 0 : i32
        %dma_wait3A_572 = arith.constant 0 : i32
        %dma_wait3A_573 = tpu.memref_slice %arg4[%dma_wait3A_571, %dma_wait3A_572] : memref<131072x64xf32, #tpu.memory_space<hbm>> -> memref<128x64xf32, #tpu.memory_space<hbm>>
        %dma_wait3A_574 = arith.constant 0 : i32
        %dma_wait3A_575 = arith.constant 0 : i32
        %dma_wait3A_576 = tpu.memref_slice %arg6[%dma_wait3A_562, %dma_wait3A_563, %dma_wait3A_574, %dma_wait3A_575] : memref<4x2x128x64xf32, #tpu.memory_space<vmem>> -> memref<1x1x128x64xf32, #tpu.memory_space<vmem>>
        %dma_wait3A_577 = tpu.memref_squeeze %dma_wait3A_576 : memref<1x1x128x64xf32, #tpu.memory_space<vmem>> -> memref<128x64xf32, #tpu.memory_space<vmem>>
        tpu.wait_dma2 semaphore(%arg11 : memref<!tpu.dma_semaphore, #tpu.memory_space<semaphore_mem>>) src(%dma_wait3A_577 : memref<128x64xf32, #tpu.memory_space<vmem>>) dst(%dma_wait3A_573 : memref<128x64xf32, #tpu.memory_space<hbm>>)
        %dma_wait3A_578 = arith.constant 0 : i32
        %dma_wait3A_579 = arith.constant 1 : i32
        %dma_wait3A_580 = arith.constant 0 : i32
        %dma_wait3A_581 = arith.constant 0 : i32
        %dma_wait3A_582 = tpu.memref_slice %arg6[%dma_wait3A_578, %dma_wait3A_579, %dma_wait3A_580, %dma_wait3A_581] : memref<4x2x128x64xf32, #tpu.memory_space<vmem>> -> memref<1x1x128x64xf32, #tpu.memory_space<vmem>>
        %dma_wait3A_583 = tpu.memref_squeeze %dma_wait3A_582 : memref<1x1x128x64xf32, #tpu.memory_space<vmem>> -> memref<128x64xf32, #tpu.memory_space<vmem>>
        %dma_wait3A_584 = arith.constant 0 : i32
        %dma_wait3A_585 = arith.constant 0 : i32
        %dma_wait3A_586 = tpu.memref_slice %arg4[%dma_wait3A_584, %dma_wait3A_585] : memref<131072x64xf32, #tpu.memory_space<hbm>> -> memref<128x64xf32, #tpu.memory_space<hbm>>
        %dma_wait3A_587 = arith.constant 0 : i32
        %dma_wait3A_588 = arith.constant 0 : i32
        %dma_wait3A_589 = tpu.memref_slice %arg4[%dma_wait3A_587, %dma_wait3A_588] : memref<131072x64xf32, #tpu.memory_space<hbm>> -> memref<128x64xf32, #tpu.memory_space<hbm>>
        %dma_wait3A_590 = arith.constant 0 : i32
        %dma_wait3A_591 = arith.constant 0 : i32
        %dma_wait3A_592 = tpu.memref_slice %arg6[%dma_wait3A_578, %dma_wait3A_579, %dma_wait3A_590, %dma_wait3A_591] : memref<4x2x128x64xf32, #tpu.memory_space<vmem>> -> memref<1x1x128x64xf32, #tpu.memory_space<vmem>>
        %dma_wait3A_593 = tpu.memref_squeeze %dma_wait3A_592 : memref<1x1x128x64xf32, #tpu.memory_space<vmem>> -> memref<128x64xf32, #tpu.memory_space<vmem>>
        tpu.wait_dma2 semaphore(%arg11 : memref<!tpu.dma_semaphore, #tpu.memory_space<semaphore_mem>>) src(%dma_wait3A_593 : memref<128x64xf32, #tpu.memory_space<vmem>>) dst(%dma_wait3A_589 : memref<128x64xf32, #tpu.memory_space<hbm>>)
      } else {
      }
      %add3A_460 = arith.constant 2 : i32
      %add3A_461 = arith.addi %add3A_375, %add3A_460 : i32
      %lt3A_462 = arith.constant 16 : i32
      %lt3A_463 = arith.cmpi slt, %add3A_461, %lt3A_462 : i32
      %convert_element_type3A_464 = arith.extui %lt3A_463 : i1 to i32
      %cond3A_465 = arith.constant 0 : i32
      %cond3A_466 = arith.cmpi ne, %convert_element_type3A_464, %cond3A_465 : i32
      scf.if %cond3A_466 {
        %add3A_562 = arith.constant 2 : i32
        %add3A_563 = arith.addi %add3A_375, %add3A_562 : i32
        %mul3A_564 = arith.constant 2 : i32
        %mul3A_565 = arith.muli %add3A_563, %mul3A_564 : i32
        %add3A_566 = arith.constant 0 : i32
        %add3A_567 = arith.addi %mul3A_565, %add3A_566 : i32
        %dma_start3A_568 = arith.constant 0 : i32
        %dma_start3A_569 = arith.constant 0 : i32
        %dma_start3A_570 = arith.constant 0 : i32
        %dma_start3A_571 = arith.constant 0 : i32
        %dma_start3A_572 = tpu.memref_slice %arg6[%dma_start3A_568, %dma_start3A_569, %dma_start3A_570, %dma_start3A_571] : memref<4x2x128x64xf32, #tpu.memory_space<vmem>> -> memref<1x1x128x64xf32, #tpu.memory_space<vmem>>
        %dma_start3A_573 = tpu.memref_squeeze %dma_start3A_572 : memref<1x1x128x64xf32, #tpu.memory_space<vmem>> -> memref<128x64xf32, #tpu.memory_space<vmem>>
        %dma_start3A_574 = arith.constant 0 : i32
        %dma_start3A_575 = tpu.memref_slice %arg5[%add3A_567, %dma_start3A_574] : memref<32x128xi32, #tpu.memory_space<vmem>> -> memref<1x128xi32, #tpu.memory_space<vmem>>
        %dma_start3A_576 = tpu.memref_squeeze %dma_start3A_575 : memref<1x128xi32, #tpu.memory_space<vmem>> -> memref<128xi32, #tpu.memory_space<vmem>>
        %dma_start3A_577 = arith.constant 0 : i32
        %dma_start3A_578 = arith.constant 0 : i32
        %dma_start3A_579 = tpu.memref_slice %arg3[%dma_start3A_577, %dma_start3A_578] : memref<10000x64xf32, #tpu.memory_space<hbm>> -> memref<10000x64xf32, #tpu.memory_space<hbm>>
        tpu.enqueue_indirect_dma source(%dma_start3A_579 : memref<10000x64xf32, #tpu.memory_space<hbm>>) target(%dma_start3A_573 : memref<128x64xf32, #tpu.memory_space<vmem>>) offsets(%dma_start3A_576 : memref<128xi32, #tpu.memory_space<vmem>>) semaphore(%arg7 : memref<!tpu.dma_semaphore, #tpu.memory_space<semaphore_mem>>)
        %mul3A_580 = arith.constant 2 : i32
        %mul3A_581 = arith.muli %add3A_563, %mul3A_580 : i32
        %add3A_582 = arith.constant 1 : i32
        %add3A_583 = arith.addi %mul3A_581, %add3A_582 : i32
        %dma_start3A_584 = arith.constant 0 : i32
        %dma_start3A_585 = arith.constant 1 : i32
        %dma_start3A_586 = arith.constant 0 : i32
        %dma_start3A_587 = arith.constant 0 : i32
        %dma_start3A_588 = tpu.memref_slice %arg6[%dma_start3A_584, %dma_start3A_585, %dma_start3A_586, %dma_start3A_587] : memref<4x2x128x64xf32, #tpu.memory_space<vmem>> -> memref<1x1x128x64xf32, #tpu.memory_space<vmem>>
        %dma_start3A_589 = tpu.memref_squeeze %dma_start3A_588 : memref<1x1x128x64xf32, #tpu.memory_space<vmem>> -> memref<128x64xf32, #tpu.memory_space<vmem>>
        %dma_start3A_590 = arith.constant 0 : i32
        %dma_start3A_591 = tpu.memref_slice %arg5[%add3A_583, %dma_start3A_590] : memref<32x128xi32, #tpu.memory_space<vmem>> -> memref<1x128xi32, #tpu.memory_space<vmem>>
        %dma_start3A_592 = tpu.memref_squeeze %dma_start3A_591 : memref<1x128xi32, #tpu.memory_space<vmem>> -> memref<128xi32, #tpu.memory_space<vmem>>
        %dma_start3A_593 = arith.constant 0 : i32
        %dma_start3A_594 = arith.constant 0 : i32
        %dma_start3A_595 = tpu.memref_slice %arg3[%dma_start3A_593, %dma_start3A_594] : memref<10000x64xf32, #tpu.memory_space<hbm>> -> memref<10000x64xf32, #tpu.memory_space<hbm>>
        tpu.enqueue_indirect_dma source(%dma_start3A_595 : memref<10000x64xf32, #tpu.memory_space<hbm>>) target(%dma_start3A_589 : memref<128x64xf32, #tpu.memory_space<vmem>>) offsets(%dma_start3A_592 : memref<128xi32, #tpu.memory_space<vmem>>) semaphore(%arg7 : memref<!tpu.dma_semaphore, #tpu.memory_space<semaphore_mem>>)
      } else {
      }
      %mul3A_467 = arith.constant 4 : i32
      %mul3A_468 = arith.muli %mul3A_467, %scan3A_186 : i32
      %add3A_469 = arith.constant 3 : i32
      %add3A_470 = arith.addi %mul3A_468, %add3A_469 : i32
      %dma_wait3A_471 = arith.constant 3 : i32
      %dma_wait3A_472 = arith.constant 0 : i32
      %dma_wait3A_473 = arith.constant 0 : i32
      %dma_wait3A_474 = arith.constant 0 : i32
      %dma_wait3A_475 = tpu.memref_slice %arg6[%dma_wait3A_471, %dma_wait3A_472, %dma_wait3A_473, %dma_wait3A_474] : memref<4x2x128x64xf32, #tpu.memory_space<vmem>> -> memref<1x1x128x64xf32, #tpu.memory_space<vmem>>
      %dma_wait3A_476 = tpu.memref_squeeze %dma_wait3A_475 : memref<1x1x128x64xf32, #tpu.memory_space<vmem>> -> memref<128x64xf32, #tpu.memory_space<vmem>>
      %dma_wait3A_477 = arith.constant 0 : i32
      %dma_wait3A_478 = arith.constant 0 : i32
      %dma_wait3A_479 = tpu.memref_slice %arg3[%dma_wait3A_477, %dma_wait3A_478] : memref<10000x64xf32, #tpu.memory_space<hbm>> -> memref<128x64xf32, #tpu.memory_space<hbm>>
      %dma_wait3A_480 = arith.constant 0 : i32
      %dma_wait3A_481 = arith.constant 0 : i32
      %dma_wait3A_482 = tpu.memref_slice %arg6[%dma_wait3A_471, %dma_wait3A_472, %dma_wait3A_480, %dma_wait3A_481] : memref<4x2x128x64xf32, #tpu.memory_space<vmem>> -> memref<1x1x128x64xf32, #tpu.memory_space<vmem>>
      %dma_wait3A_483 = tpu.memref_squeeze %dma_wait3A_482 : memref<1x1x128x64xf32, #tpu.memory_space<vmem>> -> memref<128x64xf32, #tpu.memory_space<vmem>>
      %dma_wait3A_484 = arith.constant 0 : i32
      %dma_wait3A_485 = arith.constant 0 : i32
      %dma_wait3A_486 = tpu.memref_slice %arg3[%dma_wait3A_484, %dma_wait3A_485] : memref<10000x64xf32, #tpu.memory_space<hbm>> -> memref<128x64xf32, #tpu.memory_space<hbm>>
      tpu.wait_dma2 semaphore(%arg10 : memref<!tpu.dma_semaphore, #tpu.memory_space<semaphore_mem>>) src(%dma_wait3A_486 : memref<128x64xf32, #tpu.memory_space<hbm>>) dst(%dma_wait3A_483 : memref<128x64xf32, #tpu.memory_space<vmem>>)
      %dma_wait3A_487 = arith.constant 3 : i32
      %dma_wait3A_488 = arith.constant 1 : i32
      %dma_wait3A_489 = arith.constant 0 : i32
      %dma_wait3A_490 = arith.constant 0 : i32
      %dma_wait3A_491 = tpu.memref_slice %arg6[%dma_wait3A_487, %dma_wait3A_488, %dma_wait3A_489, %dma_wait3A_490] : memref<4x2x128x64xf32, #tpu.memory_space<vmem>> -> memref<1x1x128x64xf32, #tpu.memory_space<vmem>>
      %dma_wait3A_492 = tpu.memref_squeeze %dma_wait3A_491 : memref<1x1x128x64xf32, #tpu.memory_space<vmem>> -> memref<128x64xf32, #tpu.memory_space<vmem>>
      %dma_wait3A_493 = arith.constant 0 : i32
      %dma_wait3A_494 = arith.constant 0 : i32
      %dma_wait3A_495 = tpu.memref_slice %arg3[%dma_wait3A_493, %dma_wait3A_494] : memref<10000x64xf32, #tpu.memory_space<hbm>> -> memref<128x64xf32, #tpu.memory_space<hbm>>
      %dma_wait3A_496 = arith.constant 0 : i32
      %dma_wait3A_497 = arith.constant 0 : i32
      %dma_wait3A_498 = tpu.memref_slice %arg6[%dma_wait3A_487, %dma_wait3A_488, %dma_wait3A_496, %dma_wait3A_497] : memref<4x2x128x64xf32, #tpu.memory_space<vmem>> -> memref<1x1x128x64xf32, #tpu.memory_space<vmem>>
      %dma_wait3A_499 = tpu.memref_squeeze %dma_wait3A_498 : memref<1x1x128x64xf32, #tpu.memory_space<vmem>> -> memref<128x64xf32, #tpu.memory_space<vmem>>
      %dma_wait3A_500 = arith.constant 0 : i32
      %dma_wait3A_501 = arith.constant 0 : i32
      %dma_wait3A_502 = tpu.memref_slice %arg3[%dma_wait3A_500, %dma_wait3A_501] : memref<10000x64xf32, #tpu.memory_space<hbm>> -> memref<128x64xf32, #tpu.memory_space<hbm>>
      tpu.wait_dma2 semaphore(%arg10 : memref<!tpu.dma_semaphore, #tpu.memory_space<semaphore_mem>>) src(%dma_wait3A_502 : memref<128x64xf32, #tpu.memory_space<hbm>>) dst(%dma_wait3A_499 : memref<128x64xf32, #tpu.memory_space<vmem>>)
      %mul3A_503 = arith.constant 2 : i32
      %mul3A_504 = arith.muli %add3A_470, %mul3A_503 : i32
      %add3A_505 = arith.constant 0 : i32
      %add3A_506 = arith.addi %mul3A_504, %add3A_505 : i32
      %add3A_507 = arith.addi %mul3A_2, %add3A_506 : i32
      %mul3A_508 = arith.constant 128 : i32
      %mul3A_509 = arith.muli %add3A_507, %mul3A_508 : i32
      %dma_start3A_510 = arith.constant 3 : i32
      %dma_start3A_511 = arith.constant 0 : i32
      %dma_start3A_512 = arith.constant 0 : i32
      %dma_start3A_513 = arith.constant 0 : i32
      %dma_start3A_514 = tpu.memref_slice %arg6[%dma_start3A_510, %dma_start3A_511, %dma_start3A_512, %dma_start3A_513] : memref<4x2x128x64xf32, #tpu.memory_space<vmem>> -> memref<1x1x128x64xf32, #tpu.memory_space<vmem>>
      %dma_start3A_515 = tpu.memref_squeeze %dma_start3A_514 : memref<1x1x128x64xf32, #tpu.memory_space<vmem>> -> memref<128x64xf32, #tpu.memory_space<vmem>>
      %dma_start3A_516 = arith.constant 0 : i32
      %dma_start3A_517 = tpu.memref_slice %arg4[%mul3A_509, %dma_start3A_516] : memref<131072x64xf32, #tpu.memory_space<hbm>> -> memref<128x64xf32, #tpu.memory_space<hbm>>
      %dma_start3A_518 = arith.constant 0 : i32
      %dma_start3A_519 = tpu.memref_slice %arg4[%mul3A_509, %dma_start3A_518] : memref<131072x64xf32, #tpu.memory_space<hbm>> -> memref<128x64xf32, #tpu.memory_space<hbm>>
      %dma_start3A_520 = arith.constant 0 : i32
      %dma_start3A_521 = arith.constant 0 : i32
      %dma_start3A_522 = tpu.memref_slice %arg6[%dma_start3A_510, %dma_start3A_511, %dma_start3A_520, %dma_start3A_521] : memref<4x2x128x64xf32, #tpu.memory_space<vmem>> -> memref<1x1x128x64xf32, #tpu.memory_space<vmem>>
      %dma_start3A_523 = tpu.memref_squeeze %dma_start3A_522 : memref<1x1x128x64xf32, #tpu.memory_space<vmem>> -> memref<128x64xf32, #tpu.memory_space<vmem>>
      tpu.enqueue_dma source(%dma_start3A_523 : memref<128x64xf32, #tpu.memory_space<vmem>>) target(%dma_start3A_519 : memref<128x64xf32, #tpu.memory_space<hbm>>) target_semaphore(%arg14 : memref<!tpu.dma_semaphore, #tpu.memory_space<semaphore_mem>>)
      %mul3A_524 = arith.constant 2 : i32
      %mul3A_525 = arith.muli %add3A_470, %mul3A_524 : i32
      %add3A_526 = arith.constant 1 : i32
      %add3A_527 = arith.addi %mul3A_525, %add3A_526 : i32
      %add3A_528 = arith.addi %mul3A_2, %add3A_527 : i32
      %mul3A_529 = arith.constant 128 : i32
      %mul3A_530 = arith.muli %add3A_528, %mul3A_529 : i32
      %dma_start3A_531 = arith.constant 3 : i32
      %dma_start3A_532 = arith.constant 1 : i32
      %dma_start3A_533 = arith.constant 0 : i32
      %dma_start3A_534 = arith.constant 0 : i32
      %dma_start3A_535 = tpu.memref_slice %arg6[%dma_start3A_531, %dma_start3A_532, %dma_start3A_533, %dma_start3A_534] : memref<4x2x128x64xf32, #tpu.memory_space<vmem>> -> memref<1x1x128x64xf32, #tpu.memory_space<vmem>>
      %dma_start3A_536 = tpu.memref_squeeze %dma_start3A_535 : memref<1x1x128x64xf32, #tpu.memory_space<vmem>> -> memref<128x64xf32, #tpu.memory_space<vmem>>
      %dma_start3A_537 = arith.constant 0 : i32
      %dma_start3A_538 = tpu.memref_slice %arg4[%mul3A_530, %dma_start3A_537] : memref<131072x64xf32, #tpu.memory_space<hbm>> -> memref<128x64xf32, #tpu.memory_space<hbm>>
      %dma_start3A_539 = arith.constant 0 : i32
      %dma_start3A_540 = tpu.memref_slice %arg4[%mul3A_530, %dma_start3A_539] : memref<131072x64xf32, #tpu.memory_space<hbm>> -> memref<128x64xf32, #tpu.memory_space<hbm>>
      %dma_start3A_541 = arith.constant 0 : i32
      %dma_start3A_542 = arith.constant 0 : i32
      %dma_start3A_543 = tpu.memref_slice %arg6[%dma_start3A_531, %dma_start3A_532, %dma_start3A_541, %dma_start3A_542] : memref<4x2x128x64xf32, #tpu.memory_space<vmem>> -> memref<1x1x128x64xf32, #tpu.memory_space<vmem>>
      %dma_start3A_544 = tpu.memref_squeeze %dma_start3A_543 : memref<1x1x128x64xf32, #tpu.memory_space<vmem>> -> memref<128x64xf32, #tpu.memory_space<vmem>>
      tpu.enqueue_dma source(%dma_start3A_544 : memref<128x64xf32, #tpu.memory_space<vmem>>) target(%dma_start3A_540 : memref<128x64xf32, #tpu.memory_space<hbm>>) target_semaphore(%arg14 : memref<!tpu.dma_semaphore, #tpu.memory_space<semaphore_mem>>)
      %ge3A_545 = arith.constant 2 : i32
      %ge3A_546 = arith.cmpi sge, %add3A_470, %ge3A_545 : i32
      %add3A_547 = arith.constant 2 : i32
      %add3A_548 = arith.addi %add3A_470, %add3A_547 : i32
      %lt3A_549 = arith.constant 16 : i32
      %lt3A_550 = arith.cmpi slt, %add3A_548, %lt3A_549 : i32
      %and3A_551 = arith.andi %ge3A_546, %lt3A_550 : i1
      %convert_element_type3A_552 = arith.extui %and3A_551 : i1 to i32
      %cond3A_553 = arith.constant 0 : i32
      %cond3A_554 = arith.cmpi ne, %convert_element_type3A_552, %cond3A_553 : i32
      scf.if %cond3A_554 {
        %dma_wait3A_562 = arith.constant 1 : i32
        %dma_wait3A_563 = arith.constant 0 : i32
        %dma_wait3A_564 = arith.constant 0 : i32
        %dma_wait3A_565 = arith.constant 0 : i32
        %dma_wait3A_566 = tpu.memref_slice %arg6[%dma_wait3A_562, %dma_wait3A_563, %dma_wait3A_564, %dma_wait3A_565] : memref<4x2x128x64xf32, #tpu.memory_space<vmem>> -> memref<1x1x128x64xf32, #tpu.memory_space<vmem>>
        %dma_wait3A_567 = tpu.memref_squeeze %dma_wait3A_566 : memref<1x1x128x64xf32, #tpu.memory_space<vmem>> -> memref<128x64xf32, #tpu.memory_space<vmem>>
        %dma_wait3A_568 = arith.constant 0 : i32
        %dma_wait3A_569 = arith.constant 0 : i32
        %dma_wait3A_570 = tpu.memref_slice %arg4[%dma_wait3A_568, %dma_wait3A_569] : memref<131072x64xf32, #tpu.memory_space<hbm>> -> memref<128x64xf32, #tpu.memory_space<hbm>>
        %dma_wait3A_571 = arith.constant 0 : i32
        %dma_wait3A_572 = arith.constant 0 : i32
        %dma_wait3A_573 = tpu.memref_slice %arg4[%dma_wait3A_571, %dma_wait3A_572] : memref<131072x64xf32, #tpu.memory_space<hbm>> -> memref<128x64xf32, #tpu.memory_space<hbm>>
        %dma_wait3A_574 = arith.constant 0 : i32
        %dma_wait3A_575 = arith.constant 0 : i32
        %dma_wait3A_576 = tpu.memref_slice %arg6[%dma_wait3A_562, %dma_wait3A_563, %dma_wait3A_574, %dma_wait3A_575] : memref<4x2x128x64xf32, #tpu.memory_space<vmem>> -> memref<1x1x128x64xf32, #tpu.memory_space<vmem>>
        %dma_wait3A_577 = tpu.memref_squeeze %dma_wait3A_576 : memref<1x1x128x64xf32, #tpu.memory_space<vmem>> -> memref<128x64xf32, #tpu.memory_space<vmem>>
        tpu.wait_dma2 semaphore(%arg12 : memref<!tpu.dma_semaphore, #tpu.memory_space<semaphore_mem>>) src(%dma_wait3A_577 : memref<128x64xf32, #tpu.memory_space<vmem>>) dst(%dma_wait3A_573 : memref<128x64xf32, #tpu.memory_space<hbm>>)
        %dma_wait3A_578 = arith.constant 1 : i32
        %dma_wait3A_579 = arith.constant 1 : i32
        %dma_wait3A_580 = arith.constant 0 : i32
        %dma_wait3A_581 = arith.constant 0 : i32
        %dma_wait3A_582 = tpu.memref_slice %arg6[%dma_wait3A_578, %dma_wait3A_579, %dma_wait3A_580, %dma_wait3A_581] : memref<4x2x128x64xf32, #tpu.memory_space<vmem>> -> memref<1x1x128x64xf32, #tpu.memory_space<vmem>>
        %dma_wait3A_583 = tpu.memref_squeeze %dma_wait3A_582 : memref<1x1x128x64xf32, #tpu.memory_space<vmem>> -> memref<128x64xf32, #tpu.memory_space<vmem>>
        %dma_wait3A_584 = arith.constant 0 : i32
        %dma_wait3A_585 = arith.constant 0 : i32
        %dma_wait3A_586 = tpu.memref_slice %arg4[%dma_wait3A_584, %dma_wait3A_585] : memref<131072x64xf32, #tpu.memory_space<hbm>> -> memref<128x64xf32, #tpu.memory_space<hbm>>
        %dma_wait3A_587 = arith.constant 0 : i32
        %dma_wait3A_588 = arith.constant 0 : i32
        %dma_wait3A_589 = tpu.memref_slice %arg4[%dma_wait3A_587, %dma_wait3A_588] : memref<131072x64xf32, #tpu.memory_space<hbm>> -> memref<128x64xf32, #tpu.memory_space<hbm>>
        %dma_wait3A_590 = arith.constant 0 : i32
        %dma_wait3A_591 = arith.constant 0 : i32
        %dma_wait3A_592 = tpu.memref_slice %arg6[%dma_wait3A_578, %dma_wait3A_579, %dma_wait3A_590, %dma_wait3A_591] : memref<4x2x128x64xf32, #tpu.memory_space<vmem>> -> memref<1x1x128x64xf32, #tpu.memory_space<vmem>>
        %dma_wait3A_593 = tpu.memref_squeeze %dma_wait3A_592 : memref<1x1x128x64xf32, #tpu.memory_space<vmem>> -> memref<128x64xf32, #tpu.memory_space<vmem>>
        tpu.wait_dma2 semaphore(%arg12 : memref<!tpu.dma_semaphore, #tpu.memory_space<semaphore_mem>>) src(%dma_wait3A_593 : memref<128x64xf32, #tpu.memory_space<vmem>>) dst(%dma_wait3A_589 : memref<128x64xf32, #tpu.memory_space<hbm>>)
      } else {
      }
      %add3A_555 = arith.constant 2 : i32
      %add3A_556 = arith.addi %add3A_470, %add3A_555 : i32
      %lt3A_557 = arith.constant 16 : i32
      %lt3A_558 = arith.cmpi slt, %add3A_556, %lt3A_557 : i32
      %convert_element_type3A_559 = arith.extui %lt3A_558 : i1 to i32
      %cond3A_560 = arith.constant 0 : i32
      %cond3A_561 = arith.cmpi ne, %convert_element_type3A_559, %cond3A_560 : i32
      scf.if %cond3A_561 {
        %add3A_562 = arith.constant 2 : i32
        %add3A_563 = arith.addi %add3A_470, %add3A_562 : i32
        %mul3A_564 = arith.constant 2 : i32
        %mul3A_565 = arith.muli %add3A_563, %mul3A_564 : i32
        %add3A_566 = arith.constant 0 : i32
        %add3A_567 = arith.addi %mul3A_565, %add3A_566 : i32
        %dma_start3A_568 = arith.constant 1 : i32
        %dma_start3A_569 = arith.constant 0 : i32
        %dma_start3A_570 = arith.constant 0 : i32
        %dma_start3A_571 = arith.constant 0 : i32
        %dma_start3A_572 = tpu.memref_slice %arg6[%dma_start3A_568, %dma_start3A_569, %dma_start3A_570, %dma_start3A_571] : memref<4x2x128x64xf32, #tpu.memory_space<vmem>> -> memref<1x1x128x64xf32, #tpu.memory_space<vmem>>
        %dma_start3A_573 = tpu.memref_squeeze %dma_start3A_572 : memref<1x1x128x64xf32, #tpu.memory_space<vmem>> -> memref<128x64xf32, #tpu.memory_space<vmem>>
        %dma_start3A_574 = arith.constant 0 : i32
        %dma_start3A_575 = tpu.memref_slice %arg5[%add3A_567, %dma_start3A_574] : memref<32x128xi32, #tpu.memory_space<vmem>> -> memref<1x128xi32, #tpu.memory_space<vmem>>
        %dma_start3A_576 = tpu.memref_squeeze %dma_start3A_575 : memref<1x128xi32, #tpu.memory_space<vmem>> -> memref<128xi32, #tpu.memory_space<vmem>>
        %dma_start3A_577 = arith.constant 0 : i32
        %dma_start3A_578 = arith.constant 0 : i32
        %dma_start3A_579 = tpu.memref_slice %arg3[%dma_start3A_577, %dma_start3A_578] : memref<10000x64xf32, #tpu.memory_space<hbm>> -> memref<10000x64xf32, #tpu.memory_space<hbm>>
        tpu.enqueue_indirect_dma source(%dma_start3A_579 : memref<10000x64xf32, #tpu.memory_space<hbm>>) target(%dma_start3A_573 : memref<128x64xf32, #tpu.memory_space<vmem>>) offsets(%dma_start3A_576 : memref<128xi32, #tpu.memory_space<vmem>>) semaphore(%arg8 : memref<!tpu.dma_semaphore, #tpu.memory_space<semaphore_mem>>)
        %mul3A_580 = arith.constant 2 : i32
        %mul3A_581 = arith.muli %add3A_563, %mul3A_580 : i32
        %add3A_582 = arith.constant 1 : i32
        %add3A_583 = arith.addi %mul3A_581, %add3A_582 : i32
        %dma_start3A_584 = arith.constant 1 : i32
        %dma_start3A_585 = arith.constant 1 : i32
        %dma_start3A_586 = arith.constant 0 : i32
        %dma_start3A_587 = arith.constant 0 : i32
        %dma_start3A_588 = tpu.memref_slice %arg6[%dma_start3A_584, %dma_start3A_585, %dma_start3A_586, %dma_start3A_587] : memref<4x2x128x64xf32, #tpu.memory_space<vmem>> -> memref<1x1x128x64xf32, #tpu.memory_space<vmem>>
        %dma_start3A_589 = tpu.memref_squeeze %dma_start3A_588 : memref<1x1x128x64xf32, #tpu.memory_space<vmem>> -> memref<128x64xf32, #tpu.memory_space<vmem>>
        %dma_start3A_590 = arith.constant 0 : i32
        %dma_start3A_591 = tpu.memref_slice %arg5[%add3A_583, %dma_start3A_590] : memref<32x128xi32, #tpu.memory_space<vmem>> -> memref<1x128xi32, #tpu.memory_space<vmem>>
        %dma_start3A_592 = tpu.memref_squeeze %dma_start3A_591 : memref<1x128xi32, #tpu.memory_space<vmem>> -> memref<128xi32, #tpu.memory_space<vmem>>
        %dma_start3A_593 = arith.constant 0 : i32
        %dma_start3A_594 = arith.constant 0 : i32
        %dma_start3A_595 = tpu.memref_slice %arg3[%dma_start3A_593, %dma_start3A_594] : memref<10000x64xf32, #tpu.memory_space<hbm>> -> memref<10000x64xf32, #tpu.memory_space<hbm>>
        tpu.enqueue_indirect_dma source(%dma_start3A_595 : memref<10000x64xf32, #tpu.memory_space<hbm>>) target(%dma_start3A_589 : memref<128x64xf32, #tpu.memory_space<vmem>>) offsets(%dma_start3A_592 : memref<128xi32, #tpu.memory_space<vmem>>) semaphore(%arg8 : memref<!tpu.dma_semaphore, #tpu.memory_space<semaphore_mem>>)
      } else {
      }
    }
    %scan3A_58 = arith.constant 4 : i32
    %dma_wait3A = arith.constant 0 : i32
    %dma_wait3A_59 = arith.constant 0 : i32
    %dma_wait3A_60 = arith.constant 0 : i32
    %dma_wait3A_61 = arith.constant 0 : i32
    %dma_wait3A_62 = tpu.memref_slice %arg6[%dma_wait3A, %dma_wait3A_59, %dma_wait3A_60, %dma_wait3A_61] : memref<4x2x128x64xf32, #tpu.memory_space<vmem>> -> memref<1x1x128x64xf32, #tpu.memory_space<vmem>>
    %dma_wait3A_63 = tpu.memref_squeeze %dma_wait3A_62 : memref<1x1x128x64xf32, #tpu.memory_space<vmem>> -> memref<128x64xf32, #tpu.memory_space<vmem>>
    %dma_wait3A_64 = arith.constant 0 : i32
    %dma_wait3A_65 = arith.constant 0 : i32
    %dma_wait3A_66 = tpu.memref_slice %arg4[%dma_wait3A_64, %dma_wait3A_65] : memref<131072x64xf32, #tpu.memory_space<hbm>> -> memref<128x64xf32, #tpu.memory_space<hbm>>
    %dma_wait3A_67 = arith.constant 0 : i32
    %dma_wait3A_68 = arith.constant 0 : i32
    %dma_wait3A_69 = tpu.memref_slice %arg4[%dma_wait3A_67, %dma_wait3A_68] : memref<131072x64xf32, #tpu.memory_space<hbm>> -> memref<128x64xf32, #tpu.memory_space<hbm>>
    %dma_wait3A_70 = arith.constant 0 : i32
    %dma_wait3A_71 = arith.constant 0 : i32
    %dma_wait3A_72 = tpu.memref_slice %arg6[%dma_wait3A, %dma_wait3A_59, %dma_wait3A_70, %dma_wait3A_71] : memref<4x2x128x64xf32, #tpu.memory_space<vmem>> -> memref<1x1x128x64xf32, #tpu.memory_space<vmem>>
    %dma_wait3A_73 = tpu.memref_squeeze %dma_wait3A_72 : memref<1x1x128x64xf32, #tpu.memory_space<vmem>> -> memref<128x64xf32, #tpu.memory_space<vmem>>
    tpu.wait_dma2 semaphore(%arg11 : memref<!tpu.dma_semaphore, #tpu.memory_space<semaphore_mem>>) src(%dma_wait3A_73 : memref<128x64xf32, #tpu.memory_space<vmem>>) dst(%dma_wait3A_69 : memref<128x64xf32, #tpu.memory_space<hbm>>)
    %dma_wait3A_74 = arith.constant 0 : i32
    %dma_wait3A_75 = arith.constant 1 : i32
    %dma_wait3A_76 = arith.constant 0 : i32
    %dma_wait3A_77 = arith.constant 0 : i32
    %dma_wait3A_78 = tpu.memref_slice %arg6[%dma_wait3A_74, %dma_wait3A_75, %dma_wait3A_76, %dma_wait3A_77] : memref<4x2x128x64xf32, #tpu.memory_space<vmem>> -> memref<1x1x128x64xf32, #tpu.memory_space<vmem>>
    %dma_wait3A_79 = tpu.memref_squeeze %dma_wait3A_78 : memref<1x1x128x64xf32, #tpu.memory_space<vmem>> -> memref<128x64xf32, #tpu.memory_space<vmem>>
    %dma_wait3A_80 = arith.constant 0 : i32
    %dma_wait3A_81 = arith.constant 0 : i32
    %dma_wait3A_82 = tpu.memref_slice %arg4[%dma_wait3A_80, %dma_wait3A_81] : memref<131072x64xf32, #tpu.memory_space<hbm>> -> memref<128x64xf32, #tpu.memory_space<hbm>>
    %dma_wait3A_83 = arith.constant 0 : i32
    %dma_wait3A_84 = arith.constant 0 : i32
    %dma_wait3A_85 = tpu.memref_slice %arg4[%dma_wait3A_83, %dma_wait3A_84] : memref<131072x64xf32, #tpu.memory_space<hbm>> -> memref<128x64xf32, #tpu.memory_space<hbm>>
    %dma_wait3A_86 = arith.constant 0 : i32
    %dma_wait3A_87 = arith.constant 0 : i32
    %dma_wait3A_88 = tpu.memref_slice %arg6[%dma_wait3A_74, %dma_wait3A_75, %dma_wait3A_86, %dma_wait3A_87] : memref<4x2x128x64xf32, #tpu.memory_space<vmem>> -> memref<1x1x128x64xf32, #tpu.memory_space<vmem>>
    %dma_wait3A_89 = tpu.memref_squeeze %dma_wait3A_88 : memref<1x1x128x64xf32, #tpu.memory_space<vmem>> -> memref<128x64xf32, #tpu.memory_space<vmem>>
    tpu.wait_dma2 semaphore(%arg11 : memref<!tpu.dma_semaphore, #tpu.memory_space<semaphore_mem>>) src(%dma_wait3A_89 : memref<128x64xf32, #tpu.memory_space<vmem>>) dst(%dma_wait3A_85 : memref<128x64xf32, #tpu.memory_space<hbm>>)
    %dma_wait3A_90 = arith.constant 1 : i32
    %dma_wait3A_91 = arith.constant 0 : i32
    %dma_wait3A_92 = arith.constant 0 : i32
    %dma_wait3A_93 = arith.constant 0 : i32
    %dma_wait3A_94 = tpu.memref_slice %arg6[%dma_wait3A_90, %dma_wait3A_91, %dma_wait3A_92, %dma_wait3A_93] : memref<4x2x128x64xf32, #tpu.memory_space<vmem>> -> memref<1x1x128x64xf32, #tpu.memory_space<vmem>>
    %dma_wait3A_95 = tpu.memref_squeeze %dma_wait3A_94 : memref<1x1x128x64xf32, #tpu.memory_space<vmem>> -> memref<128x64xf32, #tpu.memory_space<vmem>>
    %dma_wait3A_96 = arith.constant 0 : i32
    %dma_wait3A_97 = arith.constant 0 : i32
    %dma_wait3A_98 = tpu.memref_slice %arg4[%dma_wait3A_96, %dma_wait3A_97] : memref<131072x64xf32, #tpu.memory_space<hbm>> -> memref<128x64xf32, #tpu.memory_space<hbm>>
    %dma_wait3A_99 = arith.constant 0 : i32
    %dma_wait3A_100 = arith.constant 0 : i32
    %dma_wait3A_101 = tpu.memref_slice %arg4[%dma_wait3A_99, %dma_wait3A_100] : memref<131072x64xf32, #tpu.memory_space<hbm>> -> memref<128x64xf32, #tpu.memory_space<hbm>>
    %dma_wait3A_102 = arith.constant 0 : i32
    %dma_wait3A_103 = arith.constant 0 : i32
    %dma_wait3A_104 = tpu.memref_slice %arg6[%dma_wait3A_90, %dma_wait3A_91, %dma_wait3A_102, %dma_wait3A_103] : memref<4x2x128x64xf32, #tpu.memory_space<vmem>> -> memref<1x1x128x64xf32, #tpu.memory_space<vmem>>
    %dma_wait3A_105 = tpu.memref_squeeze %dma_wait3A_104 : memref<1x1x128x64xf32, #tpu.memory_space<vmem>> -> memref<128x64xf32, #tpu.memory_space<vmem>>
    tpu.wait_dma2 semaphore(%arg12 : memref<!tpu.dma_semaphore, #tpu.memory_space<semaphore_mem>>) src(%dma_wait3A_105 : memref<128x64xf32, #tpu.memory_space<vmem>>) dst(%dma_wait3A_101 : memref<128x64xf32, #tpu.memory_space<hbm>>)
    %dma_wait3A_106 = arith.constant 1 : i32
    %dma_wait3A_107 = arith.constant 1 : i32
    %dma_wait3A_108 = arith.constant 0 : i32
    %dma_wait3A_109 = arith.constant 0 : i32
    %dma_wait3A_110 = tpu.memref_slice %arg6[%dma_wait3A_106, %dma_wait3A_107, %dma_wait3A_108, %dma_wait3A_109] : memref<4x2x128x64xf32, #tpu.memory_space<vmem>> -> memref<1x1x128x64xf32, #tpu.memory_space<vmem>>
    %dma_wait3A_111 = tpu.memref_squeeze %dma_wait3A_110 : memref<1x1x128x64xf32, #tpu.memory_space<vmem>> -> memref<128x64xf32, #tpu.memory_space<vmem>>
    %dma_wait3A_112 = arith.constant 0 : i32
    %dma_wait3A_113 = arith.constant 0 : i32
    %dma_wait3A_114 = tpu.memref_slice %arg4[%dma_wait3A_112, %dma_wait3A_113] : memref<131072x64xf32, #tpu.memory_space<hbm>> -> memref<128x64xf32, #tpu.memory_space<hbm>>
    %dma_wait3A_115 = arith.constant 0 : i32
    %dma_wait3A_116 = arith.constant 0 : i32
    %dma_wait3A_117 = tpu.memref_slice %arg4[%dma_wait3A_115, %dma_wait3A_116] : memref<131072x64xf32, #tpu.memory_space<hbm>> -> memref<128x64xf32, #tpu.memory_space<hbm>>
    %dma_wait3A_118 = arith.constant 0 : i32
    %dma_wait3A_119 = arith.constant 0 : i32
    %dma_wait3A_120 = tpu.memref_slice %arg6[%dma_wait3A_106, %dma_wait3A_107, %dma_wait3A_118, %dma_wait3A_119] : memref<4x2x128x64xf32, #tpu.memory_space<vmem>> -> memref<1x1x128x64xf32, #tpu.memory_space<vmem>>
    %dma_wait3A_121 = tpu.memref_squeeze %dma_wait3A_120 : memref<1x1x128x64xf32, #tpu.memory_space<vmem>> -> memref<128x64xf32, #tpu.memory_space<vmem>>
    tpu.wait_dma2 semaphore(%arg12 : memref<!tpu.dma_semaphore, #tpu.memory_space<semaphore_mem>>) src(%dma_wait3A_121 : memref<128x64xf32, #tpu.memory_space<vmem>>) dst(%dma_wait3A_117 : memref<128x64xf32, #tpu.memory_space<hbm>>)
    %dma_wait3A_122 = arith.constant 2 : i32
    %dma_wait3A_123 = arith.constant 0 : i32
    %dma_wait3A_124 = arith.constant 0 : i32
    %dma_wait3A_125 = arith.constant 0 : i32
    %dma_wait3A_126 = tpu.memref_slice %arg6[%dma_wait3A_122, %dma_wait3A_123, %dma_wait3A_124, %dma_wait3A_125] : memref<4x2x128x64xf32, #tpu.memory_space<vmem>> -> memref<1x1x128x64xf32, #tpu.memory_space<vmem>>
    %dma_wait3A_127 = tpu.memref_squeeze %dma_wait3A_126 : memref<1x1x128x64xf32, #tpu.memory_space<vmem>> -> memref<128x64xf32, #tpu.memory_space<vmem>>
    %dma_wait3A_128 = arith.constant 0 : i32
    %dma_wait3A_129 = arith.constant 0 : i32
    %dma_wait3A_130 = tpu.memref_slice %arg4[%dma_wait3A_128, %dma_wait3A_129] : memref<131072x64xf32, #tpu.memory_space<hbm>> -> memref<128x64xf32, #tpu.memory_space<hbm>>
    %dma_wait3A_131 = arith.constant 0 : i32
    %dma_wait3A_132 = arith.constant 0 : i32
    %dma_wait3A_133 = tpu.memref_slice %arg4[%dma_wait3A_131, %dma_wait3A_132] : memref<131072x64xf32, #tpu.memory_space<hbm>> -> memref<128x64xf32, #tpu.memory_space<hbm>>
    %dma_wait3A_134 = arith.constant 0 : i32
    %dma_wait3A_135 = arith.constant 0 : i32
    %dma_wait3A_136 = tpu.memref_slice %arg6[%dma_wait3A_122, %dma_wait3A_123, %dma_wait3A_134, %dma_wait3A_135] : memref<4x2x128x64xf32, #tpu.memory_space<vmem>> -> memref<1x1x128x64xf32, #tpu.memory_space<vmem>>
    %dma_wait3A_137 = tpu.memref_squeeze %dma_wait3A_136 : memref<1x1x128x64xf32, #tpu.memory_space<vmem>> -> memref<128x64xf32, #tpu.memory_space<vmem>>
    tpu.wait_dma2 semaphore(%arg13 : memref<!tpu.dma_semaphore, #tpu.memory_space<semaphore_mem>>) src(%dma_wait3A_137 : memref<128x64xf32, #tpu.memory_space<vmem>>) dst(%dma_wait3A_133 : memref<128x64xf32, #tpu.memory_space<hbm>>)
    %dma_wait3A_138 = arith.constant 2 : i32
    %dma_wait3A_139 = arith.constant 1 : i32
    %dma_wait3A_140 = arith.constant 0 : i32
    %dma_wait3A_141 = arith.constant 0 : i32
    %dma_wait3A_142 = tpu.memref_slice %arg6[%dma_wait3A_138, %dma_wait3A_139, %dma_wait3A_140, %dma_wait3A_141] : memref<4x2x128x64xf32, #tpu.memory_space<vmem>> -> memref<1x1x128x64xf32, #tpu.memory_space<vmem>>
    %dma_wait3A_143 = tpu.memref_squeeze %dma_wait3A_142 : memref<1x1x128x64xf32, #tpu.memory_space<vmem>> -> memref<128x64xf32, #tpu.memory_space<vmem>>
    %dma_wait3A_144 = arith.constant 0 : i32
    %dma_wait3A_145 = arith.constant 0 : i32
    %dma_wait3A_146 = tpu.memref_slice %arg4[%dma_wait3A_144, %dma_wait3A_145] : memref<131072x64xf32, #tpu.memory_space<hbm>> -> memref<128x64xf32, #tpu.memory_space<hbm>>
    %dma_wait3A_147 = arith.constant 0 : i32
    %dma_wait3A_148 = arith.constant 0 : i32
    %dma_wait3A_149 = tpu.memref_slice %arg4[%dma_wait3A_147, %dma_wait3A_148] : memref<131072x64xf32, #tpu.memory_space<hbm>> -> memref<128x64xf32, #tpu.memory_space<hbm>>
    %dma_wait3A_150 = arith.constant 0 : i32
    %dma_wait3A_151 = arith.constant 0 : i32
    %dma_wait3A_152 = tpu.memref_slice %arg6[%dma_wait3A_138, %dma_wait3A_139, %dma_wait3A_150, %dma_wait3A_151] : memref<4x2x128x64xf32, #tpu.memory_space<vmem>> -> memref<1x1x128x64xf32, #tpu.memory_space<vmem>>
    %dma_wait3A_153 = tpu.memref_squeeze %dma_wait3A_152 : memref<1x1x128x64xf32, #tpu.memory_space<vmem>> -> memref<128x64xf32, #tpu.memory_space<vmem>>
    tpu.wait_dma2 semaphore(%arg13 : memref<!tpu.dma_semaphore, #tpu.memory_space<semaphore_mem>>) src(%dma_wait3A_153 : memref<128x64xf32, #tpu.memory_space<vmem>>) dst(%dma_wait3A_149 : memref<128x64xf32, #tpu.memory_space<hbm>>)
    %dma_wait3A_154 = arith.constant 3 : i32
    %dma_wait3A_155 = arith.constant 0 : i32
    %dma_wait3A_156 = arith.constant 0 : i32
    %dma_wait3A_157 = arith.constant 0 : i32
    %dma_wait3A_158 = tpu.memref_slice %arg6[%dma_wait3A_154, %dma_wait3A_155, %dma_wait3A_156, %dma_wait3A_157] : memref<4x2x128x64xf32, #tpu.memory_space<vmem>> -> memref<1x1x128x64xf32, #tpu.memory_space<vmem>>
    %dma_wait3A_159 = tpu.memref_squeeze %dma_wait3A_158 : memref<1x1x128x64xf32, #tpu.memory_space<vmem>> -> memref<128x64xf32, #tpu.memory_space<vmem>>
    %dma_wait3A_160 = arith.constant 0 : i32
    %dma_wait3A_161 = arith.constant 0 : i32
    %dma_wait3A_162 = tpu.memref_slice %arg4[%dma_wait3A_160, %dma_wait3A_161] : memref<131072x64xf32, #tpu.memory_space<hbm>> -> memref<128x64xf32, #tpu.memory_space<hbm>>
    %dma_wait3A_163 = arith.constant 0 : i32
    %dma_wait3A_164 = arith.constant 0 : i32
    %dma_wait3A_165 = tpu.memref_slice %arg4[%dma_wait3A_163, %dma_wait3A_164] : memref<131072x64xf32, #tpu.memory_space<hbm>> -> memref<128x64xf32, #tpu.memory_space<hbm>>
    %dma_wait3A_166 = arith.constant 0 : i32
    %dma_wait3A_167 = arith.constant 0 : i32
    %dma_wait3A_168 = tpu.memref_slice %arg6[%dma_wait3A_154, %dma_wait3A_155, %dma_wait3A_166, %dma_wait3A_167] : memref<4x2x128x64xf32, #tpu.memory_space<vmem>> -> memref<1x1x128x64xf32, #tpu.memory_space<vmem>>
    %dma_wait3A_169 = tpu.memref_squeeze %dma_wait3A_168 : memref<1x1x128x64xf32, #tpu.memory_space<vmem>> -> memref<128x64xf32, #tpu.memory_space<vmem>>
    tpu.wait_dma2 semaphore(%arg14 : memref<!tpu.dma_semaphore, #tpu.memory_space<semaphore_mem>>) src(%dma_wait3A_169 : memref<128x64xf32, #tpu.memory_space<vmem>>) dst(%dma_wait3A_165 : memref<128x64xf32, #tpu.memory_space<hbm>>)
    %dma_wait3A_170 = arith.constant 3 : i32
    %dma_wait3A_171 = arith.constant 1 : i32
    %dma_wait3A_172 = arith.constant 0 : i32
    %dma_wait3A_173 = arith.constant 0 : i32
    %dma_wait3A_174 = tpu.memref_slice %arg6[%dma_wait3A_170, %dma_wait3A_171, %dma_wait3A_172, %dma_wait3A_173] : memref<4x2x128x64xf32, #tpu.memory_space<vmem>> -> memref<1x1x128x64xf32, #tpu.memory_space<vmem>>
    %dma_wait3A_175 = tpu.memref_squeeze %dma_wait3A_174 : memref<1x1x128x64xf32, #tpu.memory_space<vmem>> -> memref<128x64xf32, #tpu.memory_space<vmem>>
    %dma_wait3A_176 = arith.constant 0 : i32
    %dma_wait3A_177 = arith.constant 0 : i32
    %dma_wait3A_178 = tpu.memref_slice %arg4[%dma_wait3A_176, %dma_wait3A_177] : memref<131072x64xf32, #tpu.memory_space<hbm>> -> memref<128x64xf32, #tpu.memory_space<hbm>>
    %dma_wait3A_179 = arith.constant 0 : i32
    %dma_wait3A_180 = arith.constant 0 : i32
    %dma_wait3A_181 = tpu.memref_slice %arg4[%dma_wait3A_179, %dma_wait3A_180] : memref<131072x64xf32, #tpu.memory_space<hbm>> -> memref<128x64xf32, #tpu.memory_space<hbm>>
    %dma_wait3A_182 = arith.constant 0 : i32
    %dma_wait3A_183 = arith.constant 0 : i32
    %dma_wait3A_184 = tpu.memref_slice %arg6[%dma_wait3A_170, %dma_wait3A_171, %dma_wait3A_182, %dma_wait3A_183] : memref<4x2x128x64xf32, #tpu.memory_space<vmem>> -> memref<1x1x128x64xf32, #tpu.memory_space<vmem>>
    %dma_wait3A_185 = tpu.memref_squeeze %dma_wait3A_184 : memref<1x1x128x64xf32, #tpu.memory_space<vmem>> -> memref<128x64xf32, #tpu.memory_space<vmem>>
    tpu.wait_dma2 semaphore(%arg14 : memref<!tpu.dma_semaphore, #tpu.memory_space<semaphore_mem>>) src(%dma_wait3A_185 : memref<128x64xf32, #tpu.memory_space<vmem>>) dst(%dma_wait3A_181 : memref<128x64xf32, #tpu.memory_space<hbm>>)
    return
  }
}

#map = affine_map<(d0, d1) -> (0, 0, 0)>
#map1 = affine_map<(d0, d1) -> (0, 0)>
module attributes {stable_mosaic.version = 14 : i64} {
  func.func @gather_k(%arg0: i32, %arg1: i32, %arg2: memref<32x32x128xi32, #tpu.memory_space<hbm>>, %arg3: memref<10000x64xf32, #tpu.memory_space<hbm>>, %arg4: memref<131072x64xf32, #tpu.memory_space<hbm>>, %arg5: memref<32x128xi32, #tpu.memory_space<vmem>>, %arg6: memref<4x2x128x64xf32, #tpu.memory_space<vmem>>, %arg7: memref<!tpu.dma_semaphore, #tpu.memory_space<semaphore_mem>>, %arg8: memref<!tpu.dma_semaphore, #tpu.memory_space<semaphore_mem>>, %arg9: memref<!tpu.dma_semaphore, #tpu.memory_space<semaphore_mem>>, %arg10: memref<!tpu.dma_semaphore, #tpu.memory_space<semaphore_mem>>, %arg11: memref<!tpu.dma_semaphore, #tpu.memory_space<semaphore_mem>>, %arg12: memref<!tpu.dma_semaphore, #tpu.memory_space<semaphore_mem>>, %arg13: memref<!tpu.dma_semaphore, #tpu.memory_space<semaphore_mem>>, %arg14: memref<!tpu.dma_semaphore, #tpu.memory_space<semaphore_mem>>) attributes {dimension_semantics = [#tpu.dimension_semantics<core_parallel>, #tpu.dimension_semantics<subcore_parallel>], iteration_bounds = array<i64: 2, 16>, scalar_prefetch = 0 : i64, scratch_operands = 10 : i64, tpu.core_type = #tpu.core_type<sc_vector_subcore>, window_params = [{transform_indices = #map}, {transform_indices = #map1}, {transform_indices = #map1}]} {
    %mul3A = arith.constant 2 : i32
    %mul3A_0 = arith.muli %arg1, %mul3A : i32
    %add3A = arith.addi %mul3A_0, %arg0 : i32
    %mul3A_1 = arith.constant 32 : i32
    %mul3A_2 = arith.muli %add3A, %mul3A_1 : i32
    "tpu.region"() ({
      %run_scoped3A = tpu.sem_alloc : memref<!tpu.dma_semaphore, #tpu.memory_space<semaphore_mem>>
      %dma_start3A_186 = arith.constant 0 : i32
      %dma_start3A_187 = arith.constant 0 : i32
      %dma_start3A_188 = tpu.memref_slice %arg2[%add3A, %dma_start3A_186, %dma_start3A_187] : memref<32x32x128xi32, #tpu.memory_space<hbm>> -> memref<1x32x128xi32, #tpu.memory_space<hbm>>
      %dma_start3A_189 = tpu.memref_squeeze %dma_start3A_188 : memref<1x32x128xi32, #tpu.memory_space<hbm>> -> memref<32x128xi32, #tpu.memory_space<hbm>>
      %dma_start3A_190 = arith.constant 0 : i32
      %dma_start3A_191 = arith.constant 0 : i32
      %dma_start3A_192 = tpu.memref_slice %arg2[%add3A, %dma_start3A_190, %dma_start3A_191] : memref<32x32x128xi32, #tpu.memory_space<hbm>> -> memref<1x32x128xi32, #tpu.memory_space<hbm>>
      %dma_start3A_193 = tpu.memref_squeeze %dma_start3A_192 : memref<1x32x128xi32, #tpu.memory_space<hbm>> -> memref<32x128xi32, #tpu.memory_space<hbm>>
      tpu.enqueue_dma source(%dma_start3A_193 : memref<32x128xi32, #tpu.memory_space<hbm>>) target(%arg5 : memref<32x128xi32, #tpu.memory_space<vmem>>) target_semaphore(%run_scoped3A : memref<!tpu.dma_semaphore, #tpu.memory_space<semaphore_mem>>)
      %dma_wait3A_194 = arith.constant 0 : i32
      %dma_wait3A_195 = arith.constant 0 : i32
      %dma_wait3A_196 = tpu.memref_slice %arg2[%add3A, %dma_wait3A_194, %dma_wait3A_195] : memref<32x32x128xi32, #tpu.memory_space<hbm>> -> memref<1x32x128xi32, #tpu.memory_space<hbm>>
      %dma_wait3A_197 = tpu.memref_squeeze %dma_wait3A_196 : memref<1x32x128xi32, #tpu.memory_space<hbm>> -> memref<32x128xi32, #tpu.memory_space<hbm>>
      %dma_wait3A_198 = arith.constant 0 : i32
      %dma_wait3A_199 = arith.constant 0 : i32
      %dma_wait3A_200 = tpu.memref_slice %arg2[%add3A, %dma_wait3A_198, %dma_wait3A_199] : memref<32x32x128xi32, #tpu.memory_space<hbm>> -> memref<1x32x128xi32, #tpu.memory_space<hbm>>
      %dma_wait3A_201 = tpu.memref_squeeze %dma_wait3A_200 : memref<1x32x128xi32, #tpu.memory_space<hbm>> -> memref<32x128xi32, #tpu.memory_space<hbm>>
      tpu.wait_dma2 semaphore(%run_scoped3A : memref<!tpu.dma_semaphore, #tpu.memory_space<semaphore_mem>>) src(%dma_wait3A_201 : memref<32x128xi32, #tpu.memory_space<hbm>>) dst(%arg5 : memref<32x128xi32, #tpu.memory_space<vmem>>)
      tpu.yield
    }) : () -> ()
    %dma_start3A = arith.constant 0 : i32
    %dma_start3A_3 = arith.constant 0 : i32
    %dma_start3A_4 = arith.constant 0 : i32
    %dma_start3A_5 = arith.constant 0 : i32
    %dma_start3A_6 = arith.constant 0 : i32
    %dma_start3A_7 = tpu.memref_slice %arg6[%dma_start3A_3, %dma_start3A_4, %dma_start3A_5, %dma_start3A_6] : memref<4x2x128x64xf32, #tpu.memory_space<vmem>> -> memref<1x1x128x64xf32, #tpu.memory_space<vmem>>
    %dma_start3A_8 = tpu.memref_squeeze %dma_start3A_7 : memref<1x1x128x64xf32, #tpu.memory_space<vmem>> -> memref<128x64xf32, #tpu.memory_space<vmem>>
    %dma_start3A_9 = arith.constant 0 : i32
    %dma_start3A_10 = tpu.memref_slice %arg5[%dma_start3A, %dma_start3A_9] : memref<32x128xi32, #tpu.memory_space<vmem>> -> memref<1x128xi32, #tpu.memory_space<vmem>>
    %dma_start3A_11 = tpu.memref_squeeze %dma_start3A_10 : memref<1x128xi32, #tpu.memory_space<vmem>> -> memref<128xi32, #tpu.memory_space<vmem>>
    %dma_start3A_12 = arith.constant 0 : i32
    %dma_start3A_13 = arith.constant 0 : i32
    %dma_start3A_14 = tpu.memref_slice %arg3[%dma_start3A_12, %dma_start3A_13] : memref<10000x64xf32, #tpu.memory_space<hbm>> -> memref<10000x64xf32, #tpu.memory_space<hbm>>
    tpu.enqueue_indirect_dma source(%dma_start3A_14 : memref<10000x64xf32, #tpu.memory_space<hbm>>) target(%dma_start3A_8 : memref<128x64xf32, #tpu.memory_space<vmem>>) offsets(%dma_start3A_11 : memref<128xi32, #tpu.memory_space<vmem>>) semaphore(%arg7 : memref<!tpu.dma_semaphore, #tpu.memory_space<semaphore_mem>>)
    %dma_start3A_15 = arith.constant 1 : i32
    %dma_start3A_16 = arith.constant 0 : i32
    %dma_start3A_17 = arith.constant 1 : i32
    %dma_start3A_18 = arith.constant 0 : i32
    %dma_start3A_19 = arith.constant 0 : i32
    %dma_start3A_20 = tpu.memref_slice %arg6[%dma_start3A_16, %dma_start3A_17, %dma_start3A_18, %dma_start3A_19] : memref<4x2x128x64xf32, #tpu.memory_space<vmem>> -> memref<1x1x128x64xf32, #tpu.memory_space<vmem>>
    %dma_start3A_21 = tpu.memref_squeeze %dma_start3A_20 : memref<1x1x128x64xf32, #tpu.memory_space<vmem>> -> memref<128x64xf32, #tpu.memory_space<vmem>>
    %dma_start3A_22 = arith.constant 0 : i32
    %dma_start3A_23 = tpu.memref_slice %arg5[%dma_start3A_15, %dma_start3A_22] : memref<32x128xi32, #tpu.memory_space<vmem>> -> memref<1x128xi32, #tpu.memory_space<vmem>>
    %dma_start3A_24 = tpu.memref_squeeze %dma_start3A_23 : memref<1x128xi32, #tpu.memory_space<vmem>> -> memref<128xi32, #tpu.memory_space<vmem>>
    %dma_start3A_25 = arith.constant 0 : i32
    %dma_start3A_26 = arith.constant 0 : i32
    %dma_start3A_27 = tpu.memref_slice %arg3[%dma_start3A_25, %dma_start3A_26] : memref<10000x64xf32, #tpu.memory_space<hbm>> -> memref<10000x64xf32, #tpu.memory_space<hbm>>
    tpu.enqueue_indirect_dma source(%dma_start3A_27 : memref<10000x64xf32, #tpu.memory_space<hbm>>) target(%dma_start3A_21 : memref<128x64xf32, #tpu.memory_space<vmem>>) offsets(%dma_start3A_24 : memref<128xi32, #tpu.memory_space<vmem>>) semaphore(%arg7 : memref<!tpu.dma_semaphore, #tpu.memory_space<semaphore_mem>>)
    %dma_start3A_28 = arith.constant 2 : i32
    %dma_start3A_29 = arith.constant 1 : i32
    %dma_start3A_30 = arith.constant 0 : i32
    %dma_start3A_31 = arith.constant 0 : i32
    %dma_start3A_32 = arith.constant 0 : i32
    %dma_start3A_33 = tpu.memref_slice %arg6[%dma_start3A_29, %dma_start3A_30, %dma_start3A_31, %dma_start3A_32] : memref<4x2x128x64xf32, #tpu.memory_space<vmem>> -> memref<1x1x128x64xf32, #tpu.memory_space<vmem>>
    %dma_start3A_34 = tpu.memref_squeeze %dma_start3A_33 : memref<1x1x128x64xf32, #tpu.memory_space<vmem>> -> memref<128x64xf32, #tpu.memory_space<vmem>>
    %dma_start3A_35 = arith.constant 0 : i32
    %dma_start3A_36 = tpu.memref_slice %arg5[%dma_start3A_28, %dma_start3A_35] : memref<32x128xi32, #tpu.memory_space<vmem>> -> memref<1x128xi32, #tpu.memory_space<vmem>>
    %dma_start3A_37 = tpu.memref_squeeze %dma_start3A_36 : memref<1x128xi32, #tpu.memory_space<vmem>> -> memref<128xi32, #tpu.memory_space<vmem>>
    %dma_start3A_38 = arith.constant 0 : i32
    %dma_start3A_39 = arith.constant 0 : i32
    %dma_start3A_40 = tpu.memref_slice %arg3[%dma_start3A_38, %dma_start3A_39] : memref<10000x64xf32, #tpu.memory_space<hbm>> -> memref<10000x64xf32, #tpu.memory_space<hbm>>
    tpu.enqueue_indirect_dma source(%dma_start3A_40 : memref<10000x64xf32, #tpu.memory_space<hbm>>) target(%dma_start3A_34 : memref<128x64xf32, #tpu.memory_space<vmem>>) offsets(%dma_start3A_37 : memref<128xi32, #tpu.memory_space<vmem>>) semaphore(%arg8 : memref<!tpu.dma_semaphore, #tpu.memory_space<semaphore_mem>>)
    %dma_start3A_41 = arith.constant 3 : i32
    %dma_start3A_42 = arith.constant 1 : i32
    %dma_start3A_43 = arith.constant 1 : i32
    %dma_start3A_44 = arith.constant 0 : i32
    %dma_start3A_45 = arith.constant 0 : i32
    %dma_start3A_46 = tpu.memref_slice %arg6[%dma_start3A_42, %dma_start3A_43, %dma_start3A_44, %dma_start3A_45] : memref<4x2x128x64xf32, #tpu.memory_space<vmem>> -> memref<1x1x128x64xf32, #tpu.memory_space<vmem>>
    %dma_start3A_47 = tpu.memref_squeeze %dma_start3A_46 : memref<1x1x128x64xf32, #tpu.memory_space<vmem>> -> memref<128x64xf32, #tpu.memory_space<vmem>>
    %dma_start3A_48 = arith.constant 0 : i32
    %dma_start3A_49 = tpu.memref_slice %arg5[%dma_start3A_41, %dma_start3A_48] : memref<32x128xi32, #tpu.memory_space<vmem>> -> memref<1x128xi32, #tpu.memory_space<vmem>>
    %dma_start3A_50 = tpu.memref_squeeze %dma_start3A_49 : memref<1x128xi32, #tpu.memory_space<vmem>> -> memref<128xi32, #tpu.memory_space<vmem>>
    %dma_start3A_51 = arith.constant 0 : i32
    %dma_start3A_52 = arith.constant 0 : i32
    %dma_start3A_53 = tpu.memref_slice %arg3[%dma_start3A_51, %dma_start3A_52] : memref<10000x64xf32, #tpu.memory_space<hbm>> -> memref<10000x64xf32, #tpu.memory_space<hbm>>
    tpu.enqueue_indirect_dma source(%dma_start3A_53 : memref<10000x64xf32, #tpu.memory_space<hbm>>) target(%dma_start3A_47 : memref<128x64xf32, #tpu.memory_space<vmem>>) offsets(%dma_start3A_50 : memref<128xi32, #tpu.memory_space<vmem>>) semaphore(%arg8 : memref<!tpu.dma_semaphore, #tpu.memory_space<semaphore_mem>>)
    %scan3A = arith.constant 0 : i32
    %scan3A_54 = arith.constant 0 : i32
    %scan3A_55 = arith.constant 4 : i32
    %scan3A_56 = arith.addi %scan3A_54, %scan3A_55 : i32
    %scan3A_57 = arith.constant 1 : i32
    scf.for %scan3A_186 = %scan3A_54 to %scan3A_56 step %scan3A_57  : i32 {
      %mul3A_187 = arith.constant 4 : i32
      %mul3A_188 = arith.muli %mul3A_187, %scan3A_186 : i32
      %add3A_189 = arith.constant 0 : i32
      %add3A_190 = arith.addi %mul3A_188, %add3A_189 : i32
      %dma_wait3A_191 = arith.constant 0 : i32
      %dma_wait3A_192 = arith.constant 0 : i32
      %dma_wait3A_193 = arith.constant 0 : i32
      %dma_wait3A_194 = arith.constant 0 : i32
      %dma_wait3A_195 = tpu.memref_slice %arg6[%dma_wait3A_191, %dma_wait3A_192, %dma_wait3A_193, %dma_wait3A_194] : memref<4x2x128x64xf32, #tpu.memory_space<vmem>> -> memref<1x1x128x64xf32, #tpu.memory_space<vmem>>
      %dma_wait3A_196 = tpu.memref_squeeze %dma_wait3A_195 : memref<1x1x128x64xf32, #tpu.memory_space<vmem>> -> memref<128x64xf32, #tpu.memory_space<vmem>>
      %dma_wait3A_197 = arith.constant 0 : i32
      %dma_wait3A_198 = arith.constant 0 : i32
      %dma_wait3A_199 = tpu.memref_slice %arg3[%dma_wait3A_197, %dma_wait3A_198] : memref<10000x64xf32, #tpu.memory_space<hbm>> -> memref<128x64xf32, #tpu.memory_space<hbm>>
      %dma_wait3A_200 = arith.constant 0 : i32
      %dma_wait3A_201 = arith.constant 0 : i32
      %dma_wait3A_202 = tpu.memref_slice %arg6[%dma_wait3A_191, %dma_wait3A_192, %dma_wait3A_200, %dma_wait3A_201] : memref<4x2x128x64xf32, #tpu.memory_space<vmem>> -> memref<1x1x128x64xf32, #tpu.memory_space<vmem>>
      %dma_wait3A_203 = tpu.memref_squeeze %dma_wait3A_202 : memref<1x1x128x64xf32, #tpu.memory_space<vmem>> -> memref<128x64xf32, #tpu.memory_space<vmem>>
      %dma_wait3A_204 = arith.constant 0 : i32
      %dma_wait3A_205 = arith.constant 0 : i32
      %dma_wait3A_206 = tpu.memref_slice %arg3[%dma_wait3A_204, %dma_wait3A_205] : memref<10000x64xf32, #tpu.memory_space<hbm>> -> memref<128x64xf32, #tpu.memory_space<hbm>>
      tpu.wait_dma2 semaphore(%arg7 : memref<!tpu.dma_semaphore, #tpu.memory_space<semaphore_mem>>) src(%dma_wait3A_206 : memref<128x64xf32, #tpu.memory_space<hbm>>) dst(%dma_wait3A_203 : memref<128x64xf32, #tpu.memory_space<vmem>>)
      %dma_wait3A_207 = arith.constant 0 : i32
      %dma_wait3A_208 = arith.constant 1 : i32
      %dma_wait3A_209 = arith.constant 0 : i32
      %dma_wait3A_210 = arith.constant 0 : i32
      %dma_wait3A_211 = tpu.memref_slice %arg6[%dma_wait3A_207, %dma_wait3A_208, %dma_wait3A_209, %dma_wait3A_210] : memref<4x2x128x64xf32, #tpu.memory_space<vmem>> -> memref<1x1x128x64xf32, #tpu.memory_space<vmem>>
      %dma_wait3A_212 = tpu.memref_squeeze %dma_wait3A_211 : memref<1x1x128x64xf32, #tpu.memory_space<vmem>> -> memref<128x64xf32, #tpu.memory_space<vmem>>
      %dma_wait3A_213 = arith.constant 0 : i32
      %dma_wait3A_214 = arith.constant 0 : i32
      %dma_wait3A_215 = tpu.memref_slice %arg3[%dma_wait3A_213, %dma_wait3A_214] : memref<10000x64xf32, #tpu.memory_space<hbm>> -> memref<128x64xf32, #tpu.memory_space<hbm>>
      %dma_wait3A_216 = arith.constant 0 : i32
      %dma_wait3A_217 = arith.constant 0 : i32
      %dma_wait3A_218 = tpu.memref_slice %arg6[%dma_wait3A_207, %dma_wait3A_208, %dma_wait3A_216, %dma_wait3A_217] : memref<4x2x128x64xf32, #tpu.memory_space<vmem>> -> memref<1x1x128x64xf32, #tpu.memory_space<vmem>>
      %dma_wait3A_219 = tpu.memref_squeeze %dma_wait3A_218 : memref<1x1x128x64xf32, #tpu.memory_space<vmem>> -> memref<128x64xf32, #tpu.memory_space<vmem>>
      %dma_wait3A_220 = arith.constant 0 : i32
      %dma_wait3A_221 = arith.constant 0 : i32
      %dma_wait3A_222 = tpu.memref_slice %arg3[%dma_wait3A_220, %dma_wait3A_221] : memref<10000x64xf32, #tpu.memory_space<hbm>> -> memref<128x64xf32, #tpu.memory_space<hbm>>
      tpu.wait_dma2 semaphore(%arg7 : memref<!tpu.dma_semaphore, #tpu.memory_space<semaphore_mem>>) src(%dma_wait3A_222 : memref<128x64xf32, #tpu.memory_space<hbm>>) dst(%dma_wait3A_219 : memref<128x64xf32, #tpu.memory_space<vmem>>)
      %mul3A_223 = arith.constant 2 : i32
      %mul3A_224 = arith.muli %add3A_190, %mul3A_223 : i32
      %add3A_225 = arith.constant 0 : i32
      %add3A_226 = arith.addi %mul3A_224, %add3A_225 : i32
      %add3A_227 = arith.addi %mul3A_2, %add3A_226 : i32
      %mul3A_228 = arith.constant 128 : i32
      %mul3A_229 = arith.muli %add3A_227, %mul3A_228 : i32
      %dma_start3A_230 = arith.constant 0 : i32
      %dma_start3A_231 = arith.constant 0 : i32
      %dma_start3A_232 = arith.constant 0 : i32
      %dma_start3A_233 = arith.constant 0 : i32
      %dma_start3A_234 = tpu.memref_slice %arg6[%dma_start3A_230, %dma_start3A_231, %dma_start3A_232, %dma_start3A_233] : memref<4x2x128x64xf32, #tpu.memory_space<vmem>> -> memref<1x1x128x64xf32, #tpu.memory_space<vmem>>
      %dma_start3A_235 = tpu.memref_squeeze %dma_start3A_234 : memref<1x1x128x64xf32, #tpu.memory_space<vmem>> -> memref<128x64xf32, #tpu.memory_space<vmem>>
      %dma_start3A_236 = arith.constant 0 : i32
      %dma_start3A_237 = tpu.memref_slice %arg4[%mul3A_229, %dma_start3A_236] : memref<131072x64xf32, #tpu.memory_space<hbm>> -> memref<128x64xf32, #tpu.memory_space<hbm>>
      %dma_start3A_238 = arith.constant 0 : i32
      %dma_start3A_239 = tpu.memref_slice %arg4[%mul3A_229, %dma_start3A_238] : memref<131072x64xf32, #tpu.memory_space<hbm>> -> memref<128x64xf32, #tpu.memory_space<hbm>>
      %dma_start3A_240 = arith.constant 0 : i32
      %dma_start3A_241 = arith.constant 0 : i32
      %dma_start3A_242 = tpu.memref_slice %arg6[%dma_start3A_230, %dma_start3A_231, %dma_start3A_240, %dma_start3A_241] : memref<4x2x128x64xf32, #tpu.memory_space<vmem>> -> memref<1x1x128x64xf32, #tpu.memory_space<vmem>>
      %dma_start3A_243 = tpu.memref_squeeze %dma_start3A_242 : memref<1x1x128x64xf32, #tpu.memory_space<vmem>> -> memref<128x64xf32, #tpu.memory_space<vmem>>
      tpu.enqueue_dma source(%dma_start3A_243 : memref<128x64xf32, #tpu.memory_space<vmem>>) target(%dma_start3A_239 : memref<128x64xf32, #tpu.memory_space<hbm>>) target_semaphore(%arg11 : memref<!tpu.dma_semaphore, #tpu.memory_space<semaphore_mem>>)
      %mul3A_244 = arith.constant 2 : i32
      %mul3A_245 = arith.muli %add3A_190, %mul3A_244 : i32
      %add3A_246 = arith.constant 1 : i32
      %add3A_247 = arith.addi %mul3A_245, %add3A_246 : i32
      %add3A_248 = arith.addi %mul3A_2, %add3A_247 : i32
      %mul3A_249 = arith.constant 128 : i32
      %mul3A_250 = arith.muli %add3A_248, %mul3A_249 : i32
      %dma_start3A_251 = arith.constant 0 : i32
      %dma_start3A_252 = arith.constant 1 : i32
      %dma_start3A_253 = arith.constant 0 : i32
      %dma_start3A_254 = arith.constant 0 : i32
      %dma_start3A_255 = tpu.memref_slice %arg6[%dma_start3A_251, %dma_start3A_252, %dma_start3A_253, %dma_start3A_254] : memref<4x2x128x64xf32, #tpu.memory_space<vmem>> -> memref<1x1x128x64xf32, #tpu.memory_space<vmem>>
      %dma_start3A_256 = tpu.memref_squeeze %dma_start3A_255 : memref<1x1x128x64xf32, #tpu.memory_space<vmem>> -> memref<128x64xf32, #tpu.memory_space<vmem>>
      %dma_start3A_257 = arith.constant 0 : i32
      %dma_start3A_258 = tpu.memref_slice %arg4[%mul3A_250, %dma_start3A_257] : memref<131072x64xf32, #tpu.memory_space<hbm>> -> memref<128x64xf32, #tpu.memory_space<hbm>>
      %dma_start3A_259 = arith.constant 0 : i32
      %dma_start3A_260 = tpu.memref_slice %arg4[%mul3A_250, %dma_start3A_259] : memref<131072x64xf32, #tpu.memory_space<hbm>> -> memref<128x64xf32, #tpu.memory_space<hbm>>
      %dma_start3A_261 = arith.constant 0 : i32
      %dma_start3A_262 = arith.constant 0 : i32
      %dma_start3A_263 = tpu.memref_slice %arg6[%dma_start3A_251, %dma_start3A_252, %dma_start3A_261, %dma_start3A_262] : memref<4x2x128x64xf32, #tpu.memory_space<vmem>> -> memref<1x1x128x64xf32, #tpu.memory_space<vmem>>
      %dma_start3A_264 = tpu.memref_squeeze %dma_start3A_263 : memref<1x1x128x64xf32, #tpu.memory_space<vmem>> -> memref<128x64xf32, #tpu.memory_space<vmem>>
      tpu.enqueue_dma source(%dma_start3A_264 : memref<128x64xf32, #tpu.memory_space<vmem>>) target(%dma_start3A_260 : memref<128x64xf32, #tpu.memory_space<hbm>>) target_semaphore(%arg11 : memref<!tpu.dma_semaphore, #tpu.memory_space<semaphore_mem>>)
      %ge3A = arith.constant 2 : i32
      %ge3A_265 = arith.cmpi sge, %add3A_190, %ge3A : i32
      %add3A_266 = arith.constant 2 : i32
      %add3A_267 = arith.addi %add3A_190, %add3A_266 : i32
      %lt3A = arith.constant 16 : i32
      %lt3A_268 = arith.cmpi slt, %add3A_267, %lt3A : i32
      %and3A = arith.andi %ge3A_265, %lt3A_268 : i1
      %convert_element_type3A = arith.extui %and3A : i1 to i32
      %cond3A = arith.constant 0 : i32
      %cond3A_269 = arith.cmpi ne, %convert_element_type3A, %cond3A : i32
      scf.if %cond3A_269 {
        %dma_wait3A_562 = arith.constant 2 : i32
        %dma_wait3A_563 = arith.constant 0 : i32
        %dma_wait3A_564 = arith.constant 0 : i32
        %dma_wait3A_565 = arith.constant 0 : i32
        %dma_wait3A_566 = tpu.memref_slice %arg6[%dma_wait3A_562, %dma_wait3A_563, %dma_wait3A_564, %dma_wait3A_565] : memref<4x2x128x64xf32, #tpu.memory_space<vmem>> -> memref<1x1x128x64xf32, #tpu.memory_space<vmem>>
        %dma_wait3A_567 = tpu.memref_squeeze %dma_wait3A_566 : memref<1x1x128x64xf32, #tpu.memory_space<vmem>> -> memref<128x64xf32, #tpu.memory_space<vmem>>
        %dma_wait3A_568 = arith.constant 0 : i32
        %dma_wait3A_569 = arith.constant 0 : i32
        %dma_wait3A_570 = tpu.memref_slice %arg4[%dma_wait3A_568, %dma_wait3A_569] : memref<131072x64xf32, #tpu.memory_space<hbm>> -> memref<128x64xf32, #tpu.memory_space<hbm>>
        %dma_wait3A_571 = arith.constant 0 : i32
        %dma_wait3A_572 = arith.constant 0 : i32
        %dma_wait3A_573 = tpu.memref_slice %arg4[%dma_wait3A_571, %dma_wait3A_572] : memref<131072x64xf32, #tpu.memory_space<hbm>> -> memref<128x64xf32, #tpu.memory_space<hbm>>
        %dma_wait3A_574 = arith.constant 0 : i32
        %dma_wait3A_575 = arith.constant 0 : i32
        %dma_wait3A_576 = tpu.memref_slice %arg6[%dma_wait3A_562, %dma_wait3A_563, %dma_wait3A_574, %dma_wait3A_575] : memref<4x2x128x64xf32, #tpu.memory_space<vmem>> -> memref<1x1x128x64xf32, #tpu.memory_space<vmem>>
        %dma_wait3A_577 = tpu.memref_squeeze %dma_wait3A_576 : memref<1x1x128x64xf32, #tpu.memory_space<vmem>> -> memref<128x64xf32, #tpu.memory_space<vmem>>
        tpu.wait_dma2 semaphore(%arg13 : memref<!tpu.dma_semaphore, #tpu.memory_space<semaphore_mem>>) src(%dma_wait3A_577 : memref<128x64xf32, #tpu.memory_space<vmem>>) dst(%dma_wait3A_573 : memref<128x64xf32, #tpu.memory_space<hbm>>)
        %dma_wait3A_578 = arith.constant 2 : i32
        %dma_wait3A_579 = arith.constant 1 : i32
        %dma_wait3A_580 = arith.constant 0 : i32
        %dma_wait3A_581 = arith.constant 0 : i32
        %dma_wait3A_582 = tpu.memref_slice %arg6[%dma_wait3A_578, %dma_wait3A_579, %dma_wait3A_580, %dma_wait3A_581] : memref<4x2x128x64xf32, #tpu.memory_space<vmem>> -> memref<1x1x128x64xf32, #tpu.memory_space<vmem>>
        %dma_wait3A_583 = tpu.memref_squeeze %dma_wait3A_582 : memref<1x1x128x64xf32, #tpu.memory_space<vmem>> -> memref<128x64xf32, #tpu.memory_space<vmem>>
        %dma_wait3A_584 = arith.constant 0 : i32
        %dma_wait3A_585 = arith.constant 0 : i32
        %dma_wait3A_586 = tpu.memref_slice %arg4[%dma_wait3A_584, %dma_wait3A_585] : memref<131072x64xf32, #tpu.memory_space<hbm>> -> memref<128x64xf32, #tpu.memory_space<hbm>>
        %dma_wait3A_587 = arith.constant 0 : i32
        %dma_wait3A_588 = arith.constant 0 : i32
        %dma_wait3A_589 = tpu.memref_slice %arg4[%dma_wait3A_587, %dma_wait3A_588] : memref<131072x64xf32, #tpu.memory_space<hbm>> -> memref<128x64xf32, #tpu.memory_space<hbm>>
        %dma_wait3A_590 = arith.constant 0 : i32
        %dma_wait3A_591 = arith.constant 0 : i32
        %dma_wait3A_592 = tpu.memref_slice %arg6[%dma_wait3A_578, %dma_wait3A_579, %dma_wait3A_590, %dma_wait3A_591] : memref<4x2x128x64xf32, #tpu.memory_space<vmem>> -> memref<1x1x128x64xf32, #tpu.memory_space<vmem>>
        %dma_wait3A_593 = tpu.memref_squeeze %dma_wait3A_592 : memref<1x1x128x64xf32, #tpu.memory_space<vmem>> -> memref<128x64xf32, #tpu.memory_space<vmem>>
        tpu.wait_dma2 semaphore(%arg13 : memref<!tpu.dma_semaphore, #tpu.memory_space<semaphore_mem>>) src(%dma_wait3A_593 : memref<128x64xf32, #tpu.memory_space<vmem>>) dst(%dma_wait3A_589 : memref<128x64xf32, #tpu.memory_space<hbm>>)
      } else {
      }
      %add3A_270 = arith.constant 2 : i32
      %add3A_271 = arith.addi %add3A_190, %add3A_270 : i32
      %lt3A_272 = arith.constant 16 : i32
      %lt3A_273 = arith.cmpi slt, %add3A_271, %lt3A_272 : i32
      %convert_element_type3A_274 = arith.extui %lt3A_273 : i1 to i32
      %cond3A_275 = arith.constant 0 : i32
      %cond3A_276 = arith.cmpi ne, %convert_element_type3A_274, %cond3A_275 : i32
      scf.if %cond3A_276 {
        %add3A_562 = arith.constant 2 : i32
        %add3A_563 = arith.addi %add3A_190, %add3A_562 : i32
        %mul3A_564 = arith.constant 2 : i32
        %mul3A_565 = arith.muli %add3A_563, %mul3A_564 : i32
        %add3A_566 = arith.constant 0 : i32
        %add3A_567 = arith.addi %mul3A_565, %add3A_566 : i32
        %dma_start3A_568 = arith.constant 2 : i32
        %dma_start3A_569 = arith.constant 0 : i32
        %dma_start3A_570 = arith.constant 0 : i32
        %dma_start3A_571 = arith.constant 0 : i32
        %dma_start3A_572 = tpu.memref_slice %arg6[%dma_start3A_568, %dma_start3A_569, %dma_start3A_570, %dma_start3A_571] : memref<4x2x128x64xf32, #tpu.memory_space<vmem>> -> memref<1x1x128x64xf32, #tpu.memory_space<vmem>>
        %dma_start3A_573 = tpu.memref_squeeze %dma_start3A_572 : memref<1x1x128x64xf32, #tpu.memory_space<vmem>> -> memref<128x64xf32, #tpu.memory_space<vmem>>
        %dma_start3A_574 = arith.constant 0 : i32
        %dma_start3A_575 = tpu.memref_slice %arg5[%add3A_567, %dma_start3A_574] : memref<32x128xi32, #tpu.memory_space<vmem>> -> memref<1x128xi32, #tpu.memory_space<vmem>>
        %dma_start3A_576 = tpu.memref_squeeze %dma_start3A_575 : memref<1x128xi32, #tpu.memory_space<vmem>> -> memref<128xi32, #tpu.memory_space<vmem>>
        %dma_start3A_577 = arith.constant 0 : i32
        %dma_start3A_578 = arith.constant 0 : i32
        %dma_start3A_579 = tpu.memref_slice %arg3[%dma_start3A_577, %dma_start3A_578] : memref<10000x64xf32, #tpu.memory_space<hbm>> -> memref<10000x64xf32, #tpu.memory_space<hbm>>
        tpu.enqueue_indirect_dma source(%dma_start3A_579 : memref<10000x64xf32, #tpu.memory_space<hbm>>) target(%dma_start3A_573 : memref<128x64xf32, #tpu.memory_space<vmem>>) offsets(%dma_start3A_576 : memref<128xi32, #tpu.memory_space<vmem>>) semaphore(%arg9 : memref<!tpu.dma_semaphore, #tpu.memory_space<semaphore_mem>>)
        %mul3A_580 = arith.constant 2 : i32
        %mul3A_581 = arith.muli %add3A_563, %mul3A_580 : i32
        %add3A_582 = arith.constant 1 : i32
        %add3A_583 = arith.addi %mul3A_581, %add3A_582 : i32
        %dma_start3A_584 = arith.constant 2 : i32
        %dma_start3A_585 = arith.constant 1 : i32
        %dma_start3A_586 = arith.constant 0 : i32
        %dma_start3A_587 = arith.constant 0 : i32
        %dma_start3A_588 = tpu.memref_slice %arg6[%dma_start3A_584, %dma_start3A_585, %dma_start3A_586, %dma_start3A_587] : memref<4x2x128x64xf32, #tpu.memory_space<vmem>> -> memref<1x1x128x64xf32, #tpu.memory_space<vmem>>
        %dma_start3A_589 = tpu.memref_squeeze %dma_start3A_588 : memref<1x1x128x64xf32, #tpu.memory_space<vmem>> -> memref<128x64xf32, #tpu.memory_space<vmem>>
        %dma_start3A_590 = arith.constant 0 : i32
        %dma_start3A_591 = tpu.memref_slice %arg5[%add3A_583, %dma_start3A_590] : memref<32x128xi32, #tpu.memory_space<vmem>> -> memref<1x128xi32, #tpu.memory_space<vmem>>
        %dma_start3A_592 = tpu.memref_squeeze %dma_start3A_591 : memref<1x128xi32, #tpu.memory_space<vmem>> -> memref<128xi32, #tpu.memory_space<vmem>>
        %dma_start3A_593 = arith.constant 0 : i32
        %dma_start3A_594 = arith.constant 0 : i32
        %dma_start3A_595 = tpu.memref_slice %arg3[%dma_start3A_593, %dma_start3A_594] : memref<10000x64xf32, #tpu.memory_space<hbm>> -> memref<10000x64xf32, #tpu.memory_space<hbm>>
        tpu.enqueue_indirect_dma source(%dma_start3A_595 : memref<10000x64xf32, #tpu.memory_space<hbm>>) target(%dma_start3A_589 : memref<128x64xf32, #tpu.memory_space<vmem>>) offsets(%dma_start3A_592 : memref<128xi32, #tpu.memory_space<vmem>>) semaphore(%arg9 : memref<!tpu.dma_semaphore, #tpu.memory_space<semaphore_mem>>)
      } else {
      }
      %mul3A_277 = arith.constant 4 : i32
      %mul3A_278 = arith.muli %mul3A_277, %scan3A_186 : i32
      %add3A_279 = arith.constant 1 : i32
      %add3A_280 = arith.addi %mul3A_278, %add3A_279 : i32
      %dma_wait3A_281 = arith.constant 1 : i32
      %dma_wait3A_282 = arith.constant 0 : i32
      %dma_wait3A_283 = arith.constant 0 : i32
      %dma_wait3A_284 = arith.constant 0 : i32
      %dma_wait3A_285 = tpu.memref_slice %arg6[%dma_wait3A_281, %dma_wait3A_282, %dma_wait3A_283, %dma_wait3A_284] : memref<4x2x128x64xf32, #tpu.memory_space<vmem>> -> memref<1x1x128x64xf32, #tpu.memory_space<vmem>>
      %dma_wait3A_286 = tpu.memref_squeeze %dma_wait3A_285 : memref<1x1x128x64xf32, #tpu.memory_space<vmem>> -> memref<128x64xf32, #tpu.memory_space<vmem>>
      %dma_wait3A_287 = arith.constant 0 : i32
      %dma_wait3A_288 = arith.constant 0 : i32
      %dma_wait3A_289 = tpu.memref_slice %arg3[%dma_wait3A_287, %dma_wait3A_288] : memref<10000x64xf32, #tpu.memory_space<hbm>> -> memref<128x64xf32, #tpu.memory_space<hbm>>
      %dma_wait3A_290 = arith.constant 0 : i32
      %dma_wait3A_291 = arith.constant 0 : i32
      %dma_wait3A_292 = tpu.memref_slice %arg6[%dma_wait3A_281, %dma_wait3A_282, %dma_wait3A_290, %dma_wait3A_291] : memref<4x2x128x64xf32, #tpu.memory_space<vmem>> -> memref<1x1x128x64xf32, #tpu.memory_space<vmem>>
      %dma_wait3A_293 = tpu.memref_squeeze %dma_wait3A_292 : memref<1x1x128x64xf32, #tpu.memory_space<vmem>> -> memref<128x64xf32, #tpu.memory_space<vmem>>
      %dma_wait3A_294 = arith.constant 0 : i32
      %dma_wait3A_295 = arith.constant 0 : i32
      %dma_wait3A_296 = tpu.memref_slice %arg3[%dma_wait3A_294, %dma_wait3A_295] : memref<10000x64xf32, #tpu.memory_space<hbm>> -> memref<128x64xf32, #tpu.memory_space<hbm>>
      tpu.wait_dma2 semaphore(%arg8 : memref<!tpu.dma_semaphore, #tpu.memory_space<semaphore_mem>>) src(%dma_wait3A_296 : memref<128x64xf32, #tpu.memory_space<hbm>>) dst(%dma_wait3A_293 : memref<128x64xf32, #tpu.memory_space<vmem>>)
      %dma_wait3A_297 = arith.constant 1 : i32
      %dma_wait3A_298 = arith.constant 1 : i32
      %dma_wait3A_299 = arith.constant 0 : i32
      %dma_wait3A_300 = arith.constant 0 : i32
      %dma_wait3A_301 = tpu.memref_slice %arg6[%dma_wait3A_297, %dma_wait3A_298, %dma_wait3A_299, %dma_wait3A_300] : memref<4x2x128x64xf32, #tpu.memory_space<vmem>> -> memref<1x1x128x64xf32, #tpu.memory_space<vmem>>
      %dma_wait3A_302 = tpu.memref_squeeze %dma_wait3A_301 : memref<1x1x128x64xf32, #tpu.memory_space<vmem>> -> memref<128x64xf32, #tpu.memory_space<vmem>>
      %dma_wait3A_303 = arith.constant 0 : i32
      %dma_wait3A_304 = arith.constant 0 : i32
      %dma_wait3A_305 = tpu.memref_slice %arg3[%dma_wait3A_303, %dma_wait3A_304] : memref<10000x64xf32, #tpu.memory_space<hbm>> -> memref<128x64xf32, #tpu.memory_space<hbm>>
      %dma_wait3A_306 = arith.constant 0 : i32
      %dma_wait3A_307 = arith.constant 0 : i32
      %dma_wait3A_308 = tpu.memref_slice %arg6[%dma_wait3A_297, %dma_wait3A_298, %dma_wait3A_306, %dma_wait3A_307] : memref<4x2x128x64xf32, #tpu.memory_space<vmem>> -> memref<1x1x128x64xf32, #tpu.memory_space<vmem>>
      %dma_wait3A_309 = tpu.memref_squeeze %dma_wait3A_308 : memref<1x1x128x64xf32, #tpu.memory_space<vmem>> -> memref<128x64xf32, #tpu.memory_space<vmem>>
      %dma_wait3A_310 = arith.constant 0 : i32
      %dma_wait3A_311 = arith.constant 0 : i32
      %dma_wait3A_312 = tpu.memref_slice %arg3[%dma_wait3A_310, %dma_wait3A_311] : memref<10000x64xf32, #tpu.memory_space<hbm>> -> memref<128x64xf32, #tpu.memory_space<hbm>>
      tpu.wait_dma2 semaphore(%arg8 : memref<!tpu.dma_semaphore, #tpu.memory_space<semaphore_mem>>) src(%dma_wait3A_312 : memref<128x64xf32, #tpu.memory_space<hbm>>) dst(%dma_wait3A_309 : memref<128x64xf32, #tpu.memory_space<vmem>>)
      %mul3A_313 = arith.constant 2 : i32
      %mul3A_314 = arith.muli %add3A_280, %mul3A_313 : i32
      %add3A_315 = arith.constant 0 : i32
      %add3A_316 = arith.addi %mul3A_314, %add3A_315 : i32
      %add3A_317 = arith.addi %mul3A_2, %add3A_316 : i32
      %mul3A_318 = arith.constant 128 : i32
      %mul3A_319 = arith.muli %add3A_317, %mul3A_318 : i32
      %dma_start3A_320 = arith.constant 1 : i32
      %dma_start3A_321 = arith.constant 0 : i32
      %dma_start3A_322 = arith.constant 0 : i32
      %dma_start3A_323 = arith.constant 0 : i32
      %dma_start3A_324 = tpu.memref_slice %arg6[%dma_start3A_320, %dma_start3A_321, %dma_start3A_322, %dma_start3A_323] : memref<4x2x128x64xf32, #tpu.memory_space<vmem>> -> memref<1x1x128x64xf32, #tpu.memory_space<vmem>>
      %dma_start3A_325 = tpu.memref_squeeze %dma_start3A_324 : memref<1x1x128x64xf32, #tpu.memory_space<vmem>> -> memref<128x64xf32, #tpu.memory_space<vmem>>
      %dma_start3A_326 = arith.constant 0 : i32
      %dma_start3A_327 = tpu.memref_slice %arg4[%mul3A_319, %dma_start3A_326] : memref<131072x64xf32, #tpu.memory_space<hbm>> -> memref<128x64xf32, #tpu.memory_space<hbm>>
      %dma_start3A_328 = arith.constant 0 : i32
      %dma_start3A_329 = tpu.memref_slice %arg4[%mul3A_319, %dma_start3A_328] : memref<131072x64xf32, #tpu.memory_space<hbm>> -> memref<128x64xf32, #tpu.memory_space<hbm>>
      %dma_start3A_330 = arith.constant 0 : i32
      %dma_start3A_331 = arith.constant 0 : i32
      %dma_start3A_332 = tpu.memref_slice %arg6[%dma_start3A_320, %dma_start3A_321, %dma_start3A_330, %dma_start3A_331] : memref<4x2x128x64xf32, #tpu.memory_space<vmem>> -> memref<1x1x128x64xf32, #tpu.memory_space<vmem>>
      %dma_start3A_333 = tpu.memref_squeeze %dma_start3A_332 : memref<1x1x128x64xf32, #tpu.memory_space<vmem>> -> memref<128x64xf32, #tpu.memory_space<vmem>>
      tpu.enqueue_dma source(%dma_start3A_333 : memref<128x64xf32, #tpu.memory_space<vmem>>) target(%dma_start3A_329 : memref<128x64xf32, #tpu.memory_space<hbm>>) target_semaphore(%arg12 : memref<!tpu.dma_semaphore, #tpu.memory_space<semaphore_mem>>)
      %mul3A_334 = arith.constant 2 : i32
      %mul3A_335 = arith.muli %add3A_280, %mul3A_334 : i32
      %add3A_336 = arith.constant 1 : i32
      %add3A_337 = arith.addi %mul3A_335, %add3A_336 : i32
      %add3A_338 = arith.addi %mul3A_2, %add3A_337 : i32
      %mul3A_339 = arith.constant 128 : i32
      %mul3A_340 = arith.muli %add3A_338, %mul3A_339 : i32
      %dma_start3A_341 = arith.constant 1 : i32
      %dma_start3A_342 = arith.constant 1 : i32
      %dma_start3A_343 = arith.constant 0 : i32
      %dma_start3A_344 = arith.constant 0 : i32
      %dma_start3A_345 = tpu.memref_slice %arg6[%dma_start3A_341, %dma_start3A_342, %dma_start3A_343, %dma_start3A_344] : memref<4x2x128x64xf32, #tpu.memory_space<vmem>> -> memref<1x1x128x64xf32, #tpu.memory_space<vmem>>
      %dma_start3A_346 = tpu.memref_squeeze %dma_start3A_345 : memref<1x1x128x64xf32, #tpu.memory_space<vmem>> -> memref<128x64xf32, #tpu.memory_space<vmem>>
      %dma_start3A_347 = arith.constant 0 : i32
      %dma_start3A_348 = tpu.memref_slice %arg4[%mul3A_340, %dma_start3A_347] : memref<131072x64xf32, #tpu.memory_space<hbm>> -> memref<128x64xf32, #tpu.memory_space<hbm>>
      %dma_start3A_349 = arith.constant 0 : i32
      %dma_start3A_350 = tpu.memref_slice %arg4[%mul3A_340, %dma_start3A_349] : memref<131072x64xf32, #tpu.memory_space<hbm>> -> memref<128x64xf32, #tpu.memory_space<hbm>>
      %dma_start3A_351 = arith.constant 0 : i32
      %dma_start3A_352 = arith.constant 0 : i32
      %dma_start3A_353 = tpu.memref_slice %arg6[%dma_start3A_341, %dma_start3A_342, %dma_start3A_351, %dma_start3A_352] : memref<4x2x128x64xf32, #tpu.memory_space<vmem>> -> memref<1x1x128x64xf32, #tpu.memory_space<vmem>>
      %dma_start3A_354 = tpu.memref_squeeze %dma_start3A_353 : memref<1x1x128x64xf32, #tpu.memory_space<vmem>> -> memref<128x64xf32, #tpu.memory_space<vmem>>
      tpu.enqueue_dma source(%dma_start3A_354 : memref<128x64xf32, #tpu.memory_space<vmem>>) target(%dma_start3A_350 : memref<128x64xf32, #tpu.memory_space<hbm>>) target_semaphore(%arg12 : memref<!tpu.dma_semaphore, #tpu.memory_space<semaphore_mem>>)
      %ge3A_355 = arith.constant 2 : i32
      %ge3A_356 = arith.cmpi sge, %add3A_280, %ge3A_355 : i32
      %add3A_357 = arith.constant 2 : i32
      %add3A_358 = arith.addi %add3A_280, %add3A_357 : i32
      %lt3A_359 = arith.constant 16 : i32
      %lt3A_360 = arith.cmpi slt, %add3A_358, %lt3A_359 : i32
      %and3A_361 = arith.andi %ge3A_356, %lt3A_360 : i1
      %convert_element_type3A_362 = arith.extui %and3A_361 : i1 to i32
      %cond3A_363 = arith.constant 0 : i32
      %cond3A_364 = arith.cmpi ne, %convert_element_type3A_362, %cond3A_363 : i32
      scf.if %cond3A_364 {
        %dma_wait3A_562 = arith.constant 3 : i32
        %dma_wait3A_563 = arith.constant 0 : i32
        %dma_wait3A_564 = arith.constant 0 : i32
        %dma_wait3A_565 = arith.constant 0 : i32
        %dma_wait3A_566 = tpu.memref_slice %arg6[%dma_wait3A_562, %dma_wait3A_563, %dma_wait3A_564, %dma_wait3A_565] : memref<4x2x128x64xf32, #tpu.memory_space<vmem>> -> memref<1x1x128x64xf32, #tpu.memory_space<vmem>>
        %dma_wait3A_567 = tpu.memref_squeeze %dma_wait3A_566 : memref<1x1x128x64xf32, #tpu.memory_space<vmem>> -> memref<128x64xf32, #tpu.memory_space<vmem>>
        %dma_wait3A_568 = arith.constant 0 : i32
        %dma_wait3A_569 = arith.constant 0 : i32
        %dma_wait3A_570 = tpu.memref_slice %arg4[%dma_wait3A_568, %dma_wait3A_569] : memref<131072x64xf32, #tpu.memory_space<hbm>> -> memref<128x64xf32, #tpu.memory_space<hbm>>
        %dma_wait3A_571 = arith.constant 0 : i32
        %dma_wait3A_572 = arith.constant 0 : i32
        %dma_wait3A_573 = tpu.memref_slice %arg4[%dma_wait3A_571, %dma_wait3A_572] : memref<131072x64xf32, #tpu.memory_space<hbm>> -> memref<128x64xf32, #tpu.memory_space<hbm>>
        %dma_wait3A_574 = arith.constant 0 : i32
        %dma_wait3A_575 = arith.constant 0 : i32
        %dma_wait3A_576 = tpu.memref_slice %arg6[%dma_wait3A_562, %dma_wait3A_563, %dma_wait3A_574, %dma_wait3A_575] : memref<4x2x128x64xf32, #tpu.memory_space<vmem>> -> memref<1x1x128x64xf32, #tpu.memory_space<vmem>>
        %dma_wait3A_577 = tpu.memref_squeeze %dma_wait3A_576 : memref<1x1x128x64xf32, #tpu.memory_space<vmem>> -> memref<128x64xf32, #tpu.memory_space<vmem>>
        tpu.wait_dma2 semaphore(%arg14 : memref<!tpu.dma_semaphore, #tpu.memory_space<semaphore_mem>>) src(%dma_wait3A_577 : memref<128x64xf32, #tpu.memory_space<vmem>>) dst(%dma_wait3A_573 : memref<128x64xf32, #tpu.memory_space<hbm>>)
        %dma_wait3A_578 = arith.constant 3 : i32
        %dma_wait3A_579 = arith.constant 1 : i32
        %dma_wait3A_580 = arith.constant 0 : i32
        %dma_wait3A_581 = arith.constant 0 : i32
        %dma_wait3A_582 = tpu.memref_slice %arg6[%dma_wait3A_578, %dma_wait3A_579, %dma_wait3A_580, %dma_wait3A_581] : memref<4x2x128x64xf32, #tpu.memory_space<vmem>> -> memref<1x1x128x64xf32, #tpu.memory_space<vmem>>
        %dma_wait3A_583 = tpu.memref_squeeze %dma_wait3A_582 : memref<1x1x128x64xf32, #tpu.memory_space<vmem>> -> memref<128x64xf32, #tpu.memory_space<vmem>>
        %dma_wait3A_584 = arith.constant 0 : i32
        %dma_wait3A_585 = arith.constant 0 : i32
        %dma_wait3A_586 = tpu.memref_slice %arg4[%dma_wait3A_584, %dma_wait3A_585] : memref<131072x64xf32, #tpu.memory_space<hbm>> -> memref<128x64xf32, #tpu.memory_space<hbm>>
        %dma_wait3A_587 = arith.constant 0 : i32
        %dma_wait3A_588 = arith.constant 0 : i32
        %dma_wait3A_589 = tpu.memref_slice %arg4[%dma_wait3A_587, %dma_wait3A_588] : memref<131072x64xf32, #tpu.memory_space<hbm>> -> memref<128x64xf32, #tpu.memory_space<hbm>>
        %dma_wait3A_590 = arith.constant 0 : i32
        %dma_wait3A_591 = arith.constant 0 : i32
        %dma_wait3A_592 = tpu.memref_slice %arg6[%dma_wait3A_578, %dma_wait3A_579, %dma_wait3A_590, %dma_wait3A_591] : memref<4x2x128x64xf32, #tpu.memory_space<vmem>> -> memref<1x1x128x64xf32, #tpu.memory_space<vmem>>
        %dma_wait3A_593 = tpu.memref_squeeze %dma_wait3A_592 : memref<1x1x128x64xf32, #tpu.memory_space<vmem>> -> memref<128x64xf32, #tpu.memory_space<vmem>>
        tpu.wait_dma2 semaphore(%arg14 : memref<!tpu.dma_semaphore, #tpu.memory_space<semaphore_mem>>) src(%dma_wait3A_593 : memref<128x64xf32, #tpu.memory_space<vmem>>) dst(%dma_wait3A_589 : memref<128x64xf32, #tpu.memory_space<hbm>>)
      } else {
      }
      %add3A_365 = arith.constant 2 : i32
      %add3A_366 = arith.addi %add3A_280, %add3A_365 : i32
      %lt3A_367 = arith.constant 16 : i32
      %lt3A_368 = arith.cmpi slt, %add3A_366, %lt3A_367 : i32
      %convert_element_type3A_369 = arith.extui %lt3A_368 : i1 to i32
      %cond3A_370 = arith.constant 0 : i32
      %cond3A_371 = arith.cmpi ne, %convert_element_type3A_369, %cond3A_370 : i32
      scf.if %cond3A_371 {
        %add3A_562 = arith.constant 2 : i32
        %add3A_563 = arith.addi %add3A_280, %add3A_562 : i32
        %mul3A_564 = arith.constant 2 : i32
        %mul3A_565 = arith.muli %add3A_563, %mul3A_564 : i32
        %add3A_566 = arith.constant 0 : i32
        %add3A_567 = arith.addi %mul3A_565, %add3A_566 : i32
        %dma_start3A_568 = arith.constant 3 : i32
        %dma_start3A_569 = arith.constant 0 : i32
        %dma_start3A_570 = arith.constant 0 : i32
        %dma_start3A_571 = arith.constant 0 : i32
        %dma_start3A_572 = tpu.memref_slice %arg6[%dma_start3A_568, %dma_start3A_569, %dma_start3A_570, %dma_start3A_571] : memref<4x2x128x64xf32, #tpu.memory_space<vmem>> -> memref<1x1x128x64xf32, #tpu.memory_space<vmem>>
        %dma_start3A_573 = tpu.memref_squeeze %dma_start3A_572 : memref<1x1x128x64xf32, #tpu.memory_space<vmem>> -> memref<128x64xf32, #tpu.memory_space<vmem>>
        %dma_start3A_574 = arith.constant 0 : i32
        %dma_start3A_575 = tpu.memref_slice %arg5[%add3A_567, %dma_start3A_574] : memref<32x128xi32, #tpu.memory_space<vmem>> -> memref<1x128xi32, #tpu.memory_space<vmem>>
        %dma_start3A_576 = tpu.memref_squeeze %dma_start3A_575 : memref<1x128xi32, #tpu.memory_space<vmem>> -> memref<128xi32, #tpu.memory_space<vmem>>
        %dma_start3A_577 = arith.constant 0 : i32
        %dma_start3A_578 = arith.constant 0 : i32
        %dma_start3A_579 = tpu.memref_slice %arg3[%dma_start3A_577, %dma_start3A_578] : memref<10000x64xf32, #tpu.memory_space<hbm>> -> memref<10000x64xf32, #tpu.memory_space<hbm>>
        tpu.enqueue_indirect_dma source(%dma_start3A_579 : memref<10000x64xf32, #tpu.memory_space<hbm>>) target(%dma_start3A_573 : memref<128x64xf32, #tpu.memory_space<vmem>>) offsets(%dma_start3A_576 : memref<128xi32, #tpu.memory_space<vmem>>) semaphore(%arg10 : memref<!tpu.dma_semaphore, #tpu.memory_space<semaphore_mem>>)
        %mul3A_580 = arith.constant 2 : i32
        %mul3A_581 = arith.muli %add3A_563, %mul3A_580 : i32
        %add3A_582 = arith.constant 1 : i32
        %add3A_583 = arith.addi %mul3A_581, %add3A_582 : i32
        %dma_start3A_584 = arith.constant 3 : i32
        %dma_start3A_585 = arith.constant 1 : i32
        %dma_start3A_586 = arith.constant 0 : i32
        %dma_start3A_587 = arith.constant 0 : i32
        %dma_start3A_588 = tpu.memref_slice %arg6[%dma_start3A_584, %dma_start3A_585, %dma_start3A_586, %dma_start3A_587] : memref<4x2x128x64xf32, #tpu.memory_space<vmem>> -> memref<1x1x128x64xf32, #tpu.memory_space<vmem>>
        %dma_start3A_589 = tpu.memref_squeeze %dma_start3A_588 : memref<1x1x128x64xf32, #tpu.memory_space<vmem>> -> memref<128x64xf32, #tpu.memory_space<vmem>>
        %dma_start3A_590 = arith.constant 0 : i32
        %dma_start3A_591 = tpu.memref_slice %arg5[%add3A_583, %dma_start3A_590] : memref<32x128xi32, #tpu.memory_space<vmem>> -> memref<1x128xi32, #tpu.memory_space<vmem>>
        %dma_start3A_592 = tpu.memref_squeeze %dma_start3A_591 : memref<1x128xi32, #tpu.memory_space<vmem>> -> memref<128xi32, #tpu.memory_space<vmem>>
        %dma_start3A_593 = arith.constant 0 : i32
        %dma_start3A_594 = arith.constant 0 : i32
        %dma_start3A_595 = tpu.memref_slice %arg3[%dma_start3A_593, %dma_start3A_594] : memref<10000x64xf32, #tpu.memory_space<hbm>> -> memref<10000x64xf32, #tpu.memory_space<hbm>>
        tpu.enqueue_indirect_dma source(%dma_start3A_595 : memref<10000x64xf32, #tpu.memory_space<hbm>>) target(%dma_start3A_589 : memref<128x64xf32, #tpu.memory_space<vmem>>) offsets(%dma_start3A_592 : memref<128xi32, #tpu.memory_space<vmem>>) semaphore(%arg10 : memref<!tpu.dma_semaphore, #tpu.memory_space<semaphore_mem>>)
      } else {
      }
      %mul3A_372 = arith.constant 4 : i32
      %mul3A_373 = arith.muli %mul3A_372, %scan3A_186 : i32
      %add3A_374 = arith.constant 2 : i32
      %add3A_375 = arith.addi %mul3A_373, %add3A_374 : i32
      %dma_wait3A_376 = arith.constant 2 : i32
      %dma_wait3A_377 = arith.constant 0 : i32
      %dma_wait3A_378 = arith.constant 0 : i32
      %dma_wait3A_379 = arith.constant 0 : i32
      %dma_wait3A_380 = tpu.memref_slice %arg6[%dma_wait3A_376, %dma_wait3A_377, %dma_wait3A_378, %dma_wait3A_379] : memref<4x2x128x64xf32, #tpu.memory_space<vmem>> -> memref<1x1x128x64xf32, #tpu.memory_space<vmem>>
      %dma_wait3A_381 = tpu.memref_squeeze %dma_wait3A_380 : memref<1x1x128x64xf32, #tpu.memory_space<vmem>> -> memref<128x64xf32, #tpu.memory_space<vmem>>
      %dma_wait3A_382 = arith.constant 0 : i32
      %dma_wait3A_383 = arith.constant 0 : i32
      %dma_wait3A_384 = tpu.memref_slice %arg3[%dma_wait3A_382, %dma_wait3A_383] : memref<10000x64xf32, #tpu.memory_space<hbm>> -> memref<128x64xf32, #tpu.memory_space<hbm>>
      %dma_wait3A_385 = arith.constant 0 : i32
      %dma_wait3A_386 = arith.constant 0 : i32
      %dma_wait3A_387 = tpu.memref_slice %arg6[%dma_wait3A_376, %dma_wait3A_377, %dma_wait3A_385, %dma_wait3A_386] : memref<4x2x128x64xf32, #tpu.memory_space<vmem>> -> memref<1x1x128x64xf32, #tpu.memory_space<vmem>>
      %dma_wait3A_388 = tpu.memref_squeeze %dma_wait3A_387 : memref<1x1x128x64xf32, #tpu.memory_space<vmem>> -> memref<128x64xf32, #tpu.memory_space<vmem>>
      %dma_wait3A_389 = arith.constant 0 : i32
      %dma_wait3A_390 = arith.constant 0 : i32
      %dma_wait3A_391 = tpu.memref_slice %arg3[%dma_wait3A_389, %dma_wait3A_390] : memref<10000x64xf32, #tpu.memory_space<hbm>> -> memref<128x64xf32, #tpu.memory_space<hbm>>
      tpu.wait_dma2 semaphore(%arg9 : memref<!tpu.dma_semaphore, #tpu.memory_space<semaphore_mem>>) src(%dma_wait3A_391 : memref<128x64xf32, #tpu.memory_space<hbm>>) dst(%dma_wait3A_388 : memref<128x64xf32, #tpu.memory_space<vmem>>)
      %dma_wait3A_392 = arith.constant 2 : i32
      %dma_wait3A_393 = arith.constant 1 : i32
      %dma_wait3A_394 = arith.constant 0 : i32
      %dma_wait3A_395 = arith.constant 0 : i32
      %dma_wait3A_396 = tpu.memref_slice %arg6[%dma_wait3A_392, %dma_wait3A_393, %dma_wait3A_394, %dma_wait3A_395] : memref<4x2x128x64xf32, #tpu.memory_space<vmem>> -> memref<1x1x128x64xf32, #tpu.memory_space<vmem>>
      %dma_wait3A_397 = tpu.memref_squeeze %dma_wait3A_396 : memref<1x1x128x64xf32, #tpu.memory_space<vmem>> -> memref<128x64xf32, #tpu.memory_space<vmem>>
      %dma_wait3A_398 = arith.constant 0 : i32
      %dma_wait3A_399 = arith.constant 0 : i32
      %dma_wait3A_400 = tpu.memref_slice %arg3[%dma_wait3A_398, %dma_wait3A_399] : memref<10000x64xf32, #tpu.memory_space<hbm>> -> memref<128x64xf32, #tpu.memory_space<hbm>>
      %dma_wait3A_401 = arith.constant 0 : i32
      %dma_wait3A_402 = arith.constant 0 : i32
      %dma_wait3A_403 = tpu.memref_slice %arg6[%dma_wait3A_392, %dma_wait3A_393, %dma_wait3A_401, %dma_wait3A_402] : memref<4x2x128x64xf32, #tpu.memory_space<vmem>> -> memref<1x1x128x64xf32, #tpu.memory_space<vmem>>
      %dma_wait3A_404 = tpu.memref_squeeze %dma_wait3A_403 : memref<1x1x128x64xf32, #tpu.memory_space<vmem>> -> memref<128x64xf32, #tpu.memory_space<vmem>>
      %dma_wait3A_405 = arith.constant 0 : i32
      %dma_wait3A_406 = arith.constant 0 : i32
      %dma_wait3A_407 = tpu.memref_slice %arg3[%dma_wait3A_405, %dma_wait3A_406] : memref<10000x64xf32, #tpu.memory_space<hbm>> -> memref<128x64xf32, #tpu.memory_space<hbm>>
      tpu.wait_dma2 semaphore(%arg9 : memref<!tpu.dma_semaphore, #tpu.memory_space<semaphore_mem>>) src(%dma_wait3A_407 : memref<128x64xf32, #tpu.memory_space<hbm>>) dst(%dma_wait3A_404 : memref<128x64xf32, #tpu.memory_space<vmem>>)
      %mul3A_408 = arith.constant 2 : i32
      %mul3A_409 = arith.muli %add3A_375, %mul3A_408 : i32
      %add3A_410 = arith.constant 0 : i32
      %add3A_411 = arith.addi %mul3A_409, %add3A_410 : i32
      %add3A_412 = arith.addi %mul3A_2, %add3A_411 : i32
      %mul3A_413 = arith.constant 128 : i32
      %mul3A_414 = arith.muli %add3A_412, %mul3A_413 : i32
      %dma_start3A_415 = arith.constant 2 : i32
      %dma_start3A_416 = arith.constant 0 : i32
      %dma_start3A_417 = arith.constant 0 : i32
      %dma_start3A_418 = arith.constant 0 : i32
      %dma_start3A_419 = tpu.memref_slice %arg6[%dma_start3A_415, %dma_start3A_416, %dma_start3A_417, %dma_start3A_418] : memref<4x2x128x64xf32, #tpu.memory_space<vmem>> -> memref<1x1x128x64xf32, #tpu.memory_space<vmem>>
      %dma_start3A_420 = tpu.memref_squeeze %dma_start3A_419 : memref<1x1x128x64xf32, #tpu.memory_space<vmem>> -> memref<128x64xf32, #tpu.memory_space<vmem>>
      %dma_start3A_421 = arith.constant 0 : i32
      %dma_start3A_422 = tpu.memref_slice %arg4[%mul3A_414, %dma_start3A_421] : memref<131072x64xf32, #tpu.memory_space<hbm>> -> memref<128x64xf32, #tpu.memory_space<hbm>>
      %dma_start3A_423 = arith.constant 0 : i32
      %dma_start3A_424 = tpu.memref_slice %arg4[%mul3A_414, %dma_start3A_423] : memref<131072x64xf32, #tpu.memory_space<hbm>> -> memref<128x64xf32, #tpu.memory_space<hbm>>
      %dma_start3A_425 = arith.constant 0 : i32
      %dma_start3A_426 = arith.constant 0 : i32
      %dma_start3A_427 = tpu.memref_slice %arg6[%dma_start3A_415, %dma_start3A_416, %dma_start3A_425, %dma_start3A_426] : memref<4x2x128x64xf32, #tpu.memory_space<vmem>> -> memref<1x1x128x64xf32, #tpu.memory_space<vmem>>
      %dma_start3A_428 = tpu.memref_squeeze %dma_start3A_427 : memref<1x1x128x64xf32, #tpu.memory_space<vmem>> -> memref<128x64xf32, #tpu.memory_space<vmem>>
      tpu.enqueue_dma source(%dma_start3A_428 : memref<128x64xf32, #tpu.memory_space<vmem>>) target(%dma_start3A_424 : memref<128x64xf32, #tpu.memory_space<hbm>>) target_semaphore(%arg13 : memref<!tpu.dma_semaphore, #tpu.memory_space<semaphore_mem>>)
      %mul3A_429 = arith.constant 2 : i32
      %mul3A_430 = arith.muli %add3A_375, %mul3A_429 : i32
      %add3A_431 = arith.constant 1 : i32
      %add3A_432 = arith.addi %mul3A_430, %add3A_431 : i32
      %add3A_433 = arith.addi %mul3A_2, %add3A_432 : i32
      %mul3A_434 = arith.constant 128 : i32
      %mul3A_435 = arith.muli %add3A_433, %mul3A_434 : i32
      %dma_start3A_436 = arith.constant 2 : i32
      %dma_start3A_437 = arith.constant 1 : i32
      %dma_start3A_438 = arith.constant 0 : i32
      %dma_start3A_439 = arith.constant 0 : i32
      %dma_start3A_440 = tpu.memref_slice %arg6[%dma_start3A_436, %dma_start3A_437, %dma_start3A_438, %dma_start3A_439] : memref<4x2x128x64xf32, #tpu.memory_space<vmem>> -> memref<1x1x128x64xf32, #tpu.memory_space<vmem>>
      %dma_start3A_441 = tpu.memref_squeeze %dma_start3A_440 : memref<1x1x128x64xf32, #tpu.memory_space<vmem>> -> memref<128x64xf32, #tpu.memory_space<vmem>>
      %dma_start3A_442 = arith.constant 0 : i32
      %dma_start3A_443 = tpu.memref_slice %arg4[%mul3A_435, %dma_start3A_442] : memref<131072x64xf32, #tpu.memory_space<hbm>> -> memref<128x64xf32, #tpu.memory_space<hbm>>
      %dma_start3A_444 = arith.constant 0 : i32
      %dma_start3A_445 = tpu.memref_slice %arg4[%mul3A_435, %dma_start3A_444] : memref<131072x64xf32, #tpu.memory_space<hbm>> -> memref<128x64xf32, #tpu.memory_space<hbm>>
      %dma_start3A_446 = arith.constant 0 : i32
      %dma_start3A_447 = arith.constant 0 : i32
      %dma_start3A_448 = tpu.memref_slice %arg6[%dma_start3A_436, %dma_start3A_437, %dma_start3A_446, %dma_start3A_447] : memref<4x2x128x64xf32, #tpu.memory_space<vmem>> -> memref<1x1x128x64xf32, #tpu.memory_space<vmem>>
      %dma_start3A_449 = tpu.memref_squeeze %dma_start3A_448 : memref<1x1x128x64xf32, #tpu.memory_space<vmem>> -> memref<128x64xf32, #tpu.memory_space<vmem>>
      tpu.enqueue_dma source(%dma_start3A_449 : memref<128x64xf32, #tpu.memory_space<vmem>>) target(%dma_start3A_445 : memref<128x64xf32, #tpu.memory_space<hbm>>) target_semaphore(%arg13 : memref<!tpu.dma_semaphore, #tpu.memory_space<semaphore_mem>>)
      %ge3A_450 = arith.constant 2 : i32
      %ge3A_451 = arith.cmpi sge, %add3A_375, %ge3A_450 : i32
      %add3A_452 = arith.constant 2 : i32
      %add3A_453 = arith.addi %add3A_375, %add3A_452 : i32
      %lt3A_454 = arith.constant 16 : i32
      %lt3A_455 = arith.cmpi slt, %add3A_453, %lt3A_454 : i32
      %and3A_456 = arith.andi %ge3A_451, %lt3A_455 : i1
      %convert_element_type3A_457 = arith.extui %and3A_456 : i1 to i32
      %cond3A_458 = arith.constant 0 : i32
      %cond3A_459 = arith.cmpi ne, %convert_element_type3A_457, %cond3A_458 : i32
      scf.if %cond3A_459 {
        %dma_wait3A_562 = arith.constant 0 : i32
        %dma_wait3A_563 = arith.constant 0 : i32
        %dma_wait3A_564 = arith.constant 0 : i32
        %dma_wait3A_565 = arith.constant 0 : i32
        %dma_wait3A_566 = tpu.memref_slice %arg6[%dma_wait3A_562, %dma_wait3A_563, %dma_wait3A_564, %dma_wait3A_565] : memref<4x2x128x64xf32, #tpu.memory_space<vmem>> -> memref<1x1x128x64xf32, #tpu.memory_space<vmem>>
        %dma_wait3A_567 = tpu.memref_squeeze %dma_wait3A_566 : memref<1x1x128x64xf32, #tpu.memory_space<vmem>> -> memref<128x64xf32, #tpu.memory_space<vmem>>
        %dma_wait3A_568 = arith.constant 0 : i32
        %dma_wait3A_569 = arith.constant 0 : i32
        %dma_wait3A_570 = tpu.memref_slice %arg4[%dma_wait3A_568, %dma_wait3A_569] : memref<131072x64xf32, #tpu.memory_space<hbm>> -> memref<128x64xf32, #tpu.memory_space<hbm>>
        %dma_wait3A_571 = arith.constant 0 : i32
        %dma_wait3A_572 = arith.constant 0 : i32
        %dma_wait3A_573 = tpu.memref_slice %arg4[%dma_wait3A_571, %dma_wait3A_572] : memref<131072x64xf32, #tpu.memory_space<hbm>> -> memref<128x64xf32, #tpu.memory_space<hbm>>
        %dma_wait3A_574 = arith.constant 0 : i32
        %dma_wait3A_575 = arith.constant 0 : i32
        %dma_wait3A_576 = tpu.memref_slice %arg6[%dma_wait3A_562, %dma_wait3A_563, %dma_wait3A_574, %dma_wait3A_575] : memref<4x2x128x64xf32, #tpu.memory_space<vmem>> -> memref<1x1x128x64xf32, #tpu.memory_space<vmem>>
        %dma_wait3A_577 = tpu.memref_squeeze %dma_wait3A_576 : memref<1x1x128x64xf32, #tpu.memory_space<vmem>> -> memref<128x64xf32, #tpu.memory_space<vmem>>
        tpu.wait_dma2 semaphore(%arg11 : memref<!tpu.dma_semaphore, #tpu.memory_space<semaphore_mem>>) src(%dma_wait3A_577 : memref<128x64xf32, #tpu.memory_space<vmem>>) dst(%dma_wait3A_573 : memref<128x64xf32, #tpu.memory_space<hbm>>)
        %dma_wait3A_578 = arith.constant 0 : i32
        %dma_wait3A_579 = arith.constant 1 : i32
        %dma_wait3A_580 = arith.constant 0 : i32
        %dma_wait3A_581 = arith.constant 0 : i32
        %dma_wait3A_582 = tpu.memref_slice %arg6[%dma_wait3A_578, %dma_wait3A_579, %dma_wait3A_580, %dma_wait3A_581] : memref<4x2x128x64xf32, #tpu.memory_space<vmem>> -> memref<1x1x128x64xf32, #tpu.memory_space<vmem>>
        %dma_wait3A_583 = tpu.memref_squeeze %dma_wait3A_582 : memref<1x1x128x64xf32, #tpu.memory_space<vmem>> -> memref<128x64xf32, #tpu.memory_space<vmem>>
        %dma_wait3A_584 = arith.constant 0 : i32
        %dma_wait3A_585 = arith.constant 0 : i32
        %dma_wait3A_586 = tpu.memref_slice %arg4[%dma_wait3A_584, %dma_wait3A_585] : memref<131072x64xf32, #tpu.memory_space<hbm>> -> memref<128x64xf32, #tpu.memory_space<hbm>>
        %dma_wait3A_587 = arith.constant 0 : i32
        %dma_wait3A_588 = arith.constant 0 : i32
        %dma_wait3A_589 = tpu.memref_slice %arg4[%dma_wait3A_587, %dma_wait3A_588] : memref<131072x64xf32, #tpu.memory_space<hbm>> -> memref<128x64xf32, #tpu.memory_space<hbm>>
        %dma_wait3A_590 = arith.constant 0 : i32
        %dma_wait3A_591 = arith.constant 0 : i32
        %dma_wait3A_592 = tpu.memref_slice %arg6[%dma_wait3A_578, %dma_wait3A_579, %dma_wait3A_590, %dma_wait3A_591] : memref<4x2x128x64xf32, #tpu.memory_space<vmem>> -> memref<1x1x128x64xf32, #tpu.memory_space<vmem>>
        %dma_wait3A_593 = tpu.memref_squeeze %dma_wait3A_592 : memref<1x1x128x64xf32, #tpu.memory_space<vmem>> -> memref<128x64xf32, #tpu.memory_space<vmem>>
        tpu.wait_dma2 semaphore(%arg11 : memref<!tpu.dma_semaphore, #tpu.memory_space<semaphore_mem>>) src(%dma_wait3A_593 : memref<128x64xf32, #tpu.memory_space<vmem>>) dst(%dma_wait3A_589 : memref<128x64xf32, #tpu.memory_space<hbm>>)
      } else {
      }
      %add3A_460 = arith.constant 2 : i32
      %add3A_461 = arith.addi %add3A_375, %add3A_460 : i32
      %lt3A_462 = arith.constant 16 : i32
      %lt3A_463 = arith.cmpi slt, %add3A_461, %lt3A_462 : i32
      %convert_element_type3A_464 = arith.extui %lt3A_463 : i1 to i32
      %cond3A_465 = arith.constant 0 : i32
      %cond3A_466 = arith.cmpi ne, %convert_element_type3A_464, %cond3A_465 : i32
      scf.if %cond3A_466 {
        %add3A_562 = arith.constant 2 : i32
        %add3A_563 = arith.addi %add3A_375, %add3A_562 : i32
        %mul3A_564 = arith.constant 2 : i32
        %mul3A_565 = arith.muli %add3A_563, %mul3A_564 : i32
        %add3A_566 = arith.constant 0 : i32
        %add3A_567 = arith.addi %mul3A_565, %add3A_566 : i32
        %dma_start3A_568 = arith.constant 0 : i32
        %dma_start3A_569 = arith.constant 0 : i32
        %dma_start3A_570 = arith.constant 0 : i32
        %dma_start3A_571 = arith.constant 0 : i32
        %dma_start3A_572 = tpu.memref_slice %arg6[%dma_start3A_568, %dma_start3A_569, %dma_start3A_570, %dma_start3A_571] : memref<4x2x128x64xf32, #tpu.memory_space<vmem>> -> memref<1x1x128x64xf32, #tpu.memory_space<vmem>>
        %dma_start3A_573 = tpu.memref_squeeze %dma_start3A_572 : memref<1x1x128x64xf32, #tpu.memory_space<vmem>> -> memref<128x64xf32, #tpu.memory_space<vmem>>
        %dma_start3A_574 = arith.constant 0 : i32
        %dma_start3A_575 = tpu.memref_slice %arg5[%add3A_567, %dma_start3A_574] : memref<32x128xi32, #tpu.memory_space<vmem>> -> memref<1x128xi32, #tpu.memory_space<vmem>>
        %dma_start3A_576 = tpu.memref_squeeze %dma_start3A_575 : memref<1x128xi32, #tpu.memory_space<vmem>> -> memref<128xi32, #tpu.memory_space<vmem>>
        %dma_start3A_577 = arith.constant 0 : i32
        %dma_start3A_578 = arith.constant 0 : i32
        %dma_start3A_579 = tpu.memref_slice %arg3[%dma_start3A_577, %dma_start3A_578] : memref<10000x64xf32, #tpu.memory_space<hbm>> -> memref<10000x64xf32, #tpu.memory_space<hbm>>
        tpu.enqueue_indirect_dma source(%dma_start3A_579 : memref<10000x64xf32, #tpu.memory_space<hbm>>) target(%dma_start3A_573 : memref<128x64xf32, #tpu.memory_space<vmem>>) offsets(%dma_start3A_576 : memref<128xi32, #tpu.memory_space<vmem>>) semaphore(%arg7 : memref<!tpu.dma_semaphore, #tpu.memory_space<semaphore_mem>>)
        %mul3A_580 = arith.constant 2 : i32
        %mul3A_581 = arith.muli %add3A_563, %mul3A_580 : i32
        %add3A_582 = arith.constant 1 : i32
        %add3A_583 = arith.addi %mul3A_581, %add3A_582 : i32
        %dma_start3A_584 = arith.constant 0 : i32
        %dma_start3A_585 = arith.constant 1 : i32
        %dma_start3A_586 = arith.constant 0 : i32
        %dma_start3A_587 = arith.constant 0 : i32
        %dma_start3A_588 = tpu.memref_slice %arg6[%dma_start3A_584, %dma_start3A_585, %dma_start3A_586, %dma_start3A_587] : memref<4x2x128x64xf32, #tpu.memory_space<vmem>> -> memref<1x1x128x64xf32, #tpu.memory_space<vmem>>
        %dma_start3A_589 = tpu.memref_squeeze %dma_start3A_588 : memref<1x1x128x64xf32, #tpu.memory_space<vmem>> -> memref<128x64xf32, #tpu.memory_space<vmem>>
        %dma_start3A_590 = arith.constant 0 : i32
        %dma_start3A_591 = tpu.memref_slice %arg5[%add3A_583, %dma_start3A_590] : memref<32x128xi32, #tpu.memory_space<vmem>> -> memref<1x128xi32, #tpu.memory_space<vmem>>
        %dma_start3A_592 = tpu.memref_squeeze %dma_start3A_591 : memref<1x128xi32, #tpu.memory_space<vmem>> -> memref<128xi32, #tpu.memory_space<vmem>>
        %dma_start3A_593 = arith.constant 0 : i32
        %dma_start3A_594 = arith.constant 0 : i32
        %dma_start3A_595 = tpu.memref_slice %arg3[%dma_start3A_593, %dma_start3A_594] : memref<10000x64xf32, #tpu.memory_space<hbm>> -> memref<10000x64xf32, #tpu.memory_space<hbm>>
        tpu.enqueue_indirect_dma source(%dma_start3A_595 : memref<10000x64xf32, #tpu.memory_space<hbm>>) target(%dma_start3A_589 : memref<128x64xf32, #tpu.memory_space<vmem>>) offsets(%dma_start3A_592 : memref<128xi32, #tpu.memory_space<vmem>>) semaphore(%arg7 : memref<!tpu.dma_semaphore, #tpu.memory_space<semaphore_mem>>)
      } else {
      }
      %mul3A_467 = arith.constant 4 : i32
      %mul3A_468 = arith.muli %mul3A_467, %scan3A_186 : i32
      %add3A_469 = arith.constant 3 : i32
      %add3A_470 = arith.addi %mul3A_468, %add3A_469 : i32
      %dma_wait3A_471 = arith.constant 3 : i32
      %dma_wait3A_472 = arith.constant 0 : i32
      %dma_wait3A_473 = arith.constant 0 : i32
      %dma_wait3A_474 = arith.constant 0 : i32
      %dma_wait3A_475 = tpu.memref_slice %arg6[%dma_wait3A_471, %dma_wait3A_472, %dma_wait3A_473, %dma_wait3A_474] : memref<4x2x128x64xf32, #tpu.memory_space<vmem>> -> memref<1x1x128x64xf32, #tpu.memory_space<vmem>>
      %dma_wait3A_476 = tpu.memref_squeeze %dma_wait3A_475 : memref<1x1x128x64xf32, #tpu.memory_space<vmem>> -> memref<128x64xf32, #tpu.memory_space<vmem>>
      %dma_wait3A_477 = arith.constant 0 : i32
      %dma_wait3A_478 = arith.constant 0 : i32
      %dma_wait3A_479 = tpu.memref_slice %arg3[%dma_wait3A_477, %dma_wait3A_478] : memref<10000x64xf32, #tpu.memory_space<hbm>> -> memref<128x64xf32, #tpu.memory_space<hbm>>
      %dma_wait3A_480 = arith.constant 0 : i32
      %dma_wait3A_481 = arith.constant 0 : i32
      %dma_wait3A_482 = tpu.memref_slice %arg6[%dma_wait3A_471, %dma_wait3A_472, %dma_wait3A_480, %dma_wait3A_481] : memref<4x2x128x64xf32, #tpu.memory_space<vmem>> -> memref<1x1x128x64xf32, #tpu.memory_space<vmem>>
      %dma_wait3A_483 = tpu.memref_squeeze %dma_wait3A_482 : memref<1x1x128x64xf32, #tpu.memory_space<vmem>> -> memref<128x64xf32, #tpu.memory_space<vmem>>
      %dma_wait3A_484 = arith.constant 0 : i32
      %dma_wait3A_485 = arith.constant 0 : i32
      %dma_wait3A_486 = tpu.memref_slice %arg3[%dma_wait3A_484, %dma_wait3A_485] : memref<10000x64xf32, #tpu.memory_space<hbm>> -> memref<128x64xf32, #tpu.memory_space<hbm>>
      tpu.wait_dma2 semaphore(%arg10 : memref<!tpu.dma_semaphore, #tpu.memory_space<semaphore_mem>>) src(%dma_wait3A_486 : memref<128x64xf32, #tpu.memory_space<hbm>>) dst(%dma_wait3A_483 : memref<128x64xf32, #tpu.memory_space<vmem>>)
      %dma_wait3A_487 = arith.constant 3 : i32
      %dma_wait3A_488 = arith.constant 1 : i32
      %dma_wait3A_489 = arith.constant 0 : i32
      %dma_wait3A_490 = arith.constant 0 : i32
      %dma_wait3A_491 = tpu.memref_slice %arg6[%dma_wait3A_487, %dma_wait3A_488, %dma_wait3A_489, %dma_wait3A_490] : memref<4x2x128x64xf32, #tpu.memory_space<vmem>> -> memref<1x1x128x64xf32, #tpu.memory_space<vmem>>
      %dma_wait3A_492 = tpu.memref_squeeze %dma_wait3A_491 : memref<1x1x128x64xf32, #tpu.memory_space<vmem>> -> memref<128x64xf32, #tpu.memory_space<vmem>>
      %dma_wait3A_493 = arith.constant 0 : i32
      %dma_wait3A_494 = arith.constant 0 : i32
      %dma_wait3A_495 = tpu.memref_slice %arg3[%dma_wait3A_493, %dma_wait3A_494] : memref<10000x64xf32, #tpu.memory_space<hbm>> -> memref<128x64xf32, #tpu.memory_space<hbm>>
      %dma_wait3A_496 = arith.constant 0 : i32
      %dma_wait3A_497 = arith.constant 0 : i32
      %dma_wait3A_498 = tpu.memref_slice %arg6[%dma_wait3A_487, %dma_wait3A_488, %dma_wait3A_496, %dma_wait3A_497] : memref<4x2x128x64xf32, #tpu.memory_space<vmem>> -> memref<1x1x128x64xf32, #tpu.memory_space<vmem>>
      %dma_wait3A_499 = tpu.memref_squeeze %dma_wait3A_498 : memref<1x1x128x64xf32, #tpu.memory_space<vmem>> -> memref<128x64xf32, #tpu.memory_space<vmem>>
      %dma_wait3A_500 = arith.constant 0 : i32
      %dma_wait3A_501 = arith.constant 0 : i32
      %dma_wait3A_502 = tpu.memref_slice %arg3[%dma_wait3A_500, %dma_wait3A_501] : memref<10000x64xf32, #tpu.memory_space<hbm>> -> memref<128x64xf32, #tpu.memory_space<hbm>>
      tpu.wait_dma2 semaphore(%arg10 : memref<!tpu.dma_semaphore, #tpu.memory_space<semaphore_mem>>) src(%dma_wait3A_502 : memref<128x64xf32, #tpu.memory_space<hbm>>) dst(%dma_wait3A_499 : memref<128x64xf32, #tpu.memory_space<vmem>>)
      %mul3A_503 = arith.constant 2 : i32
      %mul3A_504 = arith.muli %add3A_470, %mul3A_503 : i32
      %add3A_505 = arith.constant 0 : i32
      %add3A_506 = arith.addi %mul3A_504, %add3A_505 : i32
      %add3A_507 = arith.addi %mul3A_2, %add3A_506 : i32
      %mul3A_508 = arith.constant 128 : i32
      %mul3A_509 = arith.muli %add3A_507, %mul3A_508 : i32
      %dma_start3A_510 = arith.constant 3 : i32
      %dma_start3A_511 = arith.constant 0 : i32
      %dma_start3A_512 = arith.constant 0 : i32
      %dma_start3A_513 = arith.constant 0 : i32
      %dma_start3A_514 = tpu.memref_slice %arg6[%dma_start3A_510, %dma_start3A_511, %dma_start3A_512, %dma_start3A_513] : memref<4x2x128x64xf32, #tpu.memory_space<vmem>> -> memref<1x1x128x64xf32, #tpu.memory_space<vmem>>
      %dma_start3A_515 = tpu.memref_squeeze %dma_start3A_514 : memref<1x1x128x64xf32, #tpu.memory_space<vmem>> -> memref<128x64xf32, #tpu.memory_space<vmem>>
      %dma_start3A_516 = arith.constant 0 : i32
      %dma_start3A_517 = tpu.memref_slice %arg4[%mul3A_509, %dma_start3A_516] : memref<131072x64xf32, #tpu.memory_space<hbm>> -> memref<128x64xf32, #tpu.memory_space<hbm>>
      %dma_start3A_518 = arith.constant 0 : i32
      %dma_start3A_519 = tpu.memref_slice %arg4[%mul3A_509, %dma_start3A_518] : memref<131072x64xf32, #tpu.memory_space<hbm>> -> memref<128x64xf32, #tpu.memory_space<hbm>>
      %dma_start3A_520 = arith.constant 0 : i32
      %dma_start3A_521 = arith.constant 0 : i32
      %dma_start3A_522 = tpu.memref_slice %arg6[%dma_start3A_510, %dma_start3A_511, %dma_start3A_520, %dma_start3A_521] : memref<4x2x128x64xf32, #tpu.memory_space<vmem>> -> memref<1x1x128x64xf32, #tpu.memory_space<vmem>>
      %dma_start3A_523 = tpu.memref_squeeze %dma_start3A_522 : memref<1x1x128x64xf32, #tpu.memory_space<vmem>> -> memref<128x64xf32, #tpu.memory_space<vmem>>
      tpu.enqueue_dma source(%dma_start3A_523 : memref<128x64xf32, #tpu.memory_space<vmem>>) target(%dma_start3A_519 : memref<128x64xf32, #tpu.memory_space<hbm>>) target_semaphore(%arg14 : memref<!tpu.dma_semaphore, #tpu.memory_space<semaphore_mem>>)
      %mul3A_524 = arith.constant 2 : i32
      %mul3A_525 = arith.muli %add3A_470, %mul3A_524 : i32
      %add3A_526 = arith.constant 1 : i32
      %add3A_527 = arith.addi %mul3A_525, %add3A_526 : i32
      %add3A_528 = arith.addi %mul3A_2, %add3A_527 : i32
      %mul3A_529 = arith.constant 128 : i32
      %mul3A_530 = arith.muli %add3A_528, %mul3A_529 : i32
      %dma_start3A_531 = arith.constant 3 : i32
      %dma_start3A_532 = arith.constant 1 : i32
      %dma_start3A_533 = arith.constant 0 : i32
      %dma_start3A_534 = arith.constant 0 : i32
      %dma_start3A_535 = tpu.memref_slice %arg6[%dma_start3A_531, %dma_start3A_532, %dma_start3A_533, %dma_start3A_534] : memref<4x2x128x64xf32, #tpu.memory_space<vmem>> -> memref<1x1x128x64xf32, #tpu.memory_space<vmem>>
      %dma_start3A_536 = tpu.memref_squeeze %dma_start3A_535 : memref<1x1x128x64xf32, #tpu.memory_space<vmem>> -> memref<128x64xf32, #tpu.memory_space<vmem>>
      %dma_start3A_537 = arith.constant 0 : i32
      %dma_start3A_538 = tpu.memref_slice %arg4[%mul3A_530, %dma_start3A_537] : memref<131072x64xf32, #tpu.memory_space<hbm>> -> memref<128x64xf32, #tpu.memory_space<hbm>>
      %dma_start3A_539 = arith.constant 0 : i32
      %dma_start3A_540 = tpu.memref_slice %arg4[%mul3A_530, %dma_start3A_539] : memref<131072x64xf32, #tpu.memory_space<hbm>> -> memref<128x64xf32, #tpu.memory_space<hbm>>
      %dma_start3A_541 = arith.constant 0 : i32
      %dma_start3A_542 = arith.constant 0 : i32
      %dma_start3A_543 = tpu.memref_slice %arg6[%dma_start3A_531, %dma_start3A_532, %dma_start3A_541, %dma_start3A_542] : memref<4x2x128x64xf32, #tpu.memory_space<vmem>> -> memref<1x1x128x64xf32, #tpu.memory_space<vmem>>
      %dma_start3A_544 = tpu.memref_squeeze %dma_start3A_543 : memref<1x1x128x64xf32, #tpu.memory_space<vmem>> -> memref<128x64xf32, #tpu.memory_space<vmem>>
      tpu.enqueue_dma source(%dma_start3A_544 : memref<128x64xf32, #tpu.memory_space<vmem>>) target(%dma_start3A_540 : memref<128x64xf32, #tpu.memory_space<hbm>>) target_semaphore(%arg14 : memref<!tpu.dma_semaphore, #tpu.memory_space<semaphore_mem>>)
      %ge3A_545 = arith.constant 2 : i32
      %ge3A_546 = arith.cmpi sge, %add3A_470, %ge3A_545 : i32
      %add3A_547 = arith.constant 2 : i32
      %add3A_548 = arith.addi %add3A_470, %add3A_547 : i32
      %lt3A_549 = arith.constant 16 : i32
      %lt3A_550 = arith.cmpi slt, %add3A_548, %lt3A_549 : i32
      %and3A_551 = arith.andi %ge3A_546, %lt3A_550 : i1
      %convert_element_type3A_552 = arith.extui %and3A_551 : i1 to i32
      %cond3A_553 = arith.constant 0 : i32
      %cond3A_554 = arith.cmpi ne, %convert_element_type3A_552, %cond3A_553 : i32
      scf.if %cond3A_554 {
        %dma_wait3A_562 = arith.constant 1 : i32
        %dma_wait3A_563 = arith.constant 0 : i32
        %dma_wait3A_564 = arith.constant 0 : i32
        %dma_wait3A_565 = arith.constant 0 : i32
        %dma_wait3A_566 = tpu.memref_slice %arg6[%dma_wait3A_562, %dma_wait3A_563, %dma_wait3A_564, %dma_wait3A_565] : memref<4x2x128x64xf32, #tpu.memory_space<vmem>> -> memref<1x1x128x64xf32, #tpu.memory_space<vmem>>
        %dma_wait3A_567 = tpu.memref_squeeze %dma_wait3A_566 : memref<1x1x128x64xf32, #tpu.memory_space<vmem>> -> memref<128x64xf32, #tpu.memory_space<vmem>>
        %dma_wait3A_568 = arith.constant 0 : i32
        %dma_wait3A_569 = arith.constant 0 : i32
        %dma_wait3A_570 = tpu.memref_slice %arg4[%dma_wait3A_568, %dma_wait3A_569] : memref<131072x64xf32, #tpu.memory_space<hbm>> -> memref<128x64xf32, #tpu.memory_space<hbm>>
        %dma_wait3A_571 = arith.constant 0 : i32
        %dma_wait3A_572 = arith.constant 0 : i32
        %dma_wait3A_573 = tpu.memref_slice %arg4[%dma_wait3A_571, %dma_wait3A_572] : memref<131072x64xf32, #tpu.memory_space<hbm>> -> memref<128x64xf32, #tpu.memory_space<hbm>>
        %dma_wait3A_574 = arith.constant 0 : i32
        %dma_wait3A_575 = arith.constant 0 : i32
        %dma_wait3A_576 = tpu.memref_slice %arg6[%dma_wait3A_562, %dma_wait3A_563, %dma_wait3A_574, %dma_wait3A_575] : memref<4x2x128x64xf32, #tpu.memory_space<vmem>> -> memref<1x1x128x64xf32, #tpu.memory_space<vmem>>
        %dma_wait3A_577 = tpu.memref_squeeze %dma_wait3A_576 : memref<1x1x128x64xf32, #tpu.memory_space<vmem>> -> memref<128x64xf32, #tpu.memory_space<vmem>>
        tpu.wait_dma2 semaphore(%arg12 : memref<!tpu.dma_semaphore, #tpu.memory_space<semaphore_mem>>) src(%dma_wait3A_577 : memref<128x64xf32, #tpu.memory_space<vmem>>) dst(%dma_wait3A_573 : memref<128x64xf32, #tpu.memory_space<hbm>>)
        %dma_wait3A_578 = arith.constant 1 : i32
        %dma_wait3A_579 = arith.constant 1 : i32
        %dma_wait3A_580 = arith.constant 0 : i32
        %dma_wait3A_581 = arith.constant 0 : i32
        %dma_wait3A_582 = tpu.memref_slice %arg6[%dma_wait3A_578, %dma_wait3A_579, %dma_wait3A_580, %dma_wait3A_581] : memref<4x2x128x64xf32, #tpu.memory_space<vmem>> -> memref<1x1x128x64xf32, #tpu.memory_space<vmem>>
        %dma_wait3A_583 = tpu.memref_squeeze %dma_wait3A_582 : memref<1x1x128x64xf32, #tpu.memory_space<vmem>> -> memref<128x64xf32, #tpu.memory_space<vmem>>
        %dma_wait3A_584 = arith.constant 0 : i32
        %dma_wait3A_585 = arith.constant 0 : i32
        %dma_wait3A_586 = tpu.memref_slice %arg4[%dma_wait3A_584, %dma_wait3A_585] : memref<131072x64xf32, #tpu.memory_space<hbm>> -> memref<128x64xf32, #tpu.memory_space<hbm>>
        %dma_wait3A_587 = arith.constant 0 : i32
        %dma_wait3A_588 = arith.constant 0 : i32
        %dma_wait3A_589 = tpu.memref_slice %arg4[%dma_wait3A_587, %dma_wait3A_588] : memref<131072x64xf32, #tpu.memory_space<hbm>> -> memref<128x64xf32, #tpu.memory_space<hbm>>
        %dma_wait3A_590 = arith.constant 0 : i32
        %dma_wait3A_591 = arith.constant 0 : i32
        %dma_wait3A_592 = tpu.memref_slice %arg6[%dma_wait3A_578, %dma_wait3A_579, %dma_wait3A_590, %dma_wait3A_591] : memref<4x2x128x64xf32, #tpu.memory_space<vmem>> -> memref<1x1x128x64xf32, #tpu.memory_space<vmem>>
        %dma_wait3A_593 = tpu.memref_squeeze %dma_wait3A_592 : memref<1x1x128x64xf32, #tpu.memory_space<vmem>> -> memref<128x64xf32, #tpu.memory_space<vmem>>
        tpu.wait_dma2 semaphore(%arg12 : memref<!tpu.dma_semaphore, #tpu.memory_space<semaphore_mem>>) src(%dma_wait3A_593 : memref<128x64xf32, #tpu.memory_space<vmem>>) dst(%dma_wait3A_589 : memref<128x64xf32, #tpu.memory_space<hbm>>)
      } else {
      }
      %add3A_555 = arith.constant 2 : i32
      %add3A_556 = arith.addi %add3A_470, %add3A_555 : i32
      %lt3A_557 = arith.constant 16 : i32
      %lt3A_558 = arith.cmpi slt, %add3A_556, %lt3A_557 : i32
      %convert_element_type3A_559 = arith.extui %lt3A_558 : i1 to i32
      %cond3A_560 = arith.constant 0 : i32
      %cond3A_561 = arith.cmpi ne, %convert_element_type3A_559, %cond3A_560 : i32
      scf.if %cond3A_561 {
        %add3A_562 = arith.constant 2 : i32
        %add3A_563 = arith.addi %add3A_470, %add3A_562 : i32
        %mul3A_564 = arith.constant 2 : i32
        %mul3A_565 = arith.muli %add3A_563, %mul3A_564 : i32
        %add3A_566 = arith.constant 0 : i32
        %add3A_567 = arith.addi %mul3A_565, %add3A_566 : i32
        %dma_start3A_568 = arith.constant 1 : i32
        %dma_start3A_569 = arith.constant 0 : i32
        %dma_start3A_570 = arith.constant 0 : i32
        %dma_start3A_571 = arith.constant 0 : i32
        %dma_start3A_572 = tpu.memref_slice %arg6[%dma_start3A_568, %dma_start3A_569, %dma_start3A_570, %dma_start3A_571] : memref<4x2x128x64xf32, #tpu.memory_space<vmem>> -> memref<1x1x128x64xf32, #tpu.memory_space<vmem>>
        %dma_start3A_573 = tpu.memref_squeeze %dma_start3A_572 : memref<1x1x128x64xf32, #tpu.memory_space<vmem>> -> memref<128x64xf32, #tpu.memory_space<vmem>>
        %dma_start3A_574 = arith.constant 0 : i32
        %dma_start3A_575 = tpu.memref_slice %arg5[%add3A_567, %dma_start3A_574] : memref<32x128xi32, #tpu.memory_space<vmem>> -> memref<1x128xi32, #tpu.memory_space<vmem>>
        %dma_start3A_576 = tpu.memref_squeeze %dma_start3A_575 : memref<1x128xi32, #tpu.memory_space<vmem>> -> memref<128xi32, #tpu.memory_space<vmem>>
        %dma_start3A_577 = arith.constant 0 : i32
        %dma_start3A_578 = arith.constant 0 : i32
        %dma_start3A_579 = tpu.memref_slice %arg3[%dma_start3A_577, %dma_start3A_578] : memref<10000x64xf32, #tpu.memory_space<hbm>> -> memref<10000x64xf32, #tpu.memory_space<hbm>>
        tpu.enqueue_indirect_dma source(%dma_start3A_579 : memref<10000x64xf32, #tpu.memory_space<hbm>>) target(%dma_start3A_573 : memref<128x64xf32, #tpu.memory_space<vmem>>) offsets(%dma_start3A_576 : memref<128xi32, #tpu.memory_space<vmem>>) semaphore(%arg8 : memref<!tpu.dma_semaphore, #tpu.memory_space<semaphore_mem>>)
        %mul3A_580 = arith.constant 2 : i32
        %mul3A_581 = arith.muli %add3A_563, %mul3A_580 : i32
        %add3A_582 = arith.constant 1 : i32
        %add3A_583 = arith.addi %mul3A_581, %add3A_582 : i32
        %dma_start3A_584 = arith.constant 1 : i32
        %dma_start3A_585 = arith.constant 1 : i32
        %dma_start3A_586 = arith.constant 0 : i32
        %dma_start3A_587 = arith.constant 0 : i32
        %dma_start3A_588 = tpu.memref_slice %arg6[%dma_start3A_584, %dma_start3A_585, %dma_start3A_586, %dma_start3A_587] : memref<4x2x128x64xf32, #tpu.memory_space<vmem>> -> memref<1x1x128x64xf32, #tpu.memory_space<vmem>>
        %dma_start3A_589 = tpu.memref_squeeze %dma_start3A_588 : memref<1x1x128x64xf32, #tpu.memory_space<vmem>> -> memref<128x64xf32, #tpu.memory_space<vmem>>
        %dma_start3A_590 = arith.constant 0 : i32
        %dma_start3A_591 = tpu.memref_slice %arg5[%add3A_583, %dma_start3A_590] : memref<32x128xi32, #tpu.memory_space<vmem>> -> memref<1x128xi32, #tpu.memory_space<vmem>>
        %dma_start3A_592 = tpu.memref_squeeze %dma_start3A_591 : memref<1x128xi32, #tpu.memory_space<vmem>> -> memref<128xi32, #tpu.memory_space<vmem>>
        %dma_start3A_593 = arith.constant 0 : i32
        %dma_start3A_594 = arith.constant 0 : i32
        %dma_start3A_595 = tpu.memref_slice %arg3[%dma_start3A_593, %dma_start3A_594] : memref<10000x64xf32, #tpu.memory_space<hbm>> -> memref<10000x64xf32, #tpu.memory_space<hbm>>
        tpu.enqueue_indirect_dma source(%dma_start3A_595 : memref<10000x64xf32, #tpu.memory_space<hbm>>) target(%dma_start3A_589 : memref<128x64xf32, #tpu.memory_space<vmem>>) offsets(%dma_start3A_592 : memref<128xi32, #tpu.memory_space<vmem>>) semaphore(%arg8 : memref<!tpu.dma_semaphore, #tpu.memory_space<semaphore_mem>>)
      } else {
      }
    }
    %scan3A_58 = arith.constant 4 : i32
    %dma_wait3A = arith.constant 0 : i32
    %dma_wait3A_59 = arith.constant 0 : i32
    %dma_wait3A_60 = arith.constant 0 : i32
    %dma_wait3A_61 = arith.constant 0 : i32
    %dma_wait3A_62 = tpu.memref_slice %arg6[%dma_wait3A, %dma_wait3A_59, %dma_wait3A_60, %dma_wait3A_61] : memref<4x2x128x64xf32, #tpu.memory_space<vmem>> -> memref<1x1x128x64xf32, #tpu.memory_space<vmem>>
    %dma_wait3A_63 = tpu.memref_squeeze %dma_wait3A_62 : memref<1x1x128x64xf32, #tpu.memory_space<vmem>> -> memref<128x64xf32, #tpu.memory_space<vmem>>
    %dma_wait3A_64 = arith.constant 0 : i32
    %dma_wait3A_65 = arith.constant 0 : i32
    %dma_wait3A_66 = tpu.memref_slice %arg4[%dma_wait3A_64, %dma_wait3A_65] : memref<131072x64xf32, #tpu.memory_space<hbm>> -> memref<128x64xf32, #tpu.memory_space<hbm>>
    %dma_wait3A_67 = arith.constant 0 : i32
    %dma_wait3A_68 = arith.constant 0 : i32
    %dma_wait3A_69 = tpu.memref_slice %arg4[%dma_wait3A_67, %dma_wait3A_68] : memref<131072x64xf32, #tpu.memory_space<hbm>> -> memref<128x64xf32, #tpu.memory_space<hbm>>
    %dma_wait3A_70 = arith.constant 0 : i32
    %dma_wait3A_71 = arith.constant 0 : i32
    %dma_wait3A_72 = tpu.memref_slice %arg6[%dma_wait3A, %dma_wait3A_59, %dma_wait3A_70, %dma_wait3A_71] : memref<4x2x128x64xf32, #tpu.memory_space<vmem>> -> memref<1x1x128x64xf32, #tpu.memory_space<vmem>>
    %dma_wait3A_73 = tpu.memref_squeeze %dma_wait3A_72 : memref<1x1x128x64xf32, #tpu.memory_space<vmem>> -> memref<128x64xf32, #tpu.memory_space<vmem>>
    tpu.wait_dma2 semaphore(%arg11 : memref<!tpu.dma_semaphore, #tpu.memory_space<semaphore_mem>>) src(%dma_wait3A_73 : memref<128x64xf32, #tpu.memory_space<vmem>>) dst(%dma_wait3A_69 : memref<128x64xf32, #tpu.memory_space<hbm>>)
    %dma_wait3A_74 = arith.constant 0 : i32
    %dma_wait3A_75 = arith.constant 1 : i32
    %dma_wait3A_76 = arith.constant 0 : i32
    %dma_wait3A_77 = arith.constant 0 : i32
    %dma_wait3A_78 = tpu.memref_slice %arg6[%dma_wait3A_74, %dma_wait3A_75, %dma_wait3A_76, %dma_wait3A_77] : memref<4x2x128x64xf32, #tpu.memory_space<vmem>> -> memref<1x1x128x64xf32, #tpu.memory_space<vmem>>
    %dma_wait3A_79 = tpu.memref_squeeze %dma_wait3A_78 : memref<1x1x128x64xf32, #tpu.memory_space<vmem>> -> memref<128x64xf32, #tpu.memory_space<vmem>>
    %dma_wait3A_80 = arith.constant 0 : i32
    %dma_wait3A_81 = arith.constant 0 : i32
    %dma_wait3A_82 = tpu.memref_slice %arg4[%dma_wait3A_80, %dma_wait3A_81] : memref<131072x64xf32, #tpu.memory_space<hbm>> -> memref<128x64xf32, #tpu.memory_space<hbm>>
    %dma_wait3A_83 = arith.constant 0 : i32
    %dma_wait3A_84 = arith.constant 0 : i32
    %dma_wait3A_85 = tpu.memref_slice %arg4[%dma_wait3A_83, %dma_wait3A_84] : memref<131072x64xf32, #tpu.memory_space<hbm>> -> memref<128x64xf32, #tpu.memory_space<hbm>>
    %dma_wait3A_86 = arith.constant 0 : i32
    %dma_wait3A_87 = arith.constant 0 : i32
    %dma_wait3A_88 = tpu.memref_slice %arg6[%dma_wait3A_74, %dma_wait3A_75, %dma_wait3A_86, %dma_wait3A_87] : memref<4x2x128x64xf32, #tpu.memory_space<vmem>> -> memref<1x1x128x64xf32, #tpu.memory_space<vmem>>
    %dma_wait3A_89 = tpu.memref_squeeze %dma_wait3A_88 : memref<1x1x128x64xf32, #tpu.memory_space<vmem>> -> memref<128x64xf32, #tpu.memory_space<vmem>>
    tpu.wait_dma2 semaphore(%arg11 : memref<!tpu.dma_semaphore, #tpu.memory_space<semaphore_mem>>) src(%dma_wait3A_89 : memref<128x64xf32, #tpu.memory_space<vmem>>) dst(%dma_wait3A_85 : memref<128x64xf32, #tpu.memory_space<hbm>>)
    %dma_wait3A_90 = arith.constant 1 : i32
    %dma_wait3A_91 = arith.constant 0 : i32
    %dma_wait3A_92 = arith.constant 0 : i32
    %dma_wait3A_93 = arith.constant 0 : i32
    %dma_wait3A_94 = tpu.memref_slice %arg6[%dma_wait3A_90, %dma_wait3A_91, %dma_wait3A_92, %dma_wait3A_93] : memref<4x2x128x64xf32, #tpu.memory_space<vmem>> -> memref<1x1x128x64xf32, #tpu.memory_space<vmem>>
    %dma_wait3A_95 = tpu.memref_squeeze %dma_wait3A_94 : memref<1x1x128x64xf32, #tpu.memory_space<vmem>> -> memref<128x64xf32, #tpu.memory_space<vmem>>
    %dma_wait3A_96 = arith.constant 0 : i32
    %dma_wait3A_97 = arith.constant 0 : i32
    %dma_wait3A_98 = tpu.memref_slice %arg4[%dma_wait3A_96, %dma_wait3A_97] : memref<131072x64xf32, #tpu.memory_space<hbm>> -> memref<128x64xf32, #tpu.memory_space<hbm>>
    %dma_wait3A_99 = arith.constant 0 : i32
    %dma_wait3A_100 = arith.constant 0 : i32
    %dma_wait3A_101 = tpu.memref_slice %arg4[%dma_wait3A_99, %dma_wait3A_100] : memref<131072x64xf32, #tpu.memory_space<hbm>> -> memref<128x64xf32, #tpu.memory_space<hbm>>
    %dma_wait3A_102 = arith.constant 0 : i32
    %dma_wait3A_103 = arith.constant 0 : i32
    %dma_wait3A_104 = tpu.memref_slice %arg6[%dma_wait3A_90, %dma_wait3A_91, %dma_wait3A_102, %dma_wait3A_103] : memref<4x2x128x64xf32, #tpu.memory_space<vmem>> -> memref<1x1x128x64xf32, #tpu.memory_space<vmem>>
    %dma_wait3A_105 = tpu.memref_squeeze %dma_wait3A_104 : memref<1x1x128x64xf32, #tpu.memory_space<vmem>> -> memref<128x64xf32, #tpu.memory_space<vmem>>
    tpu.wait_dma2 semaphore(%arg12 : memref<!tpu.dma_semaphore, #tpu.memory_space<semaphore_mem>>) src(%dma_wait3A_105 : memref<128x64xf32, #tpu.memory_space<vmem>>) dst(%dma_wait3A_101 : memref<128x64xf32, #tpu.memory_space<hbm>>)
    %dma_wait3A_106 = arith.constant 1 : i32
    %dma_wait3A_107 = arith.constant 1 : i32
    %dma_wait3A_108 = arith.constant 0 : i32
    %dma_wait3A_109 = arith.constant 0 : i32
    %dma_wait3A_110 = tpu.memref_slice %arg6[%dma_wait3A_106, %dma_wait3A_107, %dma_wait3A_108, %dma_wait3A_109] : memref<4x2x128x64xf32, #tpu.memory_space<vmem>> -> memref<1x1x128x64xf32, #tpu.memory_space<vmem>>
    %dma_wait3A_111 = tpu.memref_squeeze %dma_wait3A_110 : memref<1x1x128x64xf32, #tpu.memory_space<vmem>> -> memref<128x64xf32, #tpu.memory_space<vmem>>
    %dma_wait3A_112 = arith.constant 0 : i32
    %dma_wait3A_113 = arith.constant 0 : i32
    %dma_wait3A_114 = tpu.memref_slice %arg4[%dma_wait3A_112, %dma_wait3A_113] : memref<131072x64xf32, #tpu.memory_space<hbm>> -> memref<128x64xf32, #tpu.memory_space<hbm>>
    %dma_wait3A_115 = arith.constant 0 : i32
    %dma_wait3A_116 = arith.constant 0 : i32
    %dma_wait3A_117 = tpu.memref_slice %arg4[%dma_wait3A_115, %dma_wait3A_116] : memref<131072x64xf32, #tpu.memory_space<hbm>> -> memref<128x64xf32, #tpu.memory_space<hbm>>
    %dma_wait3A_118 = arith.constant 0 : i32
    %dma_wait3A_119 = arith.constant 0 : i32
    %dma_wait3A_120 = tpu.memref_slice %arg6[%dma_wait3A_106, %dma_wait3A_107, %dma_wait3A_118, %dma_wait3A_119] : memref<4x2x128x64xf32, #tpu.memory_space<vmem>> -> memref<1x1x128x64xf32, #tpu.memory_space<vmem>>
    %dma_wait3A_121 = tpu.memref_squeeze %dma_wait3A_120 : memref<1x1x128x64xf32, #tpu.memory_space<vmem>> -> memref<128x64xf32, #tpu.memory_space<vmem>>
    tpu.wait_dma2 semaphore(%arg12 : memref<!tpu.dma_semaphore, #tpu.memory_space<semaphore_mem>>) src(%dma_wait3A_121 : memref<128x64xf32, #tpu.memory_space<vmem>>) dst(%dma_wait3A_117 : memref<128x64xf32, #tpu.memory_space<hbm>>)
    %dma_wait3A_122 = arith.constant 2 : i32
    %dma_wait3A_123 = arith.constant 0 : i32
    %dma_wait3A_124 = arith.constant 0 : i32
    %dma_wait3A_125 = arith.constant 0 : i32
    %dma_wait3A_126 = tpu.memref_slice %arg6[%dma_wait3A_122, %dma_wait3A_123, %dma_wait3A_124, %dma_wait3A_125] : memref<4x2x128x64xf32, #tpu.memory_space<vmem>> -> memref<1x1x128x64xf32, #tpu.memory_space<vmem>>
    %dma_wait3A_127 = tpu.memref_squeeze %dma_wait3A_126 : memref<1x1x128x64xf32, #tpu.memory_space<vmem>> -> memref<128x64xf32, #tpu.memory_space<vmem>>
    %dma_wait3A_128 = arith.constant 0 : i32
    %dma_wait3A_129 = arith.constant 0 : i32
    %dma_wait3A_130 = tpu.memref_slice %arg4[%dma_wait3A_128, %dma_wait3A_129] : memref<131072x64xf32, #tpu.memory_space<hbm>> -> memref<128x64xf32, #tpu.memory_space<hbm>>
    %dma_wait3A_131 = arith.constant 0 : i32
    %dma_wait3A_132 = arith.constant 0 : i32
    %dma_wait3A_133 = tpu.memref_slice %arg4[%dma_wait3A_131, %dma_wait3A_132] : memref<131072x64xf32, #tpu.memory_space<hbm>> -> memref<128x64xf32, #tpu.memory_space<hbm>>
    %dma_wait3A_134 = arith.constant 0 : i32
    %dma_wait3A_135 = arith.constant 0 : i32
    %dma_wait3A_136 = tpu.memref_slice %arg6[%dma_wait3A_122, %dma_wait3A_123, %dma_wait3A_134, %dma_wait3A_135] : memref<4x2x128x64xf32, #tpu.memory_space<vmem>> -> memref<1x1x128x64xf32, #tpu.memory_space<vmem>>
    %dma_wait3A_137 = tpu.memref_squeeze %dma_wait3A_136 : memref<1x1x128x64xf32, #tpu.memory_space<vmem>> -> memref<128x64xf32, #tpu.memory_space<vmem>>
    tpu.wait_dma2 semaphore(%arg13 : memref<!tpu.dma_semaphore, #tpu.memory_space<semaphore_mem>>) src(%dma_wait3A_137 : memref<128x64xf32, #tpu.memory_space<vmem>>) dst(%dma_wait3A_133 : memref<128x64xf32, #tpu.memory_space<hbm>>)
    %dma_wait3A_138 = arith.constant 2 : i32
    %dma_wait3A_139 = arith.constant 1 : i32
    %dma_wait3A_140 = arith.constant 0 : i32
    %dma_wait3A_141 = arith.constant 0 : i32
    %dma_wait3A_142 = tpu.memref_slice %arg6[%dma_wait3A_138, %dma_wait3A_139, %dma_wait3A_140, %dma_wait3A_141] : memref<4x2x128x64xf32, #tpu.memory_space<vmem>> -> memref<1x1x128x64xf32, #tpu.memory_space<vmem>>
    %dma_wait3A_143 = tpu.memref_squeeze %dma_wait3A_142 : memref<1x1x128x64xf32, #tpu.memory_space<vmem>> -> memref<128x64xf32, #tpu.memory_space<vmem>>
    %dma_wait3A_144 = arith.constant 0 : i32
    %dma_wait3A_145 = arith.constant 0 : i32
    %dma_wait3A_146 = tpu.memref_slice %arg4[%dma_wait3A_144, %dma_wait3A_145] : memref<131072x64xf32, #tpu.memory_space<hbm>> -> memref<128x64xf32, #tpu.memory_space<hbm>>
    %dma_wait3A_147 = arith.constant 0 : i32
    %dma_wait3A_148 = arith.constant 0 : i32
    %dma_wait3A_149 = tpu.memref_slice %arg4[%dma_wait3A_147, %dma_wait3A_148] : memref<131072x64xf32, #tpu.memory_space<hbm>> -> memref<128x64xf32, #tpu.memory_space<hbm>>
    %dma_wait3A_150 = arith.constant 0 : i32
    %dma_wait3A_151 = arith.constant 0 : i32
    %dma_wait3A_152 = tpu.memref_slice %arg6[%dma_wait3A_138, %dma_wait3A_139, %dma_wait3A_150, %dma_wait3A_151] : memref<4x2x128x64xf32, #tpu.memory_space<vmem>> -> memref<1x1x128x64xf32, #tpu.memory_space<vmem>>
    %dma_wait3A_153 = tpu.memref_squeeze %dma_wait3A_152 : memref<1x1x128x64xf32, #tpu.memory_space<vmem>> -> memref<128x64xf32, #tpu.memory_space<vmem>>
    tpu.wait_dma2 semaphore(%arg13 : memref<!tpu.dma_semaphore, #tpu.memory_space<semaphore_mem>>) src(%dma_wait3A_153 : memref<128x64xf32, #tpu.memory_space<vmem>>) dst(%dma_wait3A_149 : memref<128x64xf32, #tpu.memory_space<hbm>>)
    %dma_wait3A_154 = arith.constant 3 : i32
    %dma_wait3A_155 = arith.constant 0 : i32
    %dma_wait3A_156 = arith.constant 0 : i32
    %dma_wait3A_157 = arith.constant 0 : i32
    %dma_wait3A_158 = tpu.memref_slice %arg6[%dma_wait3A_154, %dma_wait3A_155, %dma_wait3A_156, %dma_wait3A_157] : memref<4x2x128x64xf32, #tpu.memory_space<vmem>> -> memref<1x1x128x64xf32, #tpu.memory_space<vmem>>
    %dma_wait3A_159 = tpu.memref_squeeze %dma_wait3A_158 : memref<1x1x128x64xf32, #tpu.memory_space<vmem>> -> memref<128x64xf32, #tpu.memory_space<vmem>>
    %dma_wait3A_160 = arith.constant 0 : i32
    %dma_wait3A_161 = arith.constant 0 : i32
    %dma_wait3A_162 = tpu.memref_slice %arg4[%dma_wait3A_160, %dma_wait3A_161] : memref<131072x64xf32, #tpu.memory_space<hbm>> -> memref<128x64xf32, #tpu.memory_space<hbm>>
    %dma_wait3A_163 = arith.constant 0 : i32
    %dma_wait3A_164 = arith.constant 0 : i32
    %dma_wait3A_165 = tpu.memref_slice %arg4[%dma_wait3A_163, %dma_wait3A_164] : memref<131072x64xf32, #tpu.memory_space<hbm>> -> memref<128x64xf32, #tpu.memory_space<hbm>>
    %dma_wait3A_166 = arith.constant 0 : i32
    %dma_wait3A_167 = arith.constant 0 : i32
    %dma_wait3A_168 = tpu.memref_slice %arg6[%dma_wait3A_154, %dma_wait3A_155, %dma_wait3A_166, %dma_wait3A_167] : memref<4x2x128x64xf32, #tpu.memory_space<vmem>> -> memref<1x1x128x64xf32, #tpu.memory_space<vmem>>
    %dma_wait3A_169 = tpu.memref_squeeze %dma_wait3A_168 : memref<1x1x128x64xf32, #tpu.memory_space<vmem>> -> memref<128x64xf32, #tpu.memory_space<vmem>>
    tpu.wait_dma2 semaphore(%arg14 : memref<!tpu.dma_semaphore, #tpu.memory_space<semaphore_mem>>) src(%dma_wait3A_169 : memref<128x64xf32, #tpu.memory_space<vmem>>) dst(%dma_wait3A_165 : memref<128x64xf32, #tpu.memory_space<hbm>>)
    %dma_wait3A_170 = arith.constant 3 : i32
    %dma_wait3A_171 = arith.constant 1 : i32
    %dma_wait3A_172 = arith.constant 0 : i32
    %dma_wait3A_173 = arith.constant 0 : i32
    %dma_wait3A_174 = tpu.memref_slice %arg6[%dma_wait3A_170, %dma_wait3A_171, %dma_wait3A_172, %dma_wait3A_173] : memref<4x2x128x64xf32, #tpu.memory_space<vmem>> -> memref<1x1x128x64xf32, #tpu.memory_space<vmem>>
    %dma_wait3A_175 = tpu.memref_squeeze %dma_wait3A_174 : memref<1x1x128x64xf32, #tpu.memory_space<vmem>> -> memref<128x64xf32, #tpu.memory_space<vmem>>
    %dma_wait3A_176 = arith.constant 0 : i32
    %dma_wait3A_177 = arith.constant 0 : i32
    %dma_wait3A_178 = tpu.memref_slice %arg4[%dma_wait3A_176, %dma_wait3A_177] : memref<131072x64xf32, #tpu.memory_space<hbm>> -> memref<128x64xf32, #tpu.memory_space<hbm>>
    %dma_wait3A_179 = arith.constant 0 : i32
    %dma_wait3A_180 = arith.constant 0 : i32
    %dma_wait3A_181 = tpu.memref_slice %arg4[%dma_wait3A_179, %dma_wait3A_180] : memref<131072x64xf32, #tpu.memory_space<hbm>> -> memref<128x64xf32, #tpu.memory_space<hbm>>
    %dma_wait3A_182 = arith.constant 0 : i32
    %dma_wait3A_183 = arith.constant 0 : i32
    %dma_wait3A_184 = tpu.memref_slice %arg6[%dma_wait3A_170, %dma_wait3A_171, %dma_wait3A_182, %dma_wait3A_183] : memref<4x2x128x64xf32, #tpu.memory_space<vmem>> -> memref<1x1x128x64xf32, #tpu.memory_space<vmem>>
    %dma_wait3A_185 = tpu.memref_squeeze %dma_wait3A_184 : memref<1x1x128x64xf32, #tpu.memory_space<vmem>> -> memref<128x64xf32, #tpu.memory_space<vmem>>
    tpu.wait_dma2 semaphore(%arg14 : memref<!tpu.dma_semaphore, #tpu.memory_space<semaphore_mem>>) src(%dma_wait3A_185 : memref<128x64xf32, #tpu.memory_space<vmem>>) dst(%dma_wait3A_181 : memref<128x64xf32, #tpu.memory_space<hbm>>)
    return
  }
}

module attributes {stable_mosaic.version = 14 : i64} {
  func.func @_tbl_body(%arg0: memref<10000x128xf32, #tpu.memory_space<vmem>>, %arg1: memref<128x64xf32, #tpu.memory_space<vmem>>, %arg2: memref<1x64xf32, #tpu.memory_space<vmem>>, %arg3: memref<10000x32xf32, #tpu.memory_space<vmem>>, %arg4: memref<10000x64xf32, #tpu.memory_space<vmem>>) attributes {dimension_semantics = [], scalar_prefetch = 0 : i64, scratch_operands = 0 : i64, tpu.core_type = #tpu.core_type<tc>} {
    %get3A = arith.constant 0 : index
    %get3A_0 = arith.constant 0 : index
    %get3A_1 = vector.load %arg0[%get3A, %get3A_0] : memref<10000x128xf32, #tpu.memory_space<vmem>>, vector<10000x128xf32>
    %get3A_2 = arith.constant 0 : index
    %get3A_3 = arith.constant 0 : index
    %get3A_4 = vector.load %arg1[%get3A_2, %get3A_3] : memref<128x64xf32, #tpu.memory_space<vmem>>, vector<128x64xf32>
    %dot_general3A = arith.constant dense<0.000000e+00> : vector<10000x64xf32>
    %dot_general3A_5 = tpu.matmul %get3A_1, %get3A_4, %dot_general3A {dimension_numbers = #tpu.dot_dimension_numbers<[1], [0], [0], [1], [0, 0, 1, 1], [], []>, transpose_lhs_hint = false} : vector<10000x128xf32>, vector<128x64xf32>, vector<10000x64xf32> -> vector<10000x64xf32>
    %get3A_6 = arith.constant 0 : index
    %get3A_7 = arith.constant 0 : index
    %get3A_8 = vector.load %arg2[%get3A_6, %get3A_7] : memref<1x64xf32, #tpu.memory_space<vmem>>, vector<1x64xf32>
    %add3A = vector.broadcast %get3A_8 : vector<1x64xf32> to vector<10000x64xf32>
    %add3A_9 = arith.addf %dot_general3A_5, %add3A : vector<10000x64xf32>
    %convert_element_type3A = arith.truncf %add3A_9 : vector<10000x64xf32> to vector<10000x64xbf16>
    %convert_element_type3A_10 = arith.extf %convert_element_type3A : vector<10000x64xbf16> to vector<10000x64xf32>
    %bitcast_convert_type3A = tpu.bitcast %convert_element_type3A_10 : vector<10000x64xf32> -> vector<10000x64xi32>
    %slice3A = vector.extract_strided_slice %bitcast_convert_type3A {offsets = [0, 0], sizes = [10000, 32], strides = [1, 1]} : vector<10000x64xi32> to vector<10000x32xi32>
    %shift_right_logical3A = arith.constant 16 : i32
    %shift_right_logical3A_11 = vector.broadcast %shift_right_logical3A : i32 to vector<10000x32xi32>
    %shift_right_logical3A_12 = arith.shrui %slice3A, %shift_right_logical3A_11 : vector<10000x32xi32>
    %slice3A_13 = vector.extract_strided_slice %bitcast_convert_type3A {offsets = [0, 32], sizes = [10000, 32], strides = [1, 1]} : vector<10000x64xi32> to vector<10000x32xi32>
    %and3A = arith.constant -65536 : i32
    %and3A_14 = vector.broadcast %and3A : i32 to vector<10000x32xi32>
    %and3A_15 = arith.andi %slice3A_13, %and3A_14 : vector<10000x32xi32>
    %or3A = arith.ori %shift_right_logical3A_12, %and3A_15 : vector<10000x32xi32>
    %bitcast_convert_type3A_16 = tpu.bitcast %or3A : vector<10000x32xi32> -> vector<10000x32xf32>
    %get3A_17 = arith.constant 0 : index
    %get3A_18 = arith.constant 0 : index
    %get3A_19 = vector.load %arg3[%get3A_17, %get3A_18] : memref<10000x32xf32, #tpu.memory_space<vmem>>, vector<10000x32xf32>
    %concatenate3A = tpu.concatenate %bitcast_convert_type3A_16, %get3A_19 in 1 : vector<10000x32xf32>, vector<10000x32xf32> -> vector<10000x64xf32>
    %swap3A = arith.constant 0 : index
    %swap3A_20 = arith.constant 0 : index
    %swap3A_21 = vector.load %arg4[%swap3A, %swap3A_20] : memref<10000x64xf32, #tpu.memory_space<vmem>>, vector<10000x64xf32>
    tpu.vector_store %arg4[%swap3A, %swap3A_20], %concatenate3A {strides = array<i32>} : memref<10000x64xf32, #tpu.memory_space<vmem>>, vector<10000x64xf32>,
    return
  }
}

module attributes {stable_mosaic.version = 14 : i64} {
  func.func @finish_body(%arg0: i32, %arg1: memref<3200x128xf32, #tpu.memory_space<vmem>>, %arg2: memref<200x64xf32, #tpu.memory_space<vmem>>, %arg3: memref<16x128xf32, #tpu.memory_space<vmem>>, %arg4: memref<1x128xf32, #tpu.memory_space<vmem>>, %arg5: memref<1x128xf32, #tpu.memory_space<vmem>>, %arg6: memref<128x2xf32, #tpu.memory_space<vmem>>, %arg7: memref<128x128xf32, #tpu.memory_space<vmem>>, %arg8: memref<2x128xf32, #tpu.memory_space<vmem>>, %arg9: memref<1x128xf32, #tpu.memory_space<vmem>>, %arg10: memref<128x128xf32, #tpu.memory_space<vmem>>, %arg11: memref<128x128xf32, #tpu.memory_space<vmem>>, %arg12: memref<200x64xf32, #tpu.memory_space<vmem>>) attributes {dimension_semantics = [#tpu.dimension_semantics<arbitrary>], iteration_bounds = array<i64: 10>, scalar_prefetch = 0 : i64, scratch_operands = 0 : i64, tpu.core_type = #tpu.core_type<tc>, window_params = [{transform_indices = @transform_0, window_bounds = array<i64: 3200, 128>}, {transform_indices = @transform_1, window_bounds = array<i64: 200, 64>}, {pipeline_mode = #tpu.pipeline_mode<synchronous>, transform_indices = @transform_2, window_bounds = array<i64: 16, 128>}, {pipeline_mode = #tpu.pipeline_mode<synchronous>, transform_indices = @transform_3, window_bounds = array<i64: 1, 128>}, {pipeline_mode = #tpu.pipeline_mode<synchronous>, transform_indices = @transform_4, window_bounds = array<i64: 1, 128>}, {pipeline_mode = #tpu.pipeline_mode<synchronous>, transform_indices = @transform_5, window_bounds = array<i64: 128, 2>}, {pipeline_mode = #tpu.pipeline_mode<synchronous>, transform_indices = @transform_6, window_bounds = array<i64: 128, 128>}, {pipeline_mode = #tpu.pipeline_mode<synchronous>, transform_indices = @transform_7, window_bounds = array<i64: 2, 128>}, {pipeline_mode = #tpu.pipeline_mode<synchronous>, transform_indices = @transform_8, window_bounds = array<i64: 1, 128>}, {pipeline_mode = #tpu.pipeline_mode<synchronous>, transform_indices = @transform_9, window_bounds = array<i64: 128, 128>}, {pipeline_mode = #tpu.pipeline_mode<synchronous>, transform_indices = @transform_10, window_bounds = array<i64: 128, 128>}, {transform_indices = @transform_11, window_bounds = array<i64: 200, 64>}]} {
    %get3A = arith.constant 0 : index
    %get3A_0 = arith.constant 0 : index
    %get3A_1 = vector.load %arg1[%get3A, %get3A_0] : memref<3200x128xf32, #tpu.memory_space<vmem>>, vector<3200x128xf32>
    %get3A_2 = arith.constant 0 : index
    %get3A_3 = arith.constant 32 : index
    %get3A_4 = vector.load %arg2[%get3A_2, %get3A_3] : memref<200x64xf32, #tpu.memory_space<vmem>>, vector<200x16xf32>
    %get3A_5 = arith.constant 0 : index
    %get3A_6 = arith.constant 0 : index
    %get3A_7 = vector.load %arg3[%get3A_5, %get3A_6] : memref<16x128xf32, #tpu.memory_space<vmem>>, vector<16x128xf32>
    %dot_general3A = arith.constant dense<0.000000e+00> : vector<200x128xf32>
    %dot_general3A_8 = tpu.matmul %get3A_4, %get3A_7, %dot_general3A {dimension_numbers = #tpu.dot_dimension_numbers<[1], [0], [0], [1], [0, 0, 1, 1], [], []>, transpose_lhs_hint = false} : vector<200x16xf32>, vector<16x128xf32>, vector<200x128xf32> -> vector<200x128xf32>
    %reshape3A = vector.shape_cast %get3A_1 : vector<3200x128xf32> to vector<200x16x128xf32>
    %broadcast_in_dim3A = vector.shape_cast %dot_general3A_8 : vector<200x128xf32> to vector<200x1x128xf32>
    %sub3A = vector.broadcast %broadcast_in_dim3A : vector<200x1x128xf32> to vector<200x16x128xf32>
    %sub3A_9 = arith.subf %sub3A, %reshape3A : vector<200x16x128xf32>
    %get3A_10 = arith.constant 0 : index
    %get3A_11 = arith.constant 0 : index
    %get3A_12 = vector.load %arg4[%get3A_10, %get3A_11] : memref<1x128xf32, #tpu.memory_space<vmem>>, vector<1x128xf32>
    %broadcast_in_dim3A_13 = vector.shape_cast %get3A_12 : vector<1x128xf32> to vector<1x1x128xf32>
    %mul3A = vector.broadcast %broadcast_in_dim3A_13 : vector<1x1x128xf32> to vector<200x16x128xf32>
    %mul3A_14 = arith.mulf %sub3A_9, %mul3A : vector<200x16x128xf32>
    %reshape3A_15 = vector.shape_cast %mul3A_14 : vector<200x16x128xf32> to vector<3200x128xf32>
    %mul3A_16 = arith.mulf %reshape3A_15, %reshape3A_15 : vector<3200x128xf32>
    %get3A_17 = arith.constant 0 : index
    %get3A_18 = arith.constant 0 : index
    %get3A_19 = vector.load %arg6[%get3A_17, %get3A_18] : memref<128x2xf32, #tpu.memory_space<vmem>>, vector<128x2xf32>
    %dot_general3A_20 = arith.constant dense<0.000000e+00> : vector<3200x2xf32>
    %dot_general3A_21 = tpu.matmul %mul3A_16, %get3A_19, %dot_general3A_20 {dimension_numbers = #tpu.dot_dimension_numbers<[1], [0], [0], [1], [0, 0, 1, 1], [], []>, transpose_lhs_hint = false} : vector<3200x128xf32>, vector<128x2xf32>, vector<3200x2xf32> -> vector<3200x2xf32>
    %add3A = arith.constant 9.99999996E-13 : f32
    %add3A_22 = vector.broadcast %add3A : f32 to vector<3200x2xf32>
    %add3A_23 = arith.addf %dot_general3A_21, %add3A_22 : vector<3200x2xf32>
    %sqrt3A = math.sqrt %add3A_23 : vector<3200x2xf32>
    %get3A_24 = arith.constant 0 : index
    %get3A_25 = arith.constant 0 : index
    %get3A_26 = vector.load %arg7[%get3A_24, %get3A_25] : memref<128x128xf32, #tpu.memory_space<vmem>>, vector<128x128xf32>
    %dot_general3A_27 = arith.constant dense<0.000000e+00> : vector<3200x128xf32>
    %dot_general3A_28 = tpu.matmul %reshape3A_15, %get3A_26, %dot_general3A_27 {dimension_numbers = #tpu.dot_dimension_numbers<[1], [0], [0], [1], [0, 0, 1, 1], [], []>, transpose_lhs_hint = false} : vector<3200x128xf32>, vector<128x128xf32>, vector<3200x128xf32> -> vector<3200x128xf32>
    %get3A_29 = arith.constant 0 : index
    %get3A_30 = arith.constant 0 : index
    %get3A_31 = vector.load %arg8[%get3A_29, %get3A_30] : memref<2x128xf32, #tpu.memory_space<vmem>>, vector<2x128xf32>
    %dot_general3A_32 = arith.constant dense<0.000000e+00> : vector<3200x128xf32>
    %dot_general3A_33 = tpu.matmul %sqrt3A, %get3A_31, %dot_general3A_32 {dimension_numbers = #tpu.dot_dimension_numbers<[1], [0], [0], [1], [0, 0, 1, 1], [], []>, transpose_lhs_hint = false} : vector<3200x2xf32>, vector<2x128xf32>, vector<3200x128xf32> -> vector<3200x128xf32>
    %add3A_34 = arith.addf %dot_general3A_28, %dot_general3A_33 : vector<3200x128xf32>
    %get3A_35 = arith.constant 0 : index
    %get3A_36 = arith.constant 0 : index
    %get3A_37 = vector.load %arg9[%get3A_35, %get3A_36] : memref<1x128xf32, #tpu.memory_space<vmem>>, vector<1x128xf32>
    %add3A_38 = vector.broadcast %get3A_37 : vector<1x128xf32> to vector<3200x128xf32>
    %add3A_39 = arith.addf %add3A_34, %add3A_38 : vector<3200x128xf32>
    %ge3A = arith.constant 0.000000e+00 : f32
    %ge3A_40 = vector.broadcast %ge3A : f32 to vector<3200x128xf32>
    %ge3A_41 = arith.cmpf oge, %add3A_39, %ge3A_40 : vector<3200x128xf32>
    %mul3A_42 = arith.constant 2.000000e-01 : f32
    %mul3A_43 = vector.broadcast %mul3A_42 : f32 to vector<3200x128xf32>
    %mul3A_44 = arith.mulf %mul3A_43, %add3A_39 : vector<3200x128xf32>
    %select_n3A = arith.select %ge3A_41, %add3A_39, %mul3A_44 : vector<3200x128xi1>, vector<3200x128xf32>
    %get3A_45 = arith.constant 0 : index
    %get3A_46 = arith.constant 0 : index
    %get3A_47 = vector.load %arg10[%get3A_45, %get3A_46] : memref<128x128xf32, #tpu.memory_space<vmem>>, vector<128x128xf32>
    %dot_general3A_48 = arith.constant dense<0.000000e+00> : vector<3200x128xf32>
    %dot_general3A_49 = tpu.matmul %select_n3A, %get3A_47, %dot_general3A_48 {dimension_numbers = #tpu.dot_dimension_numbers<[1], [0], [0], [1], [0, 0, 1, 1], [], []>, transpose_lhs_hint = false} : vector<3200x128xf32>, vector<128x128xf32>, vector<3200x128xf32> -> vector<3200x128xf32>
    %get3A_50 = arith.constant 0 : index
    %get3A_51 = arith.constant 0 : index
    %get3A_52 = vector.load %arg11[%get3A_50, %get3A_51] : memref<128x128xf32, #tpu.memory_space<vmem>>, vector<128x128xf32>
    %dot_general3A_53 = arith.constant dense<0.000000e+00> : vector<3200x128xf32>
    %dot_general3A_54 = tpu.matmul %select_n3A, %get3A_52, %dot_general3A_53 {dimension_numbers = #tpu.dot_dimension_numbers<[1], [0], [0], [1], [0, 0, 1, 1], [], []>, transpose_lhs_hint = false} : vector<3200x128xf32>, vector<128x128xf32>, vector<3200x128xf32> -> vector<3200x128xf32>
    %get3A_55 = tpu.memref_bitcast %arg1 : memref<3200x128xf32, #tpu.memory_space<vmem>> -> memref<3200x128xi32, #tpu.memory_space<vmem>>
    %get3A_56 = arith.constant 0 : index
    %get3A_57 = arith.constant 0 : index
    %get3A_58 = vector.load %get3A_55[%get3A_56, %get3A_57] : memref<3200x128xi32, #tpu.memory_space<vmem>>, vector<3200x128xi32>
    %shift_left3A = arith.constant 16 : i32
    %shift_left3A_59 = vector.broadcast %shift_left3A : i32 to vector<3200x128xi32>
    %shift_left3A_60 = arith.shli %get3A_58, %shift_left3A_59 : vector<3200x128xi32>
    %bitcast_convert_type3A = tpu.bitcast %shift_left3A_60 : vector<3200x128xi32> -> vector<3200x128xf32>
    %get3A_61 = arith.constant 0 : index
    %get3A_62 = arith.constant 0 : index
    %get3A_63 = vector.load %arg5[%get3A_61, %get3A_62] : memref<1x128xf32, #tpu.memory_space<vmem>>, vector<1x128xf32>
    %mul3A_64 = vector.broadcast %get3A_63 : vector<1x128xf32> to vector<3200x128xf32>
    %mul3A_65 = arith.mulf %bitcast_convert_type3A, %mul3A_64 : vector<3200x128xf32>
    %and3A = arith.constant -65536 : i32
    %and3A_66 = vector.broadcast %and3A : i32 to vector<3200x128xi32>
    %and3A_67 = arith.andi %get3A_58, %and3A_66 : vector<3200x128xi32>
    %bitcast_convert_type3A_68 = tpu.bitcast %and3A_67 : vector<3200x128xi32> -> vector<3200x128xf32>
    %get3A_69 = arith.constant 0 : index
    %get3A_70 = arith.constant 0 : index
    %get3A_71 = vector.load %arg5[%get3A_69, %get3A_70] : memref<1x128xf32, #tpu.memory_space<vmem>>, vector<1x128xf32>
    %mul3A_72 = vector.broadcast %get3A_71 : vector<1x128xf32> to vector<3200x128xf32>
    %mul3A_73 = arith.mulf %bitcast_convert_type3A_68, %mul3A_72 : vector<3200x128xf32>
    %add3A_74 = arith.addf %dot_general3A_49, %mul3A_65 : vector<3200x128xf32>
    %ge3A_75 = arith.constant 0.000000e+00 : f32
    %ge3A_76 = vector.broadcast %ge3A_75 : f32 to vector<3200x128xf32>
    %ge3A_77 = arith.cmpf oge, %add3A_74, %ge3A_76 : vector<3200x128xf32>
    %mul3A_78 = arith.constant 2.000000e-01 : f32
    %mul3A_79 = vector.broadcast %mul3A_78 : f32 to vector<3200x128xf32>
    %mul3A_80 = arith.mulf %mul3A_79, %add3A_74 : vector<3200x128xf32>
    %select_n3A_81 = arith.select %ge3A_77, %add3A_74, %mul3A_80 : vector<3200x128xi1>, vector<3200x128xf32>
    %add3A_82 = arith.addf %dot_general3A_54, %mul3A_73 : vector<3200x128xf32>
    %ge3A_83 = arith.constant 0.000000e+00 : f32
    %ge3A_84 = vector.broadcast %ge3A_83 : f32 to vector<3200x128xf32>
    %ge3A_85 = arith.cmpf oge, %add3A_82, %ge3A_84 : vector<3200x128xf32>
    %mul3A_86 = arith.constant 2.000000e-01 : f32
    %mul3A_87 = vector.broadcast %mul3A_86 : f32 to vector<3200x128xf32>
    %mul3A_88 = arith.mulf %mul3A_87, %add3A_82 : vector<3200x128xf32>
    %select_n3A_89 = arith.select %ge3A_85, %add3A_82, %mul3A_88 : vector<3200x128xi1>, vector<3200x128xf32>
    %reshape3A_90 = vector.shape_cast %select_n3A_81 : vector<3200x128xf32> to vector<200x16x128xf32>
    %reduce_sum3A = arith.constant dense<0.000000e+00> : vector<200x128xf32>
    %reduce_sum3A_91 = vector.multi_reduction <add>, %reshape3A_90, %reduce_sum3A [1] : vector<200x16x128xf32> to vector<200x128xf32>
    %reshape3A_92 = vector.shape_cast %select_n3A_89 : vector<3200x128xf32> to vector<200x16x128xf32>
    %reduce_sum3A_93 = arith.constant dense<0.000000e+00> : vector<200x128xf32>
    %reduce_sum3A_94 = vector.multi_reduction <add>, %reshape3A_92, %reduce_sum3A_93 [1] : vector<200x16x128xf32> to vector<200x128xf32>
    %slice3A = vector.extract_strided_slice %reduce_sum3A_91 {offsets = [0, 0], sizes = [200, 32], strides = [1, 1]} : vector<200x128xf32> to vector<200x32xf32>
    %slice3A_95 = vector.extract_strided_slice %reduce_sum3A_91 {offsets = [0, 64], sizes = [200, 32], strides = [1, 1]} : vector<200x128xf32> to vector<200x32xf32>
    %add3A_96 = arith.addf %slice3A, %slice3A_95 : vector<200x32xf32>
    %slice3A_97 = vector.extract_strided_slice %reduce_sum3A_94 {offsets = [0, 0], sizes = [200, 32], strides = [1, 1]} : vector<200x128xf32> to vector<200x32xf32>
    %slice3A_98 = vector.extract_strided_slice %reduce_sum3A_94 {offsets = [0, 64], sizes = [200, 32], strides = [1, 1]} : vector<200x128xf32> to vector<200x32xf32>
    %add3A_99 = arith.addf %slice3A_97, %slice3A_98 : vector<200x32xf32>
    %concatenate3A = tpu.concatenate %add3A_96, %add3A_99 in 1 : vector<200x32xf32>, vector<200x32xf32> -> vector<200x64xf32>
    %mul3A_100 = arith.constant 3.125000e-02 : f32
    %mul3A_101 = vector.broadcast %mul3A_100 : f32 to vector<200x64xf32>
    %mul3A_102 = arith.mulf %concatenate3A, %mul3A_101 : vector<200x64xf32>
    %swap3A = arith.constant 0 : index
    %swap3A_103 = arith.constant 0 : index
    %swap3A_104 = vector.load %arg12[%swap3A, %swap3A_103] : memref<200x64xf32, #tpu.memory_space<vmem>>, vector<200x64xf32>
    tpu.vector_store %arg12[%swap3A, %swap3A_103], %mul3A_102 {strides = array<i32>} : memref<200x64xf32, #tpu.memory_space<vmem>>, vector<200x64xf32>,
    return
  }
  func.func @transform_0(%arg0: i32) -> (i32, i32) {
    %c0_i32 = arith.constant 0 : i32
    %c0_i32_0 = arith.constant 0 : i32
    return %arg0, %c0_i32 : i32, i32
  }
  func.func @transform_1(%arg0: i32) -> (i32, i32) {
    %add3A = arith.constant 40 : i32
    %add3A_0 = arith.addi %arg0, %add3A : i32
    %c0_i32 = arith.constant 0 : i32
    %c0_i32_1 = arith.constant 0 : i32
    return %add3A_0, %c0_i32 : i32, i32
  }
  func.func @transform_2(%arg0: i32) -> (i32, i32) {
    %c0_i32 = arith.constant 0 : i32
    %c0_i32_0 = arith.constant 0 : i32
    %c0_i32_1 = arith.constant 0 : i32
    return %c0_i32, %c0_i32_0 : i32, i32
  }
  func.func @transform_3(%arg0: i32) -> (i32, i32) {
    %c0_i32 = arith.constant 0 : i32
    %c0_i32_0 = arith.constant 0 : i32
    %c0_i32_1 = arith.constant 0 : i32
    return %c0_i32, %c0_i32_0 : i32, i32
  }
  func.func @transform_4(%arg0: i32) -> (i32, i32) {
    %c0_i32 = arith.constant 0 : i32
    %c0_i32_0 = arith.constant 0 : i32
    %c0_i32_1 = arith.constant 0 : i32
    return %c0_i32, %c0_i32_0 : i32, i32
  }
  func.func @transform_5(%arg0: i32) -> (i32, i32) {
    %c0_i32 = arith.constant 0 : i32
    %c0_i32_0 = arith.constant 0 : i32
    %c0_i32_1 = arith.constant 0 : i32
    return %c0_i32, %c0_i32_0 : i32, i32
  }
  func.func @transform_6(%arg0: i32) -> (i32, i32) {
    %c0_i32 = arith.constant 0 : i32
    %c0_i32_0 = arith.constant 0 : i32
    %c0_i32_1 = arith.constant 0 : i32
    return %c0_i32, %c0_i32_0 : i32, i32
  }
  func.func @transform_7(%arg0: i32) -> (i32, i32) {
    %c0_i32 = arith.constant 0 : i32
    %c0_i32_0 = arith.constant 0 : i32
    %c0_i32_1 = arith.constant 0 : i32
    return %c0_i32, %c0_i32_0 : i32, i32
  }
  func.func @transform_8(%arg0: i32) -> (i32, i32) {
    %c0_i32 = arith.constant 0 : i32
    %c0_i32_0 = arith.constant 0 : i32
    %c0_i32_1 = arith.constant 0 : i32
    return %c0_i32, %c0_i32_0 : i32, i32
  }
  func.func @transform_9(%arg0: i32) -> (i32, i32) {
    %c0_i32 = arith.constant 0 : i32
    %c0_i32_0 = arith.constant 0 : i32
    %c0_i32_1 = arith.constant 0 : i32
    return %c0_i32, %c0_i32_0 : i32, i32
  }
  func.func @transform_10(%arg0: i32) -> (i32, i32) {
    %c0_i32 = arith.constant 0 : i32
    %c0_i32_0 = arith.constant 0 : i32
    %c0_i32_1 = arith.constant 0 : i32
    return %c0_i32, %c0_i32_0 : i32, i32
  }
  func.func @transform_11(%arg0: i32) -> (i32, i32) {
    %c0_i32 = arith.constant 0 : i32
    %c0_i32_0 = arith.constant 0 : i32
    return %arg0, %c0_i32 : i32, i32
  }
}

module attributes {stable_mosaic.version = 14 : i64} {
  func.func @finish_body(%arg0: i32, %arg1: memref<3200x128xf32, #tpu.memory_space<vmem>>, %arg2: memref<200x64xf32, #tpu.memory_space<vmem>>, %arg3: memref<16x128xf32, #tpu.memory_space<vmem>>, %arg4: memref<1x128xf32, #tpu.memory_space<vmem>>, %arg5: memref<1x128xf32, #tpu.memory_space<vmem>>, %arg6: memref<128x2xf32, #tpu.memory_space<vmem>>, %arg7: memref<128x128xf32, #tpu.memory_space<vmem>>, %arg8: memref<2x128xf32, #tpu.memory_space<vmem>>, %arg9: memref<1x128xf32, #tpu.memory_space<vmem>>, %arg10: memref<128x128xf32, #tpu.memory_space<vmem>>, %arg11: memref<128x128xf32, #tpu.memory_space<vmem>>, %arg12: memref<200x64xf32, #tpu.memory_space<vmem>>) attributes {dimension_semantics = [#tpu.dimension_semantics<arbitrary>], iteration_bounds = array<i64: 20>, scalar_prefetch = 0 : i64, scratch_operands = 0 : i64, tpu.core_type = #tpu.core_type<tc>, window_params = [{transform_indices = @transform_0, window_bounds = array<i64: 3200, 128>}, {transform_indices = @transform_1, window_bounds = array<i64: 200, 64>}, {pipeline_mode = #tpu.pipeline_mode<synchronous>, transform_indices = @transform_2, window_bounds = array<i64: 16, 128>}, {pipeline_mode = #tpu.pipeline_mode<synchronous>, transform_indices = @transform_3, window_bounds = array<i64: 1, 128>}, {pipeline_mode = #tpu.pipeline_mode<synchronous>, transform_indices = @transform_4, window_bounds = array<i64: 1, 128>}, {pipeline_mode = #tpu.pipeline_mode<synchronous>, transform_indices = @transform_5, window_bounds = array<i64: 128, 2>}, {pipeline_mode = #tpu.pipeline_mode<synchronous>, transform_indices = @transform_6, window_bounds = array<i64: 128, 128>}, {pipeline_mode = #tpu.pipeline_mode<synchronous>, transform_indices = @transform_7, window_bounds = array<i64: 2, 128>}, {pipeline_mode = #tpu.pipeline_mode<synchronous>, transform_indices = @transform_8, window_bounds = array<i64: 1, 128>}, {pipeline_mode = #tpu.pipeline_mode<synchronous>, transform_indices = @transform_9, window_bounds = array<i64: 128, 128>}, {pipeline_mode = #tpu.pipeline_mode<synchronous>, transform_indices = @transform_10, window_bounds = array<i64: 128, 128>}, {transform_indices = @transform_11, window_bounds = array<i64: 200, 64>}]} {
    %get3A = arith.constant 0 : index
    %get3A_0 = arith.constant 0 : index
    %get3A_1 = vector.load %arg1[%get3A, %get3A_0] : memref<3200x128xf32, #tpu.memory_space<vmem>>, vector<3200x128xf32>
    %get3A_2 = arith.constant 0 : index
    %get3A_3 = arith.constant 32 : index
    %get3A_4 = vector.load %arg2[%get3A_2, %get3A_3] : memref<200x64xf32, #tpu.memory_space<vmem>>, vector<200x16xf32>
    %get3A_5 = arith.constant 0 : index
    %get3A_6 = arith.constant 0 : index
    %get3A_7 = vector.load %arg3[%get3A_5, %get3A_6] : memref<16x128xf32, #tpu.memory_space<vmem>>, vector<16x128xf32>
    %dot_general3A = arith.constant dense<0.000000e+00> : vector<200x128xf32>
    %dot_general3A_8 = tpu.matmul %get3A_4, %get3A_7, %dot_general3A {dimension_numbers = #tpu.dot_dimension_numbers<[1], [0], [0], [1], [0, 0, 1, 1], [], []>, transpose_lhs_hint = false} : vector<200x16xf32>, vector<16x128xf32>, vector<200x128xf32> -> vector<200x128xf32>
    %reshape3A = vector.shape_cast %get3A_1 : vector<3200x128xf32> to vector<200x16x128xf32>
    %broadcast_in_dim3A = vector.shape_cast %dot_general3A_8 : vector<200x128xf32> to vector<200x1x128xf32>
    %sub3A = vector.broadcast %broadcast_in_dim3A : vector<200x1x128xf32> to vector<200x16x128xf32>
    %sub3A_9 = arith.subf %sub3A, %reshape3A : vector<200x16x128xf32>
    %get3A_10 = arith.constant 0 : index
    %get3A_11 = arith.constant 0 : index
    %get3A_12 = vector.load %arg4[%get3A_10, %get3A_11] : memref<1x128xf32, #tpu.memory_space<vmem>>, vector<1x128xf32>
    %broadcast_in_dim3A_13 = vector.shape_cast %get3A_12 : vector<1x128xf32> to vector<1x1x128xf32>
    %mul3A = vector.broadcast %broadcast_in_dim3A_13 : vector<1x1x128xf32> to vector<200x16x128xf32>
    %mul3A_14 = arith.mulf %sub3A_9, %mul3A : vector<200x16x128xf32>
    %reshape3A_15 = vector.shape_cast %mul3A_14 : vector<200x16x128xf32> to vector<3200x128xf32>
    %mul3A_16 = arith.mulf %reshape3A_15, %reshape3A_15 : vector<3200x128xf32>
    %get3A_17 = arith.constant 0 : index
    %get3A_18 = arith.constant 0 : index
    %get3A_19 = vector.load %arg6[%get3A_17, %get3A_18] : memref<128x2xf32, #tpu.memory_space<vmem>>, vector<128x2xf32>
    %dot_general3A_20 = arith.constant dense<0.000000e+00> : vector<3200x2xf32>
    %dot_general3A_21 = tpu.matmul %mul3A_16, %get3A_19, %dot_general3A_20 {dimension_numbers = #tpu.dot_dimension_numbers<[1], [0], [0], [1], [0, 0, 1, 1], [], []>, transpose_lhs_hint = false} : vector<3200x128xf32>, vector<128x2xf32>, vector<3200x2xf32> -> vector<3200x2xf32>
    %add3A = arith.constant 9.99999996E-13 : f32
    %add3A_22 = vector.broadcast %add3A : f32 to vector<3200x2xf32>
    %add3A_23 = arith.addf %dot_general3A_21, %add3A_22 : vector<3200x2xf32>
    %sqrt3A = math.sqrt %add3A_23 : vector<3200x2xf32>
    %get3A_24 = arith.constant 0 : index
    %get3A_25 = arith.constant 0 : index
    %get3A_26 = vector.load %arg7[%get3A_24, %get3A_25] : memref<128x128xf32, #tpu.memory_space<vmem>>, vector<128x128xf32>
    %dot_general3A_27 = arith.constant dense<0.000000e+00> : vector<3200x128xf32>
    %dot_general3A_28 = tpu.matmul %reshape3A_15, %get3A_26, %dot_general3A_27 {dimension_numbers = #tpu.dot_dimension_numbers<[1], [0], [0], [1], [0, 0, 1, 1], [], []>, transpose_lhs_hint = false} : vector<3200x128xf32>, vector<128x128xf32>, vector<3200x128xf32> -> vector<3200x128xf32>
    %get3A_29 = arith.constant 0 : index
    %get3A_30 = arith.constant 0 : index
    %get3A_31 = vector.load %arg8[%get3A_29, %get3A_30] : memref<2x128xf32, #tpu.memory_space<vmem>>, vector<2x128xf32>
    %dot_general3A_32 = arith.constant dense<0.000000e+00> : vector<3200x128xf32>
    %dot_general3A_33 = tpu.matmul %sqrt3A, %get3A_31, %dot_general3A_32 {dimension_numbers = #tpu.dot_dimension_numbers<[1], [0], [0], [1], [0, 0, 1, 1], [], []>, transpose_lhs_hint = false} : vector<3200x2xf32>, vector<2x128xf32>, vector<3200x128xf32> -> vector<3200x128xf32>
    %add3A_34 = arith.addf %dot_general3A_28, %dot_general3A_33 : vector<3200x128xf32>
    %get3A_35 = arith.constant 0 : index
    %get3A_36 = arith.constant 0 : index
    %get3A_37 = vector.load %arg9[%get3A_35, %get3A_36] : memref<1x128xf32, #tpu.memory_space<vmem>>, vector<1x128xf32>
    %add3A_38 = vector.broadcast %get3A_37 : vector<1x128xf32> to vector<3200x128xf32>
    %add3A_39 = arith.addf %add3A_34, %add3A_38 : vector<3200x128xf32>
    %ge3A = arith.constant 0.000000e+00 : f32
    %ge3A_40 = vector.broadcast %ge3A : f32 to vector<3200x128xf32>
    %ge3A_41 = arith.cmpf oge, %add3A_39, %ge3A_40 : vector<3200x128xf32>
    %mul3A_42 = arith.constant 2.000000e-01 : f32
    %mul3A_43 = vector.broadcast %mul3A_42 : f32 to vector<3200x128xf32>
    %mul3A_44 = arith.mulf %mul3A_43, %add3A_39 : vector<3200x128xf32>
    %select_n3A = arith.select %ge3A_41, %add3A_39, %mul3A_44 : vector<3200x128xi1>, vector<3200x128xf32>
    %get3A_45 = arith.constant 0 : index
    %get3A_46 = arith.constant 0 : index
    %get3A_47 = vector.load %arg10[%get3A_45, %get3A_46] : memref<128x128xf32, #tpu.memory_space<vmem>>, vector<128x128xf32>
    %dot_general3A_48 = arith.constant dense<0.000000e+00> : vector<3200x128xf32>
    %dot_general3A_49 = tpu.matmul %select_n3A, %get3A_47, %dot_general3A_48 {dimension_numbers = #tpu.dot_dimension_numbers<[1], [0], [0], [1], [0, 0, 1, 1], [], []>, transpose_lhs_hint = false} : vector<3200x128xf32>, vector<128x128xf32>, vector<3200x128xf32> -> vector<3200x128xf32>
    %get3A_50 = arith.constant 0 : index
    %get3A_51 = arith.constant 0 : index
    %get3A_52 = vector.load %arg11[%get3A_50, %get3A_51] : memref<128x128xf32, #tpu.memory_space<vmem>>, vector<128x128xf32>
    %dot_general3A_53 = arith.constant dense<0.000000e+00> : vector<3200x128xf32>
    %dot_general3A_54 = tpu.matmul %select_n3A, %get3A_52, %dot_general3A_53 {dimension_numbers = #tpu.dot_dimension_numbers<[1], [0], [0], [1], [0, 0, 1, 1], [], []>, transpose_lhs_hint = false} : vector<3200x128xf32>, vector<128x128xf32>, vector<3200x128xf32> -> vector<3200x128xf32>
    %get3A_55 = tpu.memref_bitcast %arg1 : memref<3200x128xf32, #tpu.memory_space<vmem>> -> memref<3200x128xi32, #tpu.memory_space<vmem>>
    %get3A_56 = arith.constant 0 : index
    %get3A_57 = arith.constant 0 : index
    %get3A_58 = vector.load %get3A_55[%get3A_56, %get3A_57] : memref<3200x128xi32, #tpu.memory_space<vmem>>, vector<3200x128xi32>
    %shift_left3A = arith.constant 16 : i32
    %shift_left3A_59 = vector.broadcast %shift_left3A : i32 to vector<3200x128xi32>
    %shift_left3A_60 = arith.shli %get3A_58, %shift_left3A_59 : vector<3200x128xi32>
    %bitcast_convert_type3A = tpu.bitcast %shift_left3A_60 : vector<3200x128xi32> -> vector<3200x128xf32>
    %get3A_61 = arith.constant 0 : index
    %get3A_62 = arith.constant 0 : index
    %get3A_63 = vector.load %arg5[%get3A_61, %get3A_62] : memref<1x128xf32, #tpu.memory_space<vmem>>, vector<1x128xf32>
    %mul3A_64 = vector.broadcast %get3A_63 : vector<1x128xf32> to vector<3200x128xf32>
    %mul3A_65 = arith.mulf %bitcast_convert_type3A, %mul3A_64 : vector<3200x128xf32>
    %and3A = arith.constant -65536 : i32
    %and3A_66 = vector.broadcast %and3A : i32 to vector<3200x128xi32>
    %and3A_67 = arith.andi %get3A_58, %and3A_66 : vector<3200x128xi32>
    %bitcast_convert_type3A_68 = tpu.bitcast %and3A_67 : vector<3200x128xi32> -> vector<3200x128xf32>
    %get3A_69 = arith.constant 0 : index
    %get3A_70 = arith.constant 0 : index
    %get3A_71 = vector.load %arg5[%get3A_69, %get3A_70] : memref<1x128xf32, #tpu.memory_space<vmem>>, vector<1x128xf32>
    %mul3A_72 = vector.broadcast %get3A_71 : vector<1x128xf32> to vector<3200x128xf32>
    %mul3A_73 = arith.mulf %bitcast_convert_type3A_68, %mul3A_72 : vector<3200x128xf32>
    %add3A_74 = arith.addf %dot_general3A_49, %mul3A_65 : vector<3200x128xf32>
    %ge3A_75 = arith.constant 0.000000e+00 : f32
    %ge3A_76 = vector.broadcast %ge3A_75 : f32 to vector<3200x128xf32>
    %ge3A_77 = arith.cmpf oge, %add3A_74, %ge3A_76 : vector<3200x128xf32>
    %mul3A_78 = arith.constant 2.000000e-01 : f32
    %mul3A_79 = vector.broadcast %mul3A_78 : f32 to vector<3200x128xf32>
    %mul3A_80 = arith.mulf %mul3A_79, %add3A_74 : vector<3200x128xf32>
    %select_n3A_81 = arith.select %ge3A_77, %add3A_74, %mul3A_80 : vector<3200x128xi1>, vector<3200x128xf32>
    %add3A_82 = arith.addf %dot_general3A_54, %mul3A_73 : vector<3200x128xf32>
    %ge3A_83 = arith.constant 0.000000e+00 : f32
    %ge3A_84 = vector.broadcast %ge3A_83 : f32 to vector<3200x128xf32>
    %ge3A_85 = arith.cmpf oge, %add3A_82, %ge3A_84 : vector<3200x128xf32>
    %mul3A_86 = arith.constant 2.000000e-01 : f32
    %mul3A_87 = vector.broadcast %mul3A_86 : f32 to vector<3200x128xf32>
    %mul3A_88 = arith.mulf %mul3A_87, %add3A_82 : vector<3200x128xf32>
    %select_n3A_89 = arith.select %ge3A_85, %add3A_82, %mul3A_88 : vector<3200x128xi1>, vector<3200x128xf32>
    %reshape3A_90 = vector.shape_cast %select_n3A_81 : vector<3200x128xf32> to vector<200x16x128xf32>
    %reduce_sum3A = arith.constant dense<0.000000e+00> : vector<200x128xf32>
    %reduce_sum3A_91 = vector.multi_reduction <add>, %reshape3A_90, %reduce_sum3A [1] : vector<200x16x128xf32> to vector<200x128xf32>
    %reshape3A_92 = vector.shape_cast %select_n3A_89 : vector<3200x128xf32> to vector<200x16x128xf32>
    %reduce_sum3A_93 = arith.constant dense<0.000000e+00> : vector<200x128xf32>
    %reduce_sum3A_94 = vector.multi_reduction <add>, %reshape3A_92, %reduce_sum3A_93 [1] : vector<200x16x128xf32> to vector<200x128xf32>
    %slice3A = vector.extract_strided_slice %reduce_sum3A_91 {offsets = [0, 0], sizes = [200, 32], strides = [1, 1]} : vector<200x128xf32> to vector<200x32xf32>
    %slice3A_95 = vector.extract_strided_slice %reduce_sum3A_91 {offsets = [0, 64], sizes = [200, 32], strides = [1, 1]} : vector<200x128xf32> to vector<200x32xf32>
    %add3A_96 = arith.addf %slice3A, %slice3A_95 : vector<200x32xf32>
    %slice3A_97 = vector.extract_strided_slice %reduce_sum3A_94 {offsets = [0, 0], sizes = [200, 32], strides = [1, 1]} : vector<200x128xf32> to vector<200x32xf32>
    %slice3A_98 = vector.extract_strided_slice %reduce_sum3A_94 {offsets = [0, 64], sizes = [200, 32], strides = [1, 1]} : vector<200x128xf32> to vector<200x32xf32>
    %add3A_99 = arith.addf %slice3A_97, %slice3A_98 : vector<200x32xf32>
    %concatenate3A = tpu.concatenate %add3A_96, %add3A_99 in 1 : vector<200x32xf32>, vector<200x32xf32> -> vector<200x64xf32>
    %mul3A_100 = arith.constant 3.125000e-02 : f32
    %mul3A_101 = vector.broadcast %mul3A_100 : f32 to vector<200x64xf32>
    %mul3A_102 = arith.mulf %concatenate3A, %mul3A_101 : vector<200x64xf32>
    %swap3A = arith.constant 0 : index
    %swap3A_103 = arith.constant 0 : index
    %swap3A_104 = vector.load %arg12[%swap3A, %swap3A_103] : memref<200x64xf32, #tpu.memory_space<vmem>>, vector<200x64xf32>
    tpu.vector_store %arg12[%swap3A, %swap3A_103], %mul3A_102 {strides = array<i32>} : memref<200x64xf32, #tpu.memory_space<vmem>>, vector<200x64xf32>,
    return
  }
  func.func @transform_0(%arg0: i32) -> (i32, i32) {
    %c0_i32 = arith.constant 0 : i32
    %c0_i32_0 = arith.constant 0 : i32
    return %arg0, %c0_i32 : i32, i32
  }
  func.func @transform_1(%arg0: i32) -> (i32, i32) {
    %add3A = arith.constant 20 : i32
    %add3A_0 = arith.addi %arg0, %add3A : i32
    %c0_i32 = arith.constant 0 : i32
    %c0_i32_1 = arith.constant 0 : i32
    return %add3A_0, %c0_i32 : i32, i32
  }
  func.func @transform_2(%arg0: i32) -> (i32, i32) {
    %c0_i32 = arith.constant 0 : i32
    %c0_i32_0 = arith.constant 0 : i32
    %c0_i32_1 = arith.constant 0 : i32
    return %c0_i32, %c0_i32_0 : i32, i32
  }
  func.func @transform_3(%arg0: i32) -> (i32, i32) {
    %c0_i32 = arith.constant 0 : i32
    %c0_i32_0 = arith.constant 0 : i32
    %c0_i32_1 = arith.constant 0 : i32
    return %c0_i32, %c0_i32_0 : i32, i32
  }
  func.func @transform_4(%arg0: i32) -> (i32, i32) {
    %c0_i32 = arith.constant 0 : i32
    %c0_i32_0 = arith.constant 0 : i32
    %c0_i32_1 = arith.constant 0 : i32
    return %c0_i32, %c0_i32_0 : i32, i32
  }
  func.func @transform_5(%arg0: i32) -> (i32, i32) {
    %c0_i32 = arith.constant 0 : i32
    %c0_i32_0 = arith.constant 0 : i32
    %c0_i32_1 = arith.constant 0 : i32
    return %c0_i32, %c0_i32_0 : i32, i32
  }
  func.func @transform_6(%arg0: i32) -> (i32, i32) {
    %c0_i32 = arith.constant 0 : i32
    %c0_i32_0 = arith.constant 0 : i32
    %c0_i32_1 = arith.constant 0 : i32
    return %c0_i32, %c0_i32_0 : i32, i32
  }
  func.func @transform_7(%arg0: i32) -> (i32, i32) {
    %c0_i32 = arith.constant 0 : i32
    %c0_i32_0 = arith.constant 0 : i32
    %c0_i32_1 = arith.constant 0 : i32
    return %c0_i32, %c0_i32_0 : i32, i32
  }
  func.func @transform_8(%arg0: i32) -> (i32, i32) {
    %c0_i32 = arith.constant 0 : i32
    %c0_i32_0 = arith.constant 0 : i32
    %c0_i32_1 = arith.constant 0 : i32
    return %c0_i32, %c0_i32_0 : i32, i32
  }
  func.func @transform_9(%arg0: i32) -> (i32, i32) {
    %c0_i32 = arith.constant 0 : i32
    %c0_i32_0 = arith.constant 0 : i32
    %c0_i32_1 = arith.constant 0 : i32
    return %c0_i32, %c0_i32_0 : i32, i32
  }
  func.func @transform_10(%arg0: i32) -> (i32, i32) {
    %c0_i32 = arith.constant 0 : i32
    %c0_i32_0 = arith.constant 0 : i32
    %c0_i32_1 = arith.constant 0 : i32
    return %c0_i32, %c0_i32_0 : i32, i32
  }
  func.func @transform_11(%arg0: i32) -> (i32, i32) {
    %c0_i32 = arith.constant 0 : i32
    %c0_i32_0 = arith.constant 0 : i32
    return %arg0, %c0_i32 : i32, i32
  }
}

module attributes {stable_mosaic.version = 14 : i64} {
  func.func @finish_body(%arg0: i32, %arg1: memref<3200x128xf32, #tpu.memory_space<vmem>>, %arg2: memref<200x64xf32, #tpu.memory_space<vmem>>, %arg3: memref<16x128xf32, #tpu.memory_space<vmem>>, %arg4: memref<1x128xf32, #tpu.memory_space<vmem>>, %arg5: memref<1x128xf32, #tpu.memory_space<vmem>>, %arg6: memref<128x2xf32, #tpu.memory_space<vmem>>, %arg7: memref<128x128xf32, #tpu.memory_space<vmem>>, %arg8: memref<2x128xf32, #tpu.memory_space<vmem>>, %arg9: memref<1x128xf32, #tpu.memory_space<vmem>>, %arg10: memref<128x128xf32, #tpu.memory_space<vmem>>, %arg11: memref<128x128xf32, #tpu.memory_space<vmem>>, %arg12: memref<200x64xf32, #tpu.memory_space<vmem>>) attributes {dimension_semantics = [#tpu.dimension_semantics<arbitrary>], iteration_bounds = array<i64: 20>, scalar_prefetch = 0 : i64, scratch_operands = 0 : i64, tpu.core_type = #tpu.core_type<tc>, window_params = [{transform_indices = @transform_0, window_bounds = array<i64: 3200, 128>}, {transform_indices = @transform_1, window_bounds = array<i64: 200, 64>}, {pipeline_mode = #tpu.pipeline_mode<synchronous>, transform_indices = @transform_2, window_bounds = array<i64: 16, 128>}, {pipeline_mode = #tpu.pipeline_mode<synchronous>, transform_indices = @transform_3, window_bounds = array<i64: 1, 128>}, {pipeline_mode = #tpu.pipeline_mode<synchronous>, transform_indices = @transform_4, window_bounds = array<i64: 1, 128>}, {pipeline_mode = #tpu.pipeline_mode<synchronous>, transform_indices = @transform_5, window_bounds = array<i64: 128, 2>}, {pipeline_mode = #tpu.pipeline_mode<synchronous>, transform_indices = @transform_6, window_bounds = array<i64: 128, 128>}, {pipeline_mode = #tpu.pipeline_mode<synchronous>, transform_indices = @transform_7, window_bounds = array<i64: 2, 128>}, {pipeline_mode = #tpu.pipeline_mode<synchronous>, transform_indices = @transform_8, window_bounds = array<i64: 1, 128>}, {pipeline_mode = #tpu.pipeline_mode<synchronous>, transform_indices = @transform_9, window_bounds = array<i64: 128, 128>}, {pipeline_mode = #tpu.pipeline_mode<synchronous>, transform_indices = @transform_10, window_bounds = array<i64: 128, 128>}, {transform_indices = @transform_11, window_bounds = array<i64: 200, 64>}]} {
    %get3A = arith.constant 0 : index
    %get3A_0 = arith.constant 0 : index
    %get3A_1 = vector.load %arg1[%get3A, %get3A_0] : memref<3200x128xf32, #tpu.memory_space<vmem>>, vector<3200x128xf32>
    %get3A_2 = arith.constant 0 : index
    %get3A_3 = arith.constant 32 : index
    %get3A_4 = vector.load %arg2[%get3A_2, %get3A_3] : memref<200x64xf32, #tpu.memory_space<vmem>>, vector<200x16xf32>
    %get3A_5 = arith.constant 0 : index
    %get3A_6 = arith.constant 0 : index
    %get3A_7 = vector.load %arg3[%get3A_5, %get3A_6] : memref<16x128xf32, #tpu.memory_space<vmem>>, vector<16x128xf32>
    %dot_general3A = arith.constant dense<0.000000e+00> : vector<200x128xf32>
    %dot_general3A_8 = tpu.matmul %get3A_4, %get3A_7, %dot_general3A {dimension_numbers = #tpu.dot_dimension_numbers<[1], [0], [0], [1], [0, 0, 1, 1], [], []>, transpose_lhs_hint = false} : vector<200x16xf32>, vector<16x128xf32>, vector<200x128xf32> -> vector<200x128xf32>
    %reshape3A = vector.shape_cast %get3A_1 : vector<3200x128xf32> to vector<200x16x128xf32>
    %broadcast_in_dim3A = vector.shape_cast %dot_general3A_8 : vector<200x128xf32> to vector<200x1x128xf32>
    %sub3A = vector.broadcast %broadcast_in_dim3A : vector<200x1x128xf32> to vector<200x16x128xf32>
    %sub3A_9 = arith.subf %sub3A, %reshape3A : vector<200x16x128xf32>
    %get3A_10 = arith.constant 0 : index
    %get3A_11 = arith.constant 0 : index
    %get3A_12 = vector.load %arg4[%get3A_10, %get3A_11] : memref<1x128xf32, #tpu.memory_space<vmem>>, vector<1x128xf32>
    %broadcast_in_dim3A_13 = vector.shape_cast %get3A_12 : vector<1x128xf32> to vector<1x1x128xf32>
    %mul3A = vector.broadcast %broadcast_in_dim3A_13 : vector<1x1x128xf32> to vector<200x16x128xf32>
    %mul3A_14 = arith.mulf %sub3A_9, %mul3A : vector<200x16x128xf32>
    %reshape3A_15 = vector.shape_cast %mul3A_14 : vector<200x16x128xf32> to vector<3200x128xf32>
    %mul3A_16 = arith.mulf %reshape3A_15, %reshape3A_15 : vector<3200x128xf32>
    %get3A_17 = arith.constant 0 : index
    %get3A_18 = arith.constant 0 : index
    %get3A_19 = vector.load %arg6[%get3A_17, %get3A_18] : memref<128x2xf32, #tpu.memory_space<vmem>>, vector<128x2xf32>
    %dot_general3A_20 = arith.constant dense<0.000000e+00> : vector<3200x2xf32>
    %dot_general3A_21 = tpu.matmul %mul3A_16, %get3A_19, %dot_general3A_20 {dimension_numbers = #tpu.dot_dimension_numbers<[1], [0], [0], [1], [0, 0, 1, 1], [], []>, transpose_lhs_hint = false} : vector<3200x128xf32>, vector<128x2xf32>, vector<3200x2xf32> -> vector<3200x2xf32>
    %add3A = arith.constant 9.99999996E-13 : f32
    %add3A_22 = vector.broadcast %add3A : f32 to vector<3200x2xf32>
    %add3A_23 = arith.addf %dot_general3A_21, %add3A_22 : vector<3200x2xf32>
    %sqrt3A = math.sqrt %add3A_23 : vector<3200x2xf32>
    %get3A_24 = arith.constant 0 : index
    %get3A_25 = arith.constant 0 : index
    %get3A_26 = vector.load %arg7[%get3A_24, %get3A_25] : memref<128x128xf32, #tpu.memory_space<vmem>>, vector<128x128xf32>
    %dot_general3A_27 = arith.constant dense<0.000000e+00> : vector<3200x128xf32>
    %dot_general3A_28 = tpu.matmul %reshape3A_15, %get3A_26, %dot_general3A_27 {dimension_numbers = #tpu.dot_dimension_numbers<[1], [0], [0], [1], [0, 0, 1, 1], [], []>, transpose_lhs_hint = false} : vector<3200x128xf32>, vector<128x128xf32>, vector<3200x128xf32> -> vector<3200x128xf32>
    %get3A_29 = arith.constant 0 : index
    %get3A_30 = arith.constant 0 : index
    %get3A_31 = vector.load %arg8[%get3A_29, %get3A_30] : memref<2x128xf32, #tpu.memory_space<vmem>>, vector<2x128xf32>
    %dot_general3A_32 = arith.constant dense<0.000000e+00> : vector<3200x128xf32>
    %dot_general3A_33 = tpu.matmul %sqrt3A, %get3A_31, %dot_general3A_32 {dimension_numbers = #tpu.dot_dimension_numbers<[1], [0], [0], [1], [0, 0, 1, 1], [], []>, transpose_lhs_hint = false} : vector<3200x2xf32>, vector<2x128xf32>, vector<3200x128xf32> -> vector<3200x128xf32>
    %add3A_34 = arith.addf %dot_general3A_28, %dot_general3A_33 : vector<3200x128xf32>
    %get3A_35 = arith.constant 0 : index
    %get3A_36 = arith.constant 0 : index
    %get3A_37 = vector.load %arg9[%get3A_35, %get3A_36] : memref<1x128xf32, #tpu.memory_space<vmem>>, vector<1x128xf32>
    %add3A_38 = vector.broadcast %get3A_37 : vector<1x128xf32> to vector<3200x128xf32>
    %add3A_39 = arith.addf %add3A_34, %add3A_38 : vector<3200x128xf32>
    %ge3A = arith.constant 0.000000e+00 : f32
    %ge3A_40 = vector.broadcast %ge3A : f32 to vector<3200x128xf32>
    %ge3A_41 = arith.cmpf oge, %add3A_39, %ge3A_40 : vector<3200x128xf32>
    %mul3A_42 = arith.constant 2.000000e-01 : f32
    %mul3A_43 = vector.broadcast %mul3A_42 : f32 to vector<3200x128xf32>
    %mul3A_44 = arith.mulf %mul3A_43, %add3A_39 : vector<3200x128xf32>
    %select_n3A = arith.select %ge3A_41, %add3A_39, %mul3A_44 : vector<3200x128xi1>, vector<3200x128xf32>
    %get3A_45 = arith.constant 0 : index
    %get3A_46 = arith.constant 0 : index
    %get3A_47 = vector.load %arg10[%get3A_45, %get3A_46] : memref<128x128xf32, #tpu.memory_space<vmem>>, vector<128x128xf32>
    %dot_general3A_48 = arith.constant dense<0.000000e+00> : vector<3200x128xf32>
    %dot_general3A_49 = tpu.matmul %select_n3A, %get3A_47, %dot_general3A_48 {dimension_numbers = #tpu.dot_dimension_numbers<[1], [0], [0], [1], [0, 0, 1, 1], [], []>, transpose_lhs_hint = false} : vector<3200x128xf32>, vector<128x128xf32>, vector<3200x128xf32> -> vector<3200x128xf32>
    %get3A_50 = arith.constant 0 : index
    %get3A_51 = arith.constant 0 : index
    %get3A_52 = vector.load %arg11[%get3A_50, %get3A_51] : memref<128x128xf32, #tpu.memory_space<vmem>>, vector<128x128xf32>
    %dot_general3A_53 = arith.constant dense<0.000000e+00> : vector<3200x128xf32>
    %dot_general3A_54 = tpu.matmul %select_n3A, %get3A_52, %dot_general3A_53 {dimension_numbers = #tpu.dot_dimension_numbers<[1], [0], [0], [1], [0, 0, 1, 1], [], []>, transpose_lhs_hint = false} : vector<3200x128xf32>, vector<128x128xf32>, vector<3200x128xf32> -> vector<3200x128xf32>
    %get3A_55 = tpu.memref_bitcast %arg1 : memref<3200x128xf32, #tpu.memory_space<vmem>> -> memref<3200x128xi32, #tpu.memory_space<vmem>>
    %get3A_56 = arith.constant 0 : index
    %get3A_57 = arith.constant 0 : index
    %get3A_58 = vector.load %get3A_55[%get3A_56, %get3A_57] : memref<3200x128xi32, #tpu.memory_space<vmem>>, vector<3200x128xi32>
    %shift_left3A = arith.constant 16 : i32
    %shift_left3A_59 = vector.broadcast %shift_left3A : i32 to vector<3200x128xi32>
    %shift_left3A_60 = arith.shli %get3A_58, %shift_left3A_59 : vector<3200x128xi32>
    %bitcast_convert_type3A = tpu.bitcast %shift_left3A_60 : vector<3200x128xi32> -> vector<3200x128xf32>
    %get3A_61 = arith.constant 0 : index
    %get3A_62 = arith.constant 0 : index
    %get3A_63 = vector.load %arg5[%get3A_61, %get3A_62] : memref<1x128xf32, #tpu.memory_space<vmem>>, vector<1x128xf32>
    %mul3A_64 = vector.broadcast %get3A_63 : vector<1x128xf32> to vector<3200x128xf32>
    %mul3A_65 = arith.mulf %bitcast_convert_type3A, %mul3A_64 : vector<3200x128xf32>
    %and3A = arith.constant -65536 : i32
    %and3A_66 = vector.broadcast %and3A : i32 to vector<3200x128xi32>
    %and3A_67 = arith.andi %get3A_58, %and3A_66 : vector<3200x128xi32>
    %bitcast_convert_type3A_68 = tpu.bitcast %and3A_67 : vector<3200x128xi32> -> vector<3200x128xf32>
    %get3A_69 = arith.constant 0 : index
    %get3A_70 = arith.constant 0 : index
    %get3A_71 = vector.load %arg5[%get3A_69, %get3A_70] : memref<1x128xf32, #tpu.memory_space<vmem>>, vector<1x128xf32>
    %mul3A_72 = vector.broadcast %get3A_71 : vector<1x128xf32> to vector<3200x128xf32>
    %mul3A_73 = arith.mulf %bitcast_convert_type3A_68, %mul3A_72 : vector<3200x128xf32>
    %add3A_74 = arith.addf %dot_general3A_49, %mul3A_65 : vector<3200x128xf32>
    %ge3A_75 = arith.constant 0.000000e+00 : f32
    %ge3A_76 = vector.broadcast %ge3A_75 : f32 to vector<3200x128xf32>
    %ge3A_77 = arith.cmpf oge, %add3A_74, %ge3A_76 : vector<3200x128xf32>
    %mul3A_78 = arith.constant 2.000000e-01 : f32
    %mul3A_79 = vector.broadcast %mul3A_78 : f32 to vector<3200x128xf32>
    %mul3A_80 = arith.mulf %mul3A_79, %add3A_74 : vector<3200x128xf32>
    %select_n3A_81 = arith.select %ge3A_77, %add3A_74, %mul3A_80 : vector<3200x128xi1>, vector<3200x128xf32>
    %add3A_82 = arith.addf %dot_general3A_54, %mul3A_73 : vector<3200x128xf32>
    %ge3A_83 = arith.constant 0.000000e+00 : f32
    %ge3A_84 = vector.broadcast %ge3A_83 : f32 to vector<3200x128xf32>
    %ge3A_85 = arith.cmpf oge, %add3A_82, %ge3A_84 : vector<3200x128xf32>
    %mul3A_86 = arith.constant 2.000000e-01 : f32
    %mul3A_87 = vector.broadcast %mul3A_86 : f32 to vector<3200x128xf32>
    %mul3A_88 = arith.mulf %mul3A_87, %add3A_82 : vector<3200x128xf32>
    %select_n3A_89 = arith.select %ge3A_85, %add3A_82, %mul3A_88 : vector<3200x128xi1>, vector<3200x128xf32>
    %reshape3A_90 = vector.shape_cast %select_n3A_81 : vector<3200x128xf32> to vector<200x16x128xf32>
    %reduce_sum3A = arith.constant dense<0.000000e+00> : vector<200x128xf32>
    %reduce_sum3A_91 = vector.multi_reduction <add>, %reshape3A_90, %reduce_sum3A [1] : vector<200x16x128xf32> to vector<200x128xf32>
    %reshape3A_92 = vector.shape_cast %select_n3A_89 : vector<3200x128xf32> to vector<200x16x128xf32>
    %reduce_sum3A_93 = arith.constant dense<0.000000e+00> : vector<200x128xf32>
    %reduce_sum3A_94 = vector.multi_reduction <add>, %reshape3A_92, %reduce_sum3A_93 [1] : vector<200x16x128xf32> to vector<200x128xf32>
    %slice3A = vector.extract_strided_slice %reduce_sum3A_91 {offsets = [0, 0], sizes = [200, 32], strides = [1, 1]} : vector<200x128xf32> to vector<200x32xf32>
    %slice3A_95 = vector.extract_strided_slice %reduce_sum3A_91 {offsets = [0, 64], sizes = [200, 32], strides = [1, 1]} : vector<200x128xf32> to vector<200x32xf32>
    %add3A_96 = arith.addf %slice3A, %slice3A_95 : vector<200x32xf32>
    %slice3A_97 = vector.extract_strided_slice %reduce_sum3A_94 {offsets = [0, 0], sizes = [200, 32], strides = [1, 1]} : vector<200x128xf32> to vector<200x32xf32>
    %slice3A_98 = vector.extract_strided_slice %reduce_sum3A_94 {offsets = [0, 64], sizes = [200, 32], strides = [1, 1]} : vector<200x128xf32> to vector<200x32xf32>
    %add3A_99 = arith.addf %slice3A_97, %slice3A_98 : vector<200x32xf32>
    %concatenate3A = tpu.concatenate %add3A_96, %add3A_99 in 1 : vector<200x32xf32>, vector<200x32xf32> -> vector<200x64xf32>
    %mul3A_100 = arith.constant 3.125000e-02 : f32
    %mul3A_101 = vector.broadcast %mul3A_100 : f32 to vector<200x64xf32>
    %mul3A_102 = arith.mulf %concatenate3A, %mul3A_101 : vector<200x64xf32>
    %swap3A = arith.constant 0 : index
    %swap3A_103 = arith.constant 0 : index
    %swap3A_104 = vector.load %arg12[%swap3A, %swap3A_103] : memref<200x64xf32, #tpu.memory_space<vmem>>, vector<200x64xf32>
    tpu.vector_store %arg12[%swap3A, %swap3A_103], %mul3A_102 {strides = array<i32>} : memref<200x64xf32, #tpu.memory_space<vmem>>, vector<200x64xf32>,
    return
  }
  func.func @transform_0(%arg0: i32) -> (i32, i32) {
    %c0_i32 = arith.constant 0 : i32
    %c0_i32_0 = arith.constant 0 : i32
    return %arg0, %c0_i32 : i32, i32
  }
  func.func @transform_1(%arg0: i32) -> (i32, i32) {
    %add3A = arith.constant 0 : i32
    %add3A_0 = arith.addi %arg0, %add3A : i32
    %c0_i32 = arith.constant 0 : i32
    %c0_i32_1 = arith.constant 0 : i32
    return %add3A_0, %c0_i32 : i32, i32
  }
  func.func @transform_2(%arg0: i32) -> (i32, i32) {
    %c0_i32 = arith.constant 0 : i32
    %c0_i32_0 = arith.constant 0 : i32
    %c0_i32_1 = arith.constant 0 : i32
    return %c0_i32, %c0_i32_0 : i32, i32
  }
  func.func @transform_3(%arg0: i32) -> (i32, i32) {
    %c0_i32 = arith.constant 0 : i32
    %c0_i32_0 = arith.constant 0 : i32
    %c0_i32_1 = arith.constant 0 : i32
    return %c0_i32, %c0_i32_0 : i32, i32
  }
  func.func @transform_4(%arg0: i32) -> (i32, i32) {
    %c0_i32 = arith.constant 0 : i32
    %c0_i32_0 = arith.constant 0 : i32
    %c0_i32_1 = arith.constant 0 : i32
    return %c0_i32, %c0_i32_0 : i32, i32
  }
  func.func @transform_5(%arg0: i32) -> (i32, i32) {
    %c0_i32 = arith.constant 0 : i32
    %c0_i32_0 = arith.constant 0 : i32
    %c0_i32_1 = arith.constant 0 : i32
    return %c0_i32, %c0_i32_0 : i32, i32
  }
  func.func @transform_6(%arg0: i32) -> (i32, i32) {
    %c0_i32 = arith.constant 0 : i32
    %c0_i32_0 = arith.constant 0 : i32
    %c0_i32_1 = arith.constant 0 : i32
    return %c0_i32, %c0_i32_0 : i32, i32
  }
  func.func @transform_7(%arg0: i32) -> (i32, i32) {
    %c0_i32 = arith.constant 0 : i32
    %c0_i32_0 = arith.constant 0 : i32
    %c0_i32_1 = arith.constant 0 : i32
    return %c0_i32, %c0_i32_0 : i32, i32
  }
  func.func @transform_8(%arg0: i32) -> (i32, i32) {
    %c0_i32 = arith.constant 0 : i32
    %c0_i32_0 = arith.constant 0 : i32
    %c0_i32_1 = arith.constant 0 : i32
    return %c0_i32, %c0_i32_0 : i32, i32
  }
  func.func @transform_9(%arg0: i32) -> (i32, i32) {
    %c0_i32 = arith.constant 0 : i32
    %c0_i32_0 = arith.constant 0 : i32
    %c0_i32_1 = arith.constant 0 : i32
    return %c0_i32, %c0_i32_0 : i32, i32
  }
  func.func @transform_10(%arg0: i32) -> (i32, i32) {
    %c0_i32 = arith.constant 0 : i32
    %c0_i32_0 = arith.constant 0 : i32
    %c0_i32_1 = arith.constant 0 : i32
    return %c0_i32, %c0_i32_0 : i32, i32
  }
  func.func @transform_11(%arg0: i32) -> (i32, i32) {
    %c0_i32 = arith.constant 0 : i32
    %c0_i32_0 = arith.constant 0 : i32
    return %arg0, %c0_i32 : i32, i32
  }
}

</mosaic_0001>

<sc_bundles>
// kernel: kernel.12.cloned.1.call-start
scs
__scs_entry_jumppad:
0x0: {  	(pc) =	sbr.rel $0x88, $3  }
0x1: {  	(tag) =	ssettag $0x0;
	lr =	simm.s32 $0x1  }
0x2: {  	[smem:$0x3F9A] =	sst lr;
	_ =	strace $0xD0000000  }
0x3: {  	_ = 	snop  }
0x4: {  	_ = 	snop  }
0x5: {  	_ = 	snop  }
0x6: {  	_ = 	snop  }
0x7: {  	_ = 	snop  }
__scs_overlays_trampoline_lowered:
0x8: {  	[smem:$0x3FA9] =	sst s0  }
0x9: {  	[smem:$0x3FAA] =	sst s1  }
0xa: {  	[smem:$0x3FAB] =	sst s2  }
0xb: {  	[smem:$0x3FAC] =	sst s3  }
0xc: {  	[smem:$0x3FAD] =	sst s4  }
0xd: {  	[smem:$0x3FAE] =	sst s5  }
0xe: {  	[smem:$0x3FAF] =	sst s6  }
0xf: {  	[smem:$0x3FB0] =	sst s7  }
0x10: {  	[smem:$0x3FB1] =	sst s8  }
0x11: {  	[smem:$0x3FB2] =	sst s9;
	s0 =	simm.s32 @!p0 $0x0  }
0x12: {  	s1 =	sld [smem:$0x3F98];
	s0 =	simm.s32 @p0 $0x1  }
0x13: {  	[smem:$0x3FB3] =	sst s0;
	s0 =	simm.s32 @!p1 $0x0  }
0x14: {  	s2 =	sld [smem:$0x3F97];
	s0 =	simm.s32 @p1 $0x1  }
0x15: {  	[smem:$0x3FB4] =	sst s0;
	s0 =	simm.s32 @!p2 $0x0  }
0x16: {  	s3 =	sld [smem:$0x3FDB];
	s0 =	simm.s32 @p2 $0x1  }
0x17: {  	s4 =	simm.s32 $0x1BF5;
	[smem:$0x3FB6] =	sst s0  }
0x18: {  	s0 =	sld [smem:$0x3F99];
	_ =	swait.ge [sflag:s4], $0x0  }
0x19: {  	s7 =	sld [smem:$0x3F9A]  }
0x1a: {  	s8 =	sadd.s32 $0xFFFFE003, lr  }
0x1b: {  	s9 =	sadd.s32 $0xFFFFFEF7, lr;
	s5 =	simm.s32 $0xFFFFFFFF;
	p2 =	slt.u32 s8, $0xFFFFF086  }
0x1c: {  	p1 =	slt.u32 s9, $0xF7A;
	s5 =	simm.s32 @!p2 $0x0  }
0x1d: {  	s5 =	simm.s32 @p1 $0x1;
	p0 =	seq.s32 s7, s2  }
0x1e: {  	s7 =	smul.u32 @!p0 $0xF7A, s2;
	p2 =	seq.s32 @!p0 s5, $0x0  }
0x1f: {  	s9 =	smul.u32 $0xF7A, s1;
	s8 =	simm.s32 @!p0 $0x1BF5;
	p2 =	por !p2, p0  }
0x20: {  	[sflag:s8] =	ssyncset.s32 @!p0 $0xFFFFF086;
	s6 =	sadd.s32 @!p0 s3, s7;
	s7 =	simm.s32 @!p0 $0x108  }
0x21: {  	s3 =	sadd.s32 s3, s9;
	s6 =	sadd.s32 @!p0 $0x88, s6;
	s7 =	simm.s32 @p2 $0x1082  }
0x22: {  	[simem:s7], [sflag:s8] =	dma.local @!p0 [hbm:s6], $0xF7A  }
0x23: {  	s9 =	sor.u32 $0xD0000000, s2;
	s6 =	simm.s32 $0x108;
	_ =	swait.ge @!p0 [sflag:s8], $0x0  }
0x24: {  	s3 =	sadd.s32 $0x88, s3;
	s6 =	simm.s32 @!p1 $0x1082;
	[sflag:s4] =	ssyncset.s32 $0xFFFFF086  }
0x25: {  	[simem:s6], [sflag:s4] =	dma.local [hbm:s3], $0xF7A  }
0x26: {  	[smem:$0x3F9A] =	sst s1;
	(tag) =	ssettag s2;
	_ =	strace s9  }
0x27: {  	s1 =	sld [smem:$0x3FAA]  }
0x28: {  	s2 =	sld [smem:$0x3FAB]  }
0x29: {  	s4 =	sld [smem:$0x3FAD]  }
0x2a: {  	p0 =	seq.s32 s5, $0x0;
	s5 =	sld [smem:$0x3FAE]  }
0x2b: {  	s6 =	sld [smem:$0x3FAF]  }
0x2c: {  	s7 =	sld [smem:$0x3FB0]  }
0x2d: {  	s3 =	simm.s32 $0x108;
	s8 =	sld [smem:$0x3FB1]  }
0x2e: {  	s3 =	simm.s32 @!p0 $0x1082;
	s9 =	sld [smem:$0x3FB2]  }
0x2f: {  	lr =	sadd.s32 s0, s3;
	s0 =	sld [smem:$0x3FA9]  }
0x30: {  	s3 =	sld [smem:$0x3FAC]  }
0x31: {  	[smem:$0x3FB5] =	sst s10  }
0x32: {  	s10 =	sld [smem:$0x3FB3];
	_ =	sdelay $0x3  }
0x33: {  	p0 =	seq.s32 s10, $0x1;
	s10 =	sld [smem:$0x3FB5];
	_ =	sdelay $0x3  }
0x34: {  	[smem:$0x3FB5] =	sst s10  }
0x35: {  	s10 =	sld [smem:$0x3FB4];
	_ =	sdelay $0x3  }
0x36: {  	p1 =	seq.s32 s10, $0x1;
	s10 =	sld [smem:$0x3FB5];
	_ =	sdelay $0x3  }
0x37: {  	[smem:$0x3FB5] =	sst s10  }
0x38: {  	s10 =	sld [smem:$0x3FB6]  }
0x39: {  	_ = 	snop;
	(pc) =	sbr.ind lr, $3  }
0x3a: {  	_ = 	snop  }
0x3b: {  	_ = 	snop  }
0x3c: {  	p2 =	seq.s32 s10, $0x1;
	s10 =	sld [smem:$0x3FB5]  }
0x3d: {  	_ =	shalt  }
0x3e: {  	_ =	shalt  }
0x3f: {  	_ =	shalt  }
0x40: {  	_ =	shalt  }
0x41: {  	_ =	shalt  }
0x42: {  	_ =	shalt  }
0x43: {  	_ =	shalt  }
0x44: {  	_ =	shalt  }
0x45: {  	_ =	shalt  }
0x46: {  	_ =	shalt  }
0x47: {  	_ =	shalt  }
0x48: {  	_ =	shalt  }
0x49: {  	_ =	shalt  }
0x4a: {  	_ =	shalt  }
0x4b: {  	_ =	shalt  }
0x4c: {  	_ =	shalt  }
0x4d: {  	_ =	shalt  }
0x4e: {  	_ =	shalt  }
0x4f: {  	_ =	shalt  }
0x50: {  	_ =	shalt  }
0x51: {  	_ =	shalt  }
0x52: {  	_ =	shalt  }
0x53: {  	_ =	shalt  }
0x54: {  	_ =	shalt  }
0x55: {  	_ =	shalt  }
0x56: {  	_ =	shalt  }
0x57: {  	_ =	shalt  }
0x58: {  	_ =	shalt  }
0x59: {  	_ =	shalt  }
0x5a: {  	_ =	shalt  }
0x5b: {  	_ =	shalt  }
0x5c: {  	_ =	shalt  }
0x5d: {  	_ =	shalt  }
0x5e: {  	_ =	shalt  }
0x5f: {  	_ =	shalt  }
0x60: {  	_ =	shalt  }
0x61: {  	_ =	shalt  }
0x62: {  	_ =	shalt  }
0x63: {  	_ =	shalt  }
0x64: {  	_ =	shalt  }
0x65: {  	_ =	shalt  }
0x66: {  	_ =	shalt  }
0x67: {  	_ =	shalt  }
0x68: {  	_ =	shalt  }
0x69: {  	_ =	shalt  }
0x6a: {  	_ =	shalt  }
0x6b: {  	_ =	shalt  }
0x6c: {  	_ =	shalt  }
0x6d: {  	_ =	shalt  }
0x6e: {  	_ =	shalt  }
0x6f: {  	_ =	shalt  }
0x70: {  	_ =	shalt  }
0x71: {  	_ =	shalt  }
0x72: {  	_ =	shalt  }
0x73: {  	_ =	shalt  }
0x74: {  	_ =	shalt  }
0x75: {  	_ =	shalt  }
0x76: {  	_ =	shalt  }
0x77: {  	_ =	shalt  }
0x78: {  	_ =	shalt  }
0x79: {  	_ =	shalt  }
0x7a: {  	_ =	shalt  }
0x7b: {  	_ =	shalt  }
0x7c: {  	_ =	shalt  }
0x7d: {  	_ =	shalt  }
0x7e: {  	_ =	shalt  }
0x7f: {  	_ =	shalt  }
0x80: {  	_ =	shalt  }
0x81: {  	_ =	shalt  }
0x82: {  	_ =	shalt  }
0x83: {  	_ =	shalt  }
0x84: {  	_ =	shalt  }
0x85: {  	_ =	shalt  }
0x86: {  	_ =	shalt  }
0x87: {  	_ =	shalt  }
.Lfunc_end0:
.L_simem_size_0:
called_computation.1_lowered:
.L_overlay_start_0:
0x88: {  	s2 =	sld [smem:$0x3FD9]  }
0x89: {  	s3 =	sld [smem:$0x3FFE];
	_ =	sdelay $0x1  }
0x8a: {  	s1 =	srdreg.scid  }
0x8b: {  	s0 =	sand.u32 $0x1, s1  }
0x8c: {  	s17 =	sshll.u32 s0, $0xA;
	s2 =	sadd.s32 s3, s2  }
0x8d: {  	s2 =	sadd.s32 s2, s17  }
0x8e: {  	[smem:$0x3FC1] =	sst s2  }
0x8f: {  	_ = 	snop  }
0x90: {  	s18 =	sld [smem:$0x3FD0];
	(tm) =	ssettm $0x1  }
0x91: {  	s19 =	sld [smem:$0x3FFB];
	_ =	sdelay $0x3  }
0x92: {  	_ =	strace s19  }
0x93: {  	s2 =	sld [smem:$0x3FFC];
	_ =	sdelay $0x3  }
0x94: {  	_ =	strace s2  }
0x95: {  	s2 =	sld [smem:$0x3FFD];
	_ =	sdelay $0x3  }
0x96: {  	_ =	strace s2  }
0x97: {  	_ =	strace $0x8FFFFFFF  }
0x98: {  	s20 =	sld [smem:$0x3FDB];
	_ =	sdelay $0x1  }
0x99: {  	s4 =	simm.s32 $_scs_section_size  }
0x9a: {  	s5 =	simm.s32 $_size__tile_overlayer_lowered;
	s6 =	simm.s32 $_tile_overlayer_lowered  }
0x9b: {  	s7 =	simm.s32 $0x1BFF;
	s21 =	sshll.u32 s6, $0x1;
	s4 =	sadd.s32 s4, s20  }
0x9c: {  	s22 =	simm.s32 $0x0;
	s5 =	sshll.u32 s5, $0x1;
	s6 =	sadd.s32 s21, s4  }
0x9d: {  	[timem:s22], [sflag:s7] =	dma.local [hbm:s6], s5  }
0x9e: {  	_ =	swait.ge [sflag:s7], s5  }
0x9f: {  	s5 =	ssub.s32 $0x0, s5;
	[sflag:s7] =	ssyncset.done $0x0  }
0xa0: {  	[sflag:s7] =	ssyncadd.s32 s5;
	_ =	sdelay $0x1  }
0xa1: {  	s23 =	simm.s32 $0x1B8B  }
0xa2: {  	_ =	swait.ge [sflag:s23], $0x1  }
0xa3: {  	[sflag:s23] =	ssyncset.done $0x0  }
0xa4: {  	[sflag:s23] =	ssyncadd.s32 $0xFFFFFFFF  }
0xa5: {  	s5 =	sld [smem:$0x0]  }
0xa6: {  	s6 =	sand.u32 $0xFFFFFFFE, s1  }
0xa7: {  	p0 =	sne.s32 s1, s6  }
0xa8: {  	s6 =	sshll.u32 @p0 s6, $0xE  }
0xa9: {  	s6 =	sadd.s32 @p0 $0x11B8D, s6;
	s7 =	sshll.u32 @p0 s5, $0x11  }
0xaa: {  	s6 =	sor.u32 @p0 s7, s6  }
0xab: {  	[sflag:s6] =	ssyncadd.remote.s32 @p0 $0x1;
	_ =	sdelay $0x1  }
0xac: {  	s6 =	simm.s32 @p0 $0x1B8D  }
0xad: {  	_ =	swait.eq @p0 [sflag:s6], $0x1  }
0xae: {  	[sflag:s6] =	ssyncadd.s32 @p0 $0xFFFFFFFF  }
0xaf: {  	s7 =	sshll.u32 @!p0 s1, $0xE  }
0xb0: {  	s7 =	sor.u32 @!p0 $0x4000, s7;
	s6 =	simm.s32 @!p0 $0x1B8D  }
0xb1: {  	s5 =	sshll.u32 @!p0 s5, $0x11;
	s7 =	sadd.s32 @!p0 $0x11B8D, s7;
	_ =	swait.eq @!p0 [sflag:s6], $0x1  }
0xb2: {  	s5 =	sor.u32 @!p0 s5, s7;
	[sflag:s6] =	ssyncadd.s32 @!p0 $0xFFFFFFFF  }
0xb3: {  	s25 =	simm.s32 $0x1B8E;
	s24 =	sld [smem:$0x3FFE];
	[sflag:s5] =	ssyncadd.remote.s32 @!p0 $0x1  }
0xb4: {  	s26 =	simm.s32 $execute0_lowered;
	[smem:$0x3FD2] =	sst s25  }
0xb5: {  	s6 =	sshll.u32 s26, $0x1;
	_ =	strace $0x80000049;
	[dreg:$0x1] =	wrdreg $0xFFFFFFFF  }
0xb6: {  	s28 =	simm.s32 $_size_execute0_lowered;
	s4 =	sadd.s32 s4, s6;
	[dreg:$0x0] =	wrdreg $0x0  }
0xb7: {  	s6 =	sshll.u32 s28, $0x1;
	[dreg:$0x2] =	wrdreg s4  }
0xb8: {  	[dreg:$0x3] =	wrdreg s6  }
0xb9: {  	[dreg:$0x4] =	wrdreg $0xC0  }
0xba: {  	_ =	task [dreg:s22], $0x5FFFF  }
0xbb: {  	[dreg:$0x1] =	wrdreg $0xFFFFFFFF  }
0xbc: {  	[dreg:$0x0] =	wrdreg $0x60  }
0xbd: {  	[dreg:$0x2] =	wrdreg s24  }
0xbe: {  	[dreg:$0x3] =	wrdreg s18  }
0xbf: {  	[dreg:$0x4] =	wrdreg $0xA  }
0xc0: {  	_ =	task.clear_ibuf [dreg:s22], $0x5FFFF;
	_ =	strace $0x90000049  }
0xc1: {  	s29 =	simm.s32 $0xA;
	_ =	strace $0x8000004B  }
0xc2: {  	_ =	swait.ge [sflag:s29], $0x1  }
0xc3: {  	[sflag:s29] =	ssyncadd.s32 $0xFFFFFFFF  }
0xc4: {  	_ =	strace $0x9000004B  }
0xc5: {  	_ =	sfence  }
0xc6: {  	s30 =	sld [smem:$0x0];
	_ =	sdelay $0x2  }
0xc7: {  	s31 =	sshll.u32 s1, $0xD;
	s1 =	sshrl.u32 s1, $0x2  }
0xc8: {  	s4 =	sand.u32 $0x4000, s31;
	s1 =	sadd.s32 s1, s30  }
0xc9: {  	s0 =	sor.u32 s4, s0;
	s1 =	sshll.u32 s1, $0x11  }
0xca: {  	s0 =	sor.u32 s1, s0  }
0xcb: {  	s0 =	sadd.s32 $0x8F2B, s0  }
0xcc: {  	[sflag:s0] =	ssyncadd.remote.s32 $0x1  }
0xcd: {  	_ =	sfence.sel $0xFFFF  }
0xce: {  	[dreg:$0x0] =	wrdreg $0xFFFFFFFF;
	(pc) =	sbr.abs _section_cstart, $3  }
0xcf: {  	[dreg:$0x1] =	wrdreg $0xFFFFFFFF  }
0xd0: {  	_ =	task.clear_ibuf [dreg:s22], $0x2FFFF;
	_ =	strace $0x9FFFFFFF  }
0xd1: {  	(tm) =	ssettm $0x7FFFFFFF  }
tec
execute0_lowered:
.L_overlay_start_1:
0x0: {  	(tag) =	ssettag $0x1  }
0x1: {  	s0 =	rddreg [dreg:$0x0]  }
0x2: {  	s2 =	rddreg [dreg:$0x1];
	s1 =	srdreg.scid  }
0x3: {  	s3 =	simm.s32 $0x0;
	s6 =	stileid.u32;
	s12 =	simm.s32 $0x80  }
0x4: {  	s13 =	simm.s32 $0x1000;
	s14 =	simm.s32 $0x3000;
	s16 =	simm.s32 $0x5000  }
0x5: {  	s18 =	simm.s32 $0x7000;
	s19 =	simm.s32 $0x1;
	s20 =	simm.s32 $0x9000  }
0x6: {  	s21 =	simm.s32 $0xB000;
	s22 =	simm.s32 $0x2;
	s23 =	simm.s32 $0xD000  }
0x7: {  	s24 =	simm.s32 $0xF000;
	s25 =	simm.s32 $0x3;
	s29 =	simm.s32 $0x6  }
0x8: {  	s30 =	simm.s32 $0x7;
	s31 =	simm.s32 $0x8;
	s1 =	sand.u32 $0x1, s1  }
0x9: {  	[smem:$0x7FF] =	sst s3;
	s4 =	sshll.u32 s6, $0xA;
	s7 =	sshll.u32 s6, $0x10  }
0xa: {  	s5 =	sshll.u32 s1, $0x9;
	_ =	strace $0x8000004A;
	s26 =	ssub.s32 $0x2, s1  }
0xb: {  	s1 =	sshll.u32 s1, $0xF;
	s4 =	sor.u32 s5, s4;
	s28 =	sshrl.u32 s26, $0x1  }
.Ltmp0:
0xc: {  	s7 =	sor.u32 s1, s7;
	s4 =	sadd.s32 s4, s0;
	(pc) =	sbr.rel .LBB2_1-.Ltmp0, $4  }
0xd: {  	s0 =	sadd.s32 $0x87800, s0;
	s8 =	sor.u32 $0x800, s7;
	s9 =	sor.u32 $0x1800, s7  }
0xe: {  	[dreg:$0x3] =	wrdreg s0;
	s0 =	ssub.s32 s26, s28;
	s4 =	sadd.s32 $0x83800, s4  }
0xf: {  	s10 =	sor.u32 $0x1000, s7;
	[dreg:$0x4] =	wrdreg s4;
	s0 =	smax.u32 s0, $0x1  }
0x10: {  	s26 =	simm.s32 $0x4;
	[dreg:$0x5] =	wrdreg s0;
	s0 =	simm.s32 $0x0  }
.LBB2_4:
0x11: {  	s1 =	simm.s32 $0x5  }
0x12: {  	_ =	swait.ge [sflag:s1], $0x2000  }
0x13: {  	[sflag:s1] =	ssyncset.done $0x0  }
0x14: {  	[sflag:s1] =	ssyncadd.s32 $0xFFFFE000  }
0x15: {  	_ =	swait.ge [sflag:s1], $0x2000  }
0x16: {  	[sflag:s1] =	ssyncset.done $0x0  }
0x17: {  	[sflag:s1] =	ssyncadd.s32 $0xFFFFE000  }
0x18: {  	_ =	swait.ge [sflag:s29], $0x2000  }
0x19: {  	[sflag:s29] =	ssyncset.done $0x0  }
0x1a: {  	[sflag:s29] =	ssyncadd.s32 $0xFFFFE000  }
0x1b: {  	_ =	swait.ge [sflag:s29], $0x2000  }
0x1c: {  	[sflag:s29] =	ssyncset.done $0x0  }
0x1d: {  	[sflag:s29] =	ssyncadd.s32 $0xFFFFE000  }
0x1e: {  	_ =	swait.ge [sflag:s30], $0x2000  }
0x1f: {  	[sflag:s30] =	ssyncset.done $0x0  }
0x20: {  	[sflag:s30] =	ssyncadd.s32 $0xFFFFE000  }
0x21: {  	_ =	swait.ge [sflag:s30], $0x2000  }
0x22: {  	[sflag:s30] =	ssyncset.done $0x0  }
0x23: {  	[sflag:s30] =	ssyncadd.s32 $0xFFFFE000  }
0x24: {  	_ =	swait.ge [sflag:s31], $0x2000  }
0x25: {  	[sflag:s31] =	ssyncset.done $0x0  }
0x26: {  	[sflag:s31] =	ssyncadd.s32 $0xFFFFE000  }
0x27: {  	_ =	swait.ge [sflag:s31], $0x2000  }
0x28: {  	s0 =	sadd.s32 $0x1, s0;
	s28 =	rddreg [dreg:$0x5]  }
0x29: {  	p0 =	sne.s32 s0, s28  }
.Ltmp1:
0x2a: {  	_ = 	snop;
	(pc) =	sbr.rel @!p0 .LBB2_5-.Ltmp1, $3  }
0x2b: {  	_ =	sdelay $0x1  }
0x2c: {  	[sflag:s31] =	ssyncset.done $0x0  }
0x2d: {  	[sflag:s31] =	ssyncadd.s32 $0xFFFFE000  }
.LBB2_1:
0x2e: {  	s1 =	rddreg [dreg:$0x4];
	s15 =	simm.s32 $0x9  }
0x2f: {  	[tilespmem:s3], [sflag:$0x9] =	stream.linear.gather [hbm4b:s1+s3], $0x1000, $0x38;
	[tilespmem:$0x11000] =	vst v63  }
0x30: {  	_ =	swait.ge [sflag:s15], $0x1000  }
0x31: {  	[sflag:s15] =	ssyncset.done $0x0  }
0x32: {  	[sflag:s15] =	ssyncadd.s32 $0xFFFFF000  }
0x33: {  	[tilespmem:s13], [sflag:$0x1] =	stream.indirect.gather [hbm4b:s2+s12], $0x40, s3, s12, $0xb8;
	[tilespmem:$0x11000] =	vst v63  }
0x34: {  	_ = 	snop  }
0x35: {  	[tilespmem:s14], [sflag:$0x1] =	stream.indirect.gather [hbm4b:s2+s12], $0x40, s12, s12, $0xb8;
	[tilespmem:$0x11000] =	vst v63  }
0x36: {  	s17 =	simm.s32 $0x100  }
0x37: {  	[tilespmem:s16], [sflag:$0x2] =	stream.indirect.gather [hbm4b:s2+s12], $0x40, s17, s12, $0xb8;
	[tilespmem:$0x11000] =	vst v63  }
0x38: {  	s28 =	simm.s32 $0x180;
	s4 =	rddreg [dreg:$0x3];
	s15 =	simm.s32 $0x0  }
0x39: {  	[tilespmem:s18], [sflag:$0x2] =	stream.indirect.gather [hbm4b:s2+s12], $0x40, s28, s12, $0xb8;
	[tilespmem:$0x11000] =	vst v63  }
.LBB2_2:
0x3a: {  	_ =	swait.ge [sflag:s19], $0x2000  }
0x3b: {  	[sflag:s19] =	ssyncset.done $0x0  }
0x3c: {  	[sflag:s19] =	ssyncadd.s32 $0xFFFFE000  }
0x3d: {  	_ =	swait.ge [sflag:s19], $0x2000  }
0x3e: {  	[sflag:s19] =	ssyncset.done $0x0  }
0x3f: {  	s1 =	sadd.s32 s4, s7;
	p0 =	seq.s32 s15, $0x0;
	[sflag:s19] =	ssyncadd.s32 $0xFFFFE000  }
0x40: {  	[hbm4b:s1+s3] =	stream.linear.scatter [tilespmem:s13], [sflag:$0x5], $0x2000, $0x38;
	[tilespmem:$0x11000] =	vst v63  }
0x41: {  	s17 =	sadd.s32 $0x400, s1;
	s5 =	simm.s32 @!p0 $0x7  }
0x42: {  	[hbm4b:s17+s3] =	stream.linear.scatter [tilespmem:s14], [sflag:$0x5], $0x2000, $0x38;
	[tilespmem:$0x11000] =	vst v63  }
0x43: {  	_ =	swait.ge @!p0 [sflag:s5], $0x2000  }
0x44: {  	[sflag:s5] =	ssyncset.done @!p0 $0x0  }
0x45: {  	[sflag:s5] =	ssyncadd.s32 @!p0 $0xFFFFE000  }
0x46: {  	_ =	swait.ge @!p0 [sflag:s5], $0x2000  }
0x47: {  	s17 =	sshra.s32 s15, $0x2;
	[sflag:s5] =	ssyncset.done @!p0 $0x0  }
0x48: {  	s6 =	sadd.s32 $0x200, s17;
	[sflag:s5] =	ssyncadd.s32 @!p0 $0xFFFFE000  }
0x49: {  	[tilespmem:s20], [sflag:$0x3] =	stream.indirect.gather [hbm4b:s2+s12], $0x40, s6, s12, $0xb8;
	[tilespmem:$0x11000] =	vst v63  }
0x4a: {  	s11 =	sadd.s32 $0x280, s17  }
0x4b: {  	[tilespmem:s21], [sflag:$0x3] =	stream.indirect.gather [hbm4b:s2+s12], $0x40, s11, s12, $0xb8;
	[tilespmem:$0x11000] =	vst v63  }
0x4c: {  	_ =	swait.ge [sflag:s22], $0x2000  }
0x4d: {  	[sflag:s22] =	ssyncset.done $0x0  }
0x4e: {  	[sflag:s22] =	ssyncadd.s32 $0xFFFFE000  }
0x4f: {  	_ =	swait.ge [sflag:s22], $0x2000  }
0x50: {  	[sflag:s22] =	ssyncset.done $0x0  }
0x51: {  	s28 =	sadd.s32 s4, s8;
	[sflag:s22] =	ssyncadd.s32 $0xFFFFE000  }
0x52: {  	[hbm4b:s28+s3] =	stream.linear.scatter [tilespmem:s16], [sflag:$0x6], $0x2000, $0x38;
	[tilespmem:$0x11000] =	vst v63  }
0x53: {  	s5 =	simm.s32 @!p0 $0x8;
	s6 =	sadd.s32 $0xC00, s1  }
0x54: {  	[hbm4b:s6+s3] =	stream.linear.scatter [tilespmem:s18], [sflag:$0x6], $0x2000, $0x38;
	[tilespmem:$0x11000] =	vst v63  }
0x55: {  	_ =	swait.ge @!p0 [sflag:s5], $0x2000  }
0x56: {  	[sflag:s5] =	ssyncset.done @!p0 $0x0  }
0x57: {  	[sflag:s5] =	ssyncadd.s32 @!p0 $0xFFFFE000  }
0x58: {  	_ =	swait.ge @!p0 [sflag:s5], $0x2000  }
0x59: {  	[sflag:s5] =	ssyncset.done @!p0 $0x0  }
0x5a: {  	s11 =	sadd.s32 $0x300, s17;
	[sflag:s5] =	ssyncadd.s32 @!p0 $0xFFFFE000  }
0x5b: {  	[tilespmem:s23], [sflag:$0x4] =	stream.indirect.gather [hbm4b:s2+s12], $0x40, s11, s12, $0xb8;
	[tilespmem:$0x11000] =	vst v63  }
0x5c: {  	s28 =	sadd.s32 $0x380, s17  }
0x5d: {  	[tilespmem:s24], [sflag:$0x4] =	stream.indirect.gather [hbm4b:s2+s12], $0x40, s28, s12, $0xb8;
	[tilespmem:$0x11000] =	vst v63  }
0x5e: {  	_ =	swait.ge [sflag:s25], $0x2000  }
0x5f: {  	[sflag:s25] =	ssyncset.done $0x0  }
0x60: {  	[sflag:s25] =	ssyncadd.s32 $0xFFFFE000  }
0x61: {  	_ =	swait.ge [sflag:s25], $0x2000  }
0x62: {  	[sflag:s25] =	ssyncset.done $0x0  }
0x63: {  	s6 =	sadd.s32 s4, s10;
	p0 =	seq.s32 s15, $0x3000;
	[sflag:s25] =	ssyncadd.s32 $0xFFFFE000  }
0x64: {  	[hbm4b:s6+s3] =	stream.linear.scatter [tilespmem:s20], [sflag:$0x7], $0x2000, $0x38;
	[tilespmem:$0x11000] =	vst v63  }
0x65: {  	s11 =	sadd.s32 $0x1400, s1;
	s5 =	simm.s32 @!p0 $0x5  }
0x66: {  	[hbm4b:s11+s3] =	stream.linear.scatter [tilespmem:s21], [sflag:$0x7], $0x2000, $0x38;
	[tilespmem:$0x11000] =	vst v63  }
0x67: {  	_ =	swait.ge @!p0 [sflag:s5], $0x2000  }
0x68: {  	[sflag:s5] =	ssyncset.done @!p0 $0x0  }
0x69: {  	[sflag:s5] =	ssyncadd.s32 @!p0 $0xFFFFE000  }
0x6a: {  	_ =	swait.ge @!p0 [sflag:s5], $0x2000  }
0x6b: {  	[sflag:s5] =	ssyncset.done @!p0 $0x0  }
0x6c: {  	[sflag:s5] =	ssyncadd.s32 @!p0 $0xFFFFE000;
	s5 =	sshra.s32 @!p0 s15, $0x2  }
0x6d: {  	s28 =	simm.s32 @!p0 $0x1000;
	s11 =	simm.s32 @!p0 $0x80;
	s6 =	sadd.s32 @!p0 $0x400, s5  }
0x6e: {  	[tilespmem:s28], [sflag:$0x1] =	stream.indirect.gather @!p0 [hbm4b:s2+s11], $0x40, s6, s11, $0xb8;
	[tilespmem:$0x11000] =	vst v63  }
0x6f: {  	s5 =	sadd.s32 @!p0 $0x480, s5;
	s6 =	simm.s32 @!p0 $0x3000  }
0x70: {  	[tilespmem:s6], [sflag:$0x1] =	stream.indirect.gather @!p0 [hbm4b:s2+s11], $0x40, s5, s11, $0xb8;
	[tilespmem:$0x11000] =	vst v63  }
0x71: {  	_ =	swait.ge [sflag:s26], $0x2000  }
0x72: {  	[sflag:s26] =	ssyncset.done $0x0  }
0x73: {  	[sflag:s26] =	ssyncadd.s32 $0xFFFFE000  }
0x74: {  	_ =	swait.ge [sflag:s26], $0x2000  }
.Ltmp2:
0x75: {  	[sflag:s26] =	ssyncset.done $0x0;
	(pc) =	sbr.rel @p0 .LBB2_4-.Ltmp2, $4  }
0x76: {  	s28 =	sadd.s32 s4, s9;
	[sflag:s26] =	ssyncadd.s32 $0xFFFFE000  }
0x77: {  	[hbm4b:s28+s3] =	stream.linear.scatter [tilespmem:s23], [sflag:$0x8], $0x2000, $0x38;
	[tilespmem:$0x11000] =	vst v63  }
0x78: {  	s1 =	sadd.s32 $0x1C00, s1  }
0x79: {  	[hbm4b:s1+s3] =	stream.linear.scatter [tilespmem:s24], [sflag:$0x8], $0x2000, $0x38;
	[tilespmem:$0x11000] =	vst v63  }
0x7a: {  	_ =	swait.ge [sflag:s29], $0x2000  }
0x7b: {  	[sflag:s29] =	ssyncset.done $0x0  }
0x7c: {  	[sflag:s29] =	ssyncadd.s32 $0xFFFFE000  }
0x7d: {  	_ =	swait.ge [sflag:s29], $0x2000  }
.Ltmp3:
0x7e: {  	[sflag:s29] =	ssyncset.done $0x0;
	(pc) =	sbr.rel .LBB2_2-.Ltmp3, $4  }
0x7f: {  	s1 =	sadd.s32 $0x500, s17;
	[sflag:s29] =	ssyncadd.s32 $0xFFFFE000  }
0x80: {  	[tilespmem:s16], [sflag:$0x2] =	stream.indirect.gather [hbm4b:s2+s12], $0x40, s1, s12, $0xb8;
	[tilespmem:$0x11000] =	vst v63  }
0x81: {  	s28 =	sadd.s32 $0x580, s17;
	s15 =	sadd.s32 $0x1000, s15;
	s4 =	sadd.s32 $0x2000, s4  }
0x82: {  	[tilespmem:s18], [sflag:$0x2] =	stream.indirect.gather [hbm4b:s2+s12], $0x40, s28, s12, $0xb8;
	[tilespmem:$0x11000] =	vst v63  }
.LBB2_5:
0x83: {  	_ =	sfence.sel $0x180000  }
0x84: {  	[bflag:$0x0] =	sbarrier.arrive $0xFFFF  }
0x85: {  	_ =	strace $0x9000004A  }
0x86: {  	s0 =	stileid.u32;
	[bflag:$0x2] =	sbarrier.arrive $0xFFFF  }
0x87: {  	p0 =	sne.s32 s0, $0x0;
	s0 =	rddreg [dreg:$0x2]  }
0x88: {  	s0 =	sadd.s32 @!p0 $0x100000, s0  }
0x89: {  	[sflag:s0] =	ssyncadd.tile.s32 @!p0 $0x1;
	_ =	shalt  }
.Lfunc_end2:
_tile_overlayer_lowered:
.L_overlay_start_2:
0x8a: {  	(tag) =	ssettag $0x2  }
0x8b: {  	s0 =	rddreg [dreg:$0x0];
	s2 =	stileid.u32  }
0x8c: {  	s1 =	rddreg [dreg:$0x1];
	p0 =	sne.s32 s2, $0x0  }
0x8d: {  	s3 =	rddreg [dreg:$0x2];
	[bflag:$0x3] =	sbarrier.arrive $0xFFFF;
	s2 =	simm.s32 @!p0 $0x1C09  }
0x8e: {  	[timem:s3], [sflag:s2] =	dma.local @!p0 [hbm:s0], s1  }
0x8f: {  	s0 =	simm.s32 @!p0 $0x9  }
0x90: {  	_ =	swait.ge @!p0 [sflag:s0], s1  }
0x91: {  	s1 =	ssub.s32 @!p0 $0x0, s1;
	[sflag:s0] =	ssyncset.done @!p0 $0x0  }
0x92: {  	[sflag:s0] =	ssyncadd.s32 @!p0 s1  }
0x93: {  	[bflag:$0x3] =	sbarrier.arrive $0xFFFF  }
0x94: {  	_ =	shalt  }

// kernel: kernel.15.cloned.1.call-start
scs
__scs_entry_jumppad:
0x0: {  	(pc) =	sbr.rel $0x88, $3  }
0x1: {  	(tag) =	ssettag $0x0;
	lr =	simm.s32 $0x1  }
0x2: {  	[smem:$0x3F9A] =	sst lr;
	_ =	strace $0xD0000000  }
0x3: {  	_ = 	snop  }
0x4: {  	_ = 	snop  }
0x5: {  	_ = 	snop  }
0x6: {  	_ = 	snop  }
0x7: {  	_ = 	snop  }
__scs_overlays_trampoline_lowered:
0x8: {  	[smem:$0x3FA9] =	sst s0  }
0x9: {  	[smem:$0x3FAA] =	sst s1  }
0xa: {  	[smem:$0x3FAB] =	sst s2  }
0xb: {  	[smem:$0x3FAC] =	sst s3  }
0xc: {  	[smem:$0x3FAD] =	sst s4  }
0xd: {  	[smem:$0x3FAE] =	sst s5  }
0xe: {  	[smem:$0x3FAF] =	sst s6  }
0xf: {  	[smem:$0x3FB0] =	sst s7  }
0x10: {  	[smem:$0x3FB1] =	sst s8  }
0x11: {  	[smem:$0x3FB2] =	sst s9;
	s0 =	simm.s32 @!p0 $0x0  }
0x12: {  	s1 =	sld [smem:$0x3F98];
	s0 =	simm.s32 @p0 $0x1  }
0x13: {  	[smem:$0x3FB3] =	sst s0;
	s0 =	simm.s32 @!p1 $0x0  }
0x14: {  	s2 =	sld [smem:$0x3F97];
	s0 =	simm.s32 @p1 $0x1  }
0x15: {  	[smem:$0x3FB4] =	sst s0;
	s0 =	simm.s32 @!p2 $0x0  }
0x16: {  	s3 =	sld [smem:$0x3FDB];
	s0 =	simm.s32 @p2 $0x1  }
0x17: {  	s4 =	simm.s32 $0x1BF5;
	[smem:$0x3FB6] =	sst s0  }
0x18: {  	s0 =	sld [smem:$0x3F99];
	_ =	swait.ge [sflag:s4], $0x0  }
0x19: {  	s7 =	sld [smem:$0x3F9A]  }
0x1a: {  	s8 =	sadd.s32 $0xFFFFE003, lr  }
0x1b: {  	s9 =	sadd.s32 $0xFFFFFEF7, lr;
	s5 =	simm.s32 $0xFFFFFFFF;
	p2 =	slt.u32 s8, $0xFFFFF086  }
0x1c: {  	p1 =	slt.u32 s9, $0xF7A;
	s5 =	simm.s32 @!p2 $0x0  }
0x1d: {  	s5 =	simm.s32 @p1 $0x1;
	p0 =	seq.s32 s7, s2  }
0x1e: {  	s7 =	smul.u32 @!p0 $0xF7A, s2;
	p2 =	seq.s32 @!p0 s5, $0x0  }
0x1f: {  	s9 =	smul.u32 $0xF7A, s1;
	s8 =	simm.s32 @!p0 $0x1BF5;
	p2 =	por !p2, p0  }
0x20: {  	[sflag:s8] =	ssyncset.s32 @!p0 $0xFFFFF086;
	s6 =	sadd.s32 @!p0 s3, s7;
	s7 =	simm.s32 @!p0 $0x108  }
0x21: {  	s3 =	sadd.s32 s3, s9;
	s6 =	sadd.s32 @!p0 $0x88, s6;
	s7 =	simm.s32 @p2 $0x1082  }
0x22: {  	[simem:s7], [sflag:s8] =	dma.local @!p0 [hbm:s6], $0xF7A  }
0x23: {  	s9 =	sor.u32 $0xD0000000, s2;
	s6 =	simm.s32 $0x108;
	_ =	swait.ge @!p0 [sflag:s8], $0x0  }
0x24: {  	s3 =	sadd.s32 $0x88, s3;
	s6 =	simm.s32 @!p1 $0x1082;
	[sflag:s4] =	ssyncset.s32 $0xFFFFF086  }
0x25: {  	[simem:s6], [sflag:s4] =	dma.local [hbm:s3], $0xF7A  }
0x26: {  	[smem:$0x3F9A] =	sst s1;
	(tag) =	ssettag s2;
	_ =	strace s9  }
0x27: {  	s1 =	sld [smem:$0x3FAA]  }
0x28: {  	s2 =	sld [smem:$0x3FAB]  }
0x29: {  	s4 =	sld [smem:$0x3FAD]  }
0x2a: {  	p0 =	seq.s32 s5, $0x0;
	s5 =	sld [smem:$0x3FAE]  }
0x2b: {  	s6 =	sld [smem:$0x3FAF]  }
0x2c: {  	s7 =	sld [smem:$0x3FB0]  }
0x2d: {  	s3 =	simm.s32 $0x108;
	s8 =	sld [smem:$0x3FB1]  }
0x2e: {  	s3 =	simm.s32 @!p0 $0x1082;
	s9 =	sld [smem:$0x3FB2]  }
0x2f: {  	lr =	sadd.s32 s0, s3;
	s0 =	sld [smem:$0x3FA9]  }
0x30: {  	s3 =	sld [smem:$0x3FAC]  }
0x31: {  	[smem:$0x3FB5] =	sst s10  }
0x32: {  	s10 =	sld [smem:$0x3FB3];
	_ =	sdelay $0x3  }
0x33: {  	p0 =	seq.s32 s10, $0x1;
	s10 =	sld [smem:$0x3FB5];
	_ =	sdelay $0x3  }
0x34: {  	[smem:$0x3FB5] =	sst s10  }
0x35: {  	s10 =	sld [smem:$0x3FB4];
	_ =	sdelay $0x3  }
0x36: {  	p1 =	seq.s32 s10, $0x1;
	s10 =	sld [smem:$0x3FB5];
	_ =	sdelay $0x3  }
0x37: {  	[smem:$0x3FB5] =	sst s10  }
0x38: {  	s10 =	sld [smem:$0x3FB6]  }
0x39: {  	_ = 	snop;
	(pc) =	sbr.ind lr, $3  }
0x3a: {  	_ = 	snop  }
0x3b: {  	_ = 	snop  }
0x3c: {  	p2 =	seq.s32 s10, $0x1;
	s10 =	sld [smem:$0x3FB5]  }
0x3d: {  	_ =	shalt  }
0x3e: {  	_ =	shalt  }
0x3f: {  	_ =	shalt  }
0x40: {  	_ =	shalt  }
0x41: {  	_ =	shalt  }
0x42: {  	_ =	shalt  }
0x43: {  	_ =	shalt  }
0x44: {  	_ =	shalt  }
0x45: {  	_ =	shalt  }
0x46: {  	_ =	shalt  }
0x47: {  	_ =	shalt  }
0x48: {  	_ =	shalt  }
0x49: {  	_ =	shalt  }
0x4a: {  	_ =	shalt  }
0x4b: {  	_ =	shalt  }
0x4c: {  	_ =	shalt  }
0x4d: {  	_ =	shalt  }
0x4e: {  	_ =	shalt  }
0x4f: {  	_ =	shalt  }
0x50: {  	_ =	shalt  }
0x51: {  	_ =	shalt  }
0x52: {  	_ =	shalt  }
0x53: {  	_ =	shalt  }
0x54: {  	_ =	shalt  }
0x55: {  	_ =	shalt  }
0x56: {  	_ =	shalt  }
0x57: {  	_ =	shalt  }
0x58: {  	_ =	shalt  }
0x59: {  	_ =	shalt  }
0x5a: {  	_ =	shalt  }
0x5b: {  	_ =	shalt  }
0x5c: {  	_ =	shalt  }
0x5d: {  	_ =	shalt  }
0x5e: {  	_ =	shalt  }
0x5f: {  	_ =	shalt  }
0x60: {  	_ =	shalt  }
0x61: {  	_ =	shalt  }
0x62: {  	_ =	shalt  }
0x63: {  	_ =	shalt  }
0x64: {  	_ =	shalt  }
0x65: {  	_ =	shalt  }
0x66: {  	_ =	shalt  }
0x67: {  	_ =	shalt  }
0x68: {  	_ =	shalt  }
0x69: {  	_ =	shalt  }
0x6a: {  	_ =	shalt  }
0x6b: {  	_ =	shalt  }
0x6c: {  	_ =	shalt  }
0x6d: {  	_ =	shalt  }
0x6e: {  	_ =	shalt  }
0x6f: {  	_ =	shalt  }
0x70: {  	_ =	shalt  }
0x71: {  	_ =	shalt  }
0x72: {  	_ =	shalt  }
0x73: {  	_ =	shalt  }
0x74: {  	_ =	shalt  }
0x75: {  	_ =	shalt  }
0x76: {  	_ =	shalt  }
0x77: {  	_ =	shalt  }
0x78: {  	_ =	shalt  }
0x79: {  	_ =	shalt  }
0x7a: {  	_ =	shalt  }
0x7b: {  	_ =	shalt  }
0x7c: {  	_ =	shalt  }
0x7d: {  	_ =	shalt  }
0x7e: {  	_ =	shalt  }
0x7f: {  	_ =	shalt  }
0x80: {  	_ =	shalt  }
0x81: {  	_ =	shalt  }
0x82: {  	_ =	shalt  }
0x83: {  	_ =	shalt  }
0x84: {  	_ =	shalt  }
0x85: {  	_ =	shalt  }
0x86: {  	_ =	shalt  }
0x87: {  	_ =	shalt  }
.Lfunc_end0:
.L_simem_size_0:
called_computation.2_lowered:
.L_overlay_start_0:
0x88: {  	s2 =	sld [smem:$0x3FD9]  }
0x89: {  	s3 =	sld [smem:$0x3FFE];
	_ =	sdelay $0x1  }
0x8a: {  	s1 =	srdreg.scid  }
0x8b: {  	s0 =	sand.u32 $0x1, s1  }
0x8c: {  	s17 =	sshll.u32 s0, $0xA;
	s2 =	sadd.s32 s3, s2  }
0x8d: {  	s2 =	sadd.s32 s2, s17  }
0x8e: {  	[smem:$0x3FC1] =	sst s2  }
0x8f: {  	_ = 	snop  }
0x90: {  	s2 =	sld [smem:$0x3FD0];
	(tm) =	ssettm $0x1  }
0x91: {  	s18 =	sld [smem:$0x3FFB];
	_ =	sdelay $0x3  }
0x92: {  	_ =	strace s18  }
0x93: {  	s3 =	sld [smem:$0x3FFC];
	_ =	sdelay $0x3  }
0x94: {  	_ =	strace s3  }
0x95: {  	s3 =	sld [smem:$0x3FFD];
	_ =	sdelay $0x3  }
0x96: {  	_ =	strace s3  }
0x97: {  	_ =	strace $0x8FFFFFFF  }
0x98: {  	s19 =	sld [smem:$0x3FDB];
	_ =	sdelay $0x1  }
0x99: {  	s4 =	simm.s32 $_scs_section_size  }
0x9a: {  	s5 =	simm.s32 $_size__tile_overlayer_lowered;
	s6 =	simm.s32 $_tile_overlayer_lowered  }
0x9b: {  	s22 =	simm.s32 $0x1BFF;
	s21 =	sshll.u32 s6, $0x1;
	s3 =	sadd.s32 s4, s19  }
0x9c: {  	s7 =	simm.s32 $0x0;
	s20 =	sshll.u32 s5, $0x1;
	s5 =	sadd.s32 s21, s3  }
0x9d: {  	[timem:s7], [sflag:s22] =	dma.local [hbm:s5], s20  }
0x9e: {  	_ =	swait.ge [sflag:s22], s20  }
0x9f: {  	s4 =	ssub.s32 $0x0, s20;
	[sflag:s22] =	ssyncset.done $0x0  }
0xa0: {  	[sflag:s22] =	ssyncadd.s32 s4;
	_ =	sdelay $0x1  }
0xa1: {  	s23 =	simm.s32 $0x1B8B  }
0xa2: {  	_ =	swait.ge [sflag:s23], $0x1  }
0xa3: {  	[sflag:s23] =	ssyncset.done $0x0  }
0xa4: {  	s25 =	simm.s32 $0x1B8E;
	s24 =	sld [smem:$0x3FFE];
	[sflag:s23] =	ssyncadd.s32 $0xFFFFFFFF  }
0xa5: {  	s26 =	simm.s32 $execute0_lowered;
	[smem:$0x3FD2] =	sst s25  }
0xa6: {  	s5 =	sshll.u32 s26, $0x1;
	_ =	strace $0x80000046;
	[dreg:$0x1] =	wrdreg $0xFFFFFFFF  }
0xa7: {  	s28 =	simm.s32 $_size_execute0_lowered;
	s3 =	sadd.s32 s3, s5;
	[dreg:$0x0] =	wrdreg $0x0  }
0xa8: {  	s5 =	sshll.u32 s28, $0x1;
	[dreg:$0x2] =	wrdreg s3  }
0xa9: {  	[dreg:$0x3] =	wrdreg s5  }
0xaa: {  	[dreg:$0x4] =	wrdreg $0xC0  }
0xab: {  	_ =	task [dreg:s7], $0x5FFFF  }
0xac: {  	[dreg:$0x1] =	wrdreg $0xFFFFFFFF  }
0xad: {  	[dreg:$0x0] =	wrdreg $0x60  }
0xae: {  	[dreg:$0x2] =	wrdreg s24  }
0xaf: {  	[dreg:$0x3] =	wrdreg s2  }
0xb0: {  	[dreg:$0x4] =	wrdreg $0xB  }
0xb1: {  	_ =	task.clear_ibuf [dreg:s7], $0x5FFFF;
	_ =	strace $0x90000046  }
0xb2: {  	s29 =	simm.s32 $0xB;
	_ =	strace $0x80000048  }
0xb3: {  	_ =	swait.ge [sflag:s29], $0x1  }
0xb4: {  	[sflag:s29] =	ssyncadd.s32 $0xFFFFFFFF  }
0xb5: {  	_ =	strace $0x90000048  }
0xb6: {  	_ =	sfence  }
0xb7: {  	s30 =	sld [smem:$0x0];
	_ =	sdelay $0x2  }
0xb8: {  	s31 =	sshll.u32 s1, $0xD;
	s1 =	sshrl.u32 s1, $0x2  }
0xb9: {  	s3 =	sand.u32 $0x4000, s31;
	s1 =	sadd.s32 s1, s30  }
0xba: {  	s0 =	sor.u32 s3, s0;
	s1 =	sshll.u32 s1, $0x11  }
0xbb: {  	s0 =	sor.u32 s1, s0  }
0xbc: {  	s0 =	sadd.s32 $0x8F2B, s0  }
0xbd: {  	[sflag:s0] =	ssyncadd.remote.s32 $0x1  }
0xbe: {  	_ =	sfence.sel $0xFFFF  }
0xbf: {  	[dreg:$0x0] =	wrdreg $0xFFFFFFFF;
	(pc) =	sbr.abs _section_cstart, $3  }
0xc0: {  	[dreg:$0x1] =	wrdreg $0xFFFFFFFF  }
0xc1: {  	_ =	task.clear_ibuf [dreg:s7], $0x2FFFF;
	_ =	strace $0x9FFFFFFF  }
0xc2: {  	(tm) =	ssettm $0x7FFFFFFF  }
0xc3: {  	_ =	shalt  }
tec
execute0_lowered:
.L_overlay_start_1:
0x0: {  	(tag) =	ssettag $0x1  }
0x1: {  	s4 =	rddreg [dreg:$0x0]  }
0x2: {  	s1 =	srdreg.scid;
	s0 =	stileid.u32  }
0x3: {  	s2 =	rddreg [dreg:$0x1];
	s3 =	simm.s32 $0x0;
	s9 =	simm.s32 $0x80  }
0x4: {  	s10 =	simm.s32 $0x800;
	s11 =	simm.s32 $0x2800;
	s12 =	simm.s32 $0x4800  }
0x5: {  	s13 =	simm.s32 $0x6800;
	s14 =	simm.s32 $0x1;
	s15 =	simm.s32 $0x8800  }
0x6: {  	s16 =	simm.s32 $0xA800;
	s17 =	simm.s32 $0x2;
	s18 =	simm.s32 $0xC800  }
0x7: {  	s19 =	simm.s32 $0xE800;
	s20 =	simm.s32 $0x3;
	s21 =	simm.s32 $0x4  }
0x8: {  	s22 =	simm.s32 $0x6;
	s23 =	simm.s32 $0x5;
	s24 =	simm.s32 $0x7  }
0x9: {  	s25 =	simm.s32 $0x8;
	s5 =	sand.u32 $0x1, s1;
	s6 =	sshll.u32 s0, $0x1  }
.Ltmp0:
0xa: {  	s26 =	simm.s32 $0x0;
	s6 =	sor.u32 s5, s6;
	(pc) =	sbr.rel .LBB2_1-.Ltmp0, $4  }
0xb: {  	[smem:$0x7FF] =	sst s3;
	s5 =	ssub.s32 $0x2, s5;
	s7 =	sshll.u32 s6, $0x8  }
0xc: {  	_ =	strace $0x80000047;
	s8 =	sshrl.u32 s5, $0x1;
	s7 =	sadd.s32 s7, s4  }
0xd: {  	s4 =	sadd.s32 $0x3800, s4;
	s8 =	ssub.s32 s5, s8;
	s5 =	sshll.u32 s6, $0xE  }
0xe: {  	s6 =	sadd.s32 $0x1800, s7;
	s7 =	smax.u32 s8, $0x1;
	s8 =	simm.s32 $0x9  }
.LBB2_4:
0xf: {  	_ =	swait.ge [sflag:s23], $0x2000  }
0x10: {  	[sflag:s23] =	ssyncset.done $0x0  }
0x11: {  	[sflag:s23] =	ssyncadd.s32 $0xFFFFE000  }
0x12: {  	_ =	swait.ge [sflag:s23], $0x2000  }
0x13: {  	[sflag:s23] =	ssyncset.done $0x0  }
0x14: {  	[sflag:s23] =	ssyncadd.s32 $0xFFFFE000  }
0x15: {  	_ =	swait.ge [sflag:s22], $0x2000  }
0x16: {  	[sflag:s22] =	ssyncset.done $0x0  }
0x17: {  	[sflag:s22] =	ssyncadd.s32 $0xFFFFE000  }
0x18: {  	_ =	swait.ge [sflag:s22], $0x2000  }
0x19: {  	[sflag:s22] =	ssyncset.done $0x0  }
0x1a: {  	[sflag:s22] =	ssyncadd.s32 $0xFFFFE000  }
0x1b: {  	_ =	swait.ge [sflag:s24], $0x2000  }
0x1c: {  	[sflag:s24] =	ssyncset.done $0x0  }
0x1d: {  	[sflag:s24] =	ssyncadd.s32 $0xFFFFE000  }
0x1e: {  	_ =	swait.ge [sflag:s24], $0x2000  }
0x1f: {  	[sflag:s24] =	ssyncset.done $0x0  }
0x20: {  	s26 =	sadd.s32 $0x1, s26;
	[sflag:s24] =	ssyncadd.s32 $0xFFFFE000  }
0x21: {  	p0 =	sne.s32 s26, s7;
	_ =	swait.ge [sflag:s25], $0x2000  }
.Ltmp1:
0x22: {  	[sflag:s25] =	ssyncset.done $0x0;
	(pc) =	sbr.rel @!p0 .LBB2_5-.Ltmp1, $4  }
0x23: {  	[sflag:s25] =	ssyncadd.s32 $0xFFFFE000  }
0x24: {  	_ =	swait.ge [sflag:s25], $0x2000  }
0x25: {  	[sflag:s25] =	ssyncset.done $0x0  }
0x26: {  	[sflag:s25] =	ssyncadd.s32 $0xFFFFE000  }
.LBB2_1:
0x27: {  	[tilespmem:s3], [sflag:$0x9] =	stream.linear.gather [hbm4b:s6+s3], $0x800, $0x38;
	[tilespmem:$0x10800] =	vst v63  }
0x28: {  	_ =	swait.ge [sflag:s8], $0x800  }
0x29: {  	[sflag:s8] =	ssyncset.done $0x0  }
0x2a: {  	p0 =	por $0x1, $0x1;
	[sflag:s8] =	ssyncadd.s32 $0xFFFFF800  }
0x2b: {  	[tilespmem:s10], [sflag:$0x1] =	stream.indirect.gather [hbm4b:s2+s9], $0x40, s3, s9, $0xb8;
	[tilespmem:$0x10800] =	vst v63  }
0x2c: {  	s29 =	simm.s32 $0x180;
	s30 =	simm.s32 $0x100;
	s28 =	simm.s32 $0x0  }
0x2d: {  	[tilespmem:s11], [sflag:$0x1] =	stream.indirect.gather [hbm4b:s2+s9], $0x40, s9, s9, $0xb8;
	[tilespmem:$0x10800] =	vst v63  }
.LBB2_2:
0x2e: {  	[tilespmem:s12], [sflag:$0x2] =	stream.indirect.gather [hbm4b:s2+s9], $0x40, s30, s9, $0xb8;
	[tilespmem:$0x10800] =	vst v63  }
0x2f: {  	_ = 	snop  }
0x30: {  	[tilespmem:s13], [sflag:$0x2] =	stream.indirect.gather [hbm4b:s2+s9], $0x40, s29, s9, $0xb8;
	[tilespmem:$0x10800] =	vst v63  }
0x31: {  	_ =	swait.ge [sflag:s14], $0x2000  }
0x32: {  	[sflag:s14] =	ssyncset.done $0x0  }
0x33: {  	[sflag:s14] =	ssyncadd.s32 $0xFFFFE000  }
0x34: {  	s31 =	sshll.u32 s28, $0xD;
	_ =	swait.ge [sflag:s14], $0x2000  }
0x35: {  	s29 =	sor.u32 s5, s31;
	[sflag:s14] =	ssyncset.done $0x0  }
0x36: {  	s1 =	sadd.s32 s4, s29;
	[sflag:s14] =	ssyncadd.s32 $0xFFFFE000  }
0x37: {  	[hbm4b:s1+s3] =	stream.linear.scatter [tilespmem:s10], [sflag:$0x5], $0x2000, $0x38;
	[tilespmem:$0x10800] =	vst v63  }
0x38: {  	s30 =	sadd.s32 $0x400, s1  }
0x39: {  	[hbm4b:s30+s3] =	stream.linear.scatter [tilespmem:s11], [sflag:$0x5], $0x2000, $0x38;
	[tilespmem:$0x10800] =	vst v63  }
0x3a: {  	s30 =	simm.s32 @!p0 $0x7  }
0x3b: {  	_ =	swait.ge @!p0 [sflag:s30], $0x2000  }
0x3c: {  	[sflag:s30] =	ssyncset.done @!p0 $0x0  }
0x3d: {  	s28 =	sshll.u32 s28, $0x2;
	[sflag:s30] =	ssyncadd.s32 @!p0 $0xFFFFE000  }
0x3e: {  	s31 =	sor.u32 $0x2, s28;
	_ =	swait.ge @!p0 [sflag:s30], $0x2000  }
0x3f: {  	s1 =	sshll.u32 s31, $0x8;
	[sflag:s30] =	ssyncset.done @!p0 $0x0  }
0x40: {  	s1 =	sand.u32 $0x3FFFFF00, s1;
	[sflag:s30] =	ssyncadd.s32 @!p0 $0xFFFFE000  }
0x41: {  	[tilespmem:s15], [sflag:$0x3] =	stream.indirect.gather [hbm4b:s2+s9], $0x40, s1, s9, $0xb8;
	[tilespmem:$0x10800] =	vst v63  }
0x42: {  	s1 =	sor.u32 $0x80, s1  }
0x43: {  	[tilespmem:s16], [sflag:$0x3] =	stream.indirect.gather [hbm4b:s2+s9], $0x40, s1, s9, $0xb8;
	[tilespmem:$0x10800] =	vst v63  }
0x44: {  	_ =	swait.ge [sflag:s17], $0x2000  }
0x45: {  	[sflag:s17] =	ssyncset.done $0x0  }
0x46: {  	[sflag:s17] =	ssyncadd.s32 $0xFFFFE000  }
0x47: {  	_ =	swait.ge [sflag:s17], $0x2000  }
0x48: {  	s30 =	sadd.s32 s29, s4;
	[sflag:s17] =	ssyncset.done $0x0  }
0x49: {  	s29 =	sadd.s32 $0x800, s30;
	[sflag:s17] =	ssyncadd.s32 $0xFFFFE000  }
0x4a: {  	[hbm4b:s29+s3] =	stream.linear.scatter [tilespmem:s12], [sflag:$0x6], $0x2000, $0x38;
	[tilespmem:$0x10800] =	vst v63  }
0x4b: {  	s1 =	sadd.s32 $0xC00, s30  }
0x4c: {  	[hbm4b:s1+s3] =	stream.linear.scatter [tilespmem:s13], [sflag:$0x6], $0x2000, $0x38;
	[tilespmem:$0x10800] =	vst v63  }
0x4d: {  	s1 =	simm.s32 @!p0 $0x8  }
0x4e: {  	_ =	swait.ge @!p0 [sflag:s1], $0x2000  }
0x4f: {  	[sflag:s1] =	ssyncset.done @!p0 $0x0  }
0x50: {  	[sflag:s1] =	ssyncadd.s32 @!p0 $0xFFFFE000  }
0x51: {  	s28 =	sor.u32 $0x3, s28;
	_ =	swait.ge @!p0 [sflag:s1], $0x2000  }
0x52: {  	s30 =	sshll.u32 s28, $0x8;
	[sflag:s1] =	ssyncset.done @!p0 $0x0  }
0x53: {  	s29 =	sand.u32 $0x3FFFFF00, s30;
	[sflag:s1] =	ssyncadd.s32 @!p0 $0xFFFFE000  }
0x54: {  	[tilespmem:s18], [sflag:$0x4] =	stream.indirect.gather [hbm4b:s2+s9], $0x40, s29, s9, $0xb8;
	[tilespmem:$0x10800] =	vst v63  }
0x55: {  	s1 =	sor.u32 $0x80, s29  }
0x56: {  	[tilespmem:s19], [sflag:$0x4] =	stream.indirect.gather [hbm4b:s2+s9], $0x40, s1, s9, $0xb8;
	[tilespmem:$0x10800] =	vst v63  }
0x57: {  	_ =	swait.ge [sflag:s20], $0x2000  }
0x58: {  	[sflag:s20] =	ssyncset.done $0x0  }
0x59: {  	[sflag:s20] =	ssyncadd.s32 $0xFFFFE000  }
0x5a: {  	s30 =	sshll.u32 s31, $0xB;
	_ =	swait.ge [sflag:s20], $0x2000  }
0x5b: {  	s1 =	sor.u32 s5, s30;
	[sflag:s20] =	ssyncset.done $0x0  }
0x5c: {  	s1 =	sadd.s32 s4, s1;
	[sflag:s20] =	ssyncadd.s32 $0xFFFFE000  }
0x5d: {  	[hbm4b:s1+s3] =	stream.linear.scatter [tilespmem:s15], [sflag:$0x7], $0x2000, $0x38;
	[tilespmem:$0x10800] =	vst v63  }
0x5e: {  	s1 =	sadd.s32 $0x400, s1  }
0x5f: {  	[hbm4b:s1+s3] =	stream.linear.scatter [tilespmem:s16], [sflag:$0x7], $0x2000, $0x38;
	[tilespmem:$0x10800] =	vst v63  }
0x60: {  	s1 =	simm.s32 @p0 $0x5  }
0x61: {  	_ =	swait.ge @p0 [sflag:s1], $0x2000  }
0x62: {  	[sflag:s1] =	ssyncset.done @p0 $0x0  }
0x63: {  	[sflag:s1] =	ssyncadd.s32 @p0 $0xFFFFE000  }
0x64: {  	_ =	swait.ge @p0 [sflag:s1], $0x2000  }
0x65: {  	s29 =	simm.s32 @p0 $0x400;
	[sflag:s1] =	ssyncset.done @p0 $0x0  }
0x66: {  	s30 =	simm.s32 @p0 $0x800;
	[sflag:s1] =	ssyncadd.s32 @p0 $0xFFFFE000;
	s1 =	simm.s32 @p0 $0x80  }
0x67: {  	[tilespmem:s30], [sflag:$0x1] =	stream.indirect.gather @p0 [hbm4b:s2+s1], $0x40, s29, s1, $0xb8;
	[tilespmem:$0x10800] =	vst v63  }
0x68: {  	s29 =	simm.s32 @p0 $0x480;
	s30 =	simm.s32 @p0 $0x2800  }
0x69: {  	[tilespmem:s30], [sflag:$0x1] =	stream.indirect.gather @p0 [hbm4b:s2+s1], $0x40, s29, s1, $0xb8;
	[tilespmem:$0x10800] =	vst v63  }
0x6a: {  	_ =	swait.ge [sflag:s21], $0x2000  }
0x6b: {  	[sflag:s21] =	ssyncset.done $0x0  }
0x6c: {  	[sflag:s21] =	ssyncadd.s32 $0xFFFFE000  }
0x6d: {  	s31 =	sshll.u32 s28, $0xB;
	_ =	swait.ge [sflag:s21], $0x2000  }
.Ltmp2:
0x6e: {  	s1 =	sor.u32 s5, s31;
	[sflag:s21] =	ssyncset.done $0x0;
	(pc) =	sbr.rel @!p0 .LBB2_4-.Ltmp2, $4  }
0x6f: {  	s1 =	sadd.s32 s4, s1;
	[sflag:s21] =	ssyncadd.s32 $0xFFFFE000  }
0x70: {  	[hbm4b:s1+s3] =	stream.linear.scatter [tilespmem:s18], [sflag:$0x8], $0x2000, $0x38;
	[tilespmem:$0x10800] =	vst v63  }
0x71: {  	s1 =	sadd.s32 $0x400, s1  }
0x72: {  	[hbm4b:s1+s3] =	stream.linear.scatter [tilespmem:s19], [sflag:$0x8], $0x2000, $0x38;
	[tilespmem:$0x10800] =	vst v63  }
0x73: {  	_ =	swait.ge [sflag:s22], $0x2000  }
.Ltmp3:
0x74: {  	[sflag:s22] =	ssyncset.done $0x0;
	(pc) =	sbr.rel .LBB2_2-.Ltmp3, $4  }
0x75: {  	[sflag:s22] =	ssyncadd.s32 $0xFFFFE000  }
0x76: {  	_ =	swait.ge [sflag:s22], $0x2000  }
0x77: {  	s28 =	simm.s32 $0x1;
	p0 =	por $0x0, $0x0;
	[sflag:s22] =	ssyncset.done $0x0  }
0x78: {  	s29 =	simm.s32 $0x580;
	s30 =	simm.s32 $0x500;
	[sflag:s22] =	ssyncadd.s32 $0xFFFFE000  }
.LBB2_5:
0x79: {  	_ =	sfence.sel $0x180000  }
0x7a: {  	[bflag:$0x0] =	sbarrier.arrive $0xFFFF  }
0x7b: {  	_ =	strace $0x90000047  }
0x7c: {  	[bflag:$0x2] =	sbarrier.arrive $0xFFFF  }
0x7d: {  	p0 =	sne.s32 s0, $0x0;
	s0 =	rddreg [dreg:$0x2]  }
0x7e: {  	s0 =	sadd.s32 @!p0 $0x100000, s0  }
0x7f: {  	[sflag:s0] =	ssyncadd.tile.s32 @!p0 $0x1;
	_ =	shalt  }
.Lfunc_end2:
_tile_overlayer_lowered:
.L_overlay_start_2:
0x80: {  	(tag) =	ssettag $0x2  }
0x81: {  	s0 =	rddreg [dreg:$0x0];
	s2 =	stileid.u32  }
0x82: {  	s1 =	rddreg [dreg:$0x1];
	p0 =	sne.s32 s2, $0x0  }
0x83: {  	s3 =	rddreg [dreg:$0x2];
	[bflag:$0x3] =	sbarrier.arrive $0xFFFF;
	s2 =	simm.s32 @!p0 $0x1C09  }
0x84: {  	[timem:s3], [sflag:s2] =	dma.local @!p0 [hbm:s0], s1  }
0x85: {  	s0 =	simm.s32 @!p0 $0x9  }
0x86: {  	_ =	swait.ge @!p0 [sflag:s0], s1  }
0x87: {  	s1 =	ssub.s32 @!p0 $0x0, s1;
	[sflag:s0] =	ssyncset.done @!p0 $0x0  }
0x88: {  	[sflag:s0] =	ssyncadd.s32 @!p0 s1  }
0x89: {  	[bflag:$0x3] =	sbarrier.arrive $0xFFFF  }
0x8a: {  	_ =	shalt  }

// kernel: kernel.9.cloned.1.call-start
scs
__scs_entry_jumppad:
0x0: {  	(pc) =	sbr.rel $0x88, $3  }
0x1: {  	(tag) =	ssettag $0x0;
	lr =	simm.s32 $0x1  }
0x2: {  	[smem:$0x3F9A] =	sst lr;
	_ =	strace $0xD0000000  }
0x3: {  	_ = 	snop  }
0x4: {  	_ = 	snop  }
0x5: {  	_ = 	snop  }
0x6: {  	_ = 	snop  }
0x7: {  	_ = 	snop  }
__scs_overlays_trampoline_lowered:
0x8: {  	[smem:$0x3FA9] =	sst s0  }
0x9: {  	[smem:$0x3FAA] =	sst s1  }
0xa: {  	[smem:$0x3FAB] =	sst s2  }
0xb: {  	[smem:$0x3FAC] =	sst s3  }
0xc: {  	[smem:$0x3FAD] =	sst s4  }
0xd: {  	[smem:$0x3FAE] =	sst s5  }
0xe: {  	[smem:$0x3FAF] =	sst s6  }
0xf: {  	[smem:$0x3FB0] =	sst s7  }
0x10: {  	[smem:$0x3FB1] =	sst s8  }
0x11: {  	[smem:$0x3FB2] =	sst s9;
	s0 =	simm.s32 @!p0 $0x0  }
0x12: {  	s1 =	sld [smem:$0x3F98];
	s0 =	simm.s32 @p0 $0x1  }
0x13: {  	[smem:$0x3FB3] =	sst s0;
	s0 =	simm.s32 @!p1 $0x0  }
0x14: {  	s2 =	sld [smem:$0x3F97];
	s0 =	simm.s32 @p1 $0x1  }
0x15: {  	[smem:$0x3FB4] =	sst s0;
	s0 =	simm.s32 @!p2 $0x0  }
0x16: {  	s3 =	sld [smem:$0x3FDB];
	s0 =	simm.s32 @p2 $0x1  }
0x17: {  	s4 =	simm.s32 $0x1BF5;
	[smem:$0x3FB6] =	sst s0  }
0x18: {  	s0 =	sld [smem:$0x3F99];
	_ =	swait.ge [sflag:s4], $0x0  }
0x19: {  	s7 =	sld [smem:$0x3F9A]  }
0x1a: {  	s8 =	sadd.s32 $0xFFFFE003, lr  }
0x1b: {  	s9 =	sadd.s32 $0xFFFFFEF7, lr;
	s5 =	simm.s32 $0xFFFFFFFF;
	p2 =	slt.u32 s8, $0xFFFFF086  }
0x1c: {  	p1 =	slt.u32 s9, $0xF7A;
	s5 =	simm.s32 @!p2 $0x0  }
0x1d: {  	s5 =	simm.s32 @p1 $0x1;
	p0 =	seq.s32 s7, s2  }
0x1e: {  	s7 =	smul.u32 @!p0 $0xF7A, s2;
	p2 =	seq.s32 @!p0 s5, $0x0  }
0x1f: {  	s9 =	smul.u32 $0xF7A, s1;
	s8 =	simm.s32 @!p0 $0x1BF5;
	p2 =	por !p2, p0  }
0x20: {  	[sflag:s8] =	ssyncset.s32 @!p0 $0xFFFFF086;
	s6 =	sadd.s32 @!p0 s3, s7;
	s7 =	simm.s32 @!p0 $0x108  }
0x21: {  	s3 =	sadd.s32 s3, s9;
	s6 =	sadd.s32 @!p0 $0x88, s6;
	s7 =	simm.s32 @p2 $0x1082  }
0x22: {  	[simem:s7], [sflag:s8] =	dma.local @!p0 [hbm:s6], $0xF7A  }
0x23: {  	s9 =	sor.u32 $0xD0000000, s2;
	s6 =	simm.s32 $0x108;
	_ =	swait.ge @!p0 [sflag:s8], $0x0  }
0x24: {  	s3 =	sadd.s32 $0x88, s3;
	s6 =	simm.s32 @!p1 $0x1082;
	[sflag:s4] =	ssyncset.s32 $0xFFFFF086  }
0x25: {  	[simem:s6], [sflag:s4] =	dma.local [hbm:s3], $0xF7A  }
0x26: {  	[smem:$0x3F9A] =	sst s1;
	(tag) =	ssettag s2;
	_ =	strace s9  }
0x27: {  	s1 =	sld [smem:$0x3FAA]  }
0x28: {  	s2 =	sld [smem:$0x3FAB]  }
0x29: {  	s4 =	sld [smem:$0x3FAD]  }
0x2a: {  	p0 =	seq.s32 s5, $0x0;
	s5 =	sld [smem:$0x3FAE]  }
0x2b: {  	s6 =	sld [smem:$0x3FAF]  }
0x2c: {  	s7 =	sld [smem:$0x3FB0]  }
0x2d: {  	s3 =	simm.s32 $0x108;
	s8 =	sld [smem:$0x3FB1]  }
0x2e: {  	s3 =	simm.s32 @!p0 $0x1082;
	s9 =	sld [smem:$0x3FB2]  }
0x2f: {  	lr =	sadd.s32 s0, s3;
	s0 =	sld [smem:$0x3FA9]  }
0x30: {  	s3 =	sld [smem:$0x3FAC]  }
0x31: {  	[smem:$0x3FB5] =	sst s10  }
0x32: {  	s10 =	sld [smem:$0x3FB3];
	_ =	sdelay $0x3  }
0x33: {  	p0 =	seq.s32 s10, $0x1;
	s10 =	sld [smem:$0x3FB5];
	_ =	sdelay $0x3  }
0x34: {  	[smem:$0x3FB5] =	sst s10  }
0x35: {  	s10 =	sld [smem:$0x3FB4];
	_ =	sdelay $0x3  }
0x36: {  	p1 =	seq.s32 s10, $0x1;
	s10 =	sld [smem:$0x3FB5];
	_ =	sdelay $0x3  }
0x37: {  	[smem:$0x3FB5] =	sst s10  }
0x38: {  	s10 =	sld [smem:$0x3FB6]  }
0x39: {  	_ = 	snop;
	(pc) =	sbr.ind lr, $3  }
0x3a: {  	_ = 	snop  }
0x3b: {  	_ = 	snop  }
0x3c: {  	p2 =	seq.s32 s10, $0x1;
	s10 =	sld [smem:$0x3FB5]  }
0x3d: {  	_ =	shalt  }
0x3e: {  	_ =	shalt  }
0x3f: {  	_ =	shalt  }
0x40: {  	_ =	shalt  }
0x41: {  	_ =	shalt  }
0x42: {  	_ =	shalt  }
0x43: {  	_ =	shalt  }
0x44: {  	_ =	shalt  }
0x45: {  	_ =	shalt  }
0x46: {  	_ =	shalt  }
0x47: {  	_ =	shalt  }
0x48: {  	_ =	shalt  }
0x49: {  	_ =	shalt  }
0x4a: {  	_ =	shalt  }
0x4b: {  	_ =	shalt  }
0x4c: {  	_ =	shalt  }
0x4d: {  	_ =	shalt  }
0x4e: {  	_ =	shalt  }
0x4f: {  	_ =	shalt  }
0x50: {  	_ =	shalt  }
0x51: {  	_ =	shalt  }
0x52: {  	_ =	shalt  }
0x53: {  	_ =	shalt  }
0x54: {  	_ =	shalt  }
0x55: {  	_ =	shalt  }
0x56: {  	_ =	shalt  }
0x57: {  	_ =	shalt  }
0x58: {  	_ =	shalt  }
0x59: {  	_ =	shalt  }
0x5a: {  	_ =	shalt  }
0x5b: {  	_ =	shalt  }
0x5c: {  	_ =	shalt  }
0x5d: {  	_ =	shalt  }
0x5e: {  	_ =	shalt  }
0x5f: {  	_ =	shalt  }
0x60: {  	_ =	shalt  }
0x61: {  	_ =	shalt  }
0x62: {  	_ =	shalt  }
0x63: {  	_ =	shalt  }
0x64: {  	_ =	shalt  }
0x65: {  	_ =	shalt  }
0x66: {  	_ =	shalt  }
0x67: {  	_ =	shalt  }
0x68: {  	_ =	shalt  }
0x69: {  	_ =	shalt  }
0x6a: {  	_ =	shalt  }
0x6b: {  	_ =	shalt  }
0x6c: {  	_ =	shalt  }
0x6d: {  	_ =	shalt  }
0x6e: {  	_ =	shalt  }
0x6f: {  	_ =	shalt  }
0x70: {  	_ =	shalt  }
0x71: {  	_ =	shalt  }
0x72: {  	_ =	shalt  }
0x73: {  	_ =	shalt  }
0x74: {  	_ =	shalt  }
0x75: {  	_ =	shalt  }
0x76: {  	_ =	shalt  }
0x77: {  	_ =	shalt  }
0x78: {  	_ =	shalt  }
0x79: {  	_ =	shalt  }
0x7a: {  	_ =	shalt  }
0x7b: {  	_ =	shalt  }
0x7c: {  	_ =	shalt  }
0x7d: {  	_ =	shalt  }
0x7e: {  	_ =	shalt  }
0x7f: {  	_ =	shalt  }
0x80: {  	_ =	shalt  }
0x81: {  	_ =	shalt  }
0x82: {  	_ =	shalt  }
0x83: {  	_ =	shalt  }
0x84: {  	_ =	shalt  }
0x85: {  	_ =	shalt  }
0x86: {  	_ =	shalt  }
0x87: {  	_ =	shalt  }
.Lfunc_end0:
.L_simem_size_0:
called_computation_lowered:
.L_overlay_start_0:
0x88: {  	s2 =	sld [smem:$0x3FD9]  }
0x89: {  	s3 =	sld [smem:$0x3FFE];
	_ =	sdelay $0x1  }
0x8a: {  	s1 =	srdreg.scid  }
0x8b: {  	s0 =	sand.u32 $0x1, s1  }
0x8c: {  	s17 =	sshll.u32 s0, $0xA;
	s2 =	sadd.s32 s3, s2  }
0x8d: {  	s2 =	sadd.s32 s2, s17  }
0x8e: {  	[smem:$0x3FC1] =	sst s2  }
0x8f: {  	_ = 	snop  }
0x90: {  	s18 =	sld [smem:$0x3FD0];
	(tm) =	ssettm $0x1  }
0x91: {  	s19 =	sld [smem:$0x3FFB];
	_ =	sdelay $0x3  }
0x92: {  	_ =	strace s19  }
0x93: {  	s2 =	sld [smem:$0x3FFC];
	_ =	sdelay $0x3  }
0x94: {  	_ =	strace s2  }
0x95: {  	s2 =	sld [smem:$0x3FFD];
	_ =	sdelay $0x3  }
0x96: {  	_ =	strace s2  }
0x97: {  	_ =	strace $0x8FFFFFFF  }
0x98: {  	s20 =	sld [smem:$0x3FDB];
	_ =	sdelay $0x1  }
0x99: {  	s4 =	simm.s32 $_scs_section_size  }
0x9a: {  	s5 =	simm.s32 $_size__tile_overlayer_lowered;
	s6 =	simm.s32 $_tile_overlayer_lowered  }
0x9b: {  	s7 =	simm.s32 $0x1BFF;
	s21 =	sshll.u32 s6, $0x1;
	s4 =	sadd.s32 s4, s20  }
0x9c: {  	s22 =	simm.s32 $0x0;
	s5 =	sshll.u32 s5, $0x1;
	s6 =	sadd.s32 s21, s4  }
0x9d: {  	[timem:s22], [sflag:s7] =	dma.local [hbm:s6], s5  }
0x9e: {  	_ =	swait.ge [sflag:s7], s5  }
0x9f: {  	s5 =	ssub.s32 $0x0, s5;
	[sflag:s7] =	ssyncset.done $0x0  }
0xa0: {  	[sflag:s7] =	ssyncadd.s32 s5;
	_ =	sdelay $0x1  }
0xa1: {  	s23 =	simm.s32 $0x1B8B  }
0xa2: {  	_ =	swait.ge [sflag:s23], $0x1  }
0xa3: {  	[sflag:s23] =	ssyncset.done $0x0  }
0xa4: {  	[sflag:s23] =	ssyncadd.s32 $0xFFFFFFFF  }
0xa5: {  	s5 =	sld [smem:$0x0]  }
0xa6: {  	s6 =	sand.u32 $0xFFFFFFFE, s1  }
0xa7: {  	p0 =	sne.s32 s1, s6  }
0xa8: {  	s6 =	sshll.u32 @p0 s6, $0xE  }
0xa9: {  	s6 =	sadd.s32 @p0 $0x11B8D, s6;
	s7 =	sshll.u32 @p0 s5, $0x11  }
0xaa: {  	s6 =	sor.u32 @p0 s7, s6  }
0xab: {  	[sflag:s6] =	ssyncadd.remote.s32 @p0 $0x1;
	_ =	sdelay $0x1  }
0xac: {  	s6 =	simm.s32 @p0 $0x1B8D  }
0xad: {  	_ =	swait.eq @p0 [sflag:s6], $0x1  }
0xae: {  	[sflag:s6] =	ssyncadd.s32 @p0 $0xFFFFFFFF  }
0xaf: {  	s7 =	sshll.u32 @!p0 s1, $0xE  }
0xb0: {  	s7 =	sor.u32 @!p0 $0x4000, s7;
	s6 =	simm.s32 @!p0 $0x1B8D  }
0xb1: {  	s5 =	sshll.u32 @!p0 s5, $0x11;
	s7 =	sadd.s32 @!p0 $0x11B8D, s7;
	_ =	swait.eq @!p0 [sflag:s6], $0x1  }
0xb2: {  	s5 =	sor.u32 @!p0 s5, s7;
	[sflag:s6] =	ssyncadd.s32 @!p0 $0xFFFFFFFF  }
0xb3: {  	s25 =	simm.s32 $0x1B8E;
	s24 =	sld [smem:$0x3FFE];
	[sflag:s5] =	ssyncadd.remote.s32 @!p0 $0x1  }
0xb4: {  	s26 =	simm.s32 $execute0_lowered;
	[smem:$0x3FD2] =	sst s25  }
0xb5: {  	s6 =	sshll.u32 s26, $0x1;
	_ =	strace $0x8000004C;
	[dreg:$0x1] =	wrdreg $0xFFFFFFFF  }
0xb6: {  	s28 =	simm.s32 $_size_execute0_lowered;
	s4 =	sadd.s32 s4, s6;
	[dreg:$0x0] =	wrdreg $0x0  }
0xb7: {  	s6 =	sshll.u32 s28, $0x1;
	[dreg:$0x2] =	wrdreg s4  }
0xb8: {  	[dreg:$0x3] =	wrdreg s6  }
0xb9: {  	[dreg:$0x4] =	wrdreg $0xC0  }
0xba: {  	_ =	task [dreg:s22], $0x5FFFF  }
0xbb: {  	[dreg:$0x1] =	wrdreg $0xFFFFFFFF  }
0xbc: {  	[dreg:$0x0] =	wrdreg $0x60  }
0xbd: {  	[dreg:$0x2] =	wrdreg s24  }
0xbe: {  	[dreg:$0x3] =	wrdreg s18  }
0xbf: {  	[dreg:$0x4] =	wrdreg $0x9  }
0xc0: {  	_ =	task.clear_ibuf [dreg:s22], $0x5FFFF;
	_ =	strace $0x9000004C  }
0xc1: {  	s29 =	simm.s32 $0x9;
	_ =	strace $0x8000004E  }
0xc2: {  	_ =	swait.ge [sflag:s29], $0x1  }
0xc3: {  	[sflag:s29] =	ssyncadd.s32 $0xFFFFFFFF  }
0xc4: {  	_ =	strace $0x9000004E  }
0xc5: {  	_ =	sfence  }
0xc6: {  	s30 =	sld [smem:$0x0];
	_ =	sdelay $0x2  }
0xc7: {  	s31 =	sshll.u32 s1, $0xD;
	s1 =	sshrl.u32 s1, $0x2  }
0xc8: {  	s4 =	sand.u32 $0x4000, s31;
	s1 =	sadd.s32 s1, s30  }
0xc9: {  	s0 =	sor.u32 s4, s0;
	s1 =	sshll.u32 s1, $0x11  }
0xca: {  	s0 =	sor.u32 s1, s0  }
0xcb: {  	s0 =	sadd.s32 $0x8F2B, s0  }
0xcc: {  	[sflag:s0] =	ssyncadd.remote.s32 $0x1  }
0xcd: {  	_ =	sfence.sel $0xFFFF  }
0xce: {  	[dreg:$0x0] =	wrdreg $0xFFFFFFFF;
	(pc) =	sbr.abs _section_cstart, $3  }
0xcf: {  	[dreg:$0x1] =	wrdreg $0xFFFFFFFF  }
0xd0: {  	_ =	task.clear_ibuf [dreg:s22], $0x2FFFF;
	_ =	strace $0x9FFFFFFF  }
0xd1: {  	(tm) =	ssettm $0x7FFFFFFF  }
tec
execute0_lowered:
.L_overlay_start_1:
0x0: {  	(tag) =	ssettag $0x1  }
0x1: {  	s0 =	rddreg [dreg:$0x0]  }
0x2: {  	s2 =	rddreg [dreg:$0x1];
	s1 =	srdreg.scid  }
0x3: {  	s3 =	simm.s32 $0x0;
	s6 =	stileid.u32;
	s12 =	simm.s32 $0x80  }
0x4: {  	s13 =	simm.s32 $0x1000;
	s14 =	simm.s32 $0x3000;
	s16 =	simm.s32 $0x5000  }
0x5: {  	s18 =	simm.s32 $0x7000;
	s19 =	simm.s32 $0x1;
	s20 =	simm.s32 $0x9000  }
0x6: {  	s21 =	simm.s32 $0xB000;
	s22 =	simm.s32 $0x2;
	s23 =	simm.s32 $0xD000  }
0x7: {  	s24 =	simm.s32 $0xF000;
	s25 =	simm.s32 $0x3;
	s29 =	simm.s32 $0x6  }
0x8: {  	s30 =	simm.s32 $0x7;
	s31 =	simm.s32 $0x8;
	s1 =	sand.u32 $0x1, s1  }
0x9: {  	[smem:$0x7FF] =	sst s3;
	s4 =	sshll.u32 s6, $0xA;
	s7 =	sshll.u32 s6, $0x10  }
0xa: {  	s5 =	sshll.u32 s1, $0x9;
	_ =	strace $0x8000004D;
	s26 =	ssub.s32 $0x2, s1  }
0xb: {  	s1 =	sshll.u32 s1, $0xF;
	s4 =	sor.u32 s5, s4;
	s28 =	sshrl.u32 s26, $0x1  }
.Ltmp0:
0xc: {  	s7 =	sor.u32 s1, s7;
	s4 =	sadd.s32 s4, s0;
	(pc) =	sbr.rel .LBB2_1-.Ltmp0, $4  }
0xd: {  	s0 =	sadd.s32 $0x18B800, s0;
	s8 =	sor.u32 $0x800, s7;
	s9 =	sor.u32 $0x1800, s7  }
0xe: {  	[dreg:$0x3] =	wrdreg s0;
	s0 =	ssub.s32 s26, s28;
	s4 =	sadd.s32 $0x187800, s4  }
0xf: {  	s10 =	sor.u32 $0x1000, s7;
	[dreg:$0x4] =	wrdreg s4;
	s0 =	smax.u32 s0, $0x1  }
0x10: {  	s26 =	simm.s32 $0x4;
	[dreg:$0x5] =	wrdreg s0;
	s0 =	simm.s32 $0x0  }
.LBB2_4:
0x11: {  	s1 =	simm.s32 $0x5  }
0x12: {  	_ =	swait.ge [sflag:s1], $0x2000  }
0x13: {  	[sflag:s1] =	ssyncset.done $0x0  }
0x14: {  	[sflag:s1] =	ssyncadd.s32 $0xFFFFE000  }
0x15: {  	_ =	swait.ge [sflag:s1], $0x2000  }
0x16: {  	[sflag:s1] =	ssyncset.done $0x0  }
0x17: {  	[sflag:s1] =	ssyncadd.s32 $0xFFFFE000  }
0x18: {  	_ =	swait.ge [sflag:s29], $0x2000  }
0x19: {  	[sflag:s29] =	ssyncset.done $0x0  }
0x1a: {  	[sflag:s29] =	ssyncadd.s32 $0xFFFFE000  }
0x1b: {  	_ =	swait.ge [sflag:s29], $0x2000  }
0x1c: {  	[sflag:s29] =	ssyncset.done $0x0  }
0x1d: {  	[sflag:s29] =	ssyncadd.s32 $0xFFFFE000  }
0x1e: {  	_ =	swait.ge [sflag:s30], $0x2000  }
0x1f: {  	[sflag:s30] =	ssyncset.done $0x0  }
0x20: {  	[sflag:s30] =	ssyncadd.s32 $0xFFFFE000  }
0x21: {  	_ =	swait.ge [sflag:s30], $0x2000  }
0x22: {  	[sflag:s30] =	ssyncset.done $0x0  }
0x23: {  	[sflag:s30] =	ssyncadd.s32 $0xFFFFE000  }
0x24: {  	_ =	swait.ge [sflag:s31], $0x2000  }
0x25: {  	[sflag:s31] =	ssyncset.done $0x0  }
0x26: {  	[sflag:s31] =	ssyncadd.s32 $0xFFFFE000  }
0x27: {  	_ =	swait.ge [sflag:s31], $0x2000  }
0x28: {  	s0 =	sadd.s32 $0x1, s0;
	s28 =	rddreg [dreg:$0x5]  }
0x29: {  	p0 =	sne.s32 s0, s28  }
.Ltmp1:
0x2a: {  	_ = 	snop;
	(pc) =	sbr.rel @!p0 .LBB2_5-.Ltmp1, $3  }
0x2b: {  	_ =	sdelay $0x1  }
0x2c: {  	[sflag:s31] =	ssyncset.done $0x0  }
0x2d: {  	[sflag:s31] =	ssyncadd.s32 $0xFFFFE000  }
.LBB2_1:
0x2e: {  	s1 =	rddreg [dreg:$0x4];
	s15 =	simm.s32 $0x9  }
0x2f: {  	[tilespmem:s3], [sflag:$0x9] =	stream.linear.gather [hbm4b:s1+s3], $0x1000, $0x38;
	[tilespmem:$0x11000] =	vst v63  }
0x30: {  	_ =	swait.ge [sflag:s15], $0x1000  }
0x31: {  	[sflag:s15] =	ssyncset.done $0x0  }
0x32: {  	[sflag:s15] =	ssyncadd.s32 $0xFFFFF000  }
0x33: {  	[tilespmem:s13], [sflag:$0x1] =	stream.indirect.gather [hbm4b:s2+s12], $0x40, s3, s12, $0xb8;
	[tilespmem:$0x11000] =	vst v63  }
0x34: {  	_ = 	snop  }
0x35: {  	[tilespmem:s14], [sflag:$0x1] =	stream.indirect.gather [hbm4b:s2+s12], $0x40, s12, s12, $0xb8;
	[tilespmem:$0x11000] =	vst v63  }
0x36: {  	s17 =	simm.s32 $0x100  }
0x37: {  	[tilespmem:s16], [sflag:$0x2] =	stream.indirect.gather [hbm4b:s2+s12], $0x40, s17, s12, $0xb8;
	[tilespmem:$0x11000] =	vst v63  }
0x38: {  	s28 =	simm.s32 $0x180;
	s4 =	rddreg [dreg:$0x3];
	s15 =	simm.s32 $0x0  }
0x39: {  	[tilespmem:s18], [sflag:$0x2] =	stream.indirect.gather [hbm4b:s2+s12], $0x40, s28, s12, $0xb8;
	[tilespmem:$0x11000] =	vst v63  }
.LBB2_2:
0x3a: {  	_ =	swait.ge [sflag:s19], $0x2000  }
0x3b: {  	[sflag:s19] =	ssyncset.done $0x0  }
0x3c: {  	[sflag:s19] =	ssyncadd.s32 $0xFFFFE000  }
0x3d: {  	_ =	swait.ge [sflag:s19], $0x2000  }
0x3e: {  	[sflag:s19] =	ssyncset.done $0x0  }
0x3f: {  	s1 =	sadd.s32 s4, s7;
	p0 =	seq.s32 s15, $0x0;
	[sflag:s19] =	ssyncadd.s32 $0xFFFFE000  }
0x40: {  	[hbm4b:s1+s3] =	stream.linear.scatter [tilespmem:s13], [sflag:$0x5], $0x2000, $0x38;
	[tilespmem:$0x11000] =	vst v63  }
0x41: {  	s17 =	sadd.s32 $0x400, s1;
	s5 =	simm.s32 @!p0 $0x7  }
0x42: {  	[hbm4b:s17+s3] =	stream.linear.scatter [tilespmem:s14], [sflag:$0x5], $0x2000, $0x38;
	[tilespmem:$0x11000] =	vst v63  }
0x43: {  	_ =	swait.ge @!p0 [sflag:s5], $0x2000  }
0x44: {  	[sflag:s5] =	ssyncset.done @!p0 $0x0  }
0x45: {  	[sflag:s5] =	ssyncadd.s32 @!p0 $0xFFFFE000  }
0x46: {  	_ =	swait.ge @!p0 [sflag:s5], $0x2000  }
0x47: {  	s17 =	sshra.s32 s15, $0x2;
	[sflag:s5] =	ssyncset.done @!p0 $0x0  }
0x48: {  	s6 =	sadd.s32 $0x200, s17;
	[sflag:s5] =	ssyncadd.s32 @!p0 $0xFFFFE000  }
0x49: {  	[tilespmem:s20], [sflag:$0x3] =	stream.indirect.gather [hbm4b:s2+s12], $0x40, s6, s12, $0xb8;
	[tilespmem:$0x11000] =	vst v63  }
0x4a: {  	s11 =	sadd.s32 $0x280, s17  }
0x4b: {  	[tilespmem:s21], [sflag:$0x3] =	stream.indirect.gather [hbm4b:s2+s12], $0x40, s11, s12, $0xb8;
	[tilespmem:$0x11000] =	vst v63  }
0x4c: {  	_ =	swait.ge [sflag:s22], $0x2000  }
0x4d: {  	[sflag:s22] =	ssyncset.done $0x0  }
0x4e: {  	[sflag:s22] =	ssyncadd.s32 $0xFFFFE000  }
0x4f: {  	_ =	swait.ge [sflag:s22], $0x2000  }
0x50: {  	[sflag:s22] =	ssyncset.done $0x0  }
0x51: {  	s28 =	sadd.s32 s4, s8;
	[sflag:s22] =	ssyncadd.s32 $0xFFFFE000  }
0x52: {  	[hbm4b:s28+s3] =	stream.linear.scatter [tilespmem:s16], [sflag:$0x6], $0x2000, $0x38;
	[tilespmem:$0x11000] =	vst v63  }
0x53: {  	s5 =	simm.s32 @!p0 $0x8;
	s6 =	sadd.s32 $0xC00, s1  }
0x54: {  	[hbm4b:s6+s3] =	stream.linear.scatter [tilespmem:s18], [sflag:$0x6], $0x2000, $0x38;
	[tilespmem:$0x11000] =	vst v63  }
0x55: {  	_ =	swait.ge @!p0 [sflag:s5], $0x2000  }
0x56: {  	[sflag:s5] =	ssyncset.done @!p0 $0x0  }
0x57: {  	[sflag:s5] =	ssyncadd.s32 @!p0 $0xFFFFE000  }
0x58: {  	_ =	swait.ge @!p0 [sflag:s5], $0x2000  }
0x59: {  	[sflag:s5] =	ssyncset.done @!p0 $0x0  }
0x5a: {  	s11 =	sadd.s32 $0x300, s17;
	[sflag:s5] =	ssyncadd.s32 @!p0 $0xFFFFE000  }
0x5b: {  	[tilespmem:s23], [sflag:$0x4] =	stream.indirect.gather [hbm4b:s2+s12], $0x40, s11, s12, $0xb8;
	[tilespmem:$0x11000] =	vst v63  }
0x5c: {  	s28 =	sadd.s32 $0x380, s17  }
0x5d: {  	[tilespmem:s24], [sflag:$0x4] =	stream.indirect.gather [hbm4b:s2+s12], $0x40, s28, s12, $0xb8;
	[tilespmem:$0x11000] =	vst v63  }
0x5e: {  	_ =	swait.ge [sflag:s25], $0x2000  }
0x5f: {  	[sflag:s25] =	ssyncset.done $0x0  }
0x60: {  	[sflag:s25] =	ssyncadd.s32 $0xFFFFE000  }
0x61: {  	_ =	swait.ge [sflag:s25], $0x2000  }
0x62: {  	[sflag:s25] =	ssyncset.done $0x0  }
0x63: {  	s6 =	sadd.s32 s4, s10;
	p0 =	seq.s32 s15, $0x3000;
	[sflag:s25] =	ssyncadd.s32 $0xFFFFE000  }
0x64: {  	[hbm4b:s6+s3] =	stream.linear.scatter [tilespmem:s20], [sflag:$0x7], $0x2000, $0x38;
	[tilespmem:$0x11000] =	vst v63  }
0x65: {  	s11 =	sadd.s32 $0x1400, s1;
	s5 =	simm.s32 @!p0 $0x5  }
0x66: {  	[hbm4b:s11+s3] =	stream.linear.scatter [tilespmem:s21], [sflag:$0x7], $0x2000, $0x38;
	[tilespmem:$0x11000] =	vst v63  }
0x67: {  	_ =	swait.ge @!p0 [sflag:s5], $0x2000  }
0x68: {  	[sflag:s5] =	ssyncset.done @!p0 $0x0  }
0x69: {  	[sflag:s5] =	ssyncadd.s32 @!p0 $0xFFFFE000  }
0x6a: {  	_ =	swait.ge @!p0 [sflag:s5], $0x2000  }
0x6b: {  	[sflag:s5] =	ssyncset.done @!p0 $0x0  }
0x6c: {  	[sflag:s5] =	ssyncadd.s32 @!p0 $0xFFFFE000;
	s5 =	sshra.s32 @!p0 s15, $0x2  }
0x6d: {  	s28 =	simm.s32 @!p0 $0x1000;
	s11 =	simm.s32 @!p0 $0x80;
	s6 =	sadd.s32 @!p0 $0x400, s5  }
0x6e: {  	[tilespmem:s28], [sflag:$0x1] =	stream.indirect.gather @!p0 [hbm4b:s2+s11], $0x40, s6, s11, $0xb8;
	[tilespmem:$0x11000] =	vst v63  }
0x6f: {  	s5 =	sadd.s32 @!p0 $0x480, s5;
	s6 =	simm.s32 @!p0 $0x3000  }
0x70: {  	[tilespmem:s6], [sflag:$0x1] =	stream.indirect.gather @!p0 [hbm4b:s2+s11], $0x40, s5, s11, $0xb8;
	[tilespmem:$0x11000] =	vst v63  }
0x71: {  	_ =	swait.ge [sflag:s26], $0x2000  }
0x72: {  	[sflag:s26] =	ssyncset.done $0x0  }
0x73: {  	[sflag:s26] =	ssyncadd.s32 $0xFFFFE000  }
0x74: {  	_ =	swait.ge [sflag:s26], $0x2000  }
.Ltmp2:
0x75: {  	[sflag:s26] =	ssyncset.done $0x0;
	(pc) =	sbr.rel @p0 .LBB2_4-.Ltmp2, $4  }
0x76: {  	s28 =	sadd.s32 s4, s9;
	[sflag:s26] =	ssyncadd.s32 $0xFFFFE000  }
0x77: {  	[hbm4b:s28+s3] =	stream.linear.scatter [tilespmem:s23], [sflag:$0x8], $0x2000, $0x38;
	[tilespmem:$0x11000] =	vst v63  }
0x78: {  	s1 =	sadd.s32 $0x1C00, s1  }
0x79: {  	[hbm4b:s1+s3] =	stream.linear.scatter [tilespmem:s24], [sflag:$0x8], $0x2000, $0x38;
	[tilespmem:$0x11000] =	vst v63  }
0x7a: {  	_ =	swait.ge [sflag:s29], $0x2000  }
0x7b: {  	[sflag:s29] =	ssyncset.done $0x0  }
0x7c: {  	[sflag:s29] =	ssyncadd.s32 $0xFFFFE000  }
0x7d: {  	_ =	swait.ge [sflag:s29], $0x2000  }
.Ltmp3:
0x7e: {  	[sflag:s29] =	ssyncset.done $0x0;
	(pc) =	sbr.rel .LBB2_2-.Ltmp3, $4  }
0x7f: {  	s1 =	sadd.s32 $0x500, s17;
	[sflag:s29] =	ssyncadd.s32 $0xFFFFE000  }
0x80: {  	[tilespmem:s16], [sflag:$0x2] =	stream.indirect.gather [hbm4b:s2+s12], $0x40, s1, s12, $0xb8;
	[tilespmem:$0x11000] =	vst v63  }
0x81: {  	s28 =	sadd.s32 $0x580, s17;
	s15 =	sadd.s32 $0x1000, s15;
	s4 =	sadd.s32 $0x2000, s4  }
0x82: {  	[tilespmem:s18], [sflag:$0x2] =	stream.indirect.gather [hbm4b:s2+s12], $0x40, s28, s12, $0xb8;
	[tilespmem:$0x11000] =	vst v63  }
.LBB2_5:
0x83: {  	_ =	sfence.sel $0x180000  }
0x84: {  	[bflag:$0x0] =	sbarrier.arrive $0xFFFF  }
0x85: {  	_ =	strace $0x9000004D  }
0x86: {  	s0 =	stileid.u32;
	[bflag:$0x2] =	sbarrier.arrive $0xFFFF  }
0x87: {  	p0 =	sne.s32 s0, $0x0;
	s0 =	rddreg [dreg:$0x2]  }
0x88: {  	s0 =	sadd.s32 @!p0 $0x100000, s0  }
0x89: {  	[sflag:s0] =	ssyncadd.tile.s32 @!p0 $0x1;
	_ =	shalt  }
.Lfunc_end2:
_tile_overlayer_lowered:
.L_overlay_start_2:
0x8a: {  	(tag) =	ssettag $0x2  }
0x8b: {  	s0 =	rddreg [dreg:$0x0];
	s2 =	stileid.u32  }
0x8c: {  	s1 =	rddreg [dreg:$0x1];
	p0 =	sne.s32 s2, $0x0  }
0x8d: {  	s3 =	rddreg [dreg:$0x2];
	[bflag:$0x3] =	sbarrier.arrive $0xFFFF;
	s2 =	simm.s32 @!p0 $0x1C09  }
0x8e: {  	[timem:s3], [sflag:s2] =	dma.local @!p0 [hbm:s0], s1  }
0x8f: {  	s0 =	simm.s32 @!p0 $0x9  }
0x90: {  	_ =	swait.ge @!p0 [sflag:s0], s1  }
0x91: {  	s1 =	ssub.s32 @!p0 $0x0, s1;
	[sflag:s0] =	ssyncset.done @!p0 $0x0  }
0x92: {  	[sflag:s0] =	ssyncadd.s32 @!p0 s1  }
0x93: {  	[bflag:$0x3] =	sbarrier.arrive $0xFFFF  }
0x94: {  	_ =	shalt  }

</sc_bundles>
